<compile_context>
chip_gen: v7x
topology: tpu7x:2x2x1
jax: 0.10.2.dev20260603
libtpu: 0.0.44.dev20260713+nightly
codegen_flags: <defaults>
</compile_context>

<pallas_src>
import jax
import jax.numpy as jnp
from jax import lax
from jax.experimental import pallas as pl
from jax.experimental.pallas import tpu as pltpu
from jax.experimental.pallas import tpu_sc as plsc

N = 10000
NPAD = 10240
E = 160000
G = 64
H = 512
EPS = 1e-5
NC = 2
NS = 16
CHUNK = 128
NCHUNK = 4
EB = 80
EBD = 40
ROWS_PER_TILE = NPAD // NS
BN = 1000
NBLK = N // BN

_SQRT2 = 1.4142135623730951


def _gelu(x):
    return 0.5 * x * (1.0 + lax.erf(x / _SQRT2))


def _dot(a, b):
    return jax.lax.dot_general(a, b, (((1,), (0,)), ((), ())),
                               preferred_element_type=jnp.float32,
                               precision=jax.lax.Precision.HIGHEST)


def _dis_from_deg(deg_blk):
    deg = deg_blk[0, :, 0] + deg_blk[1, :, 0] + 1.0
    return lax.rsqrt(deg)


def _onehot(batch_blk):
    g = lax.broadcasted_iota(jnp.int32, (batch_blk.shape[0], G), 1)
    return (batch_blk[:, None] == g).astype(jnp.float32)


def _ln_stats(stats):
    cnt = jnp.maximum(stats[2, :], 1.0)
    norm = cnt * float(H)
    mean = stats[0, :] / norm
    var = stats[1, :] / norm - mean * mean
    rstd = lax.rsqrt(var + EPS)
    return cnt, mean, rstd



def _sc_mesh():
    return plsc.VectorSubcoreMesh(core_axis_name="c", subcore_axis_name="s")


def _deg_body(dst_hbm, zeros_hbm, ones_hbm, out_hbm, idx_v, upd_v, acc_sh):
    c = lax.axis_index("c")
    s = lax.axis_index("s")
    wid = c * NS + s
    base = wid * (E // (NC * NS))
    rbase = s * ROWS_PER_TILE
    pltpu.sync_copy(zeros_hbm.at[pl.ds(rbase, ROWS_PER_TILE)],
                    acc_sh.at[pl.ds(rbase, ROWS_PER_TILE)])
    pltpu.sync_copy(ones_hbm, upd_v)
    plsc.subcore_barrier()

    def body(i, _):
        off = pl.multiple_of(base + i * EBD, 8)
        pltpu.sync_copy(dst_hbm.at[pl.ds(off, EBD)], idx_v)
        pltpu.sync_copy(upd_v, acc_sh.at[idx_v], add=True)
        return 0

    lax.fori_loop(0, E // (NC * NS) // EBD, body, 0)
    plsc.subcore_barrier()
    pltpu.sync_copy(acc_sh.at[pl.ds(rbase, ROWS_PER_TILE)],
                    out_hbm.at[c, pl.ds(rbase, ROWS_PER_TILE)])


def _sc_degree(dst, zeros_n16, ones_b16):
    k = pl.kernel(
        _deg_body,
        out_type=jax.ShapeDtypeStruct((NC, NPAD, CHUNK), jnp.float32),
        mesh=_sc_mesh(),
        scratch_types=[
            pltpu.VMEM((EBD,), jnp.int32),
            pltpu.VMEM((EBD, CHUNK), jnp.float32),
            pltpu.VMEM_SHARED((NPAD, CHUNK), jnp.float32),
        ],
    )
    return k(dst, zeros_n16, ones_b16)


def _agg_body(y0, y1, y2, y3, src_hbm, dst_hbm, a0, a1, a2, a3,
              sidx_v, sidx2_v, didx_v, rows_v, rows2_v, sem, sem2, acc_sh):
    c = lax.axis_index("c")
    s = lax.axis_index("s")
    base = s * (E // NS)
    rbase = s * ROWS_PER_TILE
    ys = [y0, y1, y2, y3]
    outs = [a0, a1, a2, a3]

    for chunk in range(NCHUNK):
        mine = (chunk % NC) == c

        @pl.when(mine)
        def _(chunk=chunk):
            pltpu.sync_copy(ys[chunk].at[pl.ds(rbase, ROWS_PER_TILE)],
                            acc_sh.at[pl.ds(rbase, ROWS_PER_TILE)])
        plsc.subcore_barrier()

        @pl.when(mine)
        def _(chunk=chunk):
            y = ys[chunk]
            nb = E // NS // EB

            def gather(i, sidx, rows, sem):
                off = pl.multiple_of(base + i * EB, 8)
                pltpu.sync_copy(src_hbm.at[pl.ds(off, EB)], sidx)
                pltpu.async_copy(y.at[sidx], rows, sem)

            def drain(rows, sem):
                pltpu.make_async_copy(y.at[pl.ds(0, EB)], rows, sem).wait()

            def scatter(i, rows):
                off = pl.multiple_of(base + i * EB, 8)
                pltpu.sync_copy(dst_hbm.at[pl.ds(off, EB)], didx_v)
                pltpu.sync_copy(rows, acc_sh.at[didx_v], add=True)

            gather(0, sidx_v, rows_v, sem)

            def body(p, _):
                i = 2 * p
                gather(i + 1, sidx2_v, rows2_v, sem2)
                drain(rows_v, sem)
                scatter(i, rows_v)
                gather(i + 2, sidx_v, rows_v, sem)
                drain(rows2_v, sem2)
                scatter(i + 1, rows2_v)
                return 0

            lax.fori_loop(0, (nb - 1) // 2, body, 0)
            drain(rows_v, sem)
            scatter(nb - 1, rows_v)
        plsc.subcore_barrier()

        @pl.when(mine)
        def _(chunk=chunk):
            pltpu.sync_copy(acc_sh.at[pl.ds(rbase, ROWS_PER_TILE)],
                            outs[chunk].at[pl.ds(rbase, ROWS_PER_TILE)])
        plsc.subcore_barrier()


def _sc_aggregate(y_chunks, src, dst):
    out_t = [jax.ShapeDtypeStruct((NPAD, CHUNK), jnp.float32)
             for _ in range(NCHUNK)]
    k = pl.kernel(
        _agg_body,
        out_type=out_t,
        mesh=_sc_mesh(),
        scratch_types=[
            pltpu.VMEM((EB,), jnp.int32),
            pltpu.VMEM((EB,), jnp.int32),
            pltpu.VMEM((EB,), jnp.int32),
            pltpu.VMEM((EB, CHUNK), jnp.float32),
            pltpu.VMEM((EB, CHUNK), jnp.float32),
            pltpu.SemaphoreType.DMA,
            pltpu.SemaphoreType.DMA,
            pltpu.VMEM_SHARED((NPAD, CHUNK), jnp.float32),
        ],
    )
    return k(*y_chunks, src, dst)



def _a1_body(x_ref, deg_ref, w_ref, y0, y1, y2, y3):
    dis = _dis_from_deg(deg_ref[...])
    y = _dot(x_ref[...], w_ref[...]) * dis[:, None]
    y0[...] = y[:, 0*CHUNK:1*CHUNK]
    y1[...] = y[:, 1*CHUNK:2*CHUNK]
    y2[...] = y[:, 2*CHUNK:3*CHUNK]
    y3[...] = y[:, 3*CHUNK:4*CHUNK]


def _tc_first_matmul(x, deg2, W1):
    inx = x.shape[1]
    yspec = pl.BlockSpec((BN, CHUNK), lambda i: (i, 0))
    return pl.pallas_call(
        _a1_body,
        grid=(NBLK,),
        in_specs=[
            pl.BlockSpec((BN, inx), lambda i: (i, 0)),
            pl.BlockSpec((NC, BN, CHUNK), lambda i: (0, i, 0)),
            pl.BlockSpec((inx, H), lambda i: (0, 0)),
        ],
        out_specs=[yspec, yspec, yspec, yspec],
        out_shape=[jax.ShapeDtypeStruct((NPAD, CHUNK), jnp.float32)] * 4,
    )(x, deg2, W1)


def _c_body(a0, a1, a2, a3, deg_ref, b_ref, batch_ref, h_ref, st_ref):
    i = pl.program_id(0)
    dis = _dis_from_deg(deg_ref[...])
    agg = jnp.concatenate([a0[...], a1[...], a2[...], a3[...]], axis=1)
    out = agg * dis[:, None] + b_ref[...]
    h_ref[...] = out
    rs = jnp.sum(out, axis=1)
    rq = jnp.sum(out * out, axis=1)
    ones = jnp.ones((BN,), jnp.float32)
    zeros = jnp.zeros((BN,), jnp.float32)
    m = jnp.stack([rs, rq, ones, zeros, zeros, zeros, zeros, zeros], axis=0)
    contrib = _dot(m, _onehot(batch_ref[0, 0, :]))

    @pl.when(i == 0)
    def _():
        st_ref[...] = jnp.zeros_like(st_ref)

    st_ref[...] += contrib


def _tc_post_agg(a_chunks, deg2, b_row, batch3d):
    aspec = pl.BlockSpec((BN, CHUNK), lambda i: (i, 0))
    return pl.pallas_call(
        _c_body,
        grid=(NBLK,),
        in_specs=[
            aspec, aspec, aspec, aspec,
            pl.BlockSpec((NC, BN, CHUNK), lambda i: (0, i, 0)),
            pl.BlockSpec((1, H), lambda i: (0, 0)),
            pl.BlockSpec((1, 1, BN), lambda i: (i, 0, 0)),
        ],
        out_specs=[
            pl.BlockSpec((BN, H), lambda i: (i, 0)),
            pl.BlockSpec((8, G), lambda i: (0, 0)),
        ],
        out_shape=[
            jax.ShapeDtypeStruct((N, H), jnp.float32),
            jax.ShapeDtypeStruct((8, G), jnp.float32),
        ],
    )(*a_chunks, deg2, b_row, batch3d)


def _a23_body(h_ref, st_ref, batch_ref, deg_ref, g_ref, bt_ref, w_ref,
              y0, y1, y2, y3):
    _, mean, rstd = _ln_stats(st_ref[...])
    oh = _onehot(batch_ref[0, 0, :])
    mr = _dot(oh, jnp.stack([mean, rstd], axis=1))
    xn = (h_ref[...] - mr[:, 0:1]) * mr[:, 1:2] * g_ref[...] + bt_ref[...]
    hact = _gelu(xn)
    dis = _dis_from_deg(deg_ref[...])
    y = _dot(hact, w_ref[...]) * dis[:, None]
    y0[...] = y[:, 0*CHUNK:1*CHUNK]
    y1[...] = y[:, 1*CHUNK:2*CHUNK]
    y2[...] = y[:, 2*CHUNK:3*CHUNK]
    y3[...] = y[:, 3*CHUNK:4*CHUNK]


def _tc_mid_matmul(h, st, batch3d, deg2, gamma_row, beta_row, W):
    yspec = pl.BlockSpec((BN, CHUNK), lambda i: (i, 0))
    return pl.pallas_call(
        _a23_body,
        grid=(NBLK,),
        in_specs=[
            pl.BlockSpec((BN, H), lambda i: (i, 0)),
            pl.BlockSpec((8, G), lambda i: (0, 0)),
            pl.BlockSpec((1, 1, BN), lambda i: (i, 0, 0)),
            pl.BlockSpec((NC, BN, CHUNK), lambda i: (0, i, 0)),
            pl.BlockSpec((1, H), lambda i: (0, 0)),
            pl.BlockSpec((1, H), lambda i: (0, 0)),
            pl.BlockSpec((H, H), lambda i: (0, 0)),
        ],
        out_specs=[yspec, yspec, yspec, yspec],
        out_shape=[jax.ShapeDtypeStruct((NPAD, CHUNK), jnp.float32)] * 4,
    )(h, st, batch3d, deg2, gamma_row, beta_row, W)


def _e_body(h_ref, st_ref, batch_ref, g_ref, bt_ref,
            wr_ref, br_ref, wh_ref, bh_ref, wo_ref, bo_ref,
            out_ref, acc_ref):
    i = pl.program_id(0)
    cnt, mean, rstd = _ln_stats(st_ref[...])
    oh = _onehot(batch_ref[0, 0, :])
    mr = _dot(oh, jnp.stack([mean, rstd], axis=1))
    xn = (h_ref[...] - mr[:, 0:1]) * mr[:, 1:2] * g_ref[...] + bt_ref[...]
    hact = _gelu(xn)
    pooled = jax.lax.dot_general(
        oh, hact, (((0,), (0,)), ((), ())),
        preferred_element_type=jnp.float32,
        precision=jax.lax.Precision.HIGHEST)

    @pl.when(i == 0)
    def _():
        acc_ref[...] = jnp.zeros_like(acc_ref)

    acc_ref[...] += pooled

    @pl.when(i == NBLK - 1)
    def _():
        g = acc_ref[...] / cnt[:, None]
        g = _gelu(_dot(g, wr_ref[...]) + br_ref[...])
        g = _gelu(_dot(g, wh_ref[...]) + bh_ref[...])
        out_ref[...] = _dot(g, wo_ref[...]) + bo_ref[...]


def _tc_head(h, st, batch3d, gamma_row, beta_row, Wr, br, Wh, bh, Wo, bo):
    out_dim = Wo.shape[1]
    full = lambda a, b: pl.BlockSpec((a, b), lambda i: (0, 0))
    return pl.pallas_call(
        _e_body,
        grid=(NBLK,),
        in_specs=[
            pl.BlockSpec((BN, H), lambda i: (i, 0)),
            pl.BlockSpec((8, G), lambda i: (0, 0)),
            pl.BlockSpec((1, 1, BN), lambda i: (i, 0, 0)),
            full(1, H), full(1, H),
            full(H, H // 2), full(1, H // 2),
            full(H // 2, H // 4), full(1, H // 4),
            full(H // 4, out_dim), full(1, out_dim),
        ],
        out_specs=pl.BlockSpec((G, out_dim), lambda i: (0, 0)),
        out_shape=jax.ShapeDtypeStruct((G, out_dim), jnp.float32),
        scratch_shapes=[pltpu.VMEM((G, H), jnp.float32)],
    )(h, st, batch3d, gamma_row, beta_row, Wr, br, Wh, bh, Wo, bo)



def kernel(x, edge_index, batch, W1, b1, ln1_w, ln1_b, W2, b2, ln2_w, ln2_b,
           W3, b3, ln3_w, ln3_b, Wr, br, Wh, bh, Wo, bo):
    src = edge_index[0]
    dst = edge_index[1]
    batch3d = batch.reshape(NBLK, 1, BN)
    zeros_n16 = jnp.zeros((NPAD, CHUNK), jnp.float32)
    ones_b16 = jnp.ones((EBD, CHUNK), jnp.float32)

    deg2 = _sc_degree(dst, zeros_n16, ones_b16)

    row = lambda v: v.reshape(1, -1)

    y = _tc_first_matmul(x, deg2, W1)
    a = _sc_aggregate(y, src, dst)
    h, st = _tc_post_agg(a, deg2, row(b1), batch3d)

    y = _tc_mid_matmul(h, st, batch3d, deg2, row(ln1_w), row(ln1_b), W2)
    a = _sc_aggregate(y, src, dst)
    h, st = _tc_post_agg(a, deg2, row(b2), batch3d)

    y = _tc_mid_matmul(h, st, batch3d, deg2, row(ln2_w), row(ln2_b), W3)
    a = _sc_aggregate(y, src, dst)
    h, st = _tc_post_agg(a, deg2, row(b3), batch3d)

    return _tc_head(h, st, batch3d, row(ln3_w), row(ln3_b),
                    Wr, row(br), Wh, row(bh), Wo, row(bo))

# --- scband reference (transcript-rebuilt; emitter-appended) ---
"""Pipeline reference for scband-gcn-50285477101905 (READ-ONLY COPY).

The authoritative reference and input builder live on the scoring server;
editing this copy changes nothing except your own understanding.
"""

import jax, jax.numpy as jnp
import numpy as np

N = 10000
E = 160000
IN = 256
H = 512
OUT = 256
G = 64
EPS = 1e-5


def setup_inputs(seed: int = 0) -> dict:
    key = jax.random.key(seed)
    ks = jax.random.split(key, 32)
    inp = {}
    inp['x'] = jax.random.normal(ks[0], (N, IN), dtype=jnp.float32)
    inp['edge_index'] = jax.random.randint(ks[1], (2, E), 0, N, dtype=jnp.int32)
    inp['batch'] = jnp.sort(jax.random.randint(ks[2], (N,), 0, G, dtype=jnp.int32))
    # GCNConv weights (Glorot-ish scale)
    inp['W1'] = jax.random.normal(ks[3], (IN, H), dtype=jnp.float32) * (1.0 / np.sqrt(IN))
    inp['b1'] = jnp.zeros((H,), dtype=jnp.float32)
    inp['ln1_w'] = jnp.ones((H,), dtype=jnp.float32)
    inp['ln1_b'] = jnp.zeros((H,), dtype=jnp.float32)
    inp['W2'] = jax.random.normal(ks[4], (H, H), dtype=jnp.float32) * (1.0 / np.sqrt(H))
    inp['b2'] = jnp.zeros((H,), dtype=jnp.float32)
    inp['ln2_w'] = jnp.ones((H,), dtype=jnp.float32)
    inp['ln2_b'] = jnp.zeros((H,), dtype=jnp.float32)
    inp['W3'] = jax.random.normal(ks[5], (H, H), dtype=jnp.float32) * (1.0 / np.sqrt(H))
    inp['b3'] = jnp.zeros((H,), dtype=jnp.float32)
    inp['ln3_w'] = jnp.ones((H,), dtype=jnp.float32)
    inp['ln3_b'] = jnp.zeros((H,), dtype=jnp.float32)
    inp['Wr'] = jax.random.normal(ks[6], (H, H // 2), dtype=jnp.float32) * (1.0 / np.sqrt(H))
    inp['br'] = jnp.zeros((H // 2,), dtype=jnp.float32)
    inp['Wh'] = jax.random.normal(ks[7], (H // 2, H // 4), dtype=jnp.float32) * (1.0 / np.sqrt(H // 2))
    inp['bh'] = jnp.zeros((H // 4,), dtype=jnp.float32)
    inp['Wo'] = jax.random.normal(ks[8], (H // 4, OUT), dtype=jnp.float32) * (1.0 / np.sqrt(H // 4))
    inp['bo'] = jnp.zeros((OUT,), dtype=jnp.float32)
    return inp


def _gcn_conv(x, src, dst, W, b):
    # x' = D^{-1/2} (A + I) D^{-1/2} (x W) + b  (PyG GCNConv, add_self_loops=True)
    xw = x @ W
    loop = jnp.arange(N, dtype=src.dtype)
    src2 = jnp.concatenate([src, loop])
    dst2 = jnp.concatenate([dst, loop])
    deg = jax.ops.segment_sum(jnp.ones(src2.shape[0], dtype=x.dtype), dst2, num_segments=N)
    dis = jnp.where(deg > 0, jax.lax.rsqrt(jnp.maximum(deg, 1e-12)), 0.0)
    w = dis[src2] * dis[dst2]
    msg = xw[src2] * w[:, None]
    out = jax.ops.segment_sum(msg, dst2, num_segments=N)
    return out + b


def _layernorm_graph(x, batch, gamma, beta):
    # PyG LayerNorm(mode='graph'): normalize over all nodes+channels of each graph
    cnt = jax.ops.segment_sum(jnp.ones((N,), dtype=x.dtype), batch, num_segments=G)
    norm = jnp.maximum(cnt, 1.0) * x.shape[-1]
    mean = jax.ops.segment_sum(x, batch, num_segments=G).sum(axis=-1) / norm
    xc = x - mean[batch][:, None]
    var = jax.ops.segment_sum(xc * xc, batch, num_segments=G).sum(axis=-1) / norm
    out = xc / jnp.sqrt(var + EPS)[batch][:, None]
    return gamma * out + beta


def _global_mean_pool(x, batch):
    sums = jax.ops.segment_sum(x, batch, num_segments=G)
    cnt = jax.ops.segment_sum(jnp.ones((N,), dtype=x.dtype), batch, num_segments=G)
    return sums / jnp.maximum(cnt, 1.0)[:, None]


def reference(x, edge_index, batch, W1, b1, ln1_w, ln1_b, W2, b2, ln2_w, ln2_b, W3, b3, ln3_w, ln3_b, Wr, br, Wh, bh, Wo, bo):
    src, dst = edge_index[0], edge_index[1]
    gelu = lambda t: jax.nn.gelu(t, approximate=False)
    h = _gcn_conv(x, src, dst, W1, b1)
    h = _layernorm_graph(h, batch, ln1_w, ln1_b)
    h = gelu(h)
    h = _gcn_conv(h, src, dst, W2, b2)
    h = _layernorm_graph(h, batch, ln2_w, ln2_b)
    h = gelu(h)
    h = _gcn_conv(h, src, dst, W3, b3)
    h = _layernorm_graph(h, batch, ln3_w, ln3_b)
    h = gelu(h)
    # dropout is identity in eval mode
    g = _global_mean_pool(h, batch)
    g = gelu(g @ Wr + br)
    g = gelu(g @ Wh + bh)
    return g @ Wo + bo

if __name__ == "__main__":
    import jax
    _d = setup_inputs()
    print(jax.jit(kernel)(*tuple(_d.values())))

</pallas_src>

<mosaic_0001>
#map = affine_map<(d0, d1) -> (0, 0)>
#map1 = affine_map<(d0, d1) -> (0)>
module attributes {stable_mosaic.version = 14 : i64} {
  func.func @_agg_body(%arg0: i32, %arg1: i32, %arg2: memref<10240x128xf32, #tpu.memory_space<hbm>>, %arg3: memref<10240x128xf32, #tpu.memory_space<hbm>>, %arg4: memref<10240x128xf32, #tpu.memory_space<hbm>>, %arg5: memref<10240x128xf32, #tpu.memory_space<hbm>>, %arg6: memref<160000xi32, #tpu.memory_space<hbm>>, %arg7: memref<160000xi32, #tpu.memory_space<hbm>>, %arg8: memref<10240x128xf32, #tpu.memory_space<hbm>>, %arg9: memref<10240x128xf32, #tpu.memory_space<hbm>>, %arg10: memref<10240x128xf32, #tpu.memory_space<hbm>>, %arg11: memref<10240x128xf32, #tpu.memory_space<hbm>>, %arg12: memref<80xi32, #tpu.memory_space<vmem>>, %arg13: memref<80xi32, #tpu.memory_space<vmem>>, %arg14: memref<80xi32, #tpu.memory_space<vmem>>, %arg15: memref<80x128xf32, #tpu.memory_space<vmem>>, %arg16: memref<80x128xf32, #tpu.memory_space<vmem>>, %arg17: memref<!tpu.dma_semaphore, #tpu.memory_space<semaphore_mem>>, %arg18: memref<!tpu.dma_semaphore, #tpu.memory_space<semaphore_mem>>, %arg19: memref<10240x128xf32, #tpu.memory_space<vmem_shared>>) attributes {dimension_semantics = [#tpu.dimension_semantics<core_parallel>, #tpu.dimension_semantics<subcore_parallel>], iteration_bounds = array<i64: 2, 16>, scalar_prefetch = 0 : i64, scratch_operands = 8 : i64, tpu.core_type = #tpu.core_type<sc_vector_subcore>, window_params = [{transform_indices = #map}, {transform_indices = #map}, {transform_indices = #map}, {transform_indices = #map}, {transform_indices = #map1}, {transform_indices = #map1}, {transform_indices = #map}, {transform_indices = #map}, {transform_indices = #map}, {transform_indices = #map}]} {
    %mul3A = arith.constant 10000 : i32
    %mul3A_0 = arith.muli %arg1, %mul3A : i32
    %mul3A_1 = arith.constant 640 : i32
    %mul3A_2 = arith.muli %arg1, %mul3A_1 : i32
    %eq3A = arith.constant 0 : i32
    %eq3A_3 = arith.cmpi eq, %arg0, %eq3A : i32
    %convert_element_type3A = arith.extui %eq3A_3 : i1 to i32
    %cond3A = arith.constant 0 : i32
    %cond3A_4 = arith.cmpi ne, %convert_element_type3A, %cond3A : i32
    scf.if %cond3A_4 {
      "tpu.region"() ({
        %run_scoped3A = tpu.sem_alloc : memref<!tpu.dma_semaphore, #tpu.memory_space<semaphore_mem>>
        %dma_start3A = arith.constant 0 : i32
        %dma_start3A_55 = tpu.memref_slice %arg19[%mul3A_2, %dma_start3A] : memref<10240x128xf32, #tpu.memory_space<vmem_shared>> -> memref<640x128xf32, #tpu.memory_space<vmem_shared>>
        %dma_start3A_56 = arith.constant 0 : i32
        %dma_start3A_57 = tpu.memref_slice %arg2[%mul3A_2, %dma_start3A_56] : memref<10240x128xf32, #tpu.memory_space<hbm>> -> memref<640x128xf32, #tpu.memory_space<hbm>>
        tpu.enqueue_dma source(%dma_start3A_57 : memref<640x128xf32, #tpu.memory_space<hbm>>) target(%dma_start3A_55 : memref<640x128xf32, #tpu.memory_space<vmem_shared>>) target_semaphore(%run_scoped3A : memref<!tpu.dma_semaphore, #tpu.memory_space<semaphore_mem>>)
        %dma_wait3A = arith.constant 0 : i32
        %dma_wait3A_58 = tpu.memref_slice %arg19[%mul3A_2, %dma_wait3A] : memref<10240x128xf32, #tpu.memory_space<vmem_shared>> -> memref<640x128xf32, #tpu.memory_space<vmem_shared>>
        %dma_wait3A_59 = arith.constant 0 : i32
        %dma_wait3A_60 = tpu.memref_slice %arg2[%mul3A_2, %dma_wait3A_59] : memref<10240x128xf32, #tpu.memory_space<hbm>> -> memref<640x128xf32, #tpu.memory_space<hbm>>
        tpu.wait_dma2 semaphore(%run_scoped3A : memref<!tpu.dma_semaphore, #tpu.memory_space<semaphore_mem>>) src(%dma_wait3A_60 : memref<640x128xf32, #tpu.memory_space<hbm>>) dst(%dma_wait3A_58 : memref<640x128xf32, #tpu.memory_space<vmem_shared>>)
        tpu.yield
      }) : () -> ()
    } else {
    }
    %barrier3A = arith.constant 0 : index
    tpu.barrier barrier_id(%barrier3A)
    %convert_element_type3A_5 = arith.extui %eq3A_3 : i1 to i32
    %cond3A_6 = arith.constant 0 : i32
    %cond3A_7 = arith.cmpi ne, %convert_element_type3A_5, %cond3A_6 : i32
    scf.if %cond3A_7 {
      %add3A = arith.constant 0 : i32
      %add3A_55 = arith.addi %mul3A_0, %add3A : i32
      %multiple_of3A = tpu.assume_multiple %add3A_55, 8 : i32
      "tpu.region"() ({
        %run_scoped3A = tpu.sem_alloc : memref<!tpu.dma_semaphore, #tpu.memory_space<semaphore_mem>>
        %dma_start3A_72 = tpu.memref_slice %arg6[%multiple_of3A] : memref<160000xi32, #tpu.memory_space<hbm>> -> memref<80xi32, #tpu.memory_space<hbm>>
        %dma_start3A_73 = tpu.memref_slice %arg6[%multiple_of3A] : memref<160000xi32, #tpu.memory_space<hbm>> -> memref<80xi32, #tpu.memory_space<hbm>>
        tpu.enqueue_dma source(%dma_start3A_73 : memref<80xi32, #tpu.memory_space<hbm>>) target(%arg12 : memref<80xi32, #tpu.memory_space<vmem>>) target_semaphore(%run_scoped3A : memref<!tpu.dma_semaphore, #tpu.memory_space<semaphore_mem>>)
        %dma_wait3A_74 = tpu.memref_slice %arg6[%multiple_of3A] : memref<160000xi32, #tpu.memory_space<hbm>> -> memref<80xi32, #tpu.memory_space<hbm>>
        %dma_wait3A_75 = tpu.memref_slice %arg6[%multiple_of3A] : memref<160000xi32, #tpu.memory_space<hbm>> -> memref<80xi32, #tpu.memory_space<hbm>>
        tpu.wait_dma2 semaphore(%run_scoped3A : memref<!tpu.dma_semaphore, #tpu.memory_space<semaphore_mem>>) src(%dma_wait3A_75 : memref<80xi32, #tpu.memory_space<hbm>>) dst(%arg12 : memref<80xi32, #tpu.memory_space<vmem>>)
        tpu.yield
      }) : () -> ()
      %dma_start3A = arith.constant 0 : i32
      %dma_start3A_56 = arith.constant 0 : i32
      %dma_start3A_57 = tpu.memref_slice %arg2[%dma_start3A, %dma_start3A_56] : memref<10240x128xf32, #tpu.memory_space<hbm>> -> memref<10240x128xf32, #tpu.memory_space<hbm>>
      tpu.enqueue_indirect_dma source(%dma_start3A_57 : memref<10240x128xf32, #tpu.memory_space<hbm>>) target(%arg15 : memref<80x128xf32, #tpu.memory_space<vmem>>) offsets(%arg12 : memref<80xi32, #tpu.memory_space<vmem>>) semaphore(%arg17 : memref<!tpu.dma_semaphore, #tpu.memory_space<semaphore_mem>>)
      %scan3A = arith.constant 0 : i32
      %scan3A_58 = arith.constant 0 : i32
      %scan3A_59 = arith.constant 62 : i32
      %scan3A_60 = arith.addi %scan3A_58, %scan3A_59 : i32
      %scan3A_61 = arith.constant 1 : i32
      %scan3A_62 = scf.for %scan3A_72 = %scan3A_58 to %scan3A_60 step %scan3A_61 iter_args(%scan3A_73 = %scan3A) -> (i32)  : i32 {
        %mul3A_74 = arith.constant 2 : i32
        %mul3A_75 = arith.muli %mul3A_74, %scan3A_72 : i32
        %add3A_76 = arith.constant 1 : i32
        %add3A_77 = arith.addi %mul3A_75, %add3A_76 : i32
        %mul3A_78 = arith.constant 80 : i32
        %mul3A_79 = arith.muli %add3A_77, %mul3A_78 : i32
        %add3A_80 = arith.addi %mul3A_0, %mul3A_79 : i32
        %multiple_of3A_81 = tpu.assume_multiple %add3A_80, 8 : i32
        "tpu.region"() ({
          %run_scoped3A = tpu.sem_alloc : memref<!tpu.dma_semaphore, #tpu.memory_space<semaphore_mem>>
          %dma_start3A_117 = tpu.memref_slice %arg6[%multiple_of3A_81] : memref<160000xi32, #tpu.memory_space<hbm>> -> memref<80xi32, #tpu.memory_space<hbm>>
          %dma_start3A_118 = tpu.memref_slice %arg6[%multiple_of3A_81] : memref<160000xi32, #tpu.memory_space<hbm>> -> memref<80xi32, #tpu.memory_space<hbm>>
          tpu.enqueue_dma source(%dma_start3A_118 : memref<80xi32, #tpu.memory_space<hbm>>) target(%arg13 : memref<80xi32, #tpu.memory_space<vmem>>) target_semaphore(%run_scoped3A : memref<!tpu.dma_semaphore, #tpu.memory_space<semaphore_mem>>)
          %dma_wait3A_119 = tpu.memref_slice %arg6[%multiple_of3A_81] : memref<160000xi32, #tpu.memory_space<hbm>> -> memref<80xi32, #tpu.memory_space<hbm>>
          %dma_wait3A_120 = tpu.memref_slice %arg6[%multiple_of3A_81] : memref<160000xi32, #tpu.memory_space<hbm>> -> memref<80xi32, #tpu.memory_space<hbm>>
          tpu.wait_dma2 semaphore(%run_scoped3A : memref<!tpu.dma_semaphore, #tpu.memory_space<semaphore_mem>>) src(%dma_wait3A_120 : memref<80xi32, #tpu.memory_space<hbm>>) dst(%arg13 : memref<80xi32, #tpu.memory_space<vmem>>)
          tpu.yield
        }) : () -> ()
        %dma_start3A_82 = arith.constant 0 : i32
        %dma_start3A_83 = arith.constant 0 : i32
        %dma_start3A_84 = tpu.memref_slice %arg2[%dma_start3A_82, %dma_start3A_83] : memref<10240x128xf32, #tpu.memory_space<hbm>> -> memref<10240x128xf32, #tpu.memory_space<hbm>>
        tpu.enqueue_indirect_dma source(%dma_start3A_84 : memref<10240x128xf32, #tpu.memory_space<hbm>>) target(%arg16 : memref<80x128xf32, #tpu.memory_space<vmem>>) offsets(%arg13 : memref<80xi32, #tpu.memory_space<vmem>>) semaphore(%arg18 : memref<!tpu.dma_semaphore, #tpu.memory_space<semaphore_mem>>)
        %dma_wait3A_85 = arith.constant 0 : i32
        %dma_wait3A_86 = arith.constant 0 : i32
        %dma_wait3A_87 = tpu.memref_slice %arg2[%dma_wait3A_85, %dma_wait3A_86] : memref<10240x128xf32, #tpu.memory_space<hbm>> -> memref<80x128xf32, #tpu.memory_space<hbm>>
        %dma_wait3A_88 = arith.constant 0 : i32
        %dma_wait3A_89 = arith.constant 0 : i32
        %dma_wait3A_90 = tpu.memref_slice %arg2[%dma_wait3A_88, %dma_wait3A_89] : memref<10240x128xf32, #tpu.memory_space<hbm>> -> memref<80x128xf32, #tpu.memory_space<hbm>>
        tpu.wait_dma2 semaphore(%arg17 : memref<!tpu.dma_semaphore, #tpu.memory_space<semaphore_mem>>) src(%dma_wait3A_90 : memref<80x128xf32, #tpu.memory_space<hbm>>) dst(%arg15 : memref<80x128xf32, #tpu.memory_space<vmem>>)
        %mul3A_91 = arith.constant 80 : i32
        %mul3A_92 = arith.muli %mul3A_75, %mul3A_91 : i32
        %add3A_93 = arith.addi %mul3A_0, %mul3A_92 : i32
        %multiple_of3A_94 = tpu.assume_multiple %add3A_93, 8 : i32
        "tpu.region"() ({
          %run_scoped3A = tpu.sem_alloc : memref<!tpu.dma_semaphore, #tpu.memory_space<semaphore_mem>>
          %dma_start3A_117 = tpu.memref_slice %arg7[%multiple_of3A_94] : memref<160000xi32, #tpu.memory_space<hbm>> -> memref<80xi32, #tpu.memory_space<hbm>>
          %dma_start3A_118 = tpu.memref_slice %arg7[%multiple_of3A_94] : memref<160000xi32, #tpu.memory_space<hbm>> -> memref<80xi32, #tpu.memory_space<hbm>>
          tpu.enqueue_dma source(%dma_start3A_118 : memref<80xi32, #tpu.memory_space<hbm>>) target(%arg14 : memref<80xi32, #tpu.memory_space<vmem>>) target_semaphore(%run_scoped3A : memref<!tpu.dma_semaphore, #tpu.memory_space<semaphore_mem>>)
          %dma_wait3A_119 = tpu.memref_slice %arg7[%multiple_of3A_94] : memref<160000xi32, #tpu.memory_space<hbm>> -> memref<80xi32, #tpu.memory_space<hbm>>
          %dma_wait3A_120 = tpu.memref_slice %arg7[%multiple_of3A_94] : memref<160000xi32, #tpu.memory_space<hbm>> -> memref<80xi32, #tpu.memory_space<hbm>>
          tpu.wait_dma2 semaphore(%run_scoped3A : memref<!tpu.dma_semaphore, #tpu.memory_space<semaphore_mem>>) src(%dma_wait3A_120 : memref<80xi32, #tpu.memory_space<hbm>>) dst(%arg14 : memref<80xi32, #tpu.memory_space<vmem>>)
          tpu.yield
        }) : () -> ()
        "tpu.region"() ({
          %run_scoped3A = tpu.sem_alloc : memref<!tpu.dma_semaphore, #tpu.memory_space<semaphore_mem>>
          %dma_start3A_117 = arith.constant 0 : i32
          %dma_start3A_118 = arith.constant 0 : i32
          %dma_start3A_119 = tpu.memref_slice %arg19[%dma_start3A_117, %dma_start3A_118] : memref<10240x128xf32, #tpu.memory_space<vmem_shared>> -> memref<10240x128xf32, #tpu.memory_space<vmem_shared>>
          tpu.enqueue_indirect_dma source(%arg15 : memref<80x128xf32, #tpu.memory_space<vmem>>) target(%dma_start3A_119 : memref<10240x128xf32, #tpu.memory_space<vmem_shared>>) offsets(%arg14 : memref<80xi32, #tpu.memory_space<vmem>>) semaphore(%run_scoped3A : memref<!tpu.dma_semaphore, #tpu.memory_space<semaphore_mem>>) {add = true}
          %dma_wait3A_120 = arith.constant 0 : i32
          %dma_wait3A_121 = arith.constant 0 : i32
          %dma_wait3A_122 = tpu.memref_slice %arg19[%dma_wait3A_120, %dma_wait3A_121] : memref<10240x128xf32, #tpu.memory_space<vmem_shared>> -> memref<10240x128xf32, #tpu.memory_space<vmem_shared>>
          tpu.wait_indirect_dma semaphore(%run_scoped3A : memref<!tpu.dma_semaphore, #tpu.memory_space<semaphore_mem>>) src(%arg15 : memref<80x128xf32, #tpu.memory_space<vmem>>) dst(%dma_wait3A_122 : memref<10240x128xf32, #tpu.memory_space<vmem_shared>>)
          tpu.yield
        }) : () -> ()
        %add3A_95 = arith.constant 2 : i32
        %add3A_96 = arith.addi %mul3A_75, %add3A_95 : i32
        %mul3A_97 = arith.constant 80 : i32
        %mul3A_98 = arith.muli %add3A_96, %mul3A_97 : i32
        %add3A_99 = arith.addi %mul3A_0, %mul3A_98 : i32
        %multiple_of3A_100 = tpu.assume_multiple %add3A_99, 8 : i32
        "tpu.region"() ({
          %run_scoped3A = tpu.sem_alloc : memref<!tpu.dma_semaphore, #tpu.memory_space<semaphore_mem>>
          %dma_start3A_117 = tpu.memref_slice %arg6[%multiple_of3A_100] : memref<160000xi32, #tpu.memory_space<hbm>> -> memref<80xi32, #tpu.memory_space<hbm>>
          %dma_start3A_118 = tpu.memref_slice %arg6[%multiple_of3A_100] : memref<160000xi32, #tpu.memory_space<hbm>> -> memref<80xi32, #tpu.memory_space<hbm>>
          tpu.enqueue_dma source(%dma_start3A_118 : memref<80xi32, #tpu.memory_space<hbm>>) target(%arg12 : memref<80xi32, #tpu.memory_space<vmem>>) target_semaphore(%run_scoped3A : memref<!tpu.dma_semaphore, #tpu.memory_space<semaphore_mem>>)
          %dma_wait3A_119 = tpu.memref_slice %arg6[%multiple_of3A_100] : memref<160000xi32, #tpu.memory_space<hbm>> -> memref<80xi32, #tpu.memory_space<hbm>>
          %dma_wait3A_120 = tpu.memref_slice %arg6[%multiple_of3A_100] : memref<160000xi32, #tpu.memory_space<hbm>> -> memref<80xi32, #tpu.memory_space<hbm>>
          tpu.wait_dma2 semaphore(%run_scoped3A : memref<!tpu.dma_semaphore, #tpu.memory_space<semaphore_mem>>) src(%dma_wait3A_120 : memref<80xi32, #tpu.memory_space<hbm>>) dst(%arg12 : memref<80xi32, #tpu.memory_space<vmem>>)
          tpu.yield
        }) : () -> ()
        %dma_start3A_101 = arith.constant 0 : i32
        %dma_start3A_102 = arith.constant 0 : i32
        %dma_start3A_103 = tpu.memref_slice %arg2[%dma_start3A_101, %dma_start3A_102] : memref<10240x128xf32, #tpu.memory_space<hbm>> -> memref<10240x128xf32, #tpu.memory_space<hbm>>
        tpu.enqueue_indirect_dma source(%dma_start3A_103 : memref<10240x128xf32, #tpu.memory_space<hbm>>) target(%arg15 : memref<80x128xf32, #tpu.memory_space<vmem>>) offsets(%arg12 : memref<80xi32, #tpu.memory_space<vmem>>) semaphore(%arg17 : memref<!tpu.dma_semaphore, #tpu.memory_space<semaphore_mem>>)
        %dma_wait3A_104 = arith.constant 0 : i32
        %dma_wait3A_105 = arith.constant 0 : i32
        %dma_wait3A_106 = tpu.memref_slice %arg2[%dma_wait3A_104, %dma_wait3A_105] : memref<10240x128xf32, #tpu.memory_space<hbm>> -> memref<80x128xf32, #tpu.memory_space<hbm>>
        %dma_wait3A_107 = arith.constant 0 : i32
        %dma_wait3A_108 = arith.constant 0 : i32
        %dma_wait3A_109 = tpu.memref_slice %arg2[%dma_wait3A_107, %dma_wait3A_108] : memref<10240x128xf32, #tpu.memory_space<hbm>> -> memref<80x128xf32, #tpu.memory_space<hbm>>
        tpu.wait_dma2 semaphore(%arg18 : memref<!tpu.dma_semaphore, #tpu.memory_space<semaphore_mem>>) src(%dma_wait3A_109 : memref<80x128xf32, #tpu.memory_space<hbm>>) dst(%arg16 : memref<80x128xf32, #tpu.memory_space<vmem>>)
        %add3A_110 = arith.constant 1 : i32
        %add3A_111 = arith.addi %mul3A_75, %add3A_110 : i32
        %mul3A_112 = arith.constant 80 : i32
        %mul3A_113 = arith.muli %add3A_111, %mul3A_112 : i32
        %add3A_114 = arith.addi %mul3A_0, %mul3A_113 : i32
        %multiple_of3A_115 = tpu.assume_multiple %add3A_114, 8 : i32
        "tpu.region"() ({
          %run_scoped3A = tpu.sem_alloc : memref<!tpu.dma_semaphore, #tpu.memory_space<semaphore_mem>>
          %dma_start3A_117 = tpu.memref_slice %arg7[%multiple_of3A_115] : memref<160000xi32, #tpu.memory_space<hbm>> -> memref<80xi32, #tpu.memory_space<hbm>>
          %dma_start3A_118 = tpu.memref_slice %arg7[%multiple_of3A_115] : memref<160000xi32, #tpu.memory_space<hbm>> -> memref<80xi32, #tpu.memory_space<hbm>>
          tpu.enqueue_dma source(%dma_start3A_118 : memref<80xi32, #tpu.memory_space<hbm>>) target(%arg14 : memref<80xi32, #tpu.memory_space<vmem>>) target_semaphore(%run_scoped3A : memref<!tpu.dma_semaphore, #tpu.memory_space<semaphore_mem>>)
          %dma_wait3A_119 = tpu.memref_slice %arg7[%multiple_of3A_115] : memref<160000xi32, #tpu.memory_space<hbm>> -> memref<80xi32, #tpu.memory_space<hbm>>
          %dma_wait3A_120 = tpu.memref_slice %arg7[%multiple_of3A_115] : memref<160000xi32, #tpu.memory_space<hbm>> -> memref<80xi32, #tpu.memory_space<hbm>>
          tpu.wait_dma2 semaphore(%run_scoped3A : memref<!tpu.dma_semaphore, #tpu.memory_space<semaphore_mem>>) src(%dma_wait3A_120 : memref<80xi32, #tpu.memory_space<hbm>>) dst(%arg14 : memref<80xi32, #tpu.memory_space<vmem>>)
          tpu.yield
        }) : () -> ()
        "tpu.region"() ({
          %run_scoped3A = tpu.sem_alloc : memref<!tpu.dma_semaphore, #tpu.memory_space<semaphore_mem>>
          %dma_start3A_117 = arith.constant 0 : i32
          %dma_start3A_118 = arith.constant 0 : i32
          %dma_start3A_119 = tpu.memref_slice %arg19[%dma_start3A_117, %dma_start3A_118] : memref<10240x128xf32, #tpu.memory_space<vmem_shared>> -> memref<10240x128xf32, #tpu.memory_space<vmem_shared>>
          tpu.enqueue_indirect_dma source(%arg16 : memref<80x128xf32, #tpu.memory_space<vmem>>) target(%dma_start3A_119 : memref<10240x128xf32, #tpu.memory_space<vmem_shared>>) offsets(%arg14 : memref<80xi32, #tpu.memory_space<vmem>>) semaphore(%run_scoped3A : memref<!tpu.dma_semaphore, #tpu.memory_space<semaphore_mem>>) {add = true}
          %dma_wait3A_120 = arith.constant 0 : i32
          %dma_wait3A_121 = arith.constant 0 : i32
          %dma_wait3A_122 = tpu.memref_slice %arg19[%dma_wait3A_120, %dma_wait3A_121] : memref<10240x128xf32, #tpu.memory_space<vmem_shared>> -> memref<10240x128xf32, #tpu.memory_space<vmem_shared>>
          tpu.wait_indirect_dma semaphore(%run_scoped3A : memref<!tpu.dma_semaphore, #tpu.memory_space<semaphore_mem>>) src(%arg16 : memref<80x128xf32, #tpu.memory_space<vmem>>) dst(%dma_wait3A_122 : memref<10240x128xf32, #tpu.memory_space<vmem_shared>>)
          tpu.yield
        }) : () -> ()
        %scan3A_116 = arith.constant 0 : i32
        scf.yield %scan3A_116 : i32
      }
      %scan3A_63 = arith.constant 62 : i32
      %dma_wait3A = arith.constant 0 : i32
      %dma_wait3A_64 = arith.constant 0 : i32
      %dma_wait3A_65 = tpu.memref_slice %arg2[%dma_wait3A, %dma_wait3A_64] : memref<10240x128xf32, #tpu.memory_space<hbm>> -> memref<80x128xf32, #tpu.memory_space<hbm>>
      %dma_wait3A_66 = arith.constant 0 : i32
      %dma_wait3A_67 = arith.constant 0 : i32
      %dma_wait3A_68 = tpu.memref_slice %arg2[%dma_wait3A_66, %dma_wait3A_67] : memref<10240x128xf32, #tpu.memory_space<hbm>> -> memref<80x128xf32, #tpu.memory_space<hbm>>
      tpu.wait_dma2 semaphore(%arg17 : memref<!tpu.dma_semaphore, #tpu.memory_space<semaphore_mem>>) src(%dma_wait3A_68 : memref<80x128xf32, #tpu.memory_space<hbm>>) dst(%arg15 : memref<80x128xf32, #tpu.memory_space<vmem>>)
      %add3A_69 = arith.constant 9920 : i32
      %add3A_70 = arith.addi %mul3A_0, %add3A_69 : i32
      %multiple_of3A_71 = tpu.assume_multiple %add3A_70, 8 : i32
      "tpu.region"() ({
        %run_scoped3A = tpu.sem_alloc : memref<!tpu.dma_semaphore, #tpu.memory_space<semaphore_mem>>
        %dma_start3A_72 = tpu.memref_slice %arg7[%multiple_of3A_71] : memref<160000xi32, #tpu.memory_space<hbm>> -> memref<80xi32, #tpu.memory_space<hbm>>
        %dma_start3A_73 = tpu.memref_slice %arg7[%multiple_of3A_71] : memref<160000xi32, #tpu.memory_space<hbm>> -> memref<80xi32, #tpu.memory_space<hbm>>
        tpu.enqueue_dma source(%dma_start3A_73 : memref<80xi32, #tpu.memory_space<hbm>>) target(%arg14 : memref<80xi32, #tpu.memory_space<vmem>>) target_semaphore(%run_scoped3A : memref<!tpu.dma_semaphore, #tpu.memory_space<semaphore_mem>>)
        %dma_wait3A_74 = tpu.memref_slice %arg7[%multiple_of3A_71] : memref<160000xi32, #tpu.memory_space<hbm>> -> memref<80xi32, #tpu.memory_space<hbm>>
        %dma_wait3A_75 = tpu.memref_slice %arg7[%multiple_of3A_71] : memref<160000xi32, #tpu.memory_space<hbm>> -> memref<80xi32, #tpu.memory_space<hbm>>
        tpu.wait_dma2 semaphore(%run_scoped3A : memref<!tpu.dma_semaphore, #tpu.memory_space<semaphore_mem>>) src(%dma_wait3A_75 : memref<80xi32, #tpu.memory_space<hbm>>) dst(%arg14 : memref<80xi32, #tpu.memory_space<vmem>>)
        tpu.yield
      }) : () -> ()
      "tpu.region"() ({
        %run_scoped3A = tpu.sem_alloc : memref<!tpu.dma_semaphore, #tpu.memory_space<semaphore_mem>>
        %dma_start3A_72 = arith.constant 0 : i32
        %dma_start3A_73 = arith.constant 0 : i32
        %dma_start3A_74 = tpu.memref_slice %arg19[%dma_start3A_72, %dma_start3A_73] : memref<10240x128xf32, #tpu.memory_space<vmem_shared>> -> memref<10240x128xf32, #tpu.memory_space<vmem_shared>>
        tpu.enqueue_indirect_dma source(%arg15 : memref<80x128xf32, #tpu.memory_space<vmem>>) target(%dma_start3A_74 : memref<10240x128xf32, #tpu.memory_space<vmem_shared>>) offsets(%arg14 : memref<80xi32, #tpu.memory_space<vmem>>) semaphore(%run_scoped3A : memref<!tpu.dma_semaphore, #tpu.memory_space<semaphore_mem>>) {add = true}
        %dma_wait3A_75 = arith.constant 0 : i32
        %dma_wait3A_76 = arith.constant 0 : i32
        %dma_wait3A_77 = tpu.memref_slice %arg19[%dma_wait3A_75, %dma_wait3A_76] : memref<10240x128xf32, #tpu.memory_space<vmem_shared>> -> memref<10240x128xf32, #tpu.memory_space<vmem_shared>>
        tpu.wait_indirect_dma semaphore(%run_scoped3A : memref<!tpu.dma_semaphore, #tpu.memory_space<semaphore_mem>>) src(%arg15 : memref<80x128xf32, #tpu.memory_space<vmem>>) dst(%dma_wait3A_77 : memref<10240x128xf32, #tpu.memory_space<vmem_shared>>)
        tpu.yield
      }) : () -> ()
    } else {
    }
    %barrier3A_8 = arith.constant 0 : index
    tpu.barrier barrier_id(%barrier3A_8)
    %convert_element_type3A_9 = arith.extui %eq3A_3 : i1 to i32
    %cond3A_10 = arith.constant 0 : i32
    %cond3A_11 = arith.cmpi ne, %convert_element_type3A_9, %cond3A_10 : i32
    scf.if %cond3A_11 {
      "tpu.region"() ({
        %run_scoped3A = tpu.sem_alloc : memref<!tpu.dma_semaphore, #tpu.memory_space<semaphore_mem>>
        %dma_start3A = arith.constant 0 : i32
        %dma_start3A_55 = tpu.memref_slice %arg8[%mul3A_2, %dma_start3A] : memref<10240x128xf32, #tpu.memory_space<hbm>> -> memref<640x128xf32, #tpu.memory_space<hbm>>
        %dma_start3A_56 = arith.constant 0 : i32
        %dma_start3A_57 = tpu.memref_slice %arg19[%mul3A_2, %dma_start3A_56] : memref<10240x128xf32, #tpu.memory_space<vmem_shared>> -> memref<640x128xf32, #tpu.memory_space<vmem_shared>>
        tpu.enqueue_dma source(%dma_start3A_57 : memref<640x128xf32, #tpu.memory_space<vmem_shared>>) target(%dma_start3A_55 : memref<640x128xf32, #tpu.memory_space<hbm>>) target_semaphore(%run_scoped3A : memref<!tpu.dma_semaphore, #tpu.memory_space<semaphore_mem>>)
        %dma_wait3A = arith.constant 0 : i32
        %dma_wait3A_58 = tpu.memref_slice %arg8[%mul3A_2, %dma_wait3A] : memref<10240x128xf32, #tpu.memory_space<hbm>> -> memref<640x128xf32, #tpu.memory_space<hbm>>
        %dma_wait3A_59 = arith.constant 0 : i32
        %dma_wait3A_60 = tpu.memref_slice %arg19[%mul3A_2, %dma_wait3A_59] : memref<10240x128xf32, #tpu.memory_space<vmem_shared>> -> memref<640x128xf32, #tpu.memory_space<vmem_shared>>
        tpu.wait_dma2 semaphore(%run_scoped3A : memref<!tpu.dma_semaphore, #tpu.memory_space<semaphore_mem>>) src(%dma_wait3A_60 : memref<640x128xf32, #tpu.memory_space<vmem_shared>>) dst(%dma_wait3A_58 : memref<640x128xf32, #tpu.memory_space<hbm>>)
        tpu.yield
      }) : () -> ()
    } else {
    }
    %barrier3A_12 = arith.constant 0 : index
    tpu.barrier barrier_id(%barrier3A_12)
    %eq3A_13 = arith.constant 1 : i32
    %eq3A_14 = arith.cmpi eq, %arg0, %eq3A_13 : i32
    %convert_element_type3A_15 = arith.extui %eq3A_14 : i1 to i32
    %cond3A_16 = arith.constant 0 : i32
    %cond3A_17 = arith.cmpi ne, %convert_element_type3A_15, %cond3A_16 : i32
    scf.if %cond3A_17 {
      "tpu.region"() ({
        %run_scoped3A = tpu.sem_alloc : memref<!tpu.dma_semaphore, #tpu.memory_space<semaphore_mem>>
        %dma_start3A = arith.constant 0 : i32
        %dma_start3A_55 = tpu.memref_slice %arg19[%mul3A_2, %dma_start3A] : memref<10240x128xf32, #tpu.memory_space<vmem_shared>> -> memref<640x128xf32, #tpu.memory_space<vmem_shared>>
        %dma_start3A_56 = arith.constant 0 : i32
        %dma_start3A_57 = tpu.memref_slice %arg3[%mul3A_2, %dma_start3A_56] : memref<10240x128xf32, #tpu.memory_space<hbm>> -> memref<640x128xf32, #tpu.memory_space<hbm>>
        tpu.enqueue_dma source(%dma_start3A_57 : memref<640x128xf32, #tpu.memory_space<hbm>>) target(%dma_start3A_55 : memref<640x128xf32, #tpu.memory_space<vmem_shared>>) target_semaphore(%run_scoped3A : memref<!tpu.dma_semaphore, #tpu.memory_space<semaphore_mem>>)
        %dma_wait3A = arith.constant 0 : i32
        %dma_wait3A_58 = tpu.memref_slice %arg19[%mul3A_2, %dma_wait3A] : memref<10240x128xf32, #tpu.memory_space<vmem_shared>> -> memref<640x128xf32, #tpu.memory_space<vmem_shared>>
        %dma_wait3A_59 = arith.constant 0 : i32
        %dma_wait3A_60 = tpu.memref_slice %arg3[%mul3A_2, %dma_wait3A_59] : memref<10240x128xf32, #tpu.memory_space<hbm>> -> memref<640x128xf32, #tpu.memory_space<hbm>>
        tpu.wait_dma2 semaphore(%run_scoped3A : memref<!tpu.dma_semaphore, #tpu.memory_space<semaphore_mem>>) src(%dma_wait3A_60 : memref<640x128xf32, #tpu.memory_space<hbm>>) dst(%dma_wait3A_58 : memref<640x128xf32, #tpu.memory_space<vmem_shared>>)
        tpu.yield
      }) : () -> ()
    } else {
    }
    %barrier3A_18 = arith.constant 0 : index
    tpu.barrier barrier_id(%barrier3A_18)
    %convert_element_type3A_19 = arith.extui %eq3A_14 : i1 to i32
    %cond3A_20 = arith.constant 0 : i32
    %cond3A_21 = arith.cmpi ne, %convert_element_type3A_19, %cond3A_20 : i32
    scf.if %cond3A_21 {
      %add3A = arith.constant 0 : i32
      %add3A_55 = arith.addi %mul3A_0, %add3A : i32
      %multiple_of3A = tpu.assume_multiple %add3A_55, 8 : i32
      "tpu.region"() ({
        %run_scoped3A = tpu.sem_alloc : memref<!tpu.dma_semaphore, #tpu.memory_space<semaphore_mem>>
        %dma_start3A_72 = tpu.memref_slice %arg6[%multiple_of3A] : memref<160000xi32, #tpu.memory_space<hbm>> -> memref<80xi32, #tpu.memory_space<hbm>>
        %dma_start3A_73 = tpu.memref_slice %arg6[%multiple_of3A] : memref<160000xi32, #tpu.memory_space<hbm>> -> memref<80xi32, #tpu.memory_space<hbm>>
        tpu.enqueue_dma source(%dma_start3A_73 : memref<80xi32, #tpu.memory_space<hbm>>) target(%arg12 : memref<80xi32, #tpu.memory_space<vmem>>) target_semaphore(%run_scoped3A : memref<!tpu.dma_semaphore, #tpu.memory_space<semaphore_mem>>)
        %dma_wait3A_74 = tpu.memref_slice %arg6[%multiple_of3A] : memref<160000xi32, #tpu.memory_space<hbm>> -> memref<80xi32, #tpu.memory_space<hbm>>
        %dma_wait3A_75 = tpu.memref_slice %arg6[%multiple_of3A] : memref<160000xi32, #tpu.memory_space<hbm>> -> memref<80xi32, #tpu.memory_space<hbm>>
        tpu.wait_dma2 semaphore(%run_scoped3A : memref<!tpu.dma_semaphore, #tpu.memory_space<semaphore_mem>>) src(%dma_wait3A_75 : memref<80xi32, #tpu.memory_space<hbm>>) dst(%arg12 : memref<80xi32, #tpu.memory_space<vmem>>)
        tpu.yield
      }) : () -> ()
      %dma_start3A = arith.constant 0 : i32
      %dma_start3A_56 = arith.constant 0 : i32
      %dma_start3A_57 = tpu.memref_slice %arg3[%dma_start3A, %dma_start3A_56] : memref<10240x128xf32, #tpu.memory_space<hbm>> -> memref<10240x128xf32, #tpu.memory_space<hbm>>
      tpu.enqueue_indirect_dma source(%dma_start3A_57 : memref<10240x128xf32, #tpu.memory_space<hbm>>) target(%arg15 : memref<80x128xf32, #tpu.memory_space<vmem>>) offsets(%arg12 : memref<80xi32, #tpu.memory_space<vmem>>) semaphore(%arg17 : memref<!tpu.dma_semaphore, #tpu.memory_space<semaphore_mem>>)
      %scan3A = arith.constant 0 : i32
      %scan3A_58 = arith.constant 0 : i32
      %scan3A_59 = arith.constant 62 : i32
      %scan3A_60 = arith.addi %scan3A_58, %scan3A_59 : i32
      %scan3A_61 = arith.constant 1 : i32
      %scan3A_62 = scf.for %scan3A_72 = %scan3A_58 to %scan3A_60 step %scan3A_61 iter_args(%scan3A_73 = %scan3A) -> (i32)  : i32 {
        %mul3A_74 = arith.constant 2 : i32
        %mul3A_75 = arith.muli %mul3A_74, %scan3A_72 : i32
        %add3A_76 = arith.constant 1 : i32
        %add3A_77 = arith.addi %mul3A_75, %add3A_76 : i32
        %mul3A_78 = arith.constant 80 : i32
        %mul3A_79 = arith.muli %add3A_77, %mul3A_78 : i32
        %add3A_80 = arith.addi %mul3A_0, %mul3A_79 : i32
        %multiple_of3A_81 = tpu.assume_multiple %add3A_80, 8 : i32
        "tpu.region"() ({
          %run_scoped3A = tpu.sem_alloc : memref<!tpu.dma_semaphore, #tpu.memory_space<semaphore_mem>>
          %dma_start3A_117 = tpu.memref_slice %arg6[%multiple_of3A_81] : memref<160000xi32, #tpu.memory_space<hbm>> -> memref<80xi32, #tpu.memory_space<hbm>>
          %dma_start3A_118 = tpu.memref_slice %arg6[%multiple_of3A_81] : memref<160000xi32, #tpu.memory_space<hbm>> -> memref<80xi32, #tpu.memory_space<hbm>>
          tpu.enqueue_dma source(%dma_start3A_118 : memref<80xi32, #tpu.memory_space<hbm>>) target(%arg13 : memref<80xi32, #tpu.memory_space<vmem>>) target_semaphore(%run_scoped3A : memref<!tpu.dma_semaphore, #tpu.memory_space<semaphore_mem>>)
          %dma_wait3A_119 = tpu.memref_slice %arg6[%multiple_of3A_81] : memref<160000xi32, #tpu.memory_space<hbm>> -> memref<80xi32, #tpu.memory_space<hbm>>
          %dma_wait3A_120 = tpu.memref_slice %arg6[%multiple_of3A_81] : memref<160000xi32, #tpu.memory_space<hbm>> -> memref<80xi32, #tpu.memory_space<hbm>>
          tpu.wait_dma2 semaphore(%run_scoped3A : memref<!tpu.dma_semaphore, #tpu.memory_space<semaphore_mem>>) src(%dma_wait3A_120 : memref<80xi32, #tpu.memory_space<hbm>>) dst(%arg13 : memref<80xi32, #tpu.memory_space<vmem>>)
          tpu.yield
        }) : () -> ()
        %dma_start3A_82 = arith.constant 0 : i32
        %dma_start3A_83 = arith.constant 0 : i32
        %dma_start3A_84 = tpu.memref_slice %arg3[%dma_start3A_82, %dma_start3A_83] : memref<10240x128xf32, #tpu.memory_space<hbm>> -> memref<10240x128xf32, #tpu.memory_space<hbm>>
        tpu.enqueue_indirect_dma source(%dma_start3A_84 : memref<10240x128xf32, #tpu.memory_space<hbm>>) target(%arg16 : memref<80x128xf32, #tpu.memory_space<vmem>>) offsets(%arg13 : memref<80xi32, #tpu.memory_space<vmem>>) semaphore(%arg18 : memref<!tpu.dma_semaphore, #tpu.memory_space<semaphore_mem>>)
        %dma_wait3A_85 = arith.constant 0 : i32
        %dma_wait3A_86 = arith.constant 0 : i32
        %dma_wait3A_87 = tpu.memref_slice %arg3[%dma_wait3A_85, %dma_wait3A_86] : memref<10240x128xf32, #tpu.memory_space<hbm>> -> memref<80x128xf32, #tpu.memory_space<hbm>>
        %dma_wait3A_88 = arith.constant 0 : i32
        %dma_wait3A_89 = arith.constant 0 : i32
        %dma_wait3A_90 = tpu.memref_slice %arg3[%dma_wait3A_88, %dma_wait3A_89] : memref<10240x128xf32, #tpu.memory_space<hbm>> -> memref<80x128xf32, #tpu.memory_space<hbm>>
        tpu.wait_dma2 semaphore(%arg17 : memref<!tpu.dma_semaphore, #tpu.memory_space<semaphore_mem>>) src(%dma_wait3A_90 : memref<80x128xf32, #tpu.memory_space<hbm>>) dst(%arg15 : memref<80x128xf32, #tpu.memory_space<vmem>>)
        %mul3A_91 = arith.constant 80 : i32
        %mul3A_92 = arith.muli %mul3A_75, %mul3A_91 : i32
        %add3A_93 = arith.addi %mul3A_0, %mul3A_92 : i32
        %multiple_of3A_94 = tpu.assume_multiple %add3A_93, 8 : i32
        "tpu.region"() ({
          %run_scoped3A = tpu.sem_alloc : memref<!tpu.dma_semaphore, #tpu.memory_space<semaphore_mem>>
          %dma_start3A_117 = tpu.memref_slice %arg7[%multiple_of3A_94] : memref<160000xi32, #tpu.memory_space<hbm>> -> memref<80xi32, #tpu.memory_space<hbm>>
          %dma_start3A_118 = tpu.memref_slice %arg7[%multiple_of3A_94] : memref<160000xi32, #tpu.memory_space<hbm>> -> memref<80xi32, #tpu.memory_space<hbm>>
          tpu.enqueue_dma source(%dma_start3A_118 : memref<80xi32, #tpu.memory_space<hbm>>) target(%arg14 : memref<80xi32, #tpu.memory_space<vmem>>) target_semaphore(%run_scoped3A : memref<!tpu.dma_semaphore, #tpu.memory_space<semaphore_mem>>)
          %dma_wait3A_119 = tpu.memref_slice %arg7[%multiple_of3A_94] : memref<160000xi32, #tpu.memory_space<hbm>> -> memref<80xi32, #tpu.memory_space<hbm>>
          %dma_wait3A_120 = tpu.memref_slice %arg7[%multiple_of3A_94] : memref<160000xi32, #tpu.memory_space<hbm>> -> memref<80xi32, #tpu.memory_space<hbm>>
          tpu.wait_dma2 semaphore(%run_scoped3A : memref<!tpu.dma_semaphore, #tpu.memory_space<semaphore_mem>>) src(%dma_wait3A_120 : memref<80xi32, #tpu.memory_space<hbm>>) dst(%arg14 : memref<80xi32, #tpu.memory_space<vmem>>)
          tpu.yield
        }) : () -> ()
        "tpu.region"() ({
          %run_scoped3A = tpu.sem_alloc : memref<!tpu.dma_semaphore, #tpu.memory_space<semaphore_mem>>
          %dma_start3A_117 = arith.constant 0 : i32
          %dma_start3A_118 = arith.constant 0 : i32
          %dma_start3A_119 = tpu.memref_slice %arg19[%dma_start3A_117, %dma_start3A_118] : memref<10240x128xf32, #tpu.memory_space<vmem_shared>> -> memref<10240x128xf32, #tpu.memory_space<vmem_shared>>
          tpu.enqueue_indirect_dma source(%arg15 : memref<80x128xf32, #tpu.memory_space<vmem>>) target(%dma_start3A_119 : memref<10240x128xf32, #tpu.memory_space<vmem_shared>>) offsets(%arg14 : memref<80xi32, #tpu.memory_space<vmem>>) semaphore(%run_scoped3A : memref<!tpu.dma_semaphore, #tpu.memory_space<semaphore_mem>>) {add = true}
          %dma_wait3A_120 = arith.constant 0 : i32
          %dma_wait3A_121 = arith.constant 0 : i32
          %dma_wait3A_122 = tpu.memref_slice %arg19[%dma_wait3A_120, %dma_wait3A_121] : memref<10240x128xf32, #tpu.memory_space<vmem_shared>> -> memref<10240x128xf32, #tpu.memory_space<vmem_shared>>
          tpu.wait_indirect_dma semaphore(%run_scoped3A : memref<!tpu.dma_semaphore, #tpu.memory_space<semaphore_mem>>) src(%arg15 : memref<80x128xf32, #tpu.memory_space<vmem>>) dst(%dma_wait3A_122 : memref<10240x128xf32, #tpu.memory_space<vmem_shared>>)
          tpu.yield
        }) : () -> ()
        %add3A_95 = arith.constant 2 : i32
        %add3A_96 = arith.addi %mul3A_75, %add3A_95 : i32
        %mul3A_97 = arith.constant 80 : i32
        %mul3A_98 = arith.muli %add3A_96, %mul3A_97 : i32
        %add3A_99 = arith.addi %mul3A_0, %mul3A_98 : i32
        %multiple_of3A_100 = tpu.assume_multiple %add3A_99, 8 : i32
        "tpu.region"() ({
          %run_scoped3A = tpu.sem_alloc : memref<!tpu.dma_semaphore, #tpu.memory_space<semaphore_mem>>
          %dma_start3A_117 = tpu.memref_slice %arg6[%multiple_of3A_100] : memref<160000xi32, #tpu.memory_space<hbm>> -> memref<80xi32, #tpu.memory_space<hbm>>
          %dma_start3A_118 = tpu.memref_slice %arg6[%multiple_of3A_100] : memref<160000xi32, #tpu.memory_space<hbm>> -> memref<80xi32, #tpu.memory_space<hbm>>
          tpu.enqueue_dma source(%dma_start3A_118 : memref<80xi32, #tpu.memory_space<hbm>>) target(%arg12 : memref<80xi32, #tpu.memory_space<vmem>>) target_semaphore(%run_scoped3A : memref<!tpu.dma_semaphore, #tpu.memory_space<semaphore_mem>>)
          %dma_wait3A_119 = tpu.memref_slice %arg6[%multiple_of3A_100] : memref<160000xi32, #tpu.memory_space<hbm>> -> memref<80xi32, #tpu.memory_space<hbm>>
          %dma_wait3A_120 = tpu.memref_slice %arg6[%multiple_of3A_100] : memref<160000xi32, #tpu.memory_space<hbm>> -> memref<80xi32, #tpu.memory_space<hbm>>
          tpu.wait_dma2 semaphore(%run_scoped3A : memref<!tpu.dma_semaphore, #tpu.memory_space<semaphore_mem>>) src(%dma_wait3A_120 : memref<80xi32, #tpu.memory_space<hbm>>) dst(%arg12 : memref<80xi32, #tpu.memory_space<vmem>>)
          tpu.yield
        }) : () -> ()
        %dma_start3A_101 = arith.constant 0 : i32
        %dma_start3A_102 = arith.constant 0 : i32
        %dma_start3A_103 = tpu.memref_slice %arg3[%dma_start3A_101, %dma_start3A_102] : memref<10240x128xf32, #tpu.memory_space<hbm>> -> memref<10240x128xf32, #tpu.memory_space<hbm>>
        tpu.enqueue_indirect_dma source(%dma_start3A_103 : memref<10240x128xf32, #tpu.memory_space<hbm>>) target(%arg15 : memref<80x128xf32, #tpu.memory_space<vmem>>) offsets(%arg12 : memref<80xi32, #tpu.memory_space<vmem>>) semaphore(%arg17 : memref<!tpu.dma_semaphore, #tpu.memory_space<semaphore_mem>>)
        %dma_wait3A_104 = arith.constant 0 : i32
        %dma_wait3A_105 = arith.constant 0 : i32
        %dma_wait3A_106 = tpu.memref_slice %arg3[%dma_wait3A_104, %dma_wait3A_105] : memref<10240x128xf32, #tpu.memory_space<hbm>> -> memref<80x128xf32, #tpu.memory_space<hbm>>
        %dma_wait3A_107 = arith.constant 0 : i32
        %dma_wait3A_108 = arith.constant 0 : i32
        %dma_wait3A_109 = tpu.memref_slice %arg3[%dma_wait3A_107, %dma_wait3A_108] : memref<10240x128xf32, #tpu.memory_space<hbm>> -> memref<80x128xf32, #tpu.memory_space<hbm>>
        tpu.wait_dma2 semaphore(%arg18 : memref<!tpu.dma_semaphore, #tpu.memory_space<semaphore_mem>>) src(%dma_wait3A_109 : memref<80x128xf32, #tpu.memory_space<hbm>>) dst(%arg16 : memref<80x128xf32, #tpu.memory_space<vmem>>)
        %add3A_110 = arith.constant 1 : i32
        %add3A_111 = arith.addi %mul3A_75, %add3A_110 : i32
        %mul3A_112 = arith.constant 80 : i32
        %mul3A_113 = arith.muli %add3A_111, %mul3A_112 : i32
        %add3A_114 = arith.addi %mul3A_0, %mul3A_113 : i32
        %multiple_of3A_115 = tpu.assume_multiple %add3A_114, 8 : i32
        "tpu.region"() ({
          %run_scoped3A = tpu.sem_alloc : memref<!tpu.dma_semaphore, #tpu.memory_space<semaphore_mem>>
          %dma_start3A_117 = tpu.memref_slice %arg7[%multiple_of3A_115] : memref<160000xi32, #tpu.memory_space<hbm>> -> memref<80xi32, #tpu.memory_space<hbm>>
          %dma_start3A_118 = tpu.memref_slice %arg7[%multiple_of3A_115] : memref<160000xi32, #tpu.memory_space<hbm>> -> memref<80xi32, #tpu.memory_space<hbm>>
          tpu.enqueue_dma source(%dma_start3A_118 : memref<80xi32, #tpu.memory_space<hbm>>) target(%arg14 : memref<80xi32, #tpu.memory_space<vmem>>) target_semaphore(%run_scoped3A : memref<!tpu.dma_semaphore, #tpu.memory_space<semaphore_mem>>)
          %dma_wait3A_119 = tpu.memref_slice %arg7[%multiple_of3A_115] : memref<160000xi32, #tpu.memory_space<hbm>> -> memref<80xi32, #tpu.memory_space<hbm>>
          %dma_wait3A_120 = tpu.memref_slice %arg7[%multiple_of3A_115] : memref<160000xi32, #tpu.memory_space<hbm>> -> memref<80xi32, #tpu.memory_space<hbm>>
          tpu.wait_dma2 semaphore(%run_scoped3A : memref<!tpu.dma_semaphore, #tpu.memory_space<semaphore_mem>>) src(%dma_wait3A_120 : memref<80xi32, #tpu.memory_space<hbm>>) dst(%arg14 : memref<80xi32, #tpu.memory_space<vmem>>)
          tpu.yield
        }) : () -> ()
        "tpu.region"() ({
          %run_scoped3A = tpu.sem_alloc : memref<!tpu.dma_semaphore, #tpu.memory_space<semaphore_mem>>
          %dma_start3A_117 = arith.constant 0 : i32
          %dma_start3A_118 = arith.constant 0 : i32
          %dma_start3A_119 = tpu.memref_slice %arg19[%dma_start3A_117, %dma_start3A_118] : memref<10240x128xf32, #tpu.memory_space<vmem_shared>> -> memref<10240x128xf32, #tpu.memory_space<vmem_shared>>
          tpu.enqueue_indirect_dma source(%arg16 : memref<80x128xf32, #tpu.memory_space<vmem>>) target(%dma_start3A_119 : memref<10240x128xf32, #tpu.memory_space<vmem_shared>>) offsets(%arg14 : memref<80xi32, #tpu.memory_space<vmem>>) semaphore(%run_scoped3A : memref<!tpu.dma_semaphore, #tpu.memory_space<semaphore_mem>>) {add = true}
          %dma_wait3A_120 = arith.constant 0 : i32
          %dma_wait3A_121 = arith.constant 0 : i32
          %dma_wait3A_122 = tpu.memref_slice %arg19[%dma_wait3A_120, %dma_wait3A_121] : memref<10240x128xf32, #tpu.memory_space<vmem_shared>> -> memref<10240x128xf32, #tpu.memory_space<vmem_shared>>
          tpu.wait_indirect_dma semaphore(%run_scoped3A : memref<!tpu.dma_semaphore, #tpu.memory_space<semaphore_mem>>) src(%arg16 : memref<80x128xf32, #tpu.memory_space<vmem>>) dst(%dma_wait3A_122 : memref<10240x128xf32, #tpu.memory_space<vmem_shared>>)
          tpu.yield
        }) : () -> ()
        %scan3A_116 = arith.constant 0 : i32
        scf.yield %scan3A_116 : i32
      }
      %scan3A_63 = arith.constant 62 : i32
      %dma_wait3A = arith.constant 0 : i32
      %dma_wait3A_64 = arith.constant 0 : i32
      %dma_wait3A_65 = tpu.memref_slice %arg3[%dma_wait3A, %dma_wait3A_64] : memref<10240x128xf32, #tpu.memory_space<hbm>> -> memref<80x128xf32, #tpu.memory_space<hbm>>
      %dma_wait3A_66 = arith.constant 0 : i32
      %dma_wait3A_67 = arith.constant 0 : i32
      %dma_wait3A_68 = tpu.memref_slice %arg3[%dma_wait3A_66, %dma_wait3A_67] : memref<10240x128xf32, #tpu.memory_space<hbm>> -> memref<80x128xf32, #tpu.memory_space<hbm>>
      tpu.wait_dma2 semaphore(%arg17 : memref<!tpu.dma_semaphore, #tpu.memory_space<semaphore_mem>>) src(%dma_wait3A_68 : memref<80x128xf32, #tpu.memory_space<hbm>>) dst(%arg15 : memref<80x128xf32, #tpu.memory_space<vmem>>)
      %add3A_69 = arith.constant 9920 : i32
      %add3A_70 = arith.addi %mul3A_0, %add3A_69 : i32
      %multiple_of3A_71 = tpu.assume_multiple %add3A_70, 8 : i32
      "tpu.region"() ({
        %run_scoped3A = tpu.sem_alloc : memref<!tpu.dma_semaphore, #tpu.memory_space<semaphore_mem>>
        %dma_start3A_72 = tpu.memref_slice %arg7[%multiple_of3A_71] : memref<160000xi32, #tpu.memory_space<hbm>> -> memref<80xi32, #tpu.memory_space<hbm>>
        %dma_start3A_73 = tpu.memref_slice %arg7[%multiple_of3A_71] : memref<160000xi32, #tpu.memory_space<hbm>> -> memref<80xi32, #tpu.memory_space<hbm>>
        tpu.enqueue_dma source(%dma_start3A_73 : memref<80xi32, #tpu.memory_space<hbm>>) target(%arg14 : memref<80xi32, #tpu.memory_space<vmem>>) target_semaphore(%run_scoped3A : memref<!tpu.dma_semaphore, #tpu.memory_space<semaphore_mem>>)
        %dma_wait3A_74 = tpu.memref_slice %arg7[%multiple_of3A_71] : memref<160000xi32, #tpu.memory_space<hbm>> -> memref<80xi32, #tpu.memory_space<hbm>>
        %dma_wait3A_75 = tpu.memref_slice %arg7[%multiple_of3A_71] : memref<160000xi32, #tpu.memory_space<hbm>> -> memref<80xi32, #tpu.memory_space<hbm>>
        tpu.wait_dma2 semaphore(%run_scoped3A : memref<!tpu.dma_semaphore, #tpu.memory_space<semaphore_mem>>) src(%dma_wait3A_75 : memref<80xi32, #tpu.memory_space<hbm>>) dst(%arg14 : memref<80xi32, #tpu.memory_space<vmem>>)
        tpu.yield
      }) : () -> ()
      "tpu.region"() ({
        %run_scoped3A = tpu.sem_alloc : memref<!tpu.dma_semaphore, #tpu.memory_space<semaphore_mem>>
        %dma_start3A_72 = arith.constant 0 : i32
        %dma_start3A_73 = arith.constant 0 : i32
        %dma_start3A_74 = tpu.memref_slice %arg19[%dma_start3A_72, %dma_start3A_73] : memref<10240x128xf32, #tpu.memory_space<vmem_shared>> -> memref<10240x128xf32, #tpu.memory_space<vmem_shared>>
        tpu.enqueue_indirect_dma source(%arg15 : memref<80x128xf32, #tpu.memory_space<vmem>>) target(%dma_start3A_74 : memref<10240x128xf32, #tpu.memory_space<vmem_shared>>) offsets(%arg14 : memref<80xi32, #tpu.memory_space<vmem>>) semaphore(%run_scoped3A : memref<!tpu.dma_semaphore, #tpu.memory_space<semaphore_mem>>) {add = true}
        %dma_wait3A_75 = arith.constant 0 : i32
        %dma_wait3A_76 = arith.constant 0 : i32
        %dma_wait3A_77 = tpu.memref_slice %arg19[%dma_wait3A_75, %dma_wait3A_76] : memref<10240x128xf32, #tpu.memory_space<vmem_shared>> -> memref<10240x128xf32, #tpu.memory_space<vmem_shared>>
        tpu.wait_indirect_dma semaphore(%run_scoped3A : memref<!tpu.dma_semaphore, #tpu.memory_space<semaphore_mem>>) src(%arg15 : memref<80x128xf32, #tpu.memory_space<vmem>>) dst(%dma_wait3A_77 : memref<10240x128xf32, #tpu.memory_space<vmem_shared>>)
        tpu.yield
      }) : () -> ()
    } else {
    }
    %barrier3A_22 = arith.constant 0 : index
    tpu.barrier barrier_id(%barrier3A_22)
    %convert_element_type3A_23 = arith.extui %eq3A_14 : i1 to i32
    %cond3A_24 = arith.constant 0 : i32
    %cond3A_25 = arith.cmpi ne, %convert_element_type3A_23, %cond3A_24 : i32
    scf.if %cond3A_25 {
      "tpu.region"() ({
        %run_scoped3A = tpu.sem_alloc : memref<!tpu.dma_semaphore, #tpu.memory_space<semaphore_mem>>
        %dma_start3A = arith.constant 0 : i32
        %dma_start3A_55 = tpu.memref_slice %arg9[%mul3A_2, %dma_start3A] : memref<10240x128xf32, #tpu.memory_space<hbm>> -> memref<640x128xf32, #tpu.memory_space<hbm>>
        %dma_start3A_56 = arith.constant 0 : i32
        %dma_start3A_57 = tpu.memref_slice %arg19[%mul3A_2, %dma_start3A_56] : memref<10240x128xf32, #tpu.memory_space<vmem_shared>> -> memref<640x128xf32, #tpu.memory_space<vmem_shared>>
        tpu.enqueue_dma source(%dma_start3A_57 : memref<640x128xf32, #tpu.memory_space<vmem_shared>>) target(%dma_start3A_55 : memref<640x128xf32, #tpu.memory_space<hbm>>) target_semaphore(%run_scoped3A : memref<!tpu.dma_semaphore, #tpu.memory_space<semaphore_mem>>)
        %dma_wait3A = arith.constant 0 : i32
        %dma_wait3A_58 = tpu.memref_slice %arg9[%mul3A_2, %dma_wait3A] : memref<10240x128xf32, #tpu.memory_space<hbm>> -> memref<640x128xf32, #tpu.memory_space<hbm>>
        %dma_wait3A_59 = arith.constant 0 : i32
        %dma_wait3A_60 = tpu.memref_slice %arg19[%mul3A_2, %dma_wait3A_59] : memref<10240x128xf32, #tpu.memory_space<vmem_shared>> -> memref<640x128xf32, #tpu.memory_space<vmem_shared>>
        tpu.wait_dma2 semaphore(%run_scoped3A : memref<!tpu.dma_semaphore, #tpu.memory_space<semaphore_mem>>) src(%dma_wait3A_60 : memref<640x128xf32, #tpu.memory_space<vmem_shared>>) dst(%dma_wait3A_58 : memref<640x128xf32, #tpu.memory_space<hbm>>)
        tpu.yield
      }) : () -> ()
    } else {
    }
    %barrier3A_26 = arith.constant 0 : index
    tpu.barrier barrier_id(%barrier3A_26)
    %eq3A_27 = arith.constant 0 : i32
    %eq3A_28 = arith.cmpi eq, %arg0, %eq3A_27 : i32
    %convert_element_type3A_29 = arith.extui %eq3A_28 : i1 to i32
    %cond3A_30 = arith.constant 0 : i32
    %cond3A_31 = arith.cmpi ne, %convert_element_type3A_29, %cond3A_30 : i32
    scf.if %cond3A_31 {
      "tpu.region"() ({
        %run_scoped3A = tpu.sem_alloc : memref<!tpu.dma_semaphore, #tpu.memory_space<semaphore_mem>>
        %dma_start3A = arith.constant 0 : i32
        %dma_start3A_55 = tpu.memref_slice %arg19[%mul3A_2, %dma_start3A] : memref<10240x128xf32, #tpu.memory_space<vmem_shared>> -> memref<640x128xf32, #tpu.memory_space<vmem_shared>>
        %dma_start3A_56 = arith.constant 0 : i32
        %dma_start3A_57 = tpu.memref_slice %arg4[%mul3A_2, %dma_start3A_56] : memref<10240x128xf32, #tpu.memory_space<hbm>> -> memref<640x128xf32, #tpu.memory_space<hbm>>
        tpu.enqueue_dma source(%dma_start3A_57 : memref<640x128xf32, #tpu.memory_space<hbm>>) target(%dma_start3A_55 : memref<640x128xf32, #tpu.memory_space<vmem_shared>>) target_semaphore(%run_scoped3A : memref<!tpu.dma_semaphore, #tpu.memory_space<semaphore_mem>>)
        %dma_wait3A = arith.constant 0 : i32
        %dma_wait3A_58 = tpu.memref_slice %arg19[%mul3A_2, %dma_wait3A] : memref<10240x128xf32, #tpu.memory_space<vmem_shared>> -> memref<640x128xf32, #tpu.memory_space<vmem_shared>>
        %dma_wait3A_59 = arith.constant 0 : i32
        %dma_wait3A_60 = tpu.memref_slice %arg4[%mul3A_2, %dma_wait3A_59] : memref<10240x128xf32, #tpu.memory_space<hbm>> -> memref<640x128xf32, #tpu.memory_space<hbm>>
        tpu.wait_dma2 semaphore(%run_scoped3A : memref<!tpu.dma_semaphore, #tpu.memory_space<semaphore_mem>>) src(%dma_wait3A_60 : memref<640x128xf32, #tpu.memory_space<hbm>>) dst(%dma_wait3A_58 : memref<640x128xf32, #tpu.memory_space<vmem_shared>>)
        tpu.yield
      }) : () -> ()
    } else {
    }
    %barrier3A_32 = arith.constant 0 : index
    tpu.barrier barrier_id(%barrier3A_32)
    %convert_element_type3A_33 = arith.extui %eq3A_28 : i1 to i32
    %cond3A_34 = arith.constant 0 : i32
    %cond3A_35 = arith.cmpi ne, %convert_element_type3A_33, %cond3A_34 : i32
    scf.if %cond3A_35 {
      %add3A = arith.constant 0 : i32
      %add3A_55 = arith.addi %mul3A_0, %add3A : i32
      %multiple_of3A = tpu.assume_multiple %add3A_55, 8 : i32
      "tpu.region"() ({
        %run_scoped3A = tpu.sem_alloc : memref<!tpu.dma_semaphore, #tpu.memory_space<semaphore_mem>>
        %dma_start3A_72 = tpu.memref_slice %arg6[%multiple_of3A] : memref<160000xi32, #tpu.memory_space<hbm>> -> memref<80xi32, #tpu.memory_space<hbm>>
        %dma_start3A_73 = tpu.memref_slice %arg6[%multiple_of3A] : memref<160000xi32, #tpu.memory_space<hbm>> -> memref<80xi32, #tpu.memory_space<hbm>>
        tpu.enqueue_dma source(%dma_start3A_73 : memref<80xi32, #tpu.memory_space<hbm>>) target(%arg12 : memref<80xi32, #tpu.memory_space<vmem>>) target_semaphore(%run_scoped3A : memref<!tpu.dma_semaphore, #tpu.memory_space<semaphore_mem>>)
        %dma_wait3A_74 = tpu.memref_slice %arg6[%multiple_of3A] : memref<160000xi32, #tpu.memory_space<hbm>> -> memref<80xi32, #tpu.memory_space<hbm>>
        %dma_wait3A_75 = tpu.memref_slice %arg6[%multiple_of3A] : memref<160000xi32, #tpu.memory_space<hbm>> -> memref<80xi32, #tpu.memory_space<hbm>>
        tpu.wait_dma2 semaphore(%run_scoped3A : memref<!tpu.dma_semaphore, #tpu.memory_space<semaphore_mem>>) src(%dma_wait3A_75 : memref<80xi32, #tpu.memory_space<hbm>>) dst(%arg12 : memref<80xi32, #tpu.memory_space<vmem>>)
        tpu.yield
      }) : () -> ()
      %dma_start3A = arith.constant 0 : i32
      %dma_start3A_56 = arith.constant 0 : i32
      %dma_start3A_57 = tpu.memref_slice %arg4[%dma_start3A, %dma_start3A_56] : memref<10240x128xf32, #tpu.memory_space<hbm>> -> memref<10240x128xf32, #tpu.memory_space<hbm>>
      tpu.enqueue_indirect_dma source(%dma_start3A_57 : memref<10240x128xf32, #tpu.memory_space<hbm>>) target(%arg15 : memref<80x128xf32, #tpu.memory_space<vmem>>) offsets(%arg12 : memref<80xi32, #tpu.memory_space<vmem>>) semaphore(%arg17 : memref<!tpu.dma_semaphore, #tpu.memory_space<semaphore_mem>>)
      %scan3A = arith.constant 0 : i32
      %scan3A_58 = arith.constant 0 : i32
      %scan3A_59 = arith.constant 62 : i32
      %scan3A_60 = arith.addi %scan3A_58, %scan3A_59 : i32
      %scan3A_61 = arith.constant 1 : i32
      %scan3A_62 = scf.for %scan3A_72 = %scan3A_58 to %scan3A_60 step %scan3A_61 iter_args(%scan3A_73 = %scan3A) -> (i32)  : i32 {
        %mul3A_74 = arith.constant 2 : i32
        %mul3A_75 = arith.muli %mul3A_74, %scan3A_72 : i32
        %add3A_76 = arith.constant 1 : i32
        %add3A_77 = arith.addi %mul3A_75, %add3A_76 : i32
        %mul3A_78 = arith.constant 80 : i32
        %mul3A_79 = arith.muli %add3A_77, %mul3A_78 : i32
        %add3A_80 = arith.addi %mul3A_0, %mul3A_79 : i32
        %multiple_of3A_81 = tpu.assume_multiple %add3A_80, 8 : i32
        "tpu.region"() ({
          %run_scoped3A = tpu.sem_alloc : memref<!tpu.dma_semaphore, #tpu.memory_space<semaphore_mem>>
          %dma_start3A_117 = tpu.memref_slice %arg6[%multiple_of3A_81] : memref<160000xi32, #tpu.memory_space<hbm>> -> memref<80xi32, #tpu.memory_space<hbm>>
          %dma_start3A_118 = tpu.memref_slice %arg6[%multiple_of3A_81] : memref<160000xi32, #tpu.memory_space<hbm>> -> memref<80xi32, #tpu.memory_space<hbm>>
          tpu.enqueue_dma source(%dma_start3A_118 : memref<80xi32, #tpu.memory_space<hbm>>) target(%arg13 : memref<80xi32, #tpu.memory_space<vmem>>) target_semaphore(%run_scoped3A : memref<!tpu.dma_semaphore, #tpu.memory_space<semaphore_mem>>)
          %dma_wait3A_119 = tpu.memref_slice %arg6[%multiple_of3A_81] : memref<160000xi32, #tpu.memory_space<hbm>> -> memref<80xi32, #tpu.memory_space<hbm>>
          %dma_wait3A_120 = tpu.memref_slice %arg6[%multiple_of3A_81] : memref<160000xi32, #tpu.memory_space<hbm>> -> memref<80xi32, #tpu.memory_space<hbm>>
          tpu.wait_dma2 semaphore(%run_scoped3A : memref<!tpu.dma_semaphore, #tpu.memory_space<semaphore_mem>>) src(%dma_wait3A_120 : memref<80xi32, #tpu.memory_space<hbm>>) dst(%arg13 : memref<80xi32, #tpu.memory_space<vmem>>)
          tpu.yield
        }) : () -> ()
        %dma_start3A_82 = arith.constant 0 : i32
        %dma_start3A_83 = arith.constant 0 : i32
        %dma_start3A_84 = tpu.memref_slice %arg4[%dma_start3A_82, %dma_start3A_83] : memref<10240x128xf32, #tpu.memory_space<hbm>> -> memref<10240x128xf32, #tpu.memory_space<hbm>>
        tpu.enqueue_indirect_dma source(%dma_start3A_84 : memref<10240x128xf32, #tpu.memory_space<hbm>>) target(%arg16 : memref<80x128xf32, #tpu.memory_space<vmem>>) offsets(%arg13 : memref<80xi32, #tpu.memory_space<vmem>>) semaphore(%arg18 : memref<!tpu.dma_semaphore, #tpu.memory_space<semaphore_mem>>)
        %dma_wait3A_85 = arith.constant 0 : i32
        %dma_wait3A_86 = arith.constant 0 : i32
        %dma_wait3A_87 = tpu.memref_slice %arg4[%dma_wait3A_85, %dma_wait3A_86] : memref<10240x128xf32, #tpu.memory_space<hbm>> -> memref<80x128xf32, #tpu.memory_space<hbm>>
        %dma_wait3A_88 = arith.constant 0 : i32
        %dma_wait3A_89 = arith.constant 0 : i32
        %dma_wait3A_90 = tpu.memref_slice %arg4[%dma_wait3A_88, %dma_wait3A_89] : memref<10240x128xf32, #tpu.memory_space<hbm>> -> memref<80x128xf32, #tpu.memory_space<hbm>>
        tpu.wait_dma2 semaphore(%arg17 : memref<!tpu.dma_semaphore, #tpu.memory_space<semaphore_mem>>) src(%dma_wait3A_90 : memref<80x128xf32, #tpu.memory_space<hbm>>) dst(%arg15 : memref<80x128xf32, #tpu.memory_space<vmem>>)
        %mul3A_91 = arith.constant 80 : i32
        %mul3A_92 = arith.muli %mul3A_75, %mul3A_91 : i32
        %add3A_93 = arith.addi %mul3A_0, %mul3A_92 : i32
        %multiple_of3A_94 = tpu.assume_multiple %add3A_93, 8 : i32
        "tpu.region"() ({
          %run_scoped3A = tpu.sem_alloc : memref<!tpu.dma_semaphore, #tpu.memory_space<semaphore_mem>>
          %dma_start3A_117 = tpu.memref_slice %arg7[%multiple_of3A_94] : memref<160000xi32, #tpu.memory_space<hbm>> -> memref<80xi32, #tpu.memory_space<hbm>>
          %dma_start3A_118 = tpu.memref_slice %arg7[%multiple_of3A_94] : memref<160000xi32, #tpu.memory_space<hbm>> -> memref<80xi32, #tpu.memory_space<hbm>>
          tpu.enqueue_dma source(%dma_start3A_118 : memref<80xi32, #tpu.memory_space<hbm>>) target(%arg14 : memref<80xi32, #tpu.memory_space<vmem>>) target_semaphore(%run_scoped3A : memref<!tpu.dma_semaphore, #tpu.memory_space<semaphore_mem>>)
          %dma_wait3A_119 = tpu.memref_slice %arg7[%multiple_of3A_94] : memref<160000xi32, #tpu.memory_space<hbm>> -> memref<80xi32, #tpu.memory_space<hbm>>
          %dma_wait3A_120 = tpu.memref_slice %arg7[%multiple_of3A_94] : memref<160000xi32, #tpu.memory_space<hbm>> -> memref<80xi32, #tpu.memory_space<hbm>>
          tpu.wait_dma2 semaphore(%run_scoped3A : memref<!tpu.dma_semaphore, #tpu.memory_space<semaphore_mem>>) src(%dma_wait3A_120 : memref<80xi32, #tpu.memory_space<hbm>>) dst(%arg14 : memref<80xi32, #tpu.memory_space<vmem>>)
          tpu.yield
        }) : () -> ()
        "tpu.region"() ({
          %run_scoped3A = tpu.sem_alloc : memref<!tpu.dma_semaphore, #tpu.memory_space<semaphore_mem>>
          %dma_start3A_117 = arith.constant 0 : i32
          %dma_start3A_118 = arith.constant 0 : i32
          %dma_start3A_119 = tpu.memref_slice %arg19[%dma_start3A_117, %dma_start3A_118] : memref<10240x128xf32, #tpu.memory_space<vmem_shared>> -> memref<10240x128xf32, #tpu.memory_space<vmem_shared>>
          tpu.enqueue_indirect_dma source(%arg15 : memref<80x128xf32, #tpu.memory_space<vmem>>) target(%dma_start3A_119 : memref<10240x128xf32, #tpu.memory_space<vmem_shared>>) offsets(%arg14 : memref<80xi32, #tpu.memory_space<vmem>>) semaphore(%run_scoped3A : memref<!tpu.dma_semaphore, #tpu.memory_space<semaphore_mem>>) {add = true}
          %dma_wait3A_120 = arith.constant 0 : i32
          %dma_wait3A_121 = arith.constant 0 : i32
          %dma_wait3A_122 = tpu.memref_slice %arg19[%dma_wait3A_120, %dma_wait3A_121] : memref<10240x128xf32, #tpu.memory_space<vmem_shared>> -> memref<10240x128xf32, #tpu.memory_space<vmem_shared>>
          tpu.wait_indirect_dma semaphore(%run_scoped3A : memref<!tpu.dma_semaphore, #tpu.memory_space<semaphore_mem>>) src(%arg15 : memref<80x128xf32, #tpu.memory_space<vmem>>) dst(%dma_wait3A_122 : memref<10240x128xf32, #tpu.memory_space<vmem_shared>>)
          tpu.yield
        }) : () -> ()
        %add3A_95 = arith.constant 2 : i32
        %add3A_96 = arith.addi %mul3A_75, %add3A_95 : i32
        %mul3A_97 = arith.constant 80 : i32
        %mul3A_98 = arith.muli %add3A_96, %mul3A_97 : i32
        %add3A_99 = arith.addi %mul3A_0, %mul3A_98 : i32
        %multiple_of3A_100 = tpu.assume_multiple %add3A_99, 8 : i32
        "tpu.region"() ({
          %run_scoped3A = tpu.sem_alloc : memref<!tpu.dma_semaphore, #tpu.memory_space<semaphore_mem>>
          %dma_start3A_117 = tpu.memref_slice %arg6[%multiple_of3A_100] : memref<160000xi32, #tpu.memory_space<hbm>> -> memref<80xi32, #tpu.memory_space<hbm>>
          %dma_start3A_118 = tpu.memref_slice %arg6[%multiple_of3A_100] : memref<160000xi32, #tpu.memory_space<hbm>> -> memref<80xi32, #tpu.memory_space<hbm>>
          tpu.enqueue_dma source(%dma_start3A_118 : memref<80xi32, #tpu.memory_space<hbm>>) target(%arg12 : memref<80xi32, #tpu.memory_space<vmem>>) target_semaphore(%run_scoped3A : memref<!tpu.dma_semaphore, #tpu.memory_space<semaphore_mem>>)
          %dma_wait3A_119 = tpu.memref_slice %arg6[%multiple_of3A_100] : memref<160000xi32, #tpu.memory_space<hbm>> -> memref<80xi32, #tpu.memory_space<hbm>>
          %dma_wait3A_120 = tpu.memref_slice %arg6[%multiple_of3A_100] : memref<160000xi32, #tpu.memory_space<hbm>> -> memref<80xi32, #tpu.memory_space<hbm>>
          tpu.wait_dma2 semaphore(%run_scoped3A : memref<!tpu.dma_semaphore, #tpu.memory_space<semaphore_mem>>) src(%dma_wait3A_120 : memref<80xi32, #tpu.memory_space<hbm>>) dst(%arg12 : memref<80xi32, #tpu.memory_space<vmem>>)
          tpu.yield
        }) : () -> ()
        %dma_start3A_101 = arith.constant 0 : i32
        %dma_start3A_102 = arith.constant 0 : i32
        %dma_start3A_103 = tpu.memref_slice %arg4[%dma_start3A_101, %dma_start3A_102] : memref<10240x128xf32, #tpu.memory_space<hbm>> -> memref<10240x128xf32, #tpu.memory_space<hbm>>
        tpu.enqueue_indirect_dma source(%dma_start3A_103 : memref<10240x128xf32, #tpu.memory_space<hbm>>) target(%arg15 : memref<80x128xf32, #tpu.memory_space<vmem>>) offsets(%arg12 : memref<80xi32, #tpu.memory_space<vmem>>) semaphore(%arg17 : memref<!tpu.dma_semaphore, #tpu.memory_space<semaphore_mem>>)
        %dma_wait3A_104 = arith.constant 0 : i32
        %dma_wait3A_105 = arith.constant 0 : i32
        %dma_wait3A_106 = tpu.memref_slice %arg4[%dma_wait3A_104, %dma_wait3A_105] : memref<10240x128xf32, #tpu.memory_space<hbm>> -> memref<80x128xf32, #tpu.memory_space<hbm>>
        %dma_wait3A_107 = arith.constant 0 : i32
        %dma_wait3A_108 = arith.constant 0 : i32
        %dma_wait3A_109 = tpu.memref_slice %arg4[%dma_wait3A_107, %dma_wait3A_108] : memref<10240x128xf32, #tpu.memory_space<hbm>> -> memref<80x128xf32, #tpu.memory_space<hbm>>
        tpu.wait_dma2 semaphore(%arg18 : memref<!tpu.dma_semaphore, #tpu.memory_space<semaphore_mem>>) src(%dma_wait3A_109 : memref<80x128xf32, #tpu.memory_space<hbm>>) dst(%arg16 : memref<80x128xf32, #tpu.memory_space<vmem>>)
        %add3A_110 = arith.constant 1 : i32
        %add3A_111 = arith.addi %mul3A_75, %add3A_110 : i32
        %mul3A_112 = arith.constant 80 : i32
        %mul3A_113 = arith.muli %add3A_111, %mul3A_112 : i32
        %add3A_114 = arith.addi %mul3A_0, %mul3A_113 : i32
        %multiple_of3A_115 = tpu.assume_multiple %add3A_114, 8 : i32
        "tpu.region"() ({
          %run_scoped3A = tpu.sem_alloc : memref<!tpu.dma_semaphore, #tpu.memory_space<semaphore_mem>>
          %dma_start3A_117 = tpu.memref_slice %arg7[%multiple_of3A_115] : memref<160000xi32, #tpu.memory_space<hbm>> -> memref<80xi32, #tpu.memory_space<hbm>>
          %dma_start3A_118 = tpu.memref_slice %arg7[%multiple_of3A_115] : memref<160000xi32, #tpu.memory_space<hbm>> -> memref<80xi32, #tpu.memory_space<hbm>>
          tpu.enqueue_dma source(%dma_start3A_118 : memref<80xi32, #tpu.memory_space<hbm>>) target(%arg14 : memref<80xi32, #tpu.memory_space<vmem>>) target_semaphore(%run_scoped3A : memref<!tpu.dma_semaphore, #tpu.memory_space<semaphore_mem>>)
          %dma_wait3A_119 = tpu.memref_slice %arg7[%multiple_of3A_115] : memref<160000xi32, #tpu.memory_space<hbm>> -> memref<80xi32, #tpu.memory_space<hbm>>
          %dma_wait3A_120 = tpu.memref_slice %arg7[%multiple_of3A_115] : memref<160000xi32, #tpu.memory_space<hbm>> -> memref<80xi32, #tpu.memory_space<hbm>>
          tpu.wait_dma2 semaphore(%run_scoped3A : memref<!tpu.dma_semaphore, #tpu.memory_space<semaphore_mem>>) src(%dma_wait3A_120 : memref<80xi32, #tpu.memory_space<hbm>>) dst(%arg14 : memref<80xi32, #tpu.memory_space<vmem>>)
          tpu.yield
        }) : () -> ()
        "tpu.region"() ({
          %run_scoped3A = tpu.sem_alloc : memref<!tpu.dma_semaphore, #tpu.memory_space<semaphore_mem>>
          %dma_start3A_117 = arith.constant 0 : i32
          %dma_start3A_118 = arith.constant 0 : i32
          %dma_start3A_119 = tpu.memref_slice %arg19[%dma_start3A_117, %dma_start3A_118] : memref<10240x128xf32, #tpu.memory_space<vmem_shared>> -> memref<10240x128xf32, #tpu.memory_space<vmem_shared>>
          tpu.enqueue_indirect_dma source(%arg16 : memref<80x128xf32, #tpu.memory_space<vmem>>) target(%dma_start3A_119 : memref<10240x128xf32, #tpu.memory_space<vmem_shared>>) offsets(%arg14 : memref<80xi32, #tpu.memory_space<vmem>>) semaphore(%run_scoped3A : memref<!tpu.dma_semaphore, #tpu.memory_space<semaphore_mem>>) {add = true}
          %dma_wait3A_120 = arith.constant 0 : i32
          %dma_wait3A_121 = arith.constant 0 : i32
          %dma_wait3A_122 = tpu.memref_slice %arg19[%dma_wait3A_120, %dma_wait3A_121] : memref<10240x128xf32, #tpu.memory_space<vmem_shared>> -> memref<10240x128xf32, #tpu.memory_space<vmem_shared>>
          tpu.wait_indirect_dma semaphore(%run_scoped3A : memref<!tpu.dma_semaphore, #tpu.memory_space<semaphore_mem>>) src(%arg16 : memref<80x128xf32, #tpu.memory_space<vmem>>) dst(%dma_wait3A_122 : memref<10240x128xf32, #tpu.memory_space<vmem_shared>>)
          tpu.yield
        }) : () -> ()
        %scan3A_116 = arith.constant 0 : i32
        scf.yield %scan3A_116 : i32
      }
      %scan3A_63 = arith.constant 62 : i32
      %dma_wait3A = arith.constant 0 : i32
      %dma_wait3A_64 = arith.constant 0 : i32
      %dma_wait3A_65 = tpu.memref_slice %arg4[%dma_wait3A, %dma_wait3A_64] : memref<10240x128xf32, #tpu.memory_space<hbm>> -> memref<80x128xf32, #tpu.memory_space<hbm>>
      %dma_wait3A_66 = arith.constant 0 : i32
      %dma_wait3A_67 = arith.constant 0 : i32
      %dma_wait3A_68 = tpu.memref_slice %arg4[%dma_wait3A_66, %dma_wait3A_67] : memref<10240x128xf32, #tpu.memory_space<hbm>> -> memref<80x128xf32, #tpu.memory_space<hbm>>
      tpu.wait_dma2 semaphore(%arg17 : memref<!tpu.dma_semaphore, #tpu.memory_space<semaphore_mem>>) src(%dma_wait3A_68 : memref<80x128xf32, #tpu.memory_space<hbm>>) dst(%arg15 : memref<80x128xf32, #tpu.memory_space<vmem>>)
      %add3A_69 = arith.constant 9920 : i32
      %add3A_70 = arith.addi %mul3A_0, %add3A_69 : i32
      %multiple_of3A_71 = tpu.assume_multiple %add3A_70, 8 : i32
      "tpu.region"() ({
        %run_scoped3A = tpu.sem_alloc : memref<!tpu.dma_semaphore, #tpu.memory_space<semaphore_mem>>
        %dma_start3A_72 = tpu.memref_slice %arg7[%multiple_of3A_71] : memref<160000xi32, #tpu.memory_space<hbm>> -> memref<80xi32, #tpu.memory_space<hbm>>
        %dma_start3A_73 = tpu.memref_slice %arg7[%multiple_of3A_71] : memref<160000xi32, #tpu.memory_space<hbm>> -> memref<80xi32, #tpu.memory_space<hbm>>
        tpu.enqueue_dma source(%dma_start3A_73 : memref<80xi32, #tpu.memory_space<hbm>>) target(%arg14 : memref<80xi32, #tpu.memory_space<vmem>>) target_semaphore(%run_scoped3A : memref<!tpu.dma_semaphore, #tpu.memory_space<semaphore_mem>>)
        %dma_wait3A_74 = tpu.memref_slice %arg7[%multiple_of3A_71] : memref<160000xi32, #tpu.memory_space<hbm>> -> memref<80xi32, #tpu.memory_space<hbm>>
        %dma_wait3A_75 = tpu.memref_slice %arg7[%multiple_of3A_71] : memref<160000xi32, #tpu.memory_space<hbm>> -> memref<80xi32, #tpu.memory_space<hbm>>
        tpu.wait_dma2 semaphore(%run_scoped3A : memref<!tpu.dma_semaphore, #tpu.memory_space<semaphore_mem>>) src(%dma_wait3A_75 : memref<80xi32, #tpu.memory_space<hbm>>) dst(%arg14 : memref<80xi32, #tpu.memory_space<vmem>>)
        tpu.yield
      }) : () -> ()
      "tpu.region"() ({
        %run_scoped3A = tpu.sem_alloc : memref<!tpu.dma_semaphore, #tpu.memory_space<semaphore_mem>>
        %dma_start3A_72 = arith.constant 0 : i32
        %dma_start3A_73 = arith.constant 0 : i32
        %dma_start3A_74 = tpu.memref_slice %arg19[%dma_start3A_72, %dma_start3A_73] : memref<10240x128xf32, #tpu.memory_space<vmem_shared>> -> memref<10240x128xf32, #tpu.memory_space<vmem_shared>>
        tpu.enqueue_indirect_dma source(%arg15 : memref<80x128xf32, #tpu.memory_space<vmem>>) target(%dma_start3A_74 : memref<10240x128xf32, #tpu.memory_space<vmem_shared>>) offsets(%arg14 : memref<80xi32, #tpu.memory_space<vmem>>) semaphore(%run_scoped3A : memref<!tpu.dma_semaphore, #tpu.memory_space<semaphore_mem>>) {add = true}
        %dma_wait3A_75 = arith.constant 0 : i32
        %dma_wait3A_76 = arith.constant 0 : i32
        %dma_wait3A_77 = tpu.memref_slice %arg19[%dma_wait3A_75, %dma_wait3A_76] : memref<10240x128xf32, #tpu.memory_space<vmem_shared>> -> memref<10240x128xf32, #tpu.memory_space<vmem_shared>>
        tpu.wait_indirect_dma semaphore(%run_scoped3A : memref<!tpu.dma_semaphore, #tpu.memory_space<semaphore_mem>>) src(%arg15 : memref<80x128xf32, #tpu.memory_space<vmem>>) dst(%dma_wait3A_77 : memref<10240x128xf32, #tpu.memory_space<vmem_shared>>)
        tpu.yield
      }) : () -> ()
    } else {
    }
    %barrier3A_36 = arith.constant 0 : index
    tpu.barrier barrier_id(%barrier3A_36)
    %convert_element_type3A_37 = arith.extui %eq3A_28 : i1 to i32
    %cond3A_38 = arith.constant 0 : i32
    %cond3A_39 = arith.cmpi ne, %convert_element_type3A_37, %cond3A_38 : i32
    scf.if %cond3A_39 {
      "tpu.region"() ({
        %run_scoped3A = tpu.sem_alloc : memref<!tpu.dma_semaphore, #tpu.memory_space<semaphore_mem>>
        %dma_start3A = arith.constant 0 : i32
        %dma_start3A_55 = tpu.memref_slice %arg10[%mul3A_2, %dma_start3A] : memref<10240x128xf32, #tpu.memory_space<hbm>> -> memref<640x128xf32, #tpu.memory_space<hbm>>
        %dma_start3A_56 = arith.constant 0 : i32
        %dma_start3A_57 = tpu.memref_slice %arg19[%mul3A_2, %dma_start3A_56] : memref<10240x128xf32, #tpu.memory_space<vmem_shared>> -> memref<640x128xf32, #tpu.memory_space<vmem_shared>>
        tpu.enqueue_dma source(%dma_start3A_57 : memref<640x128xf32, #tpu.memory_space<vmem_shared>>) target(%dma_start3A_55 : memref<640x128xf32, #tpu.memory_space<hbm>>) target_semaphore(%run_scoped3A : memref<!tpu.dma_semaphore, #tpu.memory_space<semaphore_mem>>)
        %dma_wait3A = arith.constant 0 : i32
        %dma_wait3A_58 = tpu.memref_slice %arg10[%mul3A_2, %dma_wait3A] : memref<10240x128xf32, #tpu.memory_space<hbm>> -> memref<640x128xf32, #tpu.memory_space<hbm>>
        %dma_wait3A_59 = arith.constant 0 : i32
        %dma_wait3A_60 = tpu.memref_slice %arg19[%mul3A_2, %dma_wait3A_59] : memref<10240x128xf32, #tpu.memory_space<vmem_shared>> -> memref<640x128xf32, #tpu.memory_space<vmem_shared>>
        tpu.wait_dma2 semaphore(%run_scoped3A : memref<!tpu.dma_semaphore, #tpu.memory_space<semaphore_mem>>) src(%dma_wait3A_60 : memref<640x128xf32, #tpu.memory_space<vmem_shared>>) dst(%dma_wait3A_58 : memref<640x128xf32, #tpu.memory_space<hbm>>)
        tpu.yield
      }) : () -> ()
    } else {
    }
    %barrier3A_40 = arith.constant 0 : index
    tpu.barrier barrier_id(%barrier3A_40)
    %eq3A_41 = arith.constant 1 : i32
    %eq3A_42 = arith.cmpi eq, %arg0, %eq3A_41 : i32
    %convert_element_type3A_43 = arith.extui %eq3A_42 : i1 to i32
    %cond3A_44 = arith.constant 0 : i32
    %cond3A_45 = arith.cmpi ne, %convert_element_type3A_43, %cond3A_44 : i32
    scf.if %cond3A_45 {
      "tpu.region"() ({
        %run_scoped3A = tpu.sem_alloc : memref<!tpu.dma_semaphore, #tpu.memory_space<semaphore_mem>>
        %dma_start3A = arith.constant 0 : i32
        %dma_start3A_55 = tpu.memref_slice %arg19[%mul3A_2, %dma_start3A] : memref<10240x128xf32, #tpu.memory_space<vmem_shared>> -> memref<640x128xf32, #tpu.memory_space<vmem_shared>>
        %dma_start3A_56 = arith.constant 0 : i32
        %dma_start3A_57 = tpu.memref_slice %arg5[%mul3A_2, %dma_start3A_56] : memref<10240x128xf32, #tpu.memory_space<hbm>> -> memref<640x128xf32, #tpu.memory_space<hbm>>
        tpu.enqueue_dma source(%dma_start3A_57 : memref<640x128xf32, #tpu.memory_space<hbm>>) target(%dma_start3A_55 : memref<640x128xf32, #tpu.memory_space<vmem_shared>>) target_semaphore(%run_scoped3A : memref<!tpu.dma_semaphore, #tpu.memory_space<semaphore_mem>>)
        %dma_wait3A = arith.constant 0 : i32
        %dma_wait3A_58 = tpu.memref_slice %arg19[%mul3A_2, %dma_wait3A] : memref<10240x128xf32, #tpu.memory_space<vmem_shared>> -> memref<640x128xf32, #tpu.memory_space<vmem_shared>>
        %dma_wait3A_59 = arith.constant 0 : i32
        %dma_wait3A_60 = tpu.memref_slice %arg5[%mul3A_2, %dma_wait3A_59] : memref<10240x128xf32, #tpu.memory_space<hbm>> -> memref<640x128xf32, #tpu.memory_space<hbm>>
        tpu.wait_dma2 semaphore(%run_scoped3A : memref<!tpu.dma_semaphore, #tpu.memory_space<semaphore_mem>>) src(%dma_wait3A_60 : memref<640x128xf32, #tpu.memory_space<hbm>>) dst(%dma_wait3A_58 : memref<640x128xf32, #tpu.memory_space<vmem_shared>>)
        tpu.yield
      }) : () -> ()
    } else {
    }
    %barrier3A_46 = arith.constant 0 : index
    tpu.barrier barrier_id(%barrier3A_46)
    %convert_element_type3A_47 = arith.extui %eq3A_42 : i1 to i32
    %cond3A_48 = arith.constant 0 : i32
    %cond3A_49 = arith.cmpi ne, %convert_element_type3A_47, %cond3A_48 : i32
    scf.if %cond3A_49 {
      %add3A = arith.constant 0 : i32
      %add3A_55 = arith.addi %mul3A_0, %add3A : i32
      %multiple_of3A = tpu.assume_multiple %add3A_55, 8 : i32
      "tpu.region"() ({
        %run_scoped3A = tpu.sem_alloc : memref<!tpu.dma_semaphore, #tpu.memory_space<semaphore_mem>>
        %dma_start3A_72 = tpu.memref_slice %arg6[%multiple_of3A] : memref<160000xi32, #tpu.memory_space<hbm>> -> memref<80xi32, #tpu.memory_space<hbm>>
        %dma_start3A_73 = tpu.memref_slice %arg6[%multiple_of3A] : memref<160000xi32, #tpu.memory_space<hbm>> -> memref<80xi32, #tpu.memory_space<hbm>>
        tpu.enqueue_dma source(%dma_start3A_73 : memref<80xi32, #tpu.memory_space<hbm>>) target(%arg12 : memref<80xi32, #tpu.memory_space<vmem>>) target_semaphore(%run_scoped3A : memref<!tpu.dma_semaphore, #tpu.memory_space<semaphore_mem>>)
        %dma_wait3A_74 = tpu.memref_slice %arg6[%multiple_of3A] : memref<160000xi32, #tpu.memory_space<hbm>> -> memref<80xi32, #tpu.memory_space<hbm>>
        %dma_wait3A_75 = tpu.memref_slice %arg6[%multiple_of3A] : memref<160000xi32, #tpu.memory_space<hbm>> -> memref<80xi32, #tpu.memory_space<hbm>>
        tpu.wait_dma2 semaphore(%run_scoped3A : memref<!tpu.dma_semaphore, #tpu.memory_space<semaphore_mem>>) src(%dma_wait3A_75 : memref<80xi32, #tpu.memory_space<hbm>>) dst(%arg12 : memref<80xi32, #tpu.memory_space<vmem>>)
        tpu.yield
      }) : () -> ()
      %dma_start3A = arith.constant 0 : i32
      %dma_start3A_56 = arith.constant 0 : i32
      %dma_start3A_57 = tpu.memref_slice %arg5[%dma_start3A, %dma_start3A_56] : memref<10240x128xf32, #tpu.memory_space<hbm>> -> memref<10240x128xf32, #tpu.memory_space<hbm>>
      tpu.enqueue_indirect_dma source(%dma_start3A_57 : memref<10240x128xf32, #tpu.memory_space<hbm>>) target(%arg15 : memref<80x128xf32, #tpu.memory_space<vmem>>) offsets(%arg12 : memref<80xi32, #tpu.memory_space<vmem>>) semaphore(%arg17 : memref<!tpu.dma_semaphore, #tpu.memory_space<semaphore_mem>>)
      %scan3A = arith.constant 0 : i32
      %scan3A_58 = arith.constant 0 : i32
      %scan3A_59 = arith.constant 62 : i32
      %scan3A_60 = arith.addi %scan3A_58, %scan3A_59 : i32
      %scan3A_61 = arith.constant 1 : i32
      %scan3A_62 = scf.for %scan3A_72 = %scan3A_58 to %scan3A_60 step %scan3A_61 iter_args(%scan3A_73 = %scan3A) -> (i32)  : i32 {
        %mul3A_74 = arith.constant 2 : i32
        %mul3A_75 = arith.muli %mul3A_74, %scan3A_72 : i32
        %add3A_76 = arith.constant 1 : i32
        %add3A_77 = arith.addi %mul3A_75, %add3A_76 : i32
        %mul3A_78 = arith.constant 80 : i32
        %mul3A_79 = arith.muli %add3A_77, %mul3A_78 : i32
        %add3A_80 = arith.addi %mul3A_0, %mul3A_79 : i32
        %multiple_of3A_81 = tpu.assume_multiple %add3A_80, 8 : i32
        "tpu.region"() ({
          %run_scoped3A = tpu.sem_alloc : memref<!tpu.dma_semaphore, #tpu.memory_space<semaphore_mem>>
          %dma_start3A_117 = tpu.memref_slice %arg6[%multiple_of3A_81] : memref<160000xi32, #tpu.memory_space<hbm>> -> memref<80xi32, #tpu.memory_space<hbm>>
          %dma_start3A_118 = tpu.memref_slice %arg6[%multiple_of3A_81] : memref<160000xi32, #tpu.memory_space<hbm>> -> memref<80xi32, #tpu.memory_space<hbm>>
          tpu.enqueue_dma source(%dma_start3A_118 : memref<80xi32, #tpu.memory_space<hbm>>) target(%arg13 : memref<80xi32, #tpu.memory_space<vmem>>) target_semaphore(%run_scoped3A : memref<!tpu.dma_semaphore, #tpu.memory_space<semaphore_mem>>)
          %dma_wait3A_119 = tpu.memref_slice %arg6[%multiple_of3A_81] : memref<160000xi32, #tpu.memory_space<hbm>> -> memref<80xi32, #tpu.memory_space<hbm>>
          %dma_wait3A_120 = tpu.memref_slice %arg6[%multiple_of3A_81] : memref<160000xi32, #tpu.memory_space<hbm>> -> memref<80xi32, #tpu.memory_space<hbm>>
          tpu.wait_dma2 semaphore(%run_scoped3A : memref<!tpu.dma_semaphore, #tpu.memory_space<semaphore_mem>>) src(%dma_wait3A_120 : memref<80xi32, #tpu.memory_space<hbm>>) dst(%arg13 : memref<80xi32, #tpu.memory_space<vmem>>)
          tpu.yield
        }) : () -> ()
        %dma_start3A_82 = arith.constant 0 : i32
        %dma_start3A_83 = arith.constant 0 : i32
        %dma_start3A_84 = tpu.memref_slice %arg5[%dma_start3A_82, %dma_start3A_83] : memref<10240x128xf32, #tpu.memory_space<hbm>> -> memref<10240x128xf32, #tpu.memory_space<hbm>>
        tpu.enqueue_indirect_dma source(%dma_start3A_84 : memref<10240x128xf32, #tpu.memory_space<hbm>>) target(%arg16 : memref<80x128xf32, #tpu.memory_space<vmem>>) offsets(%arg13 : memref<80xi32, #tpu.memory_space<vmem>>) semaphore(%arg18 : memref<!tpu.dma_semaphore, #tpu.memory_space<semaphore_mem>>)
        %dma_wait3A_85 = arith.constant 0 : i32
        %dma_wait3A_86 = arith.constant 0 : i32
        %dma_wait3A_87 = tpu.memref_slice %arg5[%dma_wait3A_85, %dma_wait3A_86] : memref<10240x128xf32, #tpu.memory_space<hbm>> -> memref<80x128xf32, #tpu.memory_space<hbm>>
        %dma_wait3A_88 = arith.constant 0 : i32
        %dma_wait3A_89 = arith.constant 0 : i32
        %dma_wait3A_90 = tpu.memref_slice %arg5[%dma_wait3A_88, %dma_wait3A_89] : memref<10240x128xf32, #tpu.memory_space<hbm>> -> memref<80x128xf32, #tpu.memory_space<hbm>>
        tpu.wait_dma2 semaphore(%arg17 : memref<!tpu.dma_semaphore, #tpu.memory_space<semaphore_mem>>) src(%dma_wait3A_90 : memref<80x128xf32, #tpu.memory_space<hbm>>) dst(%arg15 : memref<80x128xf32, #tpu.memory_space<vmem>>)
        %mul3A_91 = arith.constant 80 : i32
        %mul3A_92 = arith.muli %mul3A_75, %mul3A_91 : i32
        %add3A_93 = arith.addi %mul3A_0, %mul3A_92 : i32
        %multiple_of3A_94 = tpu.assume_multiple %add3A_93, 8 : i32
        "tpu.region"() ({
          %run_scoped3A = tpu.sem_alloc : memref<!tpu.dma_semaphore, #tpu.memory_space<semaphore_mem>>
          %dma_start3A_117 = tpu.memref_slice %arg7[%multiple_of3A_94] : memref<160000xi32, #tpu.memory_space<hbm>> -> memref<80xi32, #tpu.memory_space<hbm>>
          %dma_start3A_118 = tpu.memref_slice %arg7[%multiple_of3A_94] : memref<160000xi32, #tpu.memory_space<hbm>> -> memref<80xi32, #tpu.memory_space<hbm>>
          tpu.enqueue_dma source(%dma_start3A_118 : memref<80xi32, #tpu.memory_space<hbm>>) target(%arg14 : memref<80xi32, #tpu.memory_space<vmem>>) target_semaphore(%run_scoped3A : memref<!tpu.dma_semaphore, #tpu.memory_space<semaphore_mem>>)
          %dma_wait3A_119 = tpu.memref_slice %arg7[%multiple_of3A_94] : memref<160000xi32, #tpu.memory_space<hbm>> -> memref<80xi32, #tpu.memory_space<hbm>>
          %dma_wait3A_120 = tpu.memref_slice %arg7[%multiple_of3A_94] : memref<160000xi32, #tpu.memory_space<hbm>> -> memref<80xi32, #tpu.memory_space<hbm>>
          tpu.wait_dma2 semaphore(%run_scoped3A : memref<!tpu.dma_semaphore, #tpu.memory_space<semaphore_mem>>) src(%dma_wait3A_120 : memref<80xi32, #tpu.memory_space<hbm>>) dst(%arg14 : memref<80xi32, #tpu.memory_space<vmem>>)
          tpu.yield
        }) : () -> ()
        "tpu.region"() ({
          %run_scoped3A = tpu.sem_alloc : memref<!tpu.dma_semaphore, #tpu.memory_space<semaphore_mem>>
          %dma_start3A_117 = arith.constant 0 : i32
          %dma_start3A_118 = arith.constant 0 : i32
          %dma_start3A_119 = tpu.memref_slice %arg19[%dma_start3A_117, %dma_start3A_118] : memref<10240x128xf32, #tpu.memory_space<vmem_shared>> -> memref<10240x128xf32, #tpu.memory_space<vmem_shared>>
          tpu.enqueue_indirect_dma source(%arg15 : memref<80x128xf32, #tpu.memory_space<vmem>>) target(%dma_start3A_119 : memref<10240x128xf32, #tpu.memory_space<vmem_shared>>) offsets(%arg14 : memref<80xi32, #tpu.memory_space<vmem>>) semaphore(%run_scoped3A : memref<!tpu.dma_semaphore, #tpu.memory_space<semaphore_mem>>) {add = true}
          %dma_wait3A_120 = arith.constant 0 : i32
          %dma_wait3A_121 = arith.constant 0 : i32
          %dma_wait3A_122 = tpu.memref_slice %arg19[%dma_wait3A_120, %dma_wait3A_121] : memref<10240x128xf32, #tpu.memory_space<vmem_shared>> -> memref<10240x128xf32, #tpu.memory_space<vmem_shared>>
          tpu.wait_indirect_dma semaphore(%run_scoped3A : memref<!tpu.dma_semaphore, #tpu.memory_space<semaphore_mem>>) src(%arg15 : memref<80x128xf32, #tpu.memory_space<vmem>>) dst(%dma_wait3A_122 : memref<10240x128xf32, #tpu.memory_space<vmem_shared>>)
          tpu.yield
        }) : () -> ()
        %add3A_95 = arith.constant 2 : i32
        %add3A_96 = arith.addi %mul3A_75, %add3A_95 : i32
        %mul3A_97 = arith.constant 80 : i32
        %mul3A_98 = arith.muli %add3A_96, %mul3A_97 : i32
        %add3A_99 = arith.addi %mul3A_0, %mul3A_98 : i32
        %multiple_of3A_100 = tpu.assume_multiple %add3A_99, 8 : i32
        "tpu.region"() ({
          %run_scoped3A = tpu.sem_alloc : memref<!tpu.dma_semaphore, #tpu.memory_space<semaphore_mem>>
          %dma_start3A_117 = tpu.memref_slice %arg6[%multiple_of3A_100] : memref<160000xi32, #tpu.memory_space<hbm>> -> memref<80xi32, #tpu.memory_space<hbm>>
          %dma_start3A_118 = tpu.memref_slice %arg6[%multiple_of3A_100] : memref<160000xi32, #tpu.memory_space<hbm>> -> memref<80xi32, #tpu.memory_space<hbm>>
          tpu.enqueue_dma source(%dma_start3A_118 : memref<80xi32, #tpu.memory_space<hbm>>) target(%arg12 : memref<80xi32, #tpu.memory_space<vmem>>) target_semaphore(%run_scoped3A : memref<!tpu.dma_semaphore, #tpu.memory_space<semaphore_mem>>)
          %dma_wait3A_119 = tpu.memref_slice %arg6[%multiple_of3A_100] : memref<160000xi32, #tpu.memory_space<hbm>> -> memref<80xi32, #tpu.memory_space<hbm>>
          %dma_wait3A_120 = tpu.memref_slice %arg6[%multiple_of3A_100] : memref<160000xi32, #tpu.memory_space<hbm>> -> memref<80xi32, #tpu.memory_space<hbm>>
          tpu.wait_dma2 semaphore(%run_scoped3A : memref<!tpu.dma_semaphore, #tpu.memory_space<semaphore_mem>>) src(%dma_wait3A_120 : memref<80xi32, #tpu.memory_space<hbm>>) dst(%arg12 : memref<80xi32, #tpu.memory_space<vmem>>)
          tpu.yield
        }) : () -> ()
        %dma_start3A_101 = arith.constant 0 : i32
        %dma_start3A_102 = arith.constant 0 : i32
        %dma_start3A_103 = tpu.memref_slice %arg5[%dma_start3A_101, %dma_start3A_102] : memref<10240x128xf32, #tpu.memory_space<hbm>> -> memref<10240x128xf32, #tpu.memory_space<hbm>>
        tpu.enqueue_indirect_dma source(%dma_start3A_103 : memref<10240x128xf32, #tpu.memory_space<hbm>>) target(%arg15 : memref<80x128xf32, #tpu.memory_space<vmem>>) offsets(%arg12 : memref<80xi32, #tpu.memory_space<vmem>>) semaphore(%arg17 : memref<!tpu.dma_semaphore, #tpu.memory_space<semaphore_mem>>)
        %dma_wait3A_104 = arith.constant 0 : i32
        %dma_wait3A_105 = arith.constant 0 : i32
        %dma_wait3A_106 = tpu.memref_slice %arg5[%dma_wait3A_104, %dma_wait3A_105] : memref<10240x128xf32, #tpu.memory_space<hbm>> -> memref<80x128xf32, #tpu.memory_space<hbm>>
        %dma_wait3A_107 = arith.constant 0 : i32
        %dma_wait3A_108 = arith.constant 0 : i32
        %dma_wait3A_109 = tpu.memref_slice %arg5[%dma_wait3A_107, %dma_wait3A_108] : memref<10240x128xf32, #tpu.memory_space<hbm>> -> memref<80x128xf32, #tpu.memory_space<hbm>>
        tpu.wait_dma2 semaphore(%arg18 : memref<!tpu.dma_semaphore, #tpu.memory_space<semaphore_mem>>) src(%dma_wait3A_109 : memref<80x128xf32, #tpu.memory_space<hbm>>) dst(%arg16 : memref<80x128xf32, #tpu.memory_space<vmem>>)
        %add3A_110 = arith.constant 1 : i32
        %add3A_111 = arith.addi %mul3A_75, %add3A_110 : i32
        %mul3A_112 = arith.constant 80 : i32
        %mul3A_113 = arith.muli %add3A_111, %mul3A_112 : i32
        %add3A_114 = arith.addi %mul3A_0, %mul3A_113 : i32
        %multiple_of3A_115 = tpu.assume_multiple %add3A_114, 8 : i32
        "tpu.region"() ({
          %run_scoped3A = tpu.sem_alloc : memref<!tpu.dma_semaphore, #tpu.memory_space<semaphore_mem>>
          %dma_start3A_117 = tpu.memref_slice %arg7[%multiple_of3A_115] : memref<160000xi32, #tpu.memory_space<hbm>> -> memref<80xi32, #tpu.memory_space<hbm>>
          %dma_start3A_118 = tpu.memref_slice %arg7[%multiple_of3A_115] : memref<160000xi32, #tpu.memory_space<hbm>> -> memref<80xi32, #tpu.memory_space<hbm>>
          tpu.enqueue_dma source(%dma_start3A_118 : memref<80xi32, #tpu.memory_space<hbm>>) target(%arg14 : memref<80xi32, #tpu.memory_space<vmem>>) target_semaphore(%run_scoped3A : memref<!tpu.dma_semaphore, #tpu.memory_space<semaphore_mem>>)
          %dma_wait3A_119 = tpu.memref_slice %arg7[%multiple_of3A_115] : memref<160000xi32, #tpu.memory_space<hbm>> -> memref<80xi32, #tpu.memory_space<hbm>>
          %dma_wait3A_120 = tpu.memref_slice %arg7[%multiple_of3A_115] : memref<160000xi32, #tpu.memory_space<hbm>> -> memref<80xi32, #tpu.memory_space<hbm>>
          tpu.wait_dma2 semaphore(%run_scoped3A : memref<!tpu.dma_semaphore, #tpu.memory_space<semaphore_mem>>) src(%dma_wait3A_120 : memref<80xi32, #tpu.memory_space<hbm>>) dst(%arg14 : memref<80xi32, #tpu.memory_space<vmem>>)
          tpu.yield
        }) : () -> ()
        "tpu.region"() ({
          %run_scoped3A = tpu.sem_alloc : memref<!tpu.dma_semaphore, #tpu.memory_space<semaphore_mem>>
          %dma_start3A_117 = arith.constant 0 : i32
          %dma_start3A_118 = arith.constant 0 : i32
          %dma_start3A_119 = tpu.memref_slice %arg19[%dma_start3A_117, %dma_start3A_118] : memref<10240x128xf32, #tpu.memory_space<vmem_shared>> -> memref<10240x128xf32, #tpu.memory_space<vmem_shared>>
          tpu.enqueue_indirect_dma source(%arg16 : memref<80x128xf32, #tpu.memory_space<vmem>>) target(%dma_start3A_119 : memref<10240x128xf32, #tpu.memory_space<vmem_shared>>) offsets(%arg14 : memref<80xi32, #tpu.memory_space<vmem>>) semaphore(%run_scoped3A : memref<!tpu.dma_semaphore, #tpu.memory_space<semaphore_mem>>) {add = true}
          %dma_wait3A_120 = arith.constant 0 : i32
          %dma_wait3A_121 = arith.constant 0 : i32
          %dma_wait3A_122 = tpu.memref_slice %arg19[%dma_wait3A_120, %dma_wait3A_121] : memref<10240x128xf32, #tpu.memory_space<vmem_shared>> -> memref<10240x128xf32, #tpu.memory_space<vmem_shared>>
          tpu.wait_indirect_dma semaphore(%run_scoped3A : memref<!tpu.dma_semaphore, #tpu.memory_space<semaphore_mem>>) src(%arg16 : memref<80x128xf32, #tpu.memory_space<vmem>>) dst(%dma_wait3A_122 : memref<10240x128xf32, #tpu.memory_space<vmem_shared>>)
          tpu.yield
        }) : () -> ()
        %scan3A_116 = arith.constant 0 : i32
        scf.yield %scan3A_116 : i32
      }
      %scan3A_63 = arith.constant 62 : i32
      %dma_wait3A = arith.constant 0 : i32
      %dma_wait3A_64 = arith.constant 0 : i32
      %dma_wait3A_65 = tpu.memref_slice %arg5[%dma_wait3A, %dma_wait3A_64] : memref<10240x128xf32, #tpu.memory_space<hbm>> -> memref<80x128xf32, #tpu.memory_space<hbm>>
      %dma_wait3A_66 = arith.constant 0 : i32
      %dma_wait3A_67 = arith.constant 0 : i32
      %dma_wait3A_68 = tpu.memref_slice %arg5[%dma_wait3A_66, %dma_wait3A_67] : memref<10240x128xf32, #tpu.memory_space<hbm>> -> memref<80x128xf32, #tpu.memory_space<hbm>>
      tpu.wait_dma2 semaphore(%arg17 : memref<!tpu.dma_semaphore, #tpu.memory_space<semaphore_mem>>) src(%dma_wait3A_68 : memref<80x128xf32, #tpu.memory_space<hbm>>) dst(%arg15 : memref<80x128xf32, #tpu.memory_space<vmem>>)
      %add3A_69 = arith.constant 9920 : i32
      %add3A_70 = arith.addi %mul3A_0, %add3A_69 : i32
      %multiple_of3A_71 = tpu.assume_multiple %add3A_70, 8 : i32
      "tpu.region"() ({
        %run_scoped3A = tpu.sem_alloc : memref<!tpu.dma_semaphore, #tpu.memory_space<semaphore_mem>>
        %dma_start3A_72 = tpu.memref_slice %arg7[%multiple_of3A_71] : memref<160000xi32, #tpu.memory_space<hbm>> -> memref<80xi32, #tpu.memory_space<hbm>>
        %dma_start3A_73 = tpu.memref_slice %arg7[%multiple_of3A_71] : memref<160000xi32, #tpu.memory_space<hbm>> -> memref<80xi32, #tpu.memory_space<hbm>>
        tpu.enqueue_dma source(%dma_start3A_73 : memref<80xi32, #tpu.memory_space<hbm>>) target(%arg14 : memref<80xi32, #tpu.memory_space<vmem>>) target_semaphore(%run_scoped3A : memref<!tpu.dma_semaphore, #tpu.memory_space<semaphore_mem>>)
        %dma_wait3A_74 = tpu.memref_slice %arg7[%multiple_of3A_71] : memref<160000xi32, #tpu.memory_space<hbm>> -> memref<80xi32, #tpu.memory_space<hbm>>
        %dma_wait3A_75 = tpu.memref_slice %arg7[%multiple_of3A_71] : memref<160000xi32, #tpu.memory_space<hbm>> -> memref<80xi32, #tpu.memory_space<hbm>>
        tpu.wait_dma2 semaphore(%run_scoped3A : memref<!tpu.dma_semaphore, #tpu.memory_space<semaphore_mem>>) src(%dma_wait3A_75 : memref<80xi32, #tpu.memory_space<hbm>>) dst(%arg14 : memref<80xi32, #tpu.memory_space<vmem>>)
        tpu.yield
      }) : () -> ()
      "tpu.region"() ({
        %run_scoped3A = tpu.sem_alloc : memref<!tpu.dma_semaphore, #tpu.memory_space<semaphore_mem>>
        %dma_start3A_72 = arith.constant 0 : i32
        %dma_start3A_73 = arith.constant 0 : i32
        %dma_start3A_74 = tpu.memref_slice %arg19[%dma_start3A_72, %dma_start3A_73] : memref<10240x128xf32, #tpu.memory_space<vmem_shared>> -> memref<10240x128xf32, #tpu.memory_space<vmem_shared>>
        tpu.enqueue_indirect_dma source(%arg15 : memref<80x128xf32, #tpu.memory_space<vmem>>) target(%dma_start3A_74 : memref<10240x128xf32, #tpu.memory_space<vmem_shared>>) offsets(%arg14 : memref<80xi32, #tpu.memory_space<vmem>>) semaphore(%run_scoped3A : memref<!tpu.dma_semaphore, #tpu.memory_space<semaphore_mem>>) {add = true}
        %dma_wait3A_75 = arith.constant 0 : i32
        %dma_wait3A_76 = arith.constant 0 : i32
        %dma_wait3A_77 = tpu.memref_slice %arg19[%dma_wait3A_75, %dma_wait3A_76] : memref<10240x128xf32, #tpu.memory_space<vmem_shared>> -> memref<10240x128xf32, #tpu.memory_space<vmem_shared>>
        tpu.wait_indirect_dma semaphore(%run_scoped3A : memref<!tpu.dma_semaphore, #tpu.memory_space<semaphore_mem>>) src(%arg15 : memref<80x128xf32, #tpu.memory_space<vmem>>) dst(%dma_wait3A_77 : memref<10240x128xf32, #tpu.memory_space<vmem_shared>>)
        tpu.yield
      }) : () -> ()
    } else {
    }
    %barrier3A_50 = arith.constant 0 : index
    tpu.barrier barrier_id(%barrier3A_50)
    %convert_element_type3A_51 = arith.extui %eq3A_42 : i1 to i32
    %cond3A_52 = arith.constant 0 : i32
    %cond3A_53 = arith.cmpi ne, %convert_element_type3A_51, %cond3A_52 : i32
    scf.if %cond3A_53 {
      "tpu.region"() ({
        %run_scoped3A = tpu.sem_alloc : memref<!tpu.dma_semaphore, #tpu.memory_space<semaphore_mem>>
        %dma_start3A = arith.constant 0 : i32
        %dma_start3A_55 = tpu.memref_slice %arg11[%mul3A_2, %dma_start3A] : memref<10240x128xf32, #tpu.memory_space<hbm>> -> memref<640x128xf32, #tpu.memory_space<hbm>>
        %dma_start3A_56 = arith.constant 0 : i32
        %dma_start3A_57 = tpu.memref_slice %arg19[%mul3A_2, %dma_start3A_56] : memref<10240x128xf32, #tpu.memory_space<vmem_shared>> -> memref<640x128xf32, #tpu.memory_space<vmem_shared>>
        tpu.enqueue_dma source(%dma_start3A_57 : memref<640x128xf32, #tpu.memory_space<vmem_shared>>) target(%dma_start3A_55 : memref<640x128xf32, #tpu.memory_space<hbm>>) target_semaphore(%run_scoped3A : memref<!tpu.dma_semaphore, #tpu.memory_space<semaphore_mem>>)
        %dma_wait3A = arith.constant 0 : i32
        %dma_wait3A_58 = tpu.memref_slice %arg11[%mul3A_2, %dma_wait3A] : memref<10240x128xf32, #tpu.memory_space<hbm>> -> memref<640x128xf32, #tpu.memory_space<hbm>>
        %dma_wait3A_59 = arith.constant 0 : i32
        %dma_wait3A_60 = tpu.memref_slice %arg19[%mul3A_2, %dma_wait3A_59] : memref<10240x128xf32, #tpu.memory_space<vmem_shared>> -> memref<640x128xf32, #tpu.memory_space<vmem_shared>>
        tpu.wait_dma2 semaphore(%run_scoped3A : memref<!tpu.dma_semaphore, #tpu.memory_space<semaphore_mem>>) src(%dma_wait3A_60 : memref<640x128xf32, #tpu.memory_space<vmem_shared>>) dst(%dma_wait3A_58 : memref<640x128xf32, #tpu.memory_space<hbm>>)
        tpu.yield
      }) : () -> ()
    } else {
    }
    %barrier3A_54 = arith.constant 0 : index
    tpu.barrier barrier_id(%barrier3A_54)
    return
  }
}

#map = affine_map<(d0, d1) -> (0)>
#map1 = affine_map<(d0, d1) -> (0, 0)>
#map2 = affine_map<(d0, d1) -> (0, 0, 0)>
module attributes {stable_mosaic.version = 14 : i64} {
  func.func @_deg_body(%arg0: i32, %arg1: i32, %arg2: memref<160000xi32, #tpu.memory_space<hbm>>, %arg3: memref<10240x128xf32, #tpu.memory_space<hbm>>, %arg4: memref<40x128xf32, #tpu.memory_space<hbm>>, %arg5: memref<2x10240x128xf32, #tpu.memory_space<hbm>>, %arg6: memref<40xi32, #tpu.memory_space<vmem>>, %arg7: memref<40x128xf32, #tpu.memory_space<vmem>>, %arg8: memref<10240x128xf32, #tpu.memory_space<vmem_shared>>) attributes {dimension_semantics = [#tpu.dimension_semantics<core_parallel>, #tpu.dimension_semantics<subcore_parallel>], iteration_bounds = array<i64: 2, 16>, scalar_prefetch = 0 : i64, scratch_operands = 3 : i64, tpu.core_type = #tpu.core_type<sc_vector_subcore>, window_params = [{transform_indices = #map}, {transform_indices = #map1}, {transform_indices = #map1}, {transform_indices = #map2}]} {
    %mul3A = arith.constant 16 : i32
    %mul3A_0 = arith.muli %arg0, %mul3A : i32
    %add3A = arith.addi %mul3A_0, %arg1 : i32
    %mul3A_1 = arith.constant 5000 : i32
    %mul3A_2 = arith.muli %add3A, %mul3A_1 : i32
    %mul3A_3 = arith.constant 640 : i32
    %mul3A_4 = arith.muli %arg1, %mul3A_3 : i32
    "tpu.region"() ({
      %run_scoped3A = tpu.sem_alloc : memref<!tpu.dma_semaphore, #tpu.memory_space<semaphore_mem>>
      %dma_start3A = arith.constant 0 : i32
      %dma_start3A_12 = tpu.memref_slice %arg8[%mul3A_4, %dma_start3A] : memref<10240x128xf32, #tpu.memory_space<vmem_shared>> -> memref<640x128xf32, #tpu.memory_space<vmem_shared>>
      %dma_start3A_13 = arith.constant 0 : i32
      %dma_start3A_14 = tpu.memref_slice %arg3[%mul3A_4, %dma_start3A_13] : memref<10240x128xf32, #tpu.memory_space<hbm>> -> memref<640x128xf32, #tpu.memory_space<hbm>>
      tpu.enqueue_dma source(%dma_start3A_14 : memref<640x128xf32, #tpu.memory_space<hbm>>) target(%dma_start3A_12 : memref<640x128xf32, #tpu.memory_space<vmem_shared>>) target_semaphore(%run_scoped3A : memref<!tpu.dma_semaphore, #tpu.memory_space<semaphore_mem>>)
      %dma_wait3A = arith.constant 0 : i32
      %dma_wait3A_15 = tpu.memref_slice %arg8[%mul3A_4, %dma_wait3A] : memref<10240x128xf32, #tpu.memory_space<vmem_shared>> -> memref<640x128xf32, #tpu.memory_space<vmem_shared>>
      %dma_wait3A_16 = arith.constant 0 : i32
      %dma_wait3A_17 = tpu.memref_slice %arg3[%mul3A_4, %dma_wait3A_16] : memref<10240x128xf32, #tpu.memory_space<hbm>> -> memref<640x128xf32, #tpu.memory_space<hbm>>
      tpu.wait_dma2 semaphore(%run_scoped3A : memref<!tpu.dma_semaphore, #tpu.memory_space<semaphore_mem>>) src(%dma_wait3A_17 : memref<640x128xf32, #tpu.memory_space<hbm>>) dst(%dma_wait3A_15 : memref<640x128xf32, #tpu.memory_space<vmem_shared>>)
      tpu.yield
    }) : () -> ()
    "tpu.region"() ({
      %run_scoped3A = tpu.sem_alloc : memref<!tpu.dma_semaphore, #tpu.memory_space<semaphore_mem>>
      tpu.enqueue_dma source(%arg4 : memref<40x128xf32, #tpu.memory_space<hbm>>) target(%arg7 : memref<40x128xf32, #tpu.memory_space<vmem>>) target_semaphore(%run_scoped3A : memref<!tpu.dma_semaphore, #tpu.memory_space<semaphore_mem>>)
      tpu.wait_dma2 semaphore(%run_scoped3A : memref<!tpu.dma_semaphore, #tpu.memory_space<semaphore_mem>>) src(%arg4 : memref<40x128xf32, #tpu.memory_space<hbm>>) dst(%arg7 : memref<40x128xf32, #tpu.memory_space<vmem>>)
      tpu.yield
    }) : () -> ()
    %barrier3A = arith.constant 0 : index
    tpu.barrier barrier_id(%barrier3A)
    %scan3A = arith.constant 0 : i32
    %scan3A_5 = arith.constant 0 : i32
    %scan3A_6 = arith.constant 125 : i32
    %scan3A_7 = arith.addi %scan3A_5, %scan3A_6 : i32
    %scan3A_8 = arith.constant 1 : i32
    %scan3A_9 = scf.for %scan3A_12 = %scan3A_5 to %scan3A_7 step %scan3A_8 iter_args(%scan3A_13 = %scan3A) -> (i32)  : i32 {
      %mul3A_14 = arith.constant 40 : i32
      %mul3A_15 = arith.muli %scan3A_12, %mul3A_14 : i32
      %add3A_16 = arith.addi %mul3A_2, %mul3A_15 : i32
      %multiple_of3A = tpu.assume_multiple %add3A_16, 8 : i32
      "tpu.region"() ({
        %run_scoped3A = tpu.sem_alloc : memref<!tpu.dma_semaphore, #tpu.memory_space<semaphore_mem>>
        %dma_start3A = tpu.memref_slice %arg2[%multiple_of3A] : memref<160000xi32, #tpu.memory_space<hbm>> -> memref<40xi32, #tpu.memory_space<hbm>>
        %dma_start3A_18 = tpu.memref_slice %arg2[%multiple_of3A] : memref<160000xi32, #tpu.memory_space<hbm>> -> memref<40xi32, #tpu.memory_space<hbm>>
        tpu.enqueue_dma source(%dma_start3A_18 : memref<40xi32, #tpu.memory_space<hbm>>) target(%arg6 : memref<40xi32, #tpu.memory_space<vmem>>) target_semaphore(%run_scoped3A : memref<!tpu.dma_semaphore, #tpu.memory_space<semaphore_mem>>)
        %dma_wait3A = tpu.memref_slice %arg2[%multiple_of3A] : memref<160000xi32, #tpu.memory_space<hbm>> -> memref<40xi32, #tpu.memory_space<hbm>>
        %dma_wait3A_19 = tpu.memref_slice %arg2[%multiple_of3A] : memref<160000xi32, #tpu.memory_space<hbm>> -> memref<40xi32, #tpu.memory_space<hbm>>
        tpu.wait_dma2 semaphore(%run_scoped3A : memref<!tpu.dma_semaphore, #tpu.memory_space<semaphore_mem>>) src(%dma_wait3A_19 : memref<40xi32, #tpu.memory_space<hbm>>) dst(%arg6 : memref<40xi32, #tpu.memory_space<vmem>>)
        tpu.yield
      }) : () -> ()
      "tpu.region"() ({
        %run_scoped3A = tpu.sem_alloc : memref<!tpu.dma_semaphore, #tpu.memory_space<semaphore_mem>>
        %dma_start3A = arith.constant 0 : i32
        %dma_start3A_18 = arith.constant 0 : i32
        %dma_start3A_19 = tpu.memref_slice %arg8[%dma_start3A, %dma_start3A_18] : memref<10240x128xf32, #tpu.memory_space<vmem_shared>> -> memref<10240x128xf32, #tpu.memory_space<vmem_shared>>
        tpu.enqueue_indirect_dma source(%arg7 : memref<40x128xf32, #tpu.memory_space<vmem>>) target(%dma_start3A_19 : memref<10240x128xf32, #tpu.memory_space<vmem_shared>>) offsets(%arg6 : memref<40xi32, #tpu.memory_space<vmem>>) semaphore(%run_scoped3A : memref<!tpu.dma_semaphore, #tpu.memory_space<semaphore_mem>>) {add = true}
        %dma_wait3A = arith.constant 0 : i32
        %dma_wait3A_20 = arith.constant 0 : i32
        %dma_wait3A_21 = tpu.memref_slice %arg8[%dma_wait3A, %dma_wait3A_20] : memref<10240x128xf32, #tpu.memory_space<vmem_shared>> -> memref<10240x128xf32, #tpu.memory_space<vmem_shared>>
        tpu.wait_indirect_dma semaphore(%run_scoped3A : memref<!tpu.dma_semaphore, #tpu.memory_space<semaphore_mem>>) src(%arg7 : memref<40x128xf32, #tpu.memory_space<vmem>>) dst(%dma_wait3A_21 : memref<10240x128xf32, #tpu.memory_space<vmem_shared>>)
        tpu.yield
      }) : () -> ()
      %scan3A_17 = arith.constant 0 : i32
      scf.yield %scan3A_17 : i32
    }
    %scan3A_10 = arith.constant 125 : i32
    %barrier3A_11 = arith.constant 0 : index
    tpu.barrier barrier_id(%barrier3A_11)
    "tpu.region"() ({
      %run_scoped3A = tpu.sem_alloc : memref<!tpu.dma_semaphore, #tpu.memory_space<semaphore_mem>>
      %dma_start3A = arith.constant 0 : i32
      %dma_start3A_12 = tpu.memref_slice %arg5[%arg0, %mul3A_4, %dma_start3A] : memref<2x10240x128xf32, #tpu.memory_space<hbm>> -> memref<1x640x128xf32, #tpu.memory_space<hbm>>
      %dma_start3A_13 = tpu.memref_squeeze %dma_start3A_12 : memref<1x640x128xf32, #tpu.memory_space<hbm>> -> memref<640x128xf32, #tpu.memory_space<hbm>>
      %dma_start3A_14 = arith.constant 0 : i32
      %dma_start3A_15 = tpu.memref_slice %arg8[%mul3A_4, %dma_start3A_14] : memref<10240x128xf32, #tpu.memory_space<vmem_shared>> -> memref<640x128xf32, #tpu.memory_space<vmem_shared>>
      tpu.enqueue_dma source(%dma_start3A_15 : memref<640x128xf32, #tpu.memory_space<vmem_shared>>) target(%dma_start3A_13 : memref<640x128xf32, #tpu.memory_space<hbm>>) target_semaphore(%run_scoped3A : memref<!tpu.dma_semaphore, #tpu.memory_space<semaphore_mem>>)
      %dma_wait3A = arith.constant 0 : i32
      %dma_wait3A_16 = tpu.memref_slice %arg5[%arg0, %mul3A_4, %dma_wait3A] : memref<2x10240x128xf32, #tpu.memory_space<hbm>> -> memref<1x640x128xf32, #tpu.memory_space<hbm>>
      %dma_wait3A_17 = tpu.memref_squeeze %dma_wait3A_16 : memref<1x640x128xf32, #tpu.memory_space<hbm>> -> memref<640x128xf32, #tpu.memory_space<hbm>>
      %dma_wait3A_18 = arith.constant 0 : i32
      %dma_wait3A_19 = tpu.memref_slice %arg8[%mul3A_4, %dma_wait3A_18] : memref<10240x128xf32, #tpu.memory_space<vmem_shared>> -> memref<640x128xf32, #tpu.memory_space<vmem_shared>>
      tpu.wait_dma2 semaphore(%run_scoped3A : memref<!tpu.dma_semaphore, #tpu.memory_space<semaphore_mem>>) src(%dma_wait3A_19 : memref<640x128xf32, #tpu.memory_space<vmem_shared>>) dst(%dma_wait3A_17 : memref<640x128xf32, #tpu.memory_space<hbm>>)
      tpu.yield
    }) : () -> ()
    return
  }
}

#map = affine_map<(d0, d1) -> (0, 0)>
#map1 = affine_map<(d0, d1) -> (0)>
module attributes {stable_mosaic.version = 14 : i64} {
  func.func @_agg_body(%arg0: i32, %arg1: i32, %arg2: memref<10240x128xf32, #tpu.memory_space<hbm>>, %arg3: memref<10240x128xf32, #tpu.memory_space<hbm>>, %arg4: memref<10240x128xf32, #tpu.memory_space<hbm>>, %arg5: memref<10240x128xf32, #tpu.memory_space<hbm>>, %arg6: memref<160000xi32, #tpu.memory_space<hbm>>, %arg7: memref<160000xi32, #tpu.memory_space<hbm>>, %arg8: memref<10240x128xf32, #tpu.memory_space<hbm>>, %arg9: memref<10240x128xf32, #tpu.memory_space<hbm>>, %arg10: memref<10240x128xf32, #tpu.memory_space<hbm>>, %arg11: memref<10240x128xf32, #tpu.memory_space<hbm>>, %arg12: memref<80xi32, #tpu.memory_space<vmem>>, %arg13: memref<80xi32, #tpu.memory_space<vmem>>, %arg14: memref<80xi32, #tpu.memory_space<vmem>>, %arg15: memref<80x128xf32, #tpu.memory_space<vmem>>, %arg16: memref<80x128xf32, #tpu.memory_space<vmem>>, %arg17: memref<!tpu.dma_semaphore, #tpu.memory_space<semaphore_mem>>, %arg18: memref<!tpu.dma_semaphore, #tpu.memory_space<semaphore_mem>>, %arg19: memref<10240x128xf32, #tpu.memory_space<vmem_shared>>) attributes {dimension_semantics = [#tpu.dimension_semantics<core_parallel>, #tpu.dimension_semantics<subcore_parallel>], iteration_bounds = array<i64: 2, 16>, scalar_prefetch = 0 : i64, scratch_operands = 8 : i64, tpu.core_type = #tpu.core_type<sc_vector_subcore>, window_params = [{transform_indices = #map}, {transform_indices = #map}, {transform_indices = #map}, {transform_indices = #map}, {transform_indices = #map1}, {transform_indices = #map1}, {transform_indices = #map}, {transform_indices = #map}, {transform_indices = #map}, {transform_indices = #map}]} {
    %mul3A = arith.constant 10000 : i32
    %mul3A_0 = arith.muli %arg1, %mul3A : i32
    %mul3A_1 = arith.constant 640 : i32
    %mul3A_2 = arith.muli %arg1, %mul3A_1 : i32
    %eq3A = arith.constant 0 : i32
    %eq3A_3 = arith.cmpi eq, %arg0, %eq3A : i32
    %convert_element_type3A = arith.extui %eq3A_3 : i1 to i32
    %cond3A = arith.constant 0 : i32
    %cond3A_4 = arith.cmpi ne, %convert_element_type3A, %cond3A : i32
    scf.if %cond3A_4 {
      "tpu.region"() ({
        %run_scoped3A = tpu.sem_alloc : memref<!tpu.dma_semaphore, #tpu.memory_space<semaphore_mem>>
        %dma_start3A = arith.constant 0 : i32
        %dma_start3A_55 = tpu.memref_slice %arg19[%mul3A_2, %dma_start3A] : memref<10240x128xf32, #tpu.memory_space<vmem_shared>> -> memref<640x128xf32, #tpu.memory_space<vmem_shared>>
        %dma_start3A_56 = arith.constant 0 : i32
        %dma_start3A_57 = tpu.memref_slice %arg2[%mul3A_2, %dma_start3A_56] : memref<10240x128xf32, #tpu.memory_space<hbm>> -> memref<640x128xf32, #tpu.memory_space<hbm>>
        tpu.enqueue_dma source(%dma_start3A_57 : memref<640x128xf32, #tpu.memory_space<hbm>>) target(%dma_start3A_55 : memref<640x128xf32, #tpu.memory_space<vmem_shared>>) target_semaphore(%run_scoped3A : memref<!tpu.dma_semaphore, #tpu.memory_space<semaphore_mem>>)
        %dma_wait3A = arith.constant 0 : i32
        %dma_wait3A_58 = tpu.memref_slice %arg19[%mul3A_2, %dma_wait3A] : memref<10240x128xf32, #tpu.memory_space<vmem_shared>> -> memref<640x128xf32, #tpu.memory_space<vmem_shared>>
        %dma_wait3A_59 = arith.constant 0 : i32
        %dma_wait3A_60 = tpu.memref_slice %arg2[%mul3A_2, %dma_wait3A_59] : memref<10240x128xf32, #tpu.memory_space<hbm>> -> memref<640x128xf32, #tpu.memory_space<hbm>>
        tpu.wait_dma2 semaphore(%run_scoped3A : memref<!tpu.dma_semaphore, #tpu.memory_space<semaphore_mem>>) src(%dma_wait3A_60 : memref<640x128xf32, #tpu.memory_space<hbm>>) dst(%dma_wait3A_58 : memref<640x128xf32, #tpu.memory_space<vmem_shared>>)
        tpu.yield
      }) : () -> ()
    } else {
    }
    %barrier3A = arith.constant 0 : index
    tpu.barrier barrier_id(%barrier3A)
    %convert_element_type3A_5 = arith.extui %eq3A_3 : i1 to i32
    %cond3A_6 = arith.constant 0 : i32
    %cond3A_7 = arith.cmpi ne, %convert_element_type3A_5, %cond3A_6 : i32
    scf.if %cond3A_7 {
      %add3A = arith.constant 0 : i32
      %add3A_55 = arith.addi %mul3A_0, %add3A : i32
      %multiple_of3A = tpu.assume_multiple %add3A_55, 8 : i32
      "tpu.region"() ({
        %run_scoped3A = tpu.sem_alloc : memref<!tpu.dma_semaphore, #tpu.memory_space<semaphore_mem>>
        %dma_start3A_72 = tpu.memref_slice %arg6[%multiple_of3A] : memref<160000xi32, #tpu.memory_space<hbm>> -> memref<80xi32, #tpu.memory_space<hbm>>
        %dma_start3A_73 = tpu.memref_slice %arg6[%multiple_of3A] : memref<160000xi32, #tpu.memory_space<hbm>> -> memref<80xi32, #tpu.memory_space<hbm>>
        tpu.enqueue_dma source(%dma_start3A_73 : memref<80xi32, #tpu.memory_space<hbm>>) target(%arg12 : memref<80xi32, #tpu.memory_space<vmem>>) target_semaphore(%run_scoped3A : memref<!tpu.dma_semaphore, #tpu.memory_space<semaphore_mem>>)
        %dma_wait3A_74 = tpu.memref_slice %arg6[%multiple_of3A] : memref<160000xi32, #tpu.memory_space<hbm>> -> memref<80xi32, #tpu.memory_space<hbm>>
        %dma_wait3A_75 = tpu.memref_slice %arg6[%multiple_of3A] : memref<160000xi32, #tpu.memory_space<hbm>> -> memref<80xi32, #tpu.memory_space<hbm>>
        tpu.wait_dma2 semaphore(%run_scoped3A : memref<!tpu.dma_semaphore, #tpu.memory_space<semaphore_mem>>) src(%dma_wait3A_75 : memref<80xi32, #tpu.memory_space<hbm>>) dst(%arg12 : memref<80xi32, #tpu.memory_space<vmem>>)
        tpu.yield
      }) : () -> ()
      %dma_start3A = arith.constant 0 : i32
      %dma_start3A_56 = arith.constant 0 : i32
      %dma_start3A_57 = tpu.memref_slice %arg2[%dma_start3A, %dma_start3A_56] : memref<10240x128xf32, #tpu.memory_space<hbm>> -> memref<10240x128xf32, #tpu.memory_space<hbm>>
      tpu.enqueue_indirect_dma source(%dma_start3A_57 : memref<10240x128xf32, #tpu.memory_space<hbm>>) target(%arg15 : memref<80x128xf32, #tpu.memory_space<vmem>>) offsets(%arg12 : memref<80xi32, #tpu.memory_space<vmem>>) semaphore(%arg17 : memref<!tpu.dma_semaphore, #tpu.memory_space<semaphore_mem>>)
      %scan3A = arith.constant 0 : i32
      %scan3A_58 = arith.constant 0 : i32
      %scan3A_59 = arith.constant 62 : i32
      %scan3A_60 = arith.addi %scan3A_58, %scan3A_59 : i32
      %scan3A_61 = arith.constant 1 : i32
      %scan3A_62 = scf.for %scan3A_72 = %scan3A_58 to %scan3A_60 step %scan3A_61 iter_args(%scan3A_73 = %scan3A) -> (i32)  : i32 {
        %mul3A_74 = arith.constant 2 : i32
        %mul3A_75 = arith.muli %mul3A_74, %scan3A_72 : i32
        %add3A_76 = arith.constant 1 : i32
        %add3A_77 = arith.addi %mul3A_75, %add3A_76 : i32
        %mul3A_78 = arith.constant 80 : i32
        %mul3A_79 = arith.muli %add3A_77, %mul3A_78 : i32
        %add3A_80 = arith.addi %mul3A_0, %mul3A_79 : i32
        %multiple_of3A_81 = tpu.assume_multiple %add3A_80, 8 : i32
        "tpu.region"() ({
          %run_scoped3A = tpu.sem_alloc : memref<!tpu.dma_semaphore, #tpu.memory_space<semaphore_mem>>
          %dma_start3A_117 = tpu.memref_slice %arg6[%multiple_of3A_81] : memref<160000xi32, #tpu.memory_space<hbm>> -> memref<80xi32, #tpu.memory_space<hbm>>
          %dma_start3A_118 = tpu.memref_slice %arg6[%multiple_of3A_81] : memref<160000xi32, #tpu.memory_space<hbm>> -> memref<80xi32, #tpu.memory_space<hbm>>
          tpu.enqueue_dma source(%dma_start3A_118 : memref<80xi32, #tpu.memory_space<hbm>>) target(%arg13 : memref<80xi32, #tpu.memory_space<vmem>>) target_semaphore(%run_scoped3A : memref<!tpu.dma_semaphore, #tpu.memory_space<semaphore_mem>>)
          %dma_wait3A_119 = tpu.memref_slice %arg6[%multiple_of3A_81] : memref<160000xi32, #tpu.memory_space<hbm>> -> memref<80xi32, #tpu.memory_space<hbm>>
          %dma_wait3A_120 = tpu.memref_slice %arg6[%multiple_of3A_81] : memref<160000xi32, #tpu.memory_space<hbm>> -> memref<80xi32, #tpu.memory_space<hbm>>
          tpu.wait_dma2 semaphore(%run_scoped3A : memref<!tpu.dma_semaphore, #tpu.memory_space<semaphore_mem>>) src(%dma_wait3A_120 : memref<80xi32, #tpu.memory_space<hbm>>) dst(%arg13 : memref<80xi32, #tpu.memory_space<vmem>>)
          tpu.yield
        }) : () -> ()
        %dma_start3A_82 = arith.constant 0 : i32
        %dma_start3A_83 = arith.constant 0 : i32
        %dma_start3A_84 = tpu.memref_slice %arg2[%dma_start3A_82, %dma_start3A_83] : memref<10240x128xf32, #tpu.memory_space<hbm>> -> memref<10240x128xf32, #tpu.memory_space<hbm>>
        tpu.enqueue_indirect_dma source(%dma_start3A_84 : memref<10240x128xf32, #tpu.memory_space<hbm>>) target(%arg16 : memref<80x128xf32, #tpu.memory_space<vmem>>) offsets(%arg13 : memref<80xi32, #tpu.memory_space<vmem>>) semaphore(%arg18 : memref<!tpu.dma_semaphore, #tpu.memory_space<semaphore_mem>>)
        %dma_wait3A_85 = arith.constant 0 : i32
        %dma_wait3A_86 = arith.constant 0 : i32
        %dma_wait3A_87 = tpu.memref_slice %arg2[%dma_wait3A_85, %dma_wait3A_86] : memref<10240x128xf32, #tpu.memory_space<hbm>> -> memref<80x128xf32, #tpu.memory_space<hbm>>
        %dma_wait3A_88 = arith.constant 0 : i32
        %dma_wait3A_89 = arith.constant 0 : i32
        %dma_wait3A_90 = tpu.memref_slice %arg2[%dma_wait3A_88, %dma_wait3A_89] : memref<10240x128xf32, #tpu.memory_space<hbm>> -> memref<80x128xf32, #tpu.memory_space<hbm>>
        tpu.wait_dma2 semaphore(%arg17 : memref<!tpu.dma_semaphore, #tpu.memory_space<semaphore_mem>>) src(%dma_wait3A_90 : memref<80x128xf32, #tpu.memory_space<hbm>>) dst(%arg15 : memref<80x128xf32, #tpu.memory_space<vmem>>)
        %mul3A_91 = arith.constant 80 : i32
        %mul3A_92 = arith.muli %mul3A_75, %mul3A_91 : i32
        %add3A_93 = arith.addi %mul3A_0, %mul3A_92 : i32
        %multiple_of3A_94 = tpu.assume_multiple %add3A_93, 8 : i32
        "tpu.region"() ({
          %run_scoped3A = tpu.sem_alloc : memref<!tpu.dma_semaphore, #tpu.memory_space<semaphore_mem>>
          %dma_start3A_117 = tpu.memref_slice %arg7[%multiple_of3A_94] : memref<160000xi32, #tpu.memory_space<hbm>> -> memref<80xi32, #tpu.memory_space<hbm>>
          %dma_start3A_118 = tpu.memref_slice %arg7[%multiple_of3A_94] : memref<160000xi32, #tpu.memory_space<hbm>> -> memref<80xi32, #tpu.memory_space<hbm>>
          tpu.enqueue_dma source(%dma_start3A_118 : memref<80xi32, #tpu.memory_space<hbm>>) target(%arg14 : memref<80xi32, #tpu.memory_space<vmem>>) target_semaphore(%run_scoped3A : memref<!tpu.dma_semaphore, #tpu.memory_space<semaphore_mem>>)
          %dma_wait3A_119 = tpu.memref_slice %arg7[%multiple_of3A_94] : memref<160000xi32, #tpu.memory_space<hbm>> -> memref<80xi32, #tpu.memory_space<hbm>>
          %dma_wait3A_120 = tpu.memref_slice %arg7[%multiple_of3A_94] : memref<160000xi32, #tpu.memory_space<hbm>> -> memref<80xi32, #tpu.memory_space<hbm>>
          tpu.wait_dma2 semaphore(%run_scoped3A : memref<!tpu.dma_semaphore, #tpu.memory_space<semaphore_mem>>) src(%dma_wait3A_120 : memref<80xi32, #tpu.memory_space<hbm>>) dst(%arg14 : memref<80xi32, #tpu.memory_space<vmem>>)
          tpu.yield
        }) : () -> ()
        "tpu.region"() ({
          %run_scoped3A = tpu.sem_alloc : memref<!tpu.dma_semaphore, #tpu.memory_space<semaphore_mem>>
          %dma_start3A_117 = arith.constant 0 : i32
          %dma_start3A_118 = arith.constant 0 : i32
          %dma_start3A_119 = tpu.memref_slice %arg19[%dma_start3A_117, %dma_start3A_118] : memref<10240x128xf32, #tpu.memory_space<vmem_shared>> -> memref<10240x128xf32, #tpu.memory_space<vmem_shared>>
          tpu.enqueue_indirect_dma source(%arg15 : memref<80x128xf32, #tpu.memory_space<vmem>>) target(%dma_start3A_119 : memref<10240x128xf32, #tpu.memory_space<vmem_shared>>) offsets(%arg14 : memref<80xi32, #tpu.memory_space<vmem>>) semaphore(%run_scoped3A : memref<!tpu.dma_semaphore, #tpu.memory_space<semaphore_mem>>) {add = true}
          %dma_wait3A_120 = arith.constant 0 : i32
          %dma_wait3A_121 = arith.constant 0 : i32
          %dma_wait3A_122 = tpu.memref_slice %arg19[%dma_wait3A_120, %dma_wait3A_121] : memref<10240x128xf32, #tpu.memory_space<vmem_shared>> -> memref<10240x128xf32, #tpu.memory_space<vmem_shared>>
          tpu.wait_indirect_dma semaphore(%run_scoped3A : memref<!tpu.dma_semaphore, #tpu.memory_space<semaphore_mem>>) src(%arg15 : memref<80x128xf32, #tpu.memory_space<vmem>>) dst(%dma_wait3A_122 : memref<10240x128xf32, #tpu.memory_space<vmem_shared>>)
          tpu.yield
        }) : () -> ()
        %add3A_95 = arith.constant 2 : i32
        %add3A_96 = arith.addi %mul3A_75, %add3A_95 : i32
        %mul3A_97 = arith.constant 80 : i32
        %mul3A_98 = arith.muli %add3A_96, %mul3A_97 : i32
        %add3A_99 = arith.addi %mul3A_0, %mul3A_98 : i32
        %multiple_of3A_100 = tpu.assume_multiple %add3A_99, 8 : i32
        "tpu.region"() ({
          %run_scoped3A = tpu.sem_alloc : memref<!tpu.dma_semaphore, #tpu.memory_space<semaphore_mem>>
          %dma_start3A_117 = tpu.memref_slice %arg6[%multiple_of3A_100] : memref<160000xi32, #tpu.memory_space<hbm>> -> memref<80xi32, #tpu.memory_space<hbm>>
          %dma_start3A_118 = tpu.memref_slice %arg6[%multiple_of3A_100] : memref<160000xi32, #tpu.memory_space<hbm>> -> memref<80xi32, #tpu.memory_space<hbm>>
          tpu.enqueue_dma source(%dma_start3A_118 : memref<80xi32, #tpu.memory_space<hbm>>) target(%arg12 : memref<80xi32, #tpu.memory_space<vmem>>) target_semaphore(%run_scoped3A : memref<!tpu.dma_semaphore, #tpu.memory_space<semaphore_mem>>)
          %dma_wait3A_119 = tpu.memref_slice %arg6[%multiple_of3A_100] : memref<160000xi32, #tpu.memory_space<hbm>> -> memref<80xi32, #tpu.memory_space<hbm>>
          %dma_wait3A_120 = tpu.memref_slice %arg6[%multiple_of3A_100] : memref<160000xi32, #tpu.memory_space<hbm>> -> memref<80xi32, #tpu.memory_space<hbm>>
          tpu.wait_dma2 semaphore(%run_scoped3A : memref<!tpu.dma_semaphore, #tpu.memory_space<semaphore_mem>>) src(%dma_wait3A_120 : memref<80xi32, #tpu.memory_space<hbm>>) dst(%arg12 : memref<80xi32, #tpu.memory_space<vmem>>)
          tpu.yield
        }) : () -> ()
        %dma_start3A_101 = arith.constant 0 : i32
        %dma_start3A_102 = arith.constant 0 : i32
        %dma_start3A_103 = tpu.memref_slice %arg2[%dma_start3A_101, %dma_start3A_102] : memref<10240x128xf32, #tpu.memory_space<hbm>> -> memref<10240x128xf32, #tpu.memory_space<hbm>>
        tpu.enqueue_indirect_dma source(%dma_start3A_103 : memref<10240x128xf32, #tpu.memory_space<hbm>>) target(%arg15 : memref<80x128xf32, #tpu.memory_space<vmem>>) offsets(%arg12 : memref<80xi32, #tpu.memory_space<vmem>>) semaphore(%arg17 : memref<!tpu.dma_semaphore, #tpu.memory_space<semaphore_mem>>)
        %dma_wait3A_104 = arith.constant 0 : i32
        %dma_wait3A_105 = arith.constant 0 : i32
        %dma_wait3A_106 = tpu.memref_slice %arg2[%dma_wait3A_104, %dma_wait3A_105] : memref<10240x128xf32, #tpu.memory_space<hbm>> -> memref<80x128xf32, #tpu.memory_space<hbm>>
        %dma_wait3A_107 = arith.constant 0 : i32
        %dma_wait3A_108 = arith.constant 0 : i32
        %dma_wait3A_109 = tpu.memref_slice %arg2[%dma_wait3A_107, %dma_wait3A_108] : memref<10240x128xf32, #tpu.memory_space<hbm>> -> memref<80x128xf32, #tpu.memory_space<hbm>>
        tpu.wait_dma2 semaphore(%arg18 : memref<!tpu.dma_semaphore, #tpu.memory_space<semaphore_mem>>) src(%dma_wait3A_109 : memref<80x128xf32, #tpu.memory_space<hbm>>) dst(%arg16 : memref<80x128xf32, #tpu.memory_space<vmem>>)
        %add3A_110 = arith.constant 1 : i32
        %add3A_111 = arith.addi %mul3A_75, %add3A_110 : i32
        %mul3A_112 = arith.constant 80 : i32
        %mul3A_113 = arith.muli %add3A_111, %mul3A_112 : i32
        %add3A_114 = arith.addi %mul3A_0, %mul3A_113 : i32
        %multiple_of3A_115 = tpu.assume_multiple %add3A_114, 8 : i32
        "tpu.region"() ({
          %run_scoped3A = tpu.sem_alloc : memref<!tpu.dma_semaphore, #tpu.memory_space<semaphore_mem>>
          %dma_start3A_117 = tpu.memref_slice %arg7[%multiple_of3A_115] : memref<160000xi32, #tpu.memory_space<hbm>> -> memref<80xi32, #tpu.memory_space<hbm>>
          %dma_start3A_118 = tpu.memref_slice %arg7[%multiple_of3A_115] : memref<160000xi32, #tpu.memory_space<hbm>> -> memref<80xi32, #tpu.memory_space<hbm>>
          tpu.enqueue_dma source(%dma_start3A_118 : memref<80xi32, #tpu.memory_space<hbm>>) target(%arg14 : memref<80xi32, #tpu.memory_space<vmem>>) target_semaphore(%run_scoped3A : memref<!tpu.dma_semaphore, #tpu.memory_space<semaphore_mem>>)
          %dma_wait3A_119 = tpu.memref_slice %arg7[%multiple_of3A_115] : memref<160000xi32, #tpu.memory_space<hbm>> -> memref<80xi32, #tpu.memory_space<hbm>>
          %dma_wait3A_120 = tpu.memref_slice %arg7[%multiple_of3A_115] : memref<160000xi32, #tpu.memory_space<hbm>> -> memref<80xi32, #tpu.memory_space<hbm>>
          tpu.wait_dma2 semaphore(%run_scoped3A : memref<!tpu.dma_semaphore, #tpu.memory_space<semaphore_mem>>) src(%dma_wait3A_120 : memref<80xi32, #tpu.memory_space<hbm>>) dst(%arg14 : memref<80xi32, #tpu.memory_space<vmem>>)
          tpu.yield
        }) : () -> ()
        "tpu.region"() ({
          %run_scoped3A = tpu.sem_alloc : memref<!tpu.dma_semaphore, #tpu.memory_space<semaphore_mem>>
          %dma_start3A_117 = arith.constant 0 : i32
          %dma_start3A_118 = arith.constant 0 : i32
          %dma_start3A_119 = tpu.memref_slice %arg19[%dma_start3A_117, %dma_start3A_118] : memref<10240x128xf32, #tpu.memory_space<vmem_shared>> -> memref<10240x128xf32, #tpu.memory_space<vmem_shared>>
          tpu.enqueue_indirect_dma source(%arg16 : memref<80x128xf32, #tpu.memory_space<vmem>>) target(%dma_start3A_119 : memref<10240x128xf32, #tpu.memory_space<vmem_shared>>) offsets(%arg14 : memref<80xi32, #tpu.memory_space<vmem>>) semaphore(%run_scoped3A : memref<!tpu.dma_semaphore, #tpu.memory_space<semaphore_mem>>) {add = true}
          %dma_wait3A_120 = arith.constant 0 : i32
          %dma_wait3A_121 = arith.constant 0 : i32
          %dma_wait3A_122 = tpu.memref_slice %arg19[%dma_wait3A_120, %dma_wait3A_121] : memref<10240x128xf32, #tpu.memory_space<vmem_shared>> -> memref<10240x128xf32, #tpu.memory_space<vmem_shared>>
          tpu.wait_indirect_dma semaphore(%run_scoped3A : memref<!tpu.dma_semaphore, #tpu.memory_space<semaphore_mem>>) src(%arg16 : memref<80x128xf32, #tpu.memory_space<vmem>>) dst(%dma_wait3A_122 : memref<10240x128xf32, #tpu.memory_space<vmem_shared>>)
          tpu.yield
        }) : () -> ()
        %scan3A_116 = arith.constant 0 : i32
        scf.yield %scan3A_116 : i32
      }
      %scan3A_63 = arith.constant 62 : i32
      %dma_wait3A = arith.constant 0 : i32
      %dma_wait3A_64 = arith.constant 0 : i32
      %dma_wait3A_65 = tpu.memref_slice %arg2[%dma_wait3A, %dma_wait3A_64] : memref<10240x128xf32, #tpu.memory_space<hbm>> -> memref<80x128xf32, #tpu.memory_space<hbm>>
      %dma_wait3A_66 = arith.constant 0 : i32
      %dma_wait3A_67 = arith.constant 0 : i32
      %dma_wait3A_68 = tpu.memref_slice %arg2[%dma_wait3A_66, %dma_wait3A_67] : memref<10240x128xf32, #tpu.memory_space<hbm>> -> memref<80x128xf32, #tpu.memory_space<hbm>>
      tpu.wait_dma2 semaphore(%arg17 : memref<!tpu.dma_semaphore, #tpu.memory_space<semaphore_mem>>) src(%dma_wait3A_68 : memref<80x128xf32, #tpu.memory_space<hbm>>) dst(%arg15 : memref<80x128xf32, #tpu.memory_space<vmem>>)
      %add3A_69 = arith.constant 9920 : i32
      %add3A_70 = arith.addi %mul3A_0, %add3A_69 : i32
      %multiple_of3A_71 = tpu.assume_multiple %add3A_70, 8 : i32
      "tpu.region"() ({
        %run_scoped3A = tpu.sem_alloc : memref<!tpu.dma_semaphore, #tpu.memory_space<semaphore_mem>>
        %dma_start3A_72 = tpu.memref_slice %arg7[%multiple_of3A_71] : memref<160000xi32, #tpu.memory_space<hbm>> -> memref<80xi32, #tpu.memory_space<hbm>>
        %dma_start3A_73 = tpu.memref_slice %arg7[%multiple_of3A_71] : memref<160000xi32, #tpu.memory_space<hbm>> -> memref<80xi32, #tpu.memory_space<hbm>>
        tpu.enqueue_dma source(%dma_start3A_73 : memref<80xi32, #tpu.memory_space<hbm>>) target(%arg14 : memref<80xi32, #tpu.memory_space<vmem>>) target_semaphore(%run_scoped3A : memref<!tpu.dma_semaphore, #tpu.memory_space<semaphore_mem>>)
        %dma_wait3A_74 = tpu.memref_slice %arg7[%multiple_of3A_71] : memref<160000xi32, #tpu.memory_space<hbm>> -> memref<80xi32, #tpu.memory_space<hbm>>
        %dma_wait3A_75 = tpu.memref_slice %arg7[%multiple_of3A_71] : memref<160000xi32, #tpu.memory_space<hbm>> -> memref<80xi32, #tpu.memory_space<hbm>>
        tpu.wait_dma2 semaphore(%run_scoped3A : memref<!tpu.dma_semaphore, #tpu.memory_space<semaphore_mem>>) src(%dma_wait3A_75 : memref<80xi32, #tpu.memory_space<hbm>>) dst(%arg14 : memref<80xi32, #tpu.memory_space<vmem>>)
        tpu.yield
      }) : () -> ()
      "tpu.region"() ({
        %run_scoped3A = tpu.sem_alloc : memref<!tpu.dma_semaphore, #tpu.memory_space<semaphore_mem>>
        %dma_start3A_72 = arith.constant 0 : i32
        %dma_start3A_73 = arith.constant 0 : i32
        %dma_start3A_74 = tpu.memref_slice %arg19[%dma_start3A_72, %dma_start3A_73] : memref<10240x128xf32, #tpu.memory_space<vmem_shared>> -> memref<10240x128xf32, #tpu.memory_space<vmem_shared>>
        tpu.enqueue_indirect_dma source(%arg15 : memref<80x128xf32, #tpu.memory_space<vmem>>) target(%dma_start3A_74 : memref<10240x128xf32, #tpu.memory_space<vmem_shared>>) offsets(%arg14 : memref<80xi32, #tpu.memory_space<vmem>>) semaphore(%run_scoped3A : memref<!tpu.dma_semaphore, #tpu.memory_space<semaphore_mem>>) {add = true}
        %dma_wait3A_75 = arith.constant 0 : i32
        %dma_wait3A_76 = arith.constant 0 : i32
        %dma_wait3A_77 = tpu.memref_slice %arg19[%dma_wait3A_75, %dma_wait3A_76] : memref<10240x128xf32, #tpu.memory_space<vmem_shared>> -> memref<10240x128xf32, #tpu.memory_space<vmem_shared>>
        tpu.wait_indirect_dma semaphore(%run_scoped3A : memref<!tpu.dma_semaphore, #tpu.memory_space<semaphore_mem>>) src(%arg15 : memref<80x128xf32, #tpu.memory_space<vmem>>) dst(%dma_wait3A_77 : memref<10240x128xf32, #tpu.memory_space<vmem_shared>>)
        tpu.yield
      }) : () -> ()
    } else {
    }
    %barrier3A_8 = arith.constant 0 : index
    tpu.barrier barrier_id(%barrier3A_8)
    %convert_element_type3A_9 = arith.extui %eq3A_3 : i1 to i32
    %cond3A_10 = arith.constant 0 : i32
    %cond3A_11 = arith.cmpi ne, %convert_element_type3A_9, %cond3A_10 : i32
    scf.if %cond3A_11 {
      "tpu.region"() ({
        %run_scoped3A = tpu.sem_alloc : memref<!tpu.dma_semaphore, #tpu.memory_space<semaphore_mem>>
        %dma_start3A = arith.constant 0 : i32
        %dma_start3A_55 = tpu.memref_slice %arg8[%mul3A_2, %dma_start3A] : memref<10240x128xf32, #tpu.memory_space<hbm>> -> memref<640x128xf32, #tpu.memory_space<hbm>>
        %dma_start3A_56 = arith.constant 0 : i32
        %dma_start3A_57 = tpu.memref_slice %arg19[%mul3A_2, %dma_start3A_56] : memref<10240x128xf32, #tpu.memory_space<vmem_shared>> -> memref<640x128xf32, #tpu.memory_space<vmem_shared>>
        tpu.enqueue_dma source(%dma_start3A_57 : memref<640x128xf32, #tpu.memory_space<vmem_shared>>) target(%dma_start3A_55 : memref<640x128xf32, #tpu.memory_space<hbm>>) target_semaphore(%run_scoped3A : memref<!tpu.dma_semaphore, #tpu.memory_space<semaphore_mem>>)
        %dma_wait3A = arith.constant 0 : i32
        %dma_wait3A_58 = tpu.memref_slice %arg8[%mul3A_2, %dma_wait3A] : memref<10240x128xf32, #tpu.memory_space<hbm>> -> memref<640x128xf32, #tpu.memory_space<hbm>>
        %dma_wait3A_59 = arith.constant 0 : i32
        %dma_wait3A_60 = tpu.memref_slice %arg19[%mul3A_2, %dma_wait3A_59] : memref<10240x128xf32, #tpu.memory_space<vmem_shared>> -> memref<640x128xf32, #tpu.memory_space<vmem_shared>>
        tpu.wait_dma2 semaphore(%run_scoped3A : memref<!tpu.dma_semaphore, #tpu.memory_space<semaphore_mem>>) src(%dma_wait3A_60 : memref<640x128xf32, #tpu.memory_space<vmem_shared>>) dst(%dma_wait3A_58 : memref<640x128xf32, #tpu.memory_space<hbm>>)
        tpu.yield
      }) : () -> ()
    } else {
    }
    %barrier3A_12 = arith.constant 0 : index
    tpu.barrier barrier_id(%barrier3A_12)
    %eq3A_13 = arith.constant 1 : i32
    %eq3A_14 = arith.cmpi eq, %arg0, %eq3A_13 : i32
    %convert_element_type3A_15 = arith.extui %eq3A_14 : i1 to i32
    %cond3A_16 = arith.constant 0 : i32
    %cond3A_17 = arith.cmpi ne, %convert_element_type3A_15, %cond3A_16 : i32
    scf.if %cond3A_17 {
      "tpu.region"() ({
        %run_scoped3A = tpu.sem_alloc : memref<!tpu.dma_semaphore, #tpu.memory_space<semaphore_mem>>
        %dma_start3A = arith.constant 0 : i32
        %dma_start3A_55 = tpu.memref_slice %arg19[%mul3A_2, %dma_start3A] : memref<10240x128xf32, #tpu.memory_space<vmem_shared>> -> memref<640x128xf32, #tpu.memory_space<vmem_shared>>
        %dma_start3A_56 = arith.constant 0 : i32
        %dma_start3A_57 = tpu.memref_slice %arg3[%mul3A_2, %dma_start3A_56] : memref<10240x128xf32, #tpu.memory_space<hbm>> -> memref<640x128xf32, #tpu.memory_space<hbm>>
        tpu.enqueue_dma source(%dma_start3A_57 : memref<640x128xf32, #tpu.memory_space<hbm>>) target(%dma_start3A_55 : memref<640x128xf32, #tpu.memory_space<vmem_shared>>) target_semaphore(%run_scoped3A : memref<!tpu.dma_semaphore, #tpu.memory_space<semaphore_mem>>)
        %dma_wait3A = arith.constant 0 : i32
        %dma_wait3A_58 = tpu.memref_slice %arg19[%mul3A_2, %dma_wait3A] : memref<10240x128xf32, #tpu.memory_space<vmem_shared>> -> memref<640x128xf32, #tpu.memory_space<vmem_shared>>
        %dma_wait3A_59 = arith.constant 0 : i32
        %dma_wait3A_60 = tpu.memref_slice %arg3[%mul3A_2, %dma_wait3A_59] : memref<10240x128xf32, #tpu.memory_space<hbm>> -> memref<640x128xf32, #tpu.memory_space<hbm>>
        tpu.wait_dma2 semaphore(%run_scoped3A : memref<!tpu.dma_semaphore, #tpu.memory_space<semaphore_mem>>) src(%dma_wait3A_60 : memref<640x128xf32, #tpu.memory_space<hbm>>) dst(%dma_wait3A_58 : memref<640x128xf32, #tpu.memory_space<vmem_shared>>)
        tpu.yield
      }) : () -> ()
    } else {
    }
    %barrier3A_18 = arith.constant 0 : index
    tpu.barrier barrier_id(%barrier3A_18)
    %convert_element_type3A_19 = arith.extui %eq3A_14 : i1 to i32
    %cond3A_20 = arith.constant 0 : i32
    %cond3A_21 = arith.cmpi ne, %convert_element_type3A_19, %cond3A_20 : i32
    scf.if %cond3A_21 {
      %add3A = arith.constant 0 : i32
      %add3A_55 = arith.addi %mul3A_0, %add3A : i32
      %multiple_of3A = tpu.assume_multiple %add3A_55, 8 : i32
      "tpu.region"() ({
        %run_scoped3A = tpu.sem_alloc : memref<!tpu.dma_semaphore, #tpu.memory_space<semaphore_mem>>
        %dma_start3A_72 = tpu.memref_slice %arg6[%multiple_of3A] : memref<160000xi32, #tpu.memory_space<hbm>> -> memref<80xi32, #tpu.memory_space<hbm>>
        %dma_start3A_73 = tpu.memref_slice %arg6[%multiple_of3A] : memref<160000xi32, #tpu.memory_space<hbm>> -> memref<80xi32, #tpu.memory_space<hbm>>
        tpu.enqueue_dma source(%dma_start3A_73 : memref<80xi32, #tpu.memory_space<hbm>>) target(%arg12 : memref<80xi32, #tpu.memory_space<vmem>>) target_semaphore(%run_scoped3A : memref<!tpu.dma_semaphore, #tpu.memory_space<semaphore_mem>>)
        %dma_wait3A_74 = tpu.memref_slice %arg6[%multiple_of3A] : memref<160000xi32, #tpu.memory_space<hbm>> -> memref<80xi32, #tpu.memory_space<hbm>>
        %dma_wait3A_75 = tpu.memref_slice %arg6[%multiple_of3A] : memref<160000xi32, #tpu.memory_space<hbm>> -> memref<80xi32, #tpu.memory_space<hbm>>
        tpu.wait_dma2 semaphore(%run_scoped3A : memref<!tpu.dma_semaphore, #tpu.memory_space<semaphore_mem>>) src(%dma_wait3A_75 : memref<80xi32, #tpu.memory_space<hbm>>) dst(%arg12 : memref<80xi32, #tpu.memory_space<vmem>>)
        tpu.yield
      }) : () -> ()
      %dma_start3A = arith.constant 0 : i32
      %dma_start3A_56 = arith.constant 0 : i32
      %dma_start3A_57 = tpu.memref_slice %arg3[%dma_start3A, %dma_start3A_56] : memref<10240x128xf32, #tpu.memory_space<hbm>> -> memref<10240x128xf32, #tpu.memory_space<hbm>>
      tpu.enqueue_indirect_dma source(%dma_start3A_57 : memref<10240x128xf32, #tpu.memory_space<hbm>>) target(%arg15 : memref<80x128xf32, #tpu.memory_space<vmem>>) offsets(%arg12 : memref<80xi32, #tpu.memory_space<vmem>>) semaphore(%arg17 : memref<!tpu.dma_semaphore, #tpu.memory_space<semaphore_mem>>)
      %scan3A = arith.constant 0 : i32
      %scan3A_58 = arith.constant 0 : i32
      %scan3A_59 = arith.constant 62 : i32
      %scan3A_60 = arith.addi %scan3A_58, %scan3A_59 : i32
      %scan3A_61 = arith.constant 1 : i32
      %scan3A_62 = scf.for %scan3A_72 = %scan3A_58 to %scan3A_60 step %scan3A_61 iter_args(%scan3A_73 = %scan3A) -> (i32)  : i32 {
        %mul3A_74 = arith.constant 2 : i32
        %mul3A_75 = arith.muli %mul3A_74, %scan3A_72 : i32
        %add3A_76 = arith.constant 1 : i32
        %add3A_77 = arith.addi %mul3A_75, %add3A_76 : i32
        %mul3A_78 = arith.constant 80 : i32
        %mul3A_79 = arith.muli %add3A_77, %mul3A_78 : i32
        %add3A_80 = arith.addi %mul3A_0, %mul3A_79 : i32
        %multiple_of3A_81 = tpu.assume_multiple %add3A_80, 8 : i32
        "tpu.region"() ({
          %run_scoped3A = tpu.sem_alloc : memref<!tpu.dma_semaphore, #tpu.memory_space<semaphore_mem>>
          %dma_start3A_117 = tpu.memref_slice %arg6[%multiple_of3A_81] : memref<160000xi32, #tpu.memory_space<hbm>> -> memref<80xi32, #tpu.memory_space<hbm>>
          %dma_start3A_118 = tpu.memref_slice %arg6[%multiple_of3A_81] : memref<160000xi32, #tpu.memory_space<hbm>> -> memref<80xi32, #tpu.memory_space<hbm>>
          tpu.enqueue_dma source(%dma_start3A_118 : memref<80xi32, #tpu.memory_space<hbm>>) target(%arg13 : memref<80xi32, #tpu.memory_space<vmem>>) target_semaphore(%run_scoped3A : memref<!tpu.dma_semaphore, #tpu.memory_space<semaphore_mem>>)
          %dma_wait3A_119 = tpu.memref_slice %arg6[%multiple_of3A_81] : memref<160000xi32, #tpu.memory_space<hbm>> -> memref<80xi32, #tpu.memory_space<hbm>>
          %dma_wait3A_120 = tpu.memref_slice %arg6[%multiple_of3A_81] : memref<160000xi32, #tpu.memory_space<hbm>> -> memref<80xi32, #tpu.memory_space<hbm>>
          tpu.wait_dma2 semaphore(%run_scoped3A : memref<!tpu.dma_semaphore, #tpu.memory_space<semaphore_mem>>) src(%dma_wait3A_120 : memref<80xi32, #tpu.memory_space<hbm>>) dst(%arg13 : memref<80xi32, #tpu.memory_space<vmem>>)
          tpu.yield
        }) : () -> ()
        %dma_start3A_82 = arith.constant 0 : i32
        %dma_start3A_83 = arith.constant 0 : i32
        %dma_start3A_84 = tpu.memref_slice %arg3[%dma_start3A_82, %dma_start3A_83] : memref<10240x128xf32, #tpu.memory_space<hbm>> -> memref<10240x128xf32, #tpu.memory_space<hbm>>
        tpu.enqueue_indirect_dma source(%dma_start3A_84 : memref<10240x128xf32, #tpu.memory_space<hbm>>) target(%arg16 : memref<80x128xf32, #tpu.memory_space<vmem>>) offsets(%arg13 : memref<80xi32, #tpu.memory_space<vmem>>) semaphore(%arg18 : memref<!tpu.dma_semaphore, #tpu.memory_space<semaphore_mem>>)
        %dma_wait3A_85 = arith.constant 0 : i32
        %dma_wait3A_86 = arith.constant 0 : i32
        %dma_wait3A_87 = tpu.memref_slice %arg3[%dma_wait3A_85, %dma_wait3A_86] : memref<10240x128xf32, #tpu.memory_space<hbm>> -> memref<80x128xf32, #tpu.memory_space<hbm>>
        %dma_wait3A_88 = arith.constant 0 : i32
        %dma_wait3A_89 = arith.constant 0 : i32
        %dma_wait3A_90 = tpu.memref_slice %arg3[%dma_wait3A_88, %dma_wait3A_89] : memref<10240x128xf32, #tpu.memory_space<hbm>> -> memref<80x128xf32, #tpu.memory_space<hbm>>
        tpu.wait_dma2 semaphore(%arg17 : memref<!tpu.dma_semaphore, #tpu.memory_space<semaphore_mem>>) src(%dma_wait3A_90 : memref<80x128xf32, #tpu.memory_space<hbm>>) dst(%arg15 : memref<80x128xf32, #tpu.memory_space<vmem>>)
        %mul3A_91 = arith.constant 80 : i32
        %mul3A_92 = arith.muli %mul3A_75, %mul3A_91 : i32
        %add3A_93 = arith.addi %mul3A_0, %mul3A_92 : i32
        %multiple_of3A_94 = tpu.assume_multiple %add3A_93, 8 : i32
        "tpu.region"() ({
          %run_scoped3A = tpu.sem_alloc : memref<!tpu.dma_semaphore, #tpu.memory_space<semaphore_mem>>
          %dma_start3A_117 = tpu.memref_slice %arg7[%multiple_of3A_94] : memref<160000xi32, #tpu.memory_space<hbm>> -> memref<80xi32, #tpu.memory_space<hbm>>
          %dma_start3A_118 = tpu.memref_slice %arg7[%multiple_of3A_94] : memref<160000xi32, #tpu.memory_space<hbm>> -> memref<80xi32, #tpu.memory_space<hbm>>
          tpu.enqueue_dma source(%dma_start3A_118 : memref<80xi32, #tpu.memory_space<hbm>>) target(%arg14 : memref<80xi32, #tpu.memory_space<vmem>>) target_semaphore(%run_scoped3A : memref<!tpu.dma_semaphore, #tpu.memory_space<semaphore_mem>>)
          %dma_wait3A_119 = tpu.memref_slice %arg7[%multiple_of3A_94] : memref<160000xi32, #tpu.memory_space<hbm>> -> memref<80xi32, #tpu.memory_space<hbm>>
          %dma_wait3A_120 = tpu.memref_slice %arg7[%multiple_of3A_94] : memref<160000xi32, #tpu.memory_space<hbm>> -> memref<80xi32, #tpu.memory_space<hbm>>
          tpu.wait_dma2 semaphore(%run_scoped3A : memref<!tpu.dma_semaphore, #tpu.memory_space<semaphore_mem>>) src(%dma_wait3A_120 : memref<80xi32, #tpu.memory_space<hbm>>) dst(%arg14 : memref<80xi32, #tpu.memory_space<vmem>>)
          tpu.yield
        }) : () -> ()
        "tpu.region"() ({
          %run_scoped3A = tpu.sem_alloc : memref<!tpu.dma_semaphore, #tpu.memory_space<semaphore_mem>>
          %dma_start3A_117 = arith.constant 0 : i32
          %dma_start3A_118 = arith.constant 0 : i32
          %dma_start3A_119 = tpu.memref_slice %arg19[%dma_start3A_117, %dma_start3A_118] : memref<10240x128xf32, #tpu.memory_space<vmem_shared>> -> memref<10240x128xf32, #tpu.memory_space<vmem_shared>>
          tpu.enqueue_indirect_dma source(%arg15 : memref<80x128xf32, #tpu.memory_space<vmem>>) target(%dma_start3A_119 : memref<10240x128xf32, #tpu.memory_space<vmem_shared>>) offsets(%arg14 : memref<80xi32, #tpu.memory_space<vmem>>) semaphore(%run_scoped3A : memref<!tpu.dma_semaphore, #tpu.memory_space<semaphore_mem>>) {add = true}
          %dma_wait3A_120 = arith.constant 0 : i32
          %dma_wait3A_121 = arith.constant 0 : i32
          %dma_wait3A_122 = tpu.memref_slice %arg19[%dma_wait3A_120, %dma_wait3A_121] : memref<10240x128xf32, #tpu.memory_space<vmem_shared>> -> memref<10240x128xf32, #tpu.memory_space<vmem_shared>>
          tpu.wait_indirect_dma semaphore(%run_scoped3A : memref<!tpu.dma_semaphore, #tpu.memory_space<semaphore_mem>>) src(%arg15 : memref<80x128xf32, #tpu.memory_space<vmem>>) dst(%dma_wait3A_122 : memref<10240x128xf32, #tpu.memory_space<vmem_shared>>)
          tpu.yield
        }) : () -> ()
        %add3A_95 = arith.constant 2 : i32
        %add3A_96 = arith.addi %mul3A_75, %add3A_95 : i32
        %mul3A_97 = arith.constant 80 : i32
        %mul3A_98 = arith.muli %add3A_96, %mul3A_97 : i32
        %add3A_99 = arith.addi %mul3A_0, %mul3A_98 : i32
        %multiple_of3A_100 = tpu.assume_multiple %add3A_99, 8 : i32
        "tpu.region"() ({
          %run_scoped3A = tpu.sem_alloc : memref<!tpu.dma_semaphore, #tpu.memory_space<semaphore_mem>>
          %dma_start3A_117 = tpu.memref_slice %arg6[%multiple_of3A_100] : memref<160000xi32, #tpu.memory_space<hbm>> -> memref<80xi32, #tpu.memory_space<hbm>>
          %dma_start3A_118 = tpu.memref_slice %arg6[%multiple_of3A_100] : memref<160000xi32, #tpu.memory_space<hbm>> -> memref<80xi32, #tpu.memory_space<hbm>>
          tpu.enqueue_dma source(%dma_start3A_118 : memref<80xi32, #tpu.memory_space<hbm>>) target(%arg12 : memref<80xi32, #tpu.memory_space<vmem>>) target_semaphore(%run_scoped3A : memref<!tpu.dma_semaphore, #tpu.memory_space<semaphore_mem>>)
          %dma_wait3A_119 = tpu.memref_slice %arg6[%multiple_of3A_100] : memref<160000xi32, #tpu.memory_space<hbm>> -> memref<80xi32, #tpu.memory_space<hbm>>
          %dma_wait3A_120 = tpu.memref_slice %arg6[%multiple_of3A_100] : memref<160000xi32, #tpu.memory_space<hbm>> -> memref<80xi32, #tpu.memory_space<hbm>>
          tpu.wait_dma2 semaphore(%run_scoped3A : memref<!tpu.dma_semaphore, #tpu.memory_space<semaphore_mem>>) src(%dma_wait3A_120 : memref<80xi32, #tpu.memory_space<hbm>>) dst(%arg12 : memref<80xi32, #tpu.memory_space<vmem>>)
          tpu.yield
        }) : () -> ()
        %dma_start3A_101 = arith.constant 0 : i32
        %dma_start3A_102 = arith.constant 0 : i32
        %dma_start3A_103 = tpu.memref_slice %arg3[%dma_start3A_101, %dma_start3A_102] : memref<10240x128xf32, #tpu.memory_space<hbm>> -> memref<10240x128xf32, #tpu.memory_space<hbm>>
        tpu.enqueue_indirect_dma source(%dma_start3A_103 : memref<10240x128xf32, #tpu.memory_space<hbm>>) target(%arg15 : memref<80x128xf32, #tpu.memory_space<vmem>>) offsets(%arg12 : memref<80xi32, #tpu.memory_space<vmem>>) semaphore(%arg17 : memref<!tpu.dma_semaphore, #tpu.memory_space<semaphore_mem>>)
        %dma_wait3A_104 = arith.constant 0 : i32
        %dma_wait3A_105 = arith.constant 0 : i32
        %dma_wait3A_106 = tpu.memref_slice %arg3[%dma_wait3A_104, %dma_wait3A_105] : memref<10240x128xf32, #tpu.memory_space<hbm>> -> memref<80x128xf32, #tpu.memory_space<hbm>>
        %dma_wait3A_107 = arith.constant 0 : i32
        %dma_wait3A_108 = arith.constant 0 : i32
        %dma_wait3A_109 = tpu.memref_slice %arg3[%dma_wait3A_107, %dma_wait3A_108] : memref<10240x128xf32, #tpu.memory_space<hbm>> -> memref<80x128xf32, #tpu.memory_space<hbm>>
        tpu.wait_dma2 semaphore(%arg18 : memref<!tpu.dma_semaphore, #tpu.memory_space<semaphore_mem>>) src(%dma_wait3A_109 : memref<80x128xf32, #tpu.memory_space<hbm>>) dst(%arg16 : memref<80x128xf32, #tpu.memory_space<vmem>>)
        %add3A_110 = arith.constant 1 : i32
        %add3A_111 = arith.addi %mul3A_75, %add3A_110 : i32
        %mul3A_112 = arith.constant 80 : i32
        %mul3A_113 = arith.muli %add3A_111, %mul3A_112 : i32
        %add3A_114 = arith.addi %mul3A_0, %mul3A_113 : i32
        %multiple_of3A_115 = tpu.assume_multiple %add3A_114, 8 : i32
        "tpu.region"() ({
          %run_scoped3A = tpu.sem_alloc : memref<!tpu.dma_semaphore, #tpu.memory_space<semaphore_mem>>
          %dma_start3A_117 = tpu.memref_slice %arg7[%multiple_of3A_115] : memref<160000xi32, #tpu.memory_space<hbm>> -> memref<80xi32, #tpu.memory_space<hbm>>
          %dma_start3A_118 = tpu.memref_slice %arg7[%multiple_of3A_115] : memref<160000xi32, #tpu.memory_space<hbm>> -> memref<80xi32, #tpu.memory_space<hbm>>
          tpu.enqueue_dma source(%dma_start3A_118 : memref<80xi32, #tpu.memory_space<hbm>>) target(%arg14 : memref<80xi32, #tpu.memory_space<vmem>>) target_semaphore(%run_scoped3A : memref<!tpu.dma_semaphore, #tpu.memory_space<semaphore_mem>>)
          %dma_wait3A_119 = tpu.memref_slice %arg7[%multiple_of3A_115] : memref<160000xi32, #tpu.memory_space<hbm>> -> memref<80xi32, #tpu.memory_space<hbm>>
          %dma_wait3A_120 = tpu.memref_slice %arg7[%multiple_of3A_115] : memref<160000xi32, #tpu.memory_space<hbm>> -> memref<80xi32, #tpu.memory_space<hbm>>
          tpu.wait_dma2 semaphore(%run_scoped3A : memref<!tpu.dma_semaphore, #tpu.memory_space<semaphore_mem>>) src(%dma_wait3A_120 : memref<80xi32, #tpu.memory_space<hbm>>) dst(%arg14 : memref<80xi32, #tpu.memory_space<vmem>>)
          tpu.yield
        }) : () -> ()
        "tpu.region"() ({
          %run_scoped3A = tpu.sem_alloc : memref<!tpu.dma_semaphore, #tpu.memory_space<semaphore_mem>>
          %dma_start3A_117 = arith.constant 0 : i32
          %dma_start3A_118 = arith.constant 0 : i32
          %dma_start3A_119 = tpu.memref_slice %arg19[%dma_start3A_117, %dma_start3A_118] : memref<10240x128xf32, #tpu.memory_space<vmem_shared>> -> memref<10240x128xf32, #tpu.memory_space<vmem_shared>>
          tpu.enqueue_indirect_dma source(%arg16 : memref<80x128xf32, #tpu.memory_space<vmem>>) target(%dma_start3A_119 : memref<10240x128xf32, #tpu.memory_space<vmem_shared>>) offsets(%arg14 : memref<80xi32, #tpu.memory_space<vmem>>) semaphore(%run_scoped3A : memref<!tpu.dma_semaphore, #tpu.memory_space<semaphore_mem>>) {add = true}
          %dma_wait3A_120 = arith.constant 0 : i32
          %dma_wait3A_121 = arith.constant 0 : i32
          %dma_wait3A_122 = tpu.memref_slice %arg19[%dma_wait3A_120, %dma_wait3A_121] : memref<10240x128xf32, #tpu.memory_space<vmem_shared>> -> memref<10240x128xf32, #tpu.memory_space<vmem_shared>>
          tpu.wait_indirect_dma semaphore(%run_scoped3A : memref<!tpu.dma_semaphore, #tpu.memory_space<semaphore_mem>>) src(%arg16 : memref<80x128xf32, #tpu.memory_space<vmem>>) dst(%dma_wait3A_122 : memref<10240x128xf32, #tpu.memory_space<vmem_shared>>)
          tpu.yield
        }) : () -> ()
        %scan3A_116 = arith.constant 0 : i32
        scf.yield %scan3A_116 : i32
      }
      %scan3A_63 = arith.constant 62 : i32
      %dma_wait3A = arith.constant 0 : i32
      %dma_wait3A_64 = arith.constant 0 : i32
      %dma_wait3A_65 = tpu.memref_slice %arg3[%dma_wait3A, %dma_wait3A_64] : memref<10240x128xf32, #tpu.memory_space<hbm>> -> memref<80x128xf32, #tpu.memory_space<hbm>>
      %dma_wait3A_66 = arith.constant 0 : i32
      %dma_wait3A_67 = arith.constant 0 : i32
      %dma_wait3A_68 = tpu.memref_slice %arg3[%dma_wait3A_66, %dma_wait3A_67] : memref<10240x128xf32, #tpu.memory_space<hbm>> -> memref<80x128xf32, #tpu.memory_space<hbm>>
      tpu.wait_dma2 semaphore(%arg17 : memref<!tpu.dma_semaphore, #tpu.memory_space<semaphore_mem>>) src(%dma_wait3A_68 : memref<80x128xf32, #tpu.memory_space<hbm>>) dst(%arg15 : memref<80x128xf32, #tpu.memory_space<vmem>>)
      %add3A_69 = arith.constant 9920 : i32
      %add3A_70 = arith.addi %mul3A_0, %add3A_69 : i32
      %multiple_of3A_71 = tpu.assume_multiple %add3A_70, 8 : i32
      "tpu.region"() ({
        %run_scoped3A = tpu.sem_alloc : memref<!tpu.dma_semaphore, #tpu.memory_space<semaphore_mem>>
        %dma_start3A_72 = tpu.memref_slice %arg7[%multiple_of3A_71] : memref<160000xi32, #tpu.memory_space<hbm>> -> memref<80xi32, #tpu.memory_space<hbm>>
        %dma_start3A_73 = tpu.memref_slice %arg7[%multiple_of3A_71] : memref<160000xi32, #tpu.memory_space<hbm>> -> memref<80xi32, #tpu.memory_space<hbm>>
        tpu.enqueue_dma source(%dma_start3A_73 : memref<80xi32, #tpu.memory_space<hbm>>) target(%arg14 : memref<80xi32, #tpu.memory_space<vmem>>) target_semaphore(%run_scoped3A : memref<!tpu.dma_semaphore, #tpu.memory_space<semaphore_mem>>)
        %dma_wait3A_74 = tpu.memref_slice %arg7[%multiple_of3A_71] : memref<160000xi32, #tpu.memory_space<hbm>> -> memref<80xi32, #tpu.memory_space<hbm>>
        %dma_wait3A_75 = tpu.memref_slice %arg7[%multiple_of3A_71] : memref<160000xi32, #tpu.memory_space<hbm>> -> memref<80xi32, #tpu.memory_space<hbm>>
        tpu.wait_dma2 semaphore(%run_scoped3A : memref<!tpu.dma_semaphore, #tpu.memory_space<semaphore_mem>>) src(%dma_wait3A_75 : memref<80xi32, #tpu.memory_space<hbm>>) dst(%arg14 : memref<80xi32, #tpu.memory_space<vmem>>)
        tpu.yield
      }) : () -> ()
      "tpu.region"() ({
        %run_scoped3A = tpu.sem_alloc : memref<!tpu.dma_semaphore, #tpu.memory_space<semaphore_mem>>
        %dma_start3A_72 = arith.constant 0 : i32
        %dma_start3A_73 = arith.constant 0 : i32
        %dma_start3A_74 = tpu.memref_slice %arg19[%dma_start3A_72, %dma_start3A_73] : memref<10240x128xf32, #tpu.memory_space<vmem_shared>> -> memref<10240x128xf32, #tpu.memory_space<vmem_shared>>
        tpu.enqueue_indirect_dma source(%arg15 : memref<80x128xf32, #tpu.memory_space<vmem>>) target(%dma_start3A_74 : memref<10240x128xf32, #tpu.memory_space<vmem_shared>>) offsets(%arg14 : memref<80xi32, #tpu.memory_space<vmem>>) semaphore(%run_scoped3A : memref<!tpu.dma_semaphore, #tpu.memory_space<semaphore_mem>>) {add = true}
        %dma_wait3A_75 = arith.constant 0 : i32
        %dma_wait3A_76 = arith.constant 0 : i32
        %dma_wait3A_77 = tpu.memref_slice %arg19[%dma_wait3A_75, %dma_wait3A_76] : memref<10240x128xf32, #tpu.memory_space<vmem_shared>> -> memref<10240x128xf32, #tpu.memory_space<vmem_shared>>
        tpu.wait_indirect_dma semaphore(%run_scoped3A : memref<!tpu.dma_semaphore, #tpu.memory_space<semaphore_mem>>) src(%arg15 : memref<80x128xf32, #tpu.memory_space<vmem>>) dst(%dma_wait3A_77 : memref<10240x128xf32, #tpu.memory_space<vmem_shared>>)
        tpu.yield
      }) : () -> ()
    } else {
    }
    %barrier3A_22 = arith.constant 0 : index
    tpu.barrier barrier_id(%barrier3A_22)
    %convert_element_type3A_23 = arith.extui %eq3A_14 : i1 to i32
    %cond3A_24 = arith.constant 0 : i32
    %cond3A_25 = arith.cmpi ne, %convert_element_type3A_23, %cond3A_24 : i32
    scf.if %cond3A_25 {
      "tpu.region"() ({
        %run_scoped3A = tpu.sem_alloc : memref<!tpu.dma_semaphore, #tpu.memory_space<semaphore_mem>>
        %dma_start3A = arith.constant 0 : i32
        %dma_start3A_55 = tpu.memref_slice %arg9[%mul3A_2, %dma_start3A] : memref<10240x128xf32, #tpu.memory_space<hbm>> -> memref<640x128xf32, #tpu.memory_space<hbm>>
        %dma_start3A_56 = arith.constant 0 : i32
        %dma_start3A_57 = tpu.memref_slice %arg19[%mul3A_2, %dma_start3A_56] : memref<10240x128xf32, #tpu.memory_space<vmem_shared>> -> memref<640x128xf32, #tpu.memory_space<vmem_shared>>
        tpu.enqueue_dma source(%dma_start3A_57 : memref<640x128xf32, #tpu.memory_space<vmem_shared>>) target(%dma_start3A_55 : memref<640x128xf32, #tpu.memory_space<hbm>>) target_semaphore(%run_scoped3A : memref<!tpu.dma_semaphore, #tpu.memory_space<semaphore_mem>>)
        %dma_wait3A = arith.constant 0 : i32
        %dma_wait3A_58 = tpu.memref_slice %arg9[%mul3A_2, %dma_wait3A] : memref<10240x128xf32, #tpu.memory_space<hbm>> -> memref<640x128xf32, #tpu.memory_space<hbm>>
        %dma_wait3A_59 = arith.constant 0 : i32
        %dma_wait3A_60 = tpu.memref_slice %arg19[%mul3A_2, %dma_wait3A_59] : memref<10240x128xf32, #tpu.memory_space<vmem_shared>> -> memref<640x128xf32, #tpu.memory_space<vmem_shared>>
        tpu.wait_dma2 semaphore(%run_scoped3A : memref<!tpu.dma_semaphore, #tpu.memory_space<semaphore_mem>>) src(%dma_wait3A_60 : memref<640x128xf32, #tpu.memory_space<vmem_shared>>) dst(%dma_wait3A_58 : memref<640x128xf32, #tpu.memory_space<hbm>>)
        tpu.yield
      }) : () -> ()
    } else {
    }
    %barrier3A_26 = arith.constant 0 : index
    tpu.barrier barrier_id(%barrier3A_26)
    %eq3A_27 = arith.constant 0 : i32
    %eq3A_28 = arith.cmpi eq, %arg0, %eq3A_27 : i32
    %convert_element_type3A_29 = arith.extui %eq3A_28 : i1 to i32
    %cond3A_30 = arith.constant 0 : i32
    %cond3A_31 = arith.cmpi ne, %convert_element_type3A_29, %cond3A_30 : i32
    scf.if %cond3A_31 {
      "tpu.region"() ({
        %run_scoped3A = tpu.sem_alloc : memref<!tpu.dma_semaphore, #tpu.memory_space<semaphore_mem>>
        %dma_start3A = arith.constant 0 : i32
        %dma_start3A_55 = tpu.memref_slice %arg19[%mul3A_2, %dma_start3A] : memref<10240x128xf32, #tpu.memory_space<vmem_shared>> -> memref<640x128xf32, #tpu.memory_space<vmem_shared>>
        %dma_start3A_56 = arith.constant 0 : i32
        %dma_start3A_57 = tpu.memref_slice %arg4[%mul3A_2, %dma_start3A_56] : memref<10240x128xf32, #tpu.memory_space<hbm>> -> memref<640x128xf32, #tpu.memory_space<hbm>>
        tpu.enqueue_dma source(%dma_start3A_57 : memref<640x128xf32, #tpu.memory_space<hbm>>) target(%dma_start3A_55 : memref<640x128xf32, #tpu.memory_space<vmem_shared>>) target_semaphore(%run_scoped3A : memref<!tpu.dma_semaphore, #tpu.memory_space<semaphore_mem>>)
        %dma_wait3A = arith.constant 0 : i32
        %dma_wait3A_58 = tpu.memref_slice %arg19[%mul3A_2, %dma_wait3A] : memref<10240x128xf32, #tpu.memory_space<vmem_shared>> -> memref<640x128xf32, #tpu.memory_space<vmem_shared>>
        %dma_wait3A_59 = arith.constant 0 : i32
        %dma_wait3A_60 = tpu.memref_slice %arg4[%mul3A_2, %dma_wait3A_59] : memref<10240x128xf32, #tpu.memory_space<hbm>> -> memref<640x128xf32, #tpu.memory_space<hbm>>
        tpu.wait_dma2 semaphore(%run_scoped3A : memref<!tpu.dma_semaphore, #tpu.memory_space<semaphore_mem>>) src(%dma_wait3A_60 : memref<640x128xf32, #tpu.memory_space<hbm>>) dst(%dma_wait3A_58 : memref<640x128xf32, #tpu.memory_space<vmem_shared>>)
        tpu.yield
      }) : () -> ()
    } else {
    }
    %barrier3A_32 = arith.constant 0 : index
    tpu.barrier barrier_id(%barrier3A_32)
    %convert_element_type3A_33 = arith.extui %eq3A_28 : i1 to i32
    %cond3A_34 = arith.constant 0 : i32
    %cond3A_35 = arith.cmpi ne, %convert_element_type3A_33, %cond3A_34 : i32
    scf.if %cond3A_35 {
      %add3A = arith.constant 0 : i32
      %add3A_55 = arith.addi %mul3A_0, %add3A : i32
      %multiple_of3A = tpu.assume_multiple %add3A_55, 8 : i32
      "tpu.region"() ({
        %run_scoped3A = tpu.sem_alloc : memref<!tpu.dma_semaphore, #tpu.memory_space<semaphore_mem>>
        %dma_start3A_72 = tpu.memref_slice %arg6[%multiple_of3A] : memref<160000xi32, #tpu.memory_space<hbm>> -> memref<80xi32, #tpu.memory_space<hbm>>
        %dma_start3A_73 = tpu.memref_slice %arg6[%multiple_of3A] : memref<160000xi32, #tpu.memory_space<hbm>> -> memref<80xi32, #tpu.memory_space<hbm>>
        tpu.enqueue_dma source(%dma_start3A_73 : memref<80xi32, #tpu.memory_space<hbm>>) target(%arg12 : memref<80xi32, #tpu.memory_space<vmem>>) target_semaphore(%run_scoped3A : memref<!tpu.dma_semaphore, #tpu.memory_space<semaphore_mem>>)
        %dma_wait3A_74 = tpu.memref_slice %arg6[%multiple_of3A] : memref<160000xi32, #tpu.memory_space<hbm>> -> memref<80xi32, #tpu.memory_space<hbm>>
        %dma_wait3A_75 = tpu.memref_slice %arg6[%multiple_of3A] : memref<160000xi32, #tpu.memory_space<hbm>> -> memref<80xi32, #tpu.memory_space<hbm>>
        tpu.wait_dma2 semaphore(%run_scoped3A : memref<!tpu.dma_semaphore, #tpu.memory_space<semaphore_mem>>) src(%dma_wait3A_75 : memref<80xi32, #tpu.memory_space<hbm>>) dst(%arg12 : memref<80xi32, #tpu.memory_space<vmem>>)
        tpu.yield
      }) : () -> ()
      %dma_start3A = arith.constant 0 : i32
      %dma_start3A_56 = arith.constant 0 : i32
      %dma_start3A_57 = tpu.memref_slice %arg4[%dma_start3A, %dma_start3A_56] : memref<10240x128xf32, #tpu.memory_space<hbm>> -> memref<10240x128xf32, #tpu.memory_space<hbm>>
      tpu.enqueue_indirect_dma source(%dma_start3A_57 : memref<10240x128xf32, #tpu.memory_space<hbm>>) target(%arg15 : memref<80x128xf32, #tpu.memory_space<vmem>>) offsets(%arg12 : memref<80xi32, #tpu.memory_space<vmem>>) semaphore(%arg17 : memref<!tpu.dma_semaphore, #tpu.memory_space<semaphore_mem>>)
      %scan3A = arith.constant 0 : i32
      %scan3A_58 = arith.constant 0 : i32
      %scan3A_59 = arith.constant 62 : i32
      %scan3A_60 = arith.addi %scan3A_58, %scan3A_59 : i32
      %scan3A_61 = arith.constant 1 : i32
      %scan3A_62 = scf.for %scan3A_72 = %scan3A_58 to %scan3A_60 step %scan3A_61 iter_args(%scan3A_73 = %scan3A) -> (i32)  : i32 {
        %mul3A_74 = arith.constant 2 : i32
        %mul3A_75 = arith.muli %mul3A_74, %scan3A_72 : i32
        %add3A_76 = arith.constant 1 : i32
        %add3A_77 = arith.addi %mul3A_75, %add3A_76 : i32
        %mul3A_78 = arith.constant 80 : i32
        %mul3A_79 = arith.muli %add3A_77, %mul3A_78 : i32
        %add3A_80 = arith.addi %mul3A_0, %mul3A_79 : i32
        %multiple_of3A_81 = tpu.assume_multiple %add3A_80, 8 : i32
        "tpu.region"() ({
          %run_scoped3A = tpu.sem_alloc : memref<!tpu.dma_semaphore, #tpu.memory_space<semaphore_mem>>
          %dma_start3A_117 = tpu.memref_slice %arg6[%multiple_of3A_81] : memref<160000xi32, #tpu.memory_space<hbm>> -> memref<80xi32, #tpu.memory_space<hbm>>
          %dma_start3A_118 = tpu.memref_slice %arg6[%multiple_of3A_81] : memref<160000xi32, #tpu.memory_space<hbm>> -> memref<80xi32, #tpu.memory_space<hbm>>
          tpu.enqueue_dma source(%dma_start3A_118 : memref<80xi32, #tpu.memory_space<hbm>>) target(%arg13 : memref<80xi32, #tpu.memory_space<vmem>>) target_semaphore(%run_scoped3A : memref<!tpu.dma_semaphore, #tpu.memory_space<semaphore_mem>>)
          %dma_wait3A_119 = tpu.memref_slice %arg6[%multiple_of3A_81] : memref<160000xi32, #tpu.memory_space<hbm>> -> memref<80xi32, #tpu.memory_space<hbm>>
          %dma_wait3A_120 = tpu.memref_slice %arg6[%multiple_of3A_81] : memref<160000xi32, #tpu.memory_space<hbm>> -> memref<80xi32, #tpu.memory_space<hbm>>
          tpu.wait_dma2 semaphore(%run_scoped3A : memref<!tpu.dma_semaphore, #tpu.memory_space<semaphore_mem>>) src(%dma_wait3A_120 : memref<80xi32, #tpu.memory_space<hbm>>) dst(%arg13 : memref<80xi32, #tpu.memory_space<vmem>>)
          tpu.yield
        }) : () -> ()
        %dma_start3A_82 = arith.constant 0 : i32
        %dma_start3A_83 = arith.constant 0 : i32
        %dma_start3A_84 = tpu.memref_slice %arg4[%dma_start3A_82, %dma_start3A_83] : memref<10240x128xf32, #tpu.memory_space<hbm>> -> memref<10240x128xf32, #tpu.memory_space<hbm>>
        tpu.enqueue_indirect_dma source(%dma_start3A_84 : memref<10240x128xf32, #tpu.memory_space<hbm>>) target(%arg16 : memref<80x128xf32, #tpu.memory_space<vmem>>) offsets(%arg13 : memref<80xi32, #tpu.memory_space<vmem>>) semaphore(%arg18 : memref<!tpu.dma_semaphore, #tpu.memory_space<semaphore_mem>>)
        %dma_wait3A_85 = arith.constant 0 : i32
        %dma_wait3A_86 = arith.constant 0 : i32
        %dma_wait3A_87 = tpu.memref_slice %arg4[%dma_wait3A_85, %dma_wait3A_86] : memref<10240x128xf32, #tpu.memory_space<hbm>> -> memref<80x128xf32, #tpu.memory_space<hbm>>
        %dma_wait3A_88 = arith.constant 0 : i32
        %dma_wait3A_89 = arith.constant 0 : i32
        %dma_wait3A_90 = tpu.memref_slice %arg4[%dma_wait3A_88, %dma_wait3A_89] : memref<10240x128xf32, #tpu.memory_space<hbm>> -> memref<80x128xf32, #tpu.memory_space<hbm>>
        tpu.wait_dma2 semaphore(%arg17 : memref<!tpu.dma_semaphore, #tpu.memory_space<semaphore_mem>>) src(%dma_wait3A_90 : memref<80x128xf32, #tpu.memory_space<hbm>>) dst(%arg15 : memref<80x128xf32, #tpu.memory_space<vmem>>)
        %mul3A_91 = arith.constant 80 : i32
        %mul3A_92 = arith.muli %mul3A_75, %mul3A_91 : i32
        %add3A_93 = arith.addi %mul3A_0, %mul3A_92 : i32
        %multiple_of3A_94 = tpu.assume_multiple %add3A_93, 8 : i32
        "tpu.region"() ({
          %run_scoped3A = tpu.sem_alloc : memref<!tpu.dma_semaphore, #tpu.memory_space<semaphore_mem>>
          %dma_start3A_117 = tpu.memref_slice %arg7[%multiple_of3A_94] : memref<160000xi32, #tpu.memory_space<hbm>> -> memref<80xi32, #tpu.memory_space<hbm>>
          %dma_start3A_118 = tpu.memref_slice %arg7[%multiple_of3A_94] : memref<160000xi32, #tpu.memory_space<hbm>> -> memref<80xi32, #tpu.memory_space<hbm>>
          tpu.enqueue_dma source(%dma_start3A_118 : memref<80xi32, #tpu.memory_space<hbm>>) target(%arg14 : memref<80xi32, #tpu.memory_space<vmem>>) target_semaphore(%run_scoped3A : memref<!tpu.dma_semaphore, #tpu.memory_space<semaphore_mem>>)
          %dma_wait3A_119 = tpu.memref_slice %arg7[%multiple_of3A_94] : memref<160000xi32, #tpu.memory_space<hbm>> -> memref<80xi32, #tpu.memory_space<hbm>>
          %dma_wait3A_120 = tpu.memref_slice %arg7[%multiple_of3A_94] : memref<160000xi32, #tpu.memory_space<hbm>> -> memref<80xi32, #tpu.memory_space<hbm>>
          tpu.wait_dma2 semaphore(%run_scoped3A : memref<!tpu.dma_semaphore, #tpu.memory_space<semaphore_mem>>) src(%dma_wait3A_120 : memref<80xi32, #tpu.memory_space<hbm>>) dst(%arg14 : memref<80xi32, #tpu.memory_space<vmem>>)
          tpu.yield
        }) : () -> ()
        "tpu.region"() ({
          %run_scoped3A = tpu.sem_alloc : memref<!tpu.dma_semaphore, #tpu.memory_space<semaphore_mem>>
          %dma_start3A_117 = arith.constant 0 : i32
          %dma_start3A_118 = arith.constant 0 : i32
          %dma_start3A_119 = tpu.memref_slice %arg19[%dma_start3A_117, %dma_start3A_118] : memref<10240x128xf32, #tpu.memory_space<vmem_shared>> -> memref<10240x128xf32, #tpu.memory_space<vmem_shared>>
          tpu.enqueue_indirect_dma source(%arg15 : memref<80x128xf32, #tpu.memory_space<vmem>>) target(%dma_start3A_119 : memref<10240x128xf32, #tpu.memory_space<vmem_shared>>) offsets(%arg14 : memref<80xi32, #tpu.memory_space<vmem>>) semaphore(%run_scoped3A : memref<!tpu.dma_semaphore, #tpu.memory_space<semaphore_mem>>) {add = true}
          %dma_wait3A_120 = arith.constant 0 : i32
          %dma_wait3A_121 = arith.constant 0 : i32
          %dma_wait3A_122 = tpu.memref_slice %arg19[%dma_wait3A_120, %dma_wait3A_121] : memref<10240x128xf32, #tpu.memory_space<vmem_shared>> -> memref<10240x128xf32, #tpu.memory_space<vmem_shared>>
          tpu.wait_indirect_dma semaphore(%run_scoped3A : memref<!tpu.dma_semaphore, #tpu.memory_space<semaphore_mem>>) src(%arg15 : memref<80x128xf32, #tpu.memory_space<vmem>>) dst(%dma_wait3A_122 : memref<10240x128xf32, #tpu.memory_space<vmem_shared>>)
          tpu.yield
        }) : () -> ()
        %add3A_95 = arith.constant 2 : i32
        %add3A_96 = arith.addi %mul3A_75, %add3A_95 : i32
        %mul3A_97 = arith.constant 80 : i32
        %mul3A_98 = arith.muli %add3A_96, %mul3A_97 : i32
        %add3A_99 = arith.addi %mul3A_0, %mul3A_98 : i32
        %multiple_of3A_100 = tpu.assume_multiple %add3A_99, 8 : i32
        "tpu.region"() ({
          %run_scoped3A = tpu.sem_alloc : memref<!tpu.dma_semaphore, #tpu.memory_space<semaphore_mem>>
          %dma_start3A_117 = tpu.memref_slice %arg6[%multiple_of3A_100] : memref<160000xi32, #tpu.memory_space<hbm>> -> memref<80xi32, #tpu.memory_space<hbm>>
          %dma_start3A_118 = tpu.memref_slice %arg6[%multiple_of3A_100] : memref<160000xi32, #tpu.memory_space<hbm>> -> memref<80xi32, #tpu.memory_space<hbm>>
          tpu.enqueue_dma source(%dma_start3A_118 : memref<80xi32, #tpu.memory_space<hbm>>) target(%arg12 : memref<80xi32, #tpu.memory_space<vmem>>) target_semaphore(%run_scoped3A : memref<!tpu.dma_semaphore, #tpu.memory_space<semaphore_mem>>)
          %dma_wait3A_119 = tpu.memref_slice %arg6[%multiple_of3A_100] : memref<160000xi32, #tpu.memory_space<hbm>> -> memref<80xi32, #tpu.memory_space<hbm>>
          %dma_wait3A_120 = tpu.memref_slice %arg6[%multiple_of3A_100] : memref<160000xi32, #tpu.memory_space<hbm>> -> memref<80xi32, #tpu.memory_space<hbm>>
          tpu.wait_dma2 semaphore(%run_scoped3A : memref<!tpu.dma_semaphore, #tpu.memory_space<semaphore_mem>>) src(%dma_wait3A_120 : memref<80xi32, #tpu.memory_space<hbm>>) dst(%arg12 : memref<80xi32, #tpu.memory_space<vmem>>)
          tpu.yield
        }) : () -> ()
        %dma_start3A_101 = arith.constant 0 : i32
        %dma_start3A_102 = arith.constant 0 : i32
        %dma_start3A_103 = tpu.memref_slice %arg4[%dma_start3A_101, %dma_start3A_102] : memref<10240x128xf32, #tpu.memory_space<hbm>> -> memref<10240x128xf32, #tpu.memory_space<hbm>>
        tpu.enqueue_indirect_dma source(%dma_start3A_103 : memref<10240x128xf32, #tpu.memory_space<hbm>>) target(%arg15 : memref<80x128xf32, #tpu.memory_space<vmem>>) offsets(%arg12 : memref<80xi32, #tpu.memory_space<vmem>>) semaphore(%arg17 : memref<!tpu.dma_semaphore, #tpu.memory_space<semaphore_mem>>)
        %dma_wait3A_104 = arith.constant 0 : i32
        %dma_wait3A_105 = arith.constant 0 : i32
        %dma_wait3A_106 = tpu.memref_slice %arg4[%dma_wait3A_104, %dma_wait3A_105] : memref<10240x128xf32, #tpu.memory_space<hbm>> -> memref<80x128xf32, #tpu.memory_space<hbm>>
        %dma_wait3A_107 = arith.constant 0 : i32
        %dma_wait3A_108 = arith.constant 0 : i32
        %dma_wait3A_109 = tpu.memref_slice %arg4[%dma_wait3A_107, %dma_wait3A_108] : memref<10240x128xf32, #tpu.memory_space<hbm>> -> memref<80x128xf32, #tpu.memory_space<hbm>>
        tpu.wait_dma2 semaphore(%arg18 : memref<!tpu.dma_semaphore, #tpu.memory_space<semaphore_mem>>) src(%dma_wait3A_109 : memref<80x128xf32, #tpu.memory_space<hbm>>) dst(%arg16 : memref<80x128xf32, #tpu.memory_space<vmem>>)
        %add3A_110 = arith.constant 1 : i32
        %add3A_111 = arith.addi %mul3A_75, %add3A_110 : i32
        %mul3A_112 = arith.constant 80 : i32
        %mul3A_113 = arith.muli %add3A_111, %mul3A_112 : i32
        %add3A_114 = arith.addi %mul3A_0, %mul3A_113 : i32
        %multiple_of3A_115 = tpu.assume_multiple %add3A_114, 8 : i32
        "tpu.region"() ({
          %run_scoped3A = tpu.sem_alloc : memref<!tpu.dma_semaphore, #tpu.memory_space<semaphore_mem>>
          %dma_start3A_117 = tpu.memref_slice %arg7[%multiple_of3A_115] : memref<160000xi32, #tpu.memory_space<hbm>> -> memref<80xi32, #tpu.memory_space<hbm>>
          %dma_start3A_118 = tpu.memref_slice %arg7[%multiple_of3A_115] : memref<160000xi32, #tpu.memory_space<hbm>> -> memref<80xi32, #tpu.memory_space<hbm>>
          tpu.enqueue_dma source(%dma_start3A_118 : memref<80xi32, #tpu.memory_space<hbm>>) target(%arg14 : memref<80xi32, #tpu.memory_space<vmem>>) target_semaphore(%run_scoped3A : memref<!tpu.dma_semaphore, #tpu.memory_space<semaphore_mem>>)
          %dma_wait3A_119 = tpu.memref_slice %arg7[%multiple_of3A_115] : memref<160000xi32, #tpu.memory_space<hbm>> -> memref<80xi32, #tpu.memory_space<hbm>>
          %dma_wait3A_120 = tpu.memref_slice %arg7[%multiple_of3A_115] : memref<160000xi32, #tpu.memory_space<hbm>> -> memref<80xi32, #tpu.memory_space<hbm>>
          tpu.wait_dma2 semaphore(%run_scoped3A : memref<!tpu.dma_semaphore, #tpu.memory_space<semaphore_mem>>) src(%dma_wait3A_120 : memref<80xi32, #tpu.memory_space<hbm>>) dst(%arg14 : memref<80xi32, #tpu.memory_space<vmem>>)
          tpu.yield
        }) : () -> ()
        "tpu.region"() ({
          %run_scoped3A = tpu.sem_alloc : memref<!tpu.dma_semaphore, #tpu.memory_space<semaphore_mem>>
          %dma_start3A_117 = arith.constant 0 : i32
          %dma_start3A_118 = arith.constant 0 : i32
          %dma_start3A_119 = tpu.memref_slice %arg19[%dma_start3A_117, %dma_start3A_118] : memref<10240x128xf32, #tpu.memory_space<vmem_shared>> -> memref<10240x128xf32, #tpu.memory_space<vmem_shared>>
          tpu.enqueue_indirect_dma source(%arg16 : memref<80x128xf32, #tpu.memory_space<vmem>>) target(%dma_start3A_119 : memref<10240x128xf32, #tpu.memory_space<vmem_shared>>) offsets(%arg14 : memref<80xi32, #tpu.memory_space<vmem>>) semaphore(%run_scoped3A : memref<!tpu.dma_semaphore, #tpu.memory_space<semaphore_mem>>) {add = true}
          %dma_wait3A_120 = arith.constant 0 : i32
          %dma_wait3A_121 = arith.constant 0 : i32
          %dma_wait3A_122 = tpu.memref_slice %arg19[%dma_wait3A_120, %dma_wait3A_121] : memref<10240x128xf32, #tpu.memory_space<vmem_shared>> -> memref<10240x128xf32, #tpu.memory_space<vmem_shared>>
          tpu.wait_indirect_dma semaphore(%run_scoped3A : memref<!tpu.dma_semaphore, #tpu.memory_space<semaphore_mem>>) src(%arg16 : memref<80x128xf32, #tpu.memory_space<vmem>>) dst(%dma_wait3A_122 : memref<10240x128xf32, #tpu.memory_space<vmem_shared>>)
          tpu.yield
        }) : () -> ()
        %scan3A_116 = arith.constant 0 : i32
        scf.yield %scan3A_116 : i32
      }
      %scan3A_63 = arith.constant 62 : i32
      %dma_wait3A = arith.constant 0 : i32
      %dma_wait3A_64 = arith.constant 0 : i32
      %dma_wait3A_65 = tpu.memref_slice %arg4[%dma_wait3A, %dma_wait3A_64] : memref<10240x128xf32, #tpu.memory_space<hbm>> -> memref<80x128xf32, #tpu.memory_space<hbm>>
      %dma_wait3A_66 = arith.constant 0 : i32
      %dma_wait3A_67 = arith.constant 0 : i32
      %dma_wait3A_68 = tpu.memref_slice %arg4[%dma_wait3A_66, %dma_wait3A_67] : memref<10240x128xf32, #tpu.memory_space<hbm>> -> memref<80x128xf32, #tpu.memory_space<hbm>>
      tpu.wait_dma2 semaphore(%arg17 : memref<!tpu.dma_semaphore, #tpu.memory_space<semaphore_mem>>) src(%dma_wait3A_68 : memref<80x128xf32, #tpu.memory_space<hbm>>) dst(%arg15 : memref<80x128xf32, #tpu.memory_space<vmem>>)
      %add3A_69 = arith.constant 9920 : i32
      %add3A_70 = arith.addi %mul3A_0, %add3A_69 : i32
      %multiple_of3A_71 = tpu.assume_multiple %add3A_70, 8 : i32
      "tpu.region"() ({
        %run_scoped3A = tpu.sem_alloc : memref<!tpu.dma_semaphore, #tpu.memory_space<semaphore_mem>>
        %dma_start3A_72 = tpu.memref_slice %arg7[%multiple_of3A_71] : memref<160000xi32, #tpu.memory_space<hbm>> -> memref<80xi32, #tpu.memory_space<hbm>>
        %dma_start3A_73 = tpu.memref_slice %arg7[%multiple_of3A_71] : memref<160000xi32, #tpu.memory_space<hbm>> -> memref<80xi32, #tpu.memory_space<hbm>>
        tpu.enqueue_dma source(%dma_start3A_73 : memref<80xi32, #tpu.memory_space<hbm>>) target(%arg14 : memref<80xi32, #tpu.memory_space<vmem>>) target_semaphore(%run_scoped3A : memref<!tpu.dma_semaphore, #tpu.memory_space<semaphore_mem>>)
        %dma_wait3A_74 = tpu.memref_slice %arg7[%multiple_of3A_71] : memref<160000xi32, #tpu.memory_space<hbm>> -> memref<80xi32, #tpu.memory_space<hbm>>
        %dma_wait3A_75 = tpu.memref_slice %arg7[%multiple_of3A_71] : memref<160000xi32, #tpu.memory_space<hbm>> -> memref<80xi32, #tpu.memory_space<hbm>>
        tpu.wait_dma2 semaphore(%run_scoped3A : memref<!tpu.dma_semaphore, #tpu.memory_space<semaphore_mem>>) src(%dma_wait3A_75 : memref<80xi32, #tpu.memory_space<hbm>>) dst(%arg14 : memref<80xi32, #tpu.memory_space<vmem>>)
        tpu.yield
      }) : () -> ()
      "tpu.region"() ({
        %run_scoped3A = tpu.sem_alloc : memref<!tpu.dma_semaphore, #tpu.memory_space<semaphore_mem>>
        %dma_start3A_72 = arith.constant 0 : i32
        %dma_start3A_73 = arith.constant 0 : i32
        %dma_start3A_74 = tpu.memref_slice %arg19[%dma_start3A_72, %dma_start3A_73] : memref<10240x128xf32, #tpu.memory_space<vmem_shared>> -> memref<10240x128xf32, #tpu.memory_space<vmem_shared>>
        tpu.enqueue_indirect_dma source(%arg15 : memref<80x128xf32, #tpu.memory_space<vmem>>) target(%dma_start3A_74 : memref<10240x128xf32, #tpu.memory_space<vmem_shared>>) offsets(%arg14 : memref<80xi32, #tpu.memory_space<vmem>>) semaphore(%run_scoped3A : memref<!tpu.dma_semaphore, #tpu.memory_space<semaphore_mem>>) {add = true}
        %dma_wait3A_75 = arith.constant 0 : i32
        %dma_wait3A_76 = arith.constant 0 : i32
        %dma_wait3A_77 = tpu.memref_slice %arg19[%dma_wait3A_75, %dma_wait3A_76] : memref<10240x128xf32, #tpu.memory_space<vmem_shared>> -> memref<10240x128xf32, #tpu.memory_space<vmem_shared>>
        tpu.wait_indirect_dma semaphore(%run_scoped3A : memref<!tpu.dma_semaphore, #tpu.memory_space<semaphore_mem>>) src(%arg15 : memref<80x128xf32, #tpu.memory_space<vmem>>) dst(%dma_wait3A_77 : memref<10240x128xf32, #tpu.memory_space<vmem_shared>>)
        tpu.yield
      }) : () -> ()
    } else {
    }
    %barrier3A_36 = arith.constant 0 : index
    tpu.barrier barrier_id(%barrier3A_36)
    %convert_element_type3A_37 = arith.extui %eq3A_28 : i1 to i32
    %cond3A_38 = arith.constant 0 : i32
    %cond3A_39 = arith.cmpi ne, %convert_element_type3A_37, %cond3A_38 : i32
    scf.if %cond3A_39 {
      "tpu.region"() ({
        %run_scoped3A = tpu.sem_alloc : memref<!tpu.dma_semaphore, #tpu.memory_space<semaphore_mem>>
        %dma_start3A = arith.constant 0 : i32
        %dma_start3A_55 = tpu.memref_slice %arg10[%mul3A_2, %dma_start3A] : memref<10240x128xf32, #tpu.memory_space<hbm>> -> memref<640x128xf32, #tpu.memory_space<hbm>>
        %dma_start3A_56 = arith.constant 0 : i32
        %dma_start3A_57 = tpu.memref_slice %arg19[%mul3A_2, %dma_start3A_56] : memref<10240x128xf32, #tpu.memory_space<vmem_shared>> -> memref<640x128xf32, #tpu.memory_space<vmem_shared>>
        tpu.enqueue_dma source(%dma_start3A_57 : memref<640x128xf32, #tpu.memory_space<vmem_shared>>) target(%dma_start3A_55 : memref<640x128xf32, #tpu.memory_space<hbm>>) target_semaphore(%run_scoped3A : memref<!tpu.dma_semaphore, #tpu.memory_space<semaphore_mem>>)
        %dma_wait3A = arith.constant 0 : i32
        %dma_wait3A_58 = tpu.memref_slice %arg10[%mul3A_2, %dma_wait3A] : memref<10240x128xf32, #tpu.memory_space<hbm>> -> memref<640x128xf32, #tpu.memory_space<hbm>>
        %dma_wait3A_59 = arith.constant 0 : i32
        %dma_wait3A_60 = tpu.memref_slice %arg19[%mul3A_2, %dma_wait3A_59] : memref<10240x128xf32, #tpu.memory_space<vmem_shared>> -> memref<640x128xf32, #tpu.memory_space<vmem_shared>>
        tpu.wait_dma2 semaphore(%run_scoped3A : memref<!tpu.dma_semaphore, #tpu.memory_space<semaphore_mem>>) src(%dma_wait3A_60 : memref<640x128xf32, #tpu.memory_space<vmem_shared>>) dst(%dma_wait3A_58 : memref<640x128xf32, #tpu.memory_space<hbm>>)
        tpu.yield
      }) : () -> ()
    } else {
    }
    %barrier3A_40 = arith.constant 0 : index
    tpu.barrier barrier_id(%barrier3A_40)
    %eq3A_41 = arith.constant 1 : i32
    %eq3A_42 = arith.cmpi eq, %arg0, %eq3A_41 : i32
    %convert_element_type3A_43 = arith.extui %eq3A_42 : i1 to i32
    %cond3A_44 = arith.constant 0 : i32
    %cond3A_45 = arith.cmpi ne, %convert_element_type3A_43, %cond3A_44 : i32
    scf.if %cond3A_45 {
      "tpu.region"() ({
        %run_scoped3A = tpu.sem_alloc : memref<!tpu.dma_semaphore, #tpu.memory_space<semaphore_mem>>
        %dma_start3A = arith.constant 0 : i32
        %dma_start3A_55 = tpu.memref_slice %arg19[%mul3A_2, %dma_start3A] : memref<10240x128xf32, #tpu.memory_space<vmem_shared>> -> memref<640x128xf32, #tpu.memory_space<vmem_shared>>
        %dma_start3A_56 = arith.constant 0 : i32
        %dma_start3A_57 = tpu.memref_slice %arg5[%mul3A_2, %dma_start3A_56] : memref<10240x128xf32, #tpu.memory_space<hbm>> -> memref<640x128xf32, #tpu.memory_space<hbm>>
        tpu.enqueue_dma source(%dma_start3A_57 : memref<640x128xf32, #tpu.memory_space<hbm>>) target(%dma_start3A_55 : memref<640x128xf32, #tpu.memory_space<vmem_shared>>) target_semaphore(%run_scoped3A : memref<!tpu.dma_semaphore, #tpu.memory_space<semaphore_mem>>)
        %dma_wait3A = arith.constant 0 : i32
        %dma_wait3A_58 = tpu.memref_slice %arg19[%mul3A_2, %dma_wait3A] : memref<10240x128xf32, #tpu.memory_space<vmem_shared>> -> memref<640x128xf32, #tpu.memory_space<vmem_shared>>
        %dma_wait3A_59 = arith.constant 0 : i32
        %dma_wait3A_60 = tpu.memref_slice %arg5[%mul3A_2, %dma_wait3A_59] : memref<10240x128xf32, #tpu.memory_space<hbm>> -> memref<640x128xf32, #tpu.memory_space<hbm>>
        tpu.wait_dma2 semaphore(%run_scoped3A : memref<!tpu.dma_semaphore, #tpu.memory_space<semaphore_mem>>) src(%dma_wait3A_60 : memref<640x128xf32, #tpu.memory_space<hbm>>) dst(%dma_wait3A_58 : memref<640x128xf32, #tpu.memory_space<vmem_shared>>)
        tpu.yield
      }) : () -> ()
    } else {
    }
    %barrier3A_46 = arith.constant 0 : index
    tpu.barrier barrier_id(%barrier3A_46)
    %convert_element_type3A_47 = arith.extui %eq3A_42 : i1 to i32
    %cond3A_48 = arith.constant 0 : i32
    %cond3A_49 = arith.cmpi ne, %convert_element_type3A_47, %cond3A_48 : i32
    scf.if %cond3A_49 {
      %add3A = arith.constant 0 : i32
      %add3A_55 = arith.addi %mul3A_0, %add3A : i32
      %multiple_of3A = tpu.assume_multiple %add3A_55, 8 : i32
      "tpu.region"() ({
        %run_scoped3A = tpu.sem_alloc : memref<!tpu.dma_semaphore, #tpu.memory_space<semaphore_mem>>
        %dma_start3A_72 = tpu.memref_slice %arg6[%multiple_of3A] : memref<160000xi32, #tpu.memory_space<hbm>> -> memref<80xi32, #tpu.memory_space<hbm>>
        %dma_start3A_73 = tpu.memref_slice %arg6[%multiple_of3A] : memref<160000xi32, #tpu.memory_space<hbm>> -> memref<80xi32, #tpu.memory_space<hbm>>
        tpu.enqueue_dma source(%dma_start3A_73 : memref<80xi32, #tpu.memory_space<hbm>>) target(%arg12 : memref<80xi32, #tpu.memory_space<vmem>>) target_semaphore(%run_scoped3A : memref<!tpu.dma_semaphore, #tpu.memory_space<semaphore_mem>>)
        %dma_wait3A_74 = tpu.memref_slice %arg6[%multiple_of3A] : memref<160000xi32, #tpu.memory_space<hbm>> -> memref<80xi32, #tpu.memory_space<hbm>>
        %dma_wait3A_75 = tpu.memref_slice %arg6[%multiple_of3A] : memref<160000xi32, #tpu.memory_space<hbm>> -> memref<80xi32, #tpu.memory_space<hbm>>
        tpu.wait_dma2 semaphore(%run_scoped3A : memref<!tpu.dma_semaphore, #tpu.memory_space<semaphore_mem>>) src(%dma_wait3A_75 : memref<80xi32, #tpu.memory_space<hbm>>) dst(%arg12 : memref<80xi32, #tpu.memory_space<vmem>>)
        tpu.yield
      }) : () -> ()
      %dma_start3A = arith.constant 0 : i32
      %dma_start3A_56 = arith.constant 0 : i32
      %dma_start3A_57 = tpu.memref_slice %arg5[%dma_start3A, %dma_start3A_56] : memref<10240x128xf32, #tpu.memory_space<hbm>> -> memref<10240x128xf32, #tpu.memory_space<hbm>>
      tpu.enqueue_indirect_dma source(%dma_start3A_57 : memref<10240x128xf32, #tpu.memory_space<hbm>>) target(%arg15 : memref<80x128xf32, #tpu.memory_space<vmem>>) offsets(%arg12 : memref<80xi32, #tpu.memory_space<vmem>>) semaphore(%arg17 : memref<!tpu.dma_semaphore, #tpu.memory_space<semaphore_mem>>)
      %scan3A = arith.constant 0 : i32
      %scan3A_58 = arith.constant 0 : i32
      %scan3A_59 = arith.constant 62 : i32
      %scan3A_60 = arith.addi %scan3A_58, %scan3A_59 : i32
      %scan3A_61 = arith.constant 1 : i32
      %scan3A_62 = scf.for %scan3A_72 = %scan3A_58 to %scan3A_60 step %scan3A_61 iter_args(%scan3A_73 = %scan3A) -> (i32)  : i32 {
        %mul3A_74 = arith.constant 2 : i32
        %mul3A_75 = arith.muli %mul3A_74, %scan3A_72 : i32
        %add3A_76 = arith.constant 1 : i32
        %add3A_77 = arith.addi %mul3A_75, %add3A_76 : i32
        %mul3A_78 = arith.constant 80 : i32
        %mul3A_79 = arith.muli %add3A_77, %mul3A_78 : i32
        %add3A_80 = arith.addi %mul3A_0, %mul3A_79 : i32
        %multiple_of3A_81 = tpu.assume_multiple %add3A_80, 8 : i32
        "tpu.region"() ({
          %run_scoped3A = tpu.sem_alloc : memref<!tpu.dma_semaphore, #tpu.memory_space<semaphore_mem>>
          %dma_start3A_117 = tpu.memref_slice %arg6[%multiple_of3A_81] : memref<160000xi32, #tpu.memory_space<hbm>> -> memref<80xi32, #tpu.memory_space<hbm>>
          %dma_start3A_118 = tpu.memref_slice %arg6[%multiple_of3A_81] : memref<160000xi32, #tpu.memory_space<hbm>> -> memref<80xi32, #tpu.memory_space<hbm>>
          tpu.enqueue_dma source(%dma_start3A_118 : memref<80xi32, #tpu.memory_space<hbm>>) target(%arg13 : memref<80xi32, #tpu.memory_space<vmem>>) target_semaphore(%run_scoped3A : memref<!tpu.dma_semaphore, #tpu.memory_space<semaphore_mem>>)
          %dma_wait3A_119 = tpu.memref_slice %arg6[%multiple_of3A_81] : memref<160000xi32, #tpu.memory_space<hbm>> -> memref<80xi32, #tpu.memory_space<hbm>>
          %dma_wait3A_120 = tpu.memref_slice %arg6[%multiple_of3A_81] : memref<160000xi32, #tpu.memory_space<hbm>> -> memref<80xi32, #tpu.memory_space<hbm>>
          tpu.wait_dma2 semaphore(%run_scoped3A : memref<!tpu.dma_semaphore, #tpu.memory_space<semaphore_mem>>) src(%dma_wait3A_120 : memref<80xi32, #tpu.memory_space<hbm>>) dst(%arg13 : memref<80xi32, #tpu.memory_space<vmem>>)
          tpu.yield
        }) : () -> ()
        %dma_start3A_82 = arith.constant 0 : i32
        %dma_start3A_83 = arith.constant 0 : i32
        %dma_start3A_84 = tpu.memref_slice %arg5[%dma_start3A_82, %dma_start3A_83] : memref<10240x128xf32, #tpu.memory_space<hbm>> -> memref<10240x128xf32, #tpu.memory_space<hbm>>
        tpu.enqueue_indirect_dma source(%dma_start3A_84 : memref<10240x128xf32, #tpu.memory_space<hbm>>) target(%arg16 : memref<80x128xf32, #tpu.memory_space<vmem>>) offsets(%arg13 : memref<80xi32, #tpu.memory_space<vmem>>) semaphore(%arg18 : memref<!tpu.dma_semaphore, #tpu.memory_space<semaphore_mem>>)
        %dma_wait3A_85 = arith.constant 0 : i32
        %dma_wait3A_86 = arith.constant 0 : i32
        %dma_wait3A_87 = tpu.memref_slice %arg5[%dma_wait3A_85, %dma_wait3A_86] : memref<10240x128xf32, #tpu.memory_space<hbm>> -> memref<80x128xf32, #tpu.memory_space<hbm>>
        %dma_wait3A_88 = arith.constant 0 : i32
        %dma_wait3A_89 = arith.constant 0 : i32
        %dma_wait3A_90 = tpu.memref_slice %arg5[%dma_wait3A_88, %dma_wait3A_89] : memref<10240x128xf32, #tpu.memory_space<hbm>> -> memref<80x128xf32, #tpu.memory_space<hbm>>
        tpu.wait_dma2 semaphore(%arg17 : memref<!tpu.dma_semaphore, #tpu.memory_space<semaphore_mem>>) src(%dma_wait3A_90 : memref<80x128xf32, #tpu.memory_space<hbm>>) dst(%arg15 : memref<80x128xf32, #tpu.memory_space<vmem>>)
        %mul3A_91 = arith.constant 80 : i32
        %mul3A_92 = arith.muli %mul3A_75, %mul3A_91 : i32
        %add3A_93 = arith.addi %mul3A_0, %mul3A_92 : i32
        %multiple_of3A_94 = tpu.assume_multiple %add3A_93, 8 : i32
        "tpu.region"() ({
          %run_scoped3A = tpu.sem_alloc : memref<!tpu.dma_semaphore, #tpu.memory_space<semaphore_mem>>
          %dma_start3A_117 = tpu.memref_slice %arg7[%multiple_of3A_94] : memref<160000xi32, #tpu.memory_space<hbm>> -> memref<80xi32, #tpu.memory_space<hbm>>
          %dma_start3A_118 = tpu.memref_slice %arg7[%multiple_of3A_94] : memref<160000xi32, #tpu.memory_space<hbm>> -> memref<80xi32, #tpu.memory_space<hbm>>
          tpu.enqueue_dma source(%dma_start3A_118 : memref<80xi32, #tpu.memory_space<hbm>>) target(%arg14 : memref<80xi32, #tpu.memory_space<vmem>>) target_semaphore(%run_scoped3A : memref<!tpu.dma_semaphore, #tpu.memory_space<semaphore_mem>>)
          %dma_wait3A_119 = tpu.memref_slice %arg7[%multiple_of3A_94] : memref<160000xi32, #tpu.memory_space<hbm>> -> memref<80xi32, #tpu.memory_space<hbm>>
          %dma_wait3A_120 = tpu.memref_slice %arg7[%multiple_of3A_94] : memref<160000xi32, #tpu.memory_space<hbm>> -> memref<80xi32, #tpu.memory_space<hbm>>
          tpu.wait_dma2 semaphore(%run_scoped3A : memref<!tpu.dma_semaphore, #tpu.memory_space<semaphore_mem>>) src(%dma_wait3A_120 : memref<80xi32, #tpu.memory_space<hbm>>) dst(%arg14 : memref<80xi32, #tpu.memory_space<vmem>>)
          tpu.yield
        }) : () -> ()
        "tpu.region"() ({
          %run_scoped3A = tpu.sem_alloc : memref<!tpu.dma_semaphore, #tpu.memory_space<semaphore_mem>>
          %dma_start3A_117 = arith.constant 0 : i32
          %dma_start3A_118 = arith.constant 0 : i32
          %dma_start3A_119 = tpu.memref_slice %arg19[%dma_start3A_117, %dma_start3A_118] : memref<10240x128xf32, #tpu.memory_space<vmem_shared>> -> memref<10240x128xf32, #tpu.memory_space<vmem_shared>>
          tpu.enqueue_indirect_dma source(%arg15 : memref<80x128xf32, #tpu.memory_space<vmem>>) target(%dma_start3A_119 : memref<10240x128xf32, #tpu.memory_space<vmem_shared>>) offsets(%arg14 : memref<80xi32, #tpu.memory_space<vmem>>) semaphore(%run_scoped3A : memref<!tpu.dma_semaphore, #tpu.memory_space<semaphore_mem>>) {add = true}
          %dma_wait3A_120 = arith.constant 0 : i32
          %dma_wait3A_121 = arith.constant 0 : i32
          %dma_wait3A_122 = tpu.memref_slice %arg19[%dma_wait3A_120, %dma_wait3A_121] : memref<10240x128xf32, #tpu.memory_space<vmem_shared>> -> memref<10240x128xf32, #tpu.memory_space<vmem_shared>>
          tpu.wait_indirect_dma semaphore(%run_scoped3A : memref<!tpu.dma_semaphore, #tpu.memory_space<semaphore_mem>>) src(%arg15 : memref<80x128xf32, #tpu.memory_space<vmem>>) dst(%dma_wait3A_122 : memref<10240x128xf32, #tpu.memory_space<vmem_shared>>)
          tpu.yield
        }) : () -> ()
        %add3A_95 = arith.constant 2 : i32
        %add3A_96 = arith.addi %mul3A_75, %add3A_95 : i32
        %mul3A_97 = arith.constant 80 : i32
        %mul3A_98 = arith.muli %add3A_96, %mul3A_97 : i32
        %add3A_99 = arith.addi %mul3A_0, %mul3A_98 : i32
        %multiple_of3A_100 = tpu.assume_multiple %add3A_99, 8 : i32
        "tpu.region"() ({
          %run_scoped3A = tpu.sem_alloc : memref<!tpu.dma_semaphore, #tpu.memory_space<semaphore_mem>>
          %dma_start3A_117 = tpu.memref_slice %arg6[%multiple_of3A_100] : memref<160000xi32, #tpu.memory_space<hbm>> -> memref<80xi32, #tpu.memory_space<hbm>>
          %dma_start3A_118 = tpu.memref_slice %arg6[%multiple_of3A_100] : memref<160000xi32, #tpu.memory_space<hbm>> -> memref<80xi32, #tpu.memory_space<hbm>>
          tpu.enqueue_dma source(%dma_start3A_118 : memref<80xi32, #tpu.memory_space<hbm>>) target(%arg12 : memref<80xi32, #tpu.memory_space<vmem>>) target_semaphore(%run_scoped3A : memref<!tpu.dma_semaphore, #tpu.memory_space<semaphore_mem>>)
          %dma_wait3A_119 = tpu.memref_slice %arg6[%multiple_of3A_100] : memref<160000xi32, #tpu.memory_space<hbm>> -> memref<80xi32, #tpu.memory_space<hbm>>
          %dma_wait3A_120 = tpu.memref_slice %arg6[%multiple_of3A_100] : memref<160000xi32, #tpu.memory_space<hbm>> -> memref<80xi32, #tpu.memory_space<hbm>>
          tpu.wait_dma2 semaphore(%run_scoped3A : memref<!tpu.dma_semaphore, #tpu.memory_space<semaphore_mem>>) src(%dma_wait3A_120 : memref<80xi32, #tpu.memory_space<hbm>>) dst(%arg12 : memref<80xi32, #tpu.memory_space<vmem>>)
          tpu.yield
        }) : () -> ()
        %dma_start3A_101 = arith.constant 0 : i32
        %dma_start3A_102 = arith.constant 0 : i32
        %dma_start3A_103 = tpu.memref_slice %arg5[%dma_start3A_101, %dma_start3A_102] : memref<10240x128xf32, #tpu.memory_space<hbm>> -> memref<10240x128xf32, #tpu.memory_space<hbm>>
        tpu.enqueue_indirect_dma source(%dma_start3A_103 : memref<10240x128xf32, #tpu.memory_space<hbm>>) target(%arg15 : memref<80x128xf32, #tpu.memory_space<vmem>>) offsets(%arg12 : memref<80xi32, #tpu.memory_space<vmem>>) semaphore(%arg17 : memref<!tpu.dma_semaphore, #tpu.memory_space<semaphore_mem>>)
        %dma_wait3A_104 = arith.constant 0 : i32
        %dma_wait3A_105 = arith.constant 0 : i32
        %dma_wait3A_106 = tpu.memref_slice %arg5[%dma_wait3A_104, %dma_wait3A_105] : memref<10240x128xf32, #tpu.memory_space<hbm>> -> memref<80x128xf32, #tpu.memory_space<hbm>>
        %dma_wait3A_107 = arith.constant 0 : i32
        %dma_wait3A_108 = arith.constant 0 : i32
        %dma_wait3A_109 = tpu.memref_slice %arg5[%dma_wait3A_107, %dma_wait3A_108] : memref<10240x128xf32, #tpu.memory_space<hbm>> -> memref<80x128xf32, #tpu.memory_space<hbm>>
        tpu.wait_dma2 semaphore(%arg18 : memref<!tpu.dma_semaphore, #tpu.memory_space<semaphore_mem>>) src(%dma_wait3A_109 : memref<80x128xf32, #tpu.memory_space<hbm>>) dst(%arg16 : memref<80x128xf32, #tpu.memory_space<vmem>>)
        %add3A_110 = arith.constant 1 : i32
        %add3A_111 = arith.addi %mul3A_75, %add3A_110 : i32
        %mul3A_112 = arith.constant 80 : i32
        %mul3A_113 = arith.muli %add3A_111, %mul3A_112 : i32
        %add3A_114 = arith.addi %mul3A_0, %mul3A_113 : i32
        %multiple_of3A_115 = tpu.assume_multiple %add3A_114, 8 : i32
        "tpu.region"() ({
          %run_scoped3A = tpu.sem_alloc : memref<!tpu.dma_semaphore, #tpu.memory_space<semaphore_mem>>
          %dma_start3A_117 = tpu.memref_slice %arg7[%multiple_of3A_115] : memref<160000xi32, #tpu.memory_space<hbm>> -> memref<80xi32, #tpu.memory_space<hbm>>
          %dma_start3A_118 = tpu.memref_slice %arg7[%multiple_of3A_115] : memref<160000xi32, #tpu.memory_space<hbm>> -> memref<80xi32, #tpu.memory_space<hbm>>
          tpu.enqueue_dma source(%dma_start3A_118 : memref<80xi32, #tpu.memory_space<hbm>>) target(%arg14 : memref<80xi32, #tpu.memory_space<vmem>>) target_semaphore(%run_scoped3A : memref<!tpu.dma_semaphore, #tpu.memory_space<semaphore_mem>>)
          %dma_wait3A_119 = tpu.memref_slice %arg7[%multiple_of3A_115] : memref<160000xi32, #tpu.memory_space<hbm>> -> memref<80xi32, #tpu.memory_space<hbm>>
          %dma_wait3A_120 = tpu.memref_slice %arg7[%multiple_of3A_115] : memref<160000xi32, #tpu.memory_space<hbm>> -> memref<80xi32, #tpu.memory_space<hbm>>
          tpu.wait_dma2 semaphore(%run_scoped3A : memref<!tpu.dma_semaphore, #tpu.memory_space<semaphore_mem>>) src(%dma_wait3A_120 : memref<80xi32, #tpu.memory_space<hbm>>) dst(%arg14 : memref<80xi32, #tpu.memory_space<vmem>>)
          tpu.yield
        }) : () -> ()
        "tpu.region"() ({
          %run_scoped3A = tpu.sem_alloc : memref<!tpu.dma_semaphore, #tpu.memory_space<semaphore_mem>>
          %dma_start3A_117 = arith.constant 0 : i32
          %dma_start3A_118 = arith.constant 0 : i32
          %dma_start3A_119 = tpu.memref_slice %arg19[%dma_start3A_117, %dma_start3A_118] : memref<10240x128xf32, #tpu.memory_space<vmem_shared>> -> memref<10240x128xf32, #tpu.memory_space<vmem_shared>>
          tpu.enqueue_indirect_dma source(%arg16 : memref<80x128xf32, #tpu.memory_space<vmem>>) target(%dma_start3A_119 : memref<10240x128xf32, #tpu.memory_space<vmem_shared>>) offsets(%arg14 : memref<80xi32, #tpu.memory_space<vmem>>) semaphore(%run_scoped3A : memref<!tpu.dma_semaphore, #tpu.memory_space<semaphore_mem>>) {add = true}
          %dma_wait3A_120 = arith.constant 0 : i32
          %dma_wait3A_121 = arith.constant 0 : i32
          %dma_wait3A_122 = tpu.memref_slice %arg19[%dma_wait3A_120, %dma_wait3A_121] : memref<10240x128xf32, #tpu.memory_space<vmem_shared>> -> memref<10240x128xf32, #tpu.memory_space<vmem_shared>>
          tpu.wait_indirect_dma semaphore(%run_scoped3A : memref<!tpu.dma_semaphore, #tpu.memory_space<semaphore_mem>>) src(%arg16 : memref<80x128xf32, #tpu.memory_space<vmem>>) dst(%dma_wait3A_122 : memref<10240x128xf32, #tpu.memory_space<vmem_shared>>)
          tpu.yield
        }) : () -> ()
        %scan3A_116 = arith.constant 0 : i32
        scf.yield %scan3A_116 : i32
      }
      %scan3A_63 = arith.constant 62 : i32
      %dma_wait3A = arith.constant 0 : i32
      %dma_wait3A_64 = arith.constant 0 : i32
      %dma_wait3A_65 = tpu.memref_slice %arg5[%dma_wait3A, %dma_wait3A_64] : memref<10240x128xf32, #tpu.memory_space<hbm>> -> memref<80x128xf32, #tpu.memory_space<hbm>>
      %dma_wait3A_66 = arith.constant 0 : i32
      %dma_wait3A_67 = arith.constant 0 : i32
      %dma_wait3A_68 = tpu.memref_slice %arg5[%dma_wait3A_66, %dma_wait3A_67] : memref<10240x128xf32, #tpu.memory_space<hbm>> -> memref<80x128xf32, #tpu.memory_space<hbm>>
      tpu.wait_dma2 semaphore(%arg17 : memref<!tpu.dma_semaphore, #tpu.memory_space<semaphore_mem>>) src(%dma_wait3A_68 : memref<80x128xf32, #tpu.memory_space<hbm>>) dst(%arg15 : memref<80x128xf32, #tpu.memory_space<vmem>>)
      %add3A_69 = arith.constant 9920 : i32
      %add3A_70 = arith.addi %mul3A_0, %add3A_69 : i32
      %multiple_of3A_71 = tpu.assume_multiple %add3A_70, 8 : i32
      "tpu.region"() ({
        %run_scoped3A = tpu.sem_alloc : memref<!tpu.dma_semaphore, #tpu.memory_space<semaphore_mem>>
        %dma_start3A_72 = tpu.memref_slice %arg7[%multiple_of3A_71] : memref<160000xi32, #tpu.memory_space<hbm>> -> memref<80xi32, #tpu.memory_space<hbm>>
        %dma_start3A_73 = tpu.memref_slice %arg7[%multiple_of3A_71] : memref<160000xi32, #tpu.memory_space<hbm>> -> memref<80xi32, #tpu.memory_space<hbm>>
        tpu.enqueue_dma source(%dma_start3A_73 : memref<80xi32, #tpu.memory_space<hbm>>) target(%arg14 : memref<80xi32, #tpu.memory_space<vmem>>) target_semaphore(%run_scoped3A : memref<!tpu.dma_semaphore, #tpu.memory_space<semaphore_mem>>)
        %dma_wait3A_74 = tpu.memref_slice %arg7[%multiple_of3A_71] : memref<160000xi32, #tpu.memory_space<hbm>> -> memref<80xi32, #tpu.memory_space<hbm>>
        %dma_wait3A_75 = tpu.memref_slice %arg7[%multiple_of3A_71] : memref<160000xi32, #tpu.memory_space<hbm>> -> memref<80xi32, #tpu.memory_space<hbm>>
        tpu.wait_dma2 semaphore(%run_scoped3A : memref<!tpu.dma_semaphore, #tpu.memory_space<semaphore_mem>>) src(%dma_wait3A_75 : memref<80xi32, #tpu.memory_space<hbm>>) dst(%arg14 : memref<80xi32, #tpu.memory_space<vmem>>)
        tpu.yield
      }) : () -> ()
      "tpu.region"() ({
        %run_scoped3A = tpu.sem_alloc : memref<!tpu.dma_semaphore, #tpu.memory_space<semaphore_mem>>
        %dma_start3A_72 = arith.constant 0 : i32
        %dma_start3A_73 = arith.constant 0 : i32
        %dma_start3A_74 = tpu.memref_slice %arg19[%dma_start3A_72, %dma_start3A_73] : memref<10240x128xf32, #tpu.memory_space<vmem_shared>> -> memref<10240x128xf32, #tpu.memory_space<vmem_shared>>
        tpu.enqueue_indirect_dma source(%arg15 : memref<80x128xf32, #tpu.memory_space<vmem>>) target(%dma_start3A_74 : memref<10240x128xf32, #tpu.memory_space<vmem_shared>>) offsets(%arg14 : memref<80xi32, #tpu.memory_space<vmem>>) semaphore(%run_scoped3A : memref<!tpu.dma_semaphore, #tpu.memory_space<semaphore_mem>>) {add = true}
        %dma_wait3A_75 = arith.constant 0 : i32
        %dma_wait3A_76 = arith.constant 0 : i32
        %dma_wait3A_77 = tpu.memref_slice %arg19[%dma_wait3A_75, %dma_wait3A_76] : memref<10240x128xf32, #tpu.memory_space<vmem_shared>> -> memref<10240x128xf32, #tpu.memory_space<vmem_shared>>
        tpu.wait_indirect_dma semaphore(%run_scoped3A : memref<!tpu.dma_semaphore, #tpu.memory_space<semaphore_mem>>) src(%arg15 : memref<80x128xf32, #tpu.memory_space<vmem>>) dst(%dma_wait3A_77 : memref<10240x128xf32, #tpu.memory_space<vmem_shared>>)
        tpu.yield
      }) : () -> ()
    } else {
    }
    %barrier3A_50 = arith.constant 0 : index
    tpu.barrier barrier_id(%barrier3A_50)
    %convert_element_type3A_51 = arith.extui %eq3A_42 : i1 to i32
    %cond3A_52 = arith.constant 0 : i32
    %cond3A_53 = arith.cmpi ne, %convert_element_type3A_51, %cond3A_52 : i32
    scf.if %cond3A_53 {
      "tpu.region"() ({
        %run_scoped3A = tpu.sem_alloc : memref<!tpu.dma_semaphore, #tpu.memory_space<semaphore_mem>>
        %dma_start3A = arith.constant 0 : i32
        %dma_start3A_55 = tpu.memref_slice %arg11[%mul3A_2, %dma_start3A] : memref<10240x128xf32, #tpu.memory_space<hbm>> -> memref<640x128xf32, #tpu.memory_space<hbm>>
        %dma_start3A_56 = arith.constant 0 : i32
        %dma_start3A_57 = tpu.memref_slice %arg19[%mul3A_2, %dma_start3A_56] : memref<10240x128xf32, #tpu.memory_space<vmem_shared>> -> memref<640x128xf32, #tpu.memory_space<vmem_shared>>
        tpu.enqueue_dma source(%dma_start3A_57 : memref<640x128xf32, #tpu.memory_space<vmem_shared>>) target(%dma_start3A_55 : memref<640x128xf32, #tpu.memory_space<hbm>>) target_semaphore(%run_scoped3A : memref<!tpu.dma_semaphore, #tpu.memory_space<semaphore_mem>>)
        %dma_wait3A = arith.constant 0 : i32
        %dma_wait3A_58 = tpu.memref_slice %arg11[%mul3A_2, %dma_wait3A] : memref<10240x128xf32, #tpu.memory_space<hbm>> -> memref<640x128xf32, #tpu.memory_space<hbm>>
        %dma_wait3A_59 = arith.constant 0 : i32
        %dma_wait3A_60 = tpu.memref_slice %arg19[%mul3A_2, %dma_wait3A_59] : memref<10240x128xf32, #tpu.memory_space<vmem_shared>> -> memref<640x128xf32, #tpu.memory_space<vmem_shared>>
        tpu.wait_dma2 semaphore(%run_scoped3A : memref<!tpu.dma_semaphore, #tpu.memory_space<semaphore_mem>>) src(%dma_wait3A_60 : memref<640x128xf32, #tpu.memory_space<vmem_shared>>) dst(%dma_wait3A_58 : memref<640x128xf32, #tpu.memory_space<hbm>>)
        tpu.yield
      }) : () -> ()
    } else {
    }
    %barrier3A_54 = arith.constant 0 : index
    tpu.barrier barrier_id(%barrier3A_54)
    return
  }
}

#map = affine_map<(d0, d1) -> (0, 0)>
#map1 = affine_map<(d0, d1) -> (0)>
module attributes {stable_mosaic.version = 14 : i64} {
  func.func @_agg_body(%arg0: i32, %arg1: i32, %arg2: memref<10240x128xf32, #tpu.memory_space<hbm>>, %arg3: memref<10240x128xf32, #tpu.memory_space<hbm>>, %arg4: memref<10240x128xf32, #tpu.memory_space<hbm>>, %arg5: memref<10240x128xf32, #tpu.memory_space<hbm>>, %arg6: memref<160000xi32, #tpu.memory_space<hbm>>, %arg7: memref<160000xi32, #tpu.memory_space<hbm>>, %arg8: memref<10240x128xf32, #tpu.memory_space<hbm>>, %arg9: memref<10240x128xf32, #tpu.memory_space<hbm>>, %arg10: memref<10240x128xf32, #tpu.memory_space<hbm>>, %arg11: memref<10240x128xf32, #tpu.memory_space<hbm>>, %arg12: memref<80xi32, #tpu.memory_space<vmem>>, %arg13: memref<80xi32, #tpu.memory_space<vmem>>, %arg14: memref<80xi32, #tpu.memory_space<vmem>>, %arg15: memref<80x128xf32, #tpu.memory_space<vmem>>, %arg16: memref<80x128xf32, #tpu.memory_space<vmem>>, %arg17: memref<!tpu.dma_semaphore, #tpu.memory_space<semaphore_mem>>, %arg18: memref<!tpu.dma_semaphore, #tpu.memory_space<semaphore_mem>>, %arg19: memref<10240x128xf32, #tpu.memory_space<vmem_shared>>) attributes {dimension_semantics = [#tpu.dimension_semantics<core_parallel>, #tpu.dimension_semantics<subcore_parallel>], iteration_bounds = array<i64: 2, 16>, scalar_prefetch = 0 : i64, scratch_operands = 8 : i64, tpu.core_type = #tpu.core_type<sc_vector_subcore>, window_params = [{transform_indices = #map}, {transform_indices = #map}, {transform_indices = #map}, {transform_indices = #map}, {transform_indices = #map1}, {transform_indices = #map1}, {transform_indices = #map}, {transform_indices = #map}, {transform_indices = #map}, {transform_indices = #map}]} {
    %mul3A = arith.constant 10000 : i32
    %mul3A_0 = arith.muli %arg1, %mul3A : i32
    %mul3A_1 = arith.constant 640 : i32
    %mul3A_2 = arith.muli %arg1, %mul3A_1 : i32
    %eq3A = arith.constant 0 : i32
    %eq3A_3 = arith.cmpi eq, %arg0, %eq3A : i32
    %convert_element_type3A = arith.extui %eq3A_3 : i1 to i32
    %cond3A = arith.constant 0 : i32
    %cond3A_4 = arith.cmpi ne, %convert_element_type3A, %cond3A : i32
    scf.if %cond3A_4 {
      "tpu.region"() ({
        %run_scoped3A = tpu.sem_alloc : memref<!tpu.dma_semaphore, #tpu.memory_space<semaphore_mem>>
        %dma_start3A = arith.constant 0 : i32
        %dma_start3A_55 = tpu.memref_slice %arg19[%mul3A_2, %dma_start3A] : memref<10240x128xf32, #tpu.memory_space<vmem_shared>> -> memref<640x128xf32, #tpu.memory_space<vmem_shared>>
        %dma_start3A_56 = arith.constant 0 : i32
        %dma_start3A_57 = tpu.memref_slice %arg2[%mul3A_2, %dma_start3A_56] : memref<10240x128xf32, #tpu.memory_space<hbm>> -> memref<640x128xf32, #tpu.memory_space<hbm>>
        tpu.enqueue_dma source(%dma_start3A_57 : memref<640x128xf32, #tpu.memory_space<hbm>>) target(%dma_start3A_55 : memref<640x128xf32, #tpu.memory_space<vmem_shared>>) target_semaphore(%run_scoped3A : memref<!tpu.dma_semaphore, #tpu.memory_space<semaphore_mem>>)
        %dma_wait3A = arith.constant 0 : i32
        %dma_wait3A_58 = tpu.memref_slice %arg19[%mul3A_2, %dma_wait3A] : memref<10240x128xf32, #tpu.memory_space<vmem_shared>> -> memref<640x128xf32, #tpu.memory_space<vmem_shared>>
        %dma_wait3A_59 = arith.constant 0 : i32
        %dma_wait3A_60 = tpu.memref_slice %arg2[%mul3A_2, %dma_wait3A_59] : memref<10240x128xf32, #tpu.memory_space<hbm>> -> memref<640x128xf32, #tpu.memory_space<hbm>>
        tpu.wait_dma2 semaphore(%run_scoped3A : memref<!tpu.dma_semaphore, #tpu.memory_space<semaphore_mem>>) src(%dma_wait3A_60 : memref<640x128xf32, #tpu.memory_space<hbm>>) dst(%dma_wait3A_58 : memref<640x128xf32, #tpu.memory_space<vmem_shared>>)
        tpu.yield
      }) : () -> ()
    } else {
    }
    %barrier3A = arith.constant 0 : index
    tpu.barrier barrier_id(%barrier3A)
    %convert_element_type3A_5 = arith.extui %eq3A_3 : i1 to i32
    %cond3A_6 = arith.constant 0 : i32
    %cond3A_7 = arith.cmpi ne, %convert_element_type3A_5, %cond3A_6 : i32
    scf.if %cond3A_7 {
      %add3A = arith.constant 0 : i32
      %add3A_55 = arith.addi %mul3A_0, %add3A : i32
      %multiple_of3A = tpu.assume_multiple %add3A_55, 8 : i32
      "tpu.region"() ({
        %run_scoped3A = tpu.sem_alloc : memref<!tpu.dma_semaphore, #tpu.memory_space<semaphore_mem>>
        %dma_start3A_72 = tpu.memref_slice %arg6[%multiple_of3A] : memref<160000xi32, #tpu.memory_space<hbm>> -> memref<80xi32, #tpu.memory_space<hbm>>
        %dma_start3A_73 = tpu.memref_slice %arg6[%multiple_of3A] : memref<160000xi32, #tpu.memory_space<hbm>> -> memref<80xi32, #tpu.memory_space<hbm>>
        tpu.enqueue_dma source(%dma_start3A_73 : memref<80xi32, #tpu.memory_space<hbm>>) target(%arg12 : memref<80xi32, #tpu.memory_space<vmem>>) target_semaphore(%run_scoped3A : memref<!tpu.dma_semaphore, #tpu.memory_space<semaphore_mem>>)
        %dma_wait3A_74 = tpu.memref_slice %arg6[%multiple_of3A] : memref<160000xi32, #tpu.memory_space<hbm>> -> memref<80xi32, #tpu.memory_space<hbm>>
        %dma_wait3A_75 = tpu.memref_slice %arg6[%multiple_of3A] : memref<160000xi32, #tpu.memory_space<hbm>> -> memref<80xi32, #tpu.memory_space<hbm>>
        tpu.wait_dma2 semaphore(%run_scoped3A : memref<!tpu.dma_semaphore, #tpu.memory_space<semaphore_mem>>) src(%dma_wait3A_75 : memref<80xi32, #tpu.memory_space<hbm>>) dst(%arg12 : memref<80xi32, #tpu.memory_space<vmem>>)
        tpu.yield
      }) : () -> ()
      %dma_start3A = arith.constant 0 : i32
      %dma_start3A_56 = arith.constant 0 : i32
      %dma_start3A_57 = tpu.memref_slice %arg2[%dma_start3A, %dma_start3A_56] : memref<10240x128xf32, #tpu.memory_space<hbm>> -> memref<10240x128xf32, #tpu.memory_space<hbm>>
      tpu.enqueue_indirect_dma source(%dma_start3A_57 : memref<10240x128xf32, #tpu.memory_space<hbm>>) target(%arg15 : memref<80x128xf32, #tpu.memory_space<vmem>>) offsets(%arg12 : memref<80xi32, #tpu.memory_space<vmem>>) semaphore(%arg17 : memref<!tpu.dma_semaphore, #tpu.memory_space<semaphore_mem>>)
      %scan3A = arith.constant 0 : i32
      %scan3A_58 = arith.constant 0 : i32
      %scan3A_59 = arith.constant 62 : i32
      %scan3A_60 = arith.addi %scan3A_58, %scan3A_59 : i32
      %scan3A_61 = arith.constant 1 : i32
      %scan3A_62 = scf.for %scan3A_72 = %scan3A_58 to %scan3A_60 step %scan3A_61 iter_args(%scan3A_73 = %scan3A) -> (i32)  : i32 {
        %mul3A_74 = arith.constant 2 : i32
        %mul3A_75 = arith.muli %mul3A_74, %scan3A_72 : i32
        %add3A_76 = arith.constant 1 : i32
        %add3A_77 = arith.addi %mul3A_75, %add3A_76 : i32
        %mul3A_78 = arith.constant 80 : i32
        %mul3A_79 = arith.muli %add3A_77, %mul3A_78 : i32
        %add3A_80 = arith.addi %mul3A_0, %mul3A_79 : i32
        %multiple_of3A_81 = tpu.assume_multiple %add3A_80, 8 : i32
        "tpu.region"() ({
          %run_scoped3A = tpu.sem_alloc : memref<!tpu.dma_semaphore, #tpu.memory_space<semaphore_mem>>
          %dma_start3A_117 = tpu.memref_slice %arg6[%multiple_of3A_81] : memref<160000xi32, #tpu.memory_space<hbm>> -> memref<80xi32, #tpu.memory_space<hbm>>
          %dma_start3A_118 = tpu.memref_slice %arg6[%multiple_of3A_81] : memref<160000xi32, #tpu.memory_space<hbm>> -> memref<80xi32, #tpu.memory_space<hbm>>
          tpu.enqueue_dma source(%dma_start3A_118 : memref<80xi32, #tpu.memory_space<hbm>>) target(%arg13 : memref<80xi32, #tpu.memory_space<vmem>>) target_semaphore(%run_scoped3A : memref<!tpu.dma_semaphore, #tpu.memory_space<semaphore_mem>>)
          %dma_wait3A_119 = tpu.memref_slice %arg6[%multiple_of3A_81] : memref<160000xi32, #tpu.memory_space<hbm>> -> memref<80xi32, #tpu.memory_space<hbm>>
          %dma_wait3A_120 = tpu.memref_slice %arg6[%multiple_of3A_81] : memref<160000xi32, #tpu.memory_space<hbm>> -> memref<80xi32, #tpu.memory_space<hbm>>
          tpu.wait_dma2 semaphore(%run_scoped3A : memref<!tpu.dma_semaphore, #tpu.memory_space<semaphore_mem>>) src(%dma_wait3A_120 : memref<80xi32, #tpu.memory_space<hbm>>) dst(%arg13 : memref<80xi32, #tpu.memory_space<vmem>>)
          tpu.yield
        }) : () -> ()
        %dma_start3A_82 = arith.constant 0 : i32
        %dma_start3A_83 = arith.constant 0 : i32
        %dma_start3A_84 = tpu.memref_slice %arg2[%dma_start3A_82, %dma_start3A_83] : memref<10240x128xf32, #tpu.memory_space<hbm>> -> memref<10240x128xf32, #tpu.memory_space<hbm>>
        tpu.enqueue_indirect_dma source(%dma_start3A_84 : memref<10240x128xf32, #tpu.memory_space<hbm>>) target(%arg16 : memref<80x128xf32, #tpu.memory_space<vmem>>) offsets(%arg13 : memref<80xi32, #tpu.memory_space<vmem>>) semaphore(%arg18 : memref<!tpu.dma_semaphore, #tpu.memory_space<semaphore_mem>>)
        %dma_wait3A_85 = arith.constant 0 : i32
        %dma_wait3A_86 = arith.constant 0 : i32
        %dma_wait3A_87 = tpu.memref_slice %arg2[%dma_wait3A_85, %dma_wait3A_86] : memref<10240x128xf32, #tpu.memory_space<hbm>> -> memref<80x128xf32, #tpu.memory_space<hbm>>
        %dma_wait3A_88 = arith.constant 0 : i32
        %dma_wait3A_89 = arith.constant 0 : i32
        %dma_wait3A_90 = tpu.memref_slice %arg2[%dma_wait3A_88, %dma_wait3A_89] : memref<10240x128xf32, #tpu.memory_space<hbm>> -> memref<80x128xf32, #tpu.memory_space<hbm>>
        tpu.wait_dma2 semaphore(%arg17 : memref<!tpu.dma_semaphore, #tpu.memory_space<semaphore_mem>>) src(%dma_wait3A_90 : memref<80x128xf32, #tpu.memory_space<hbm>>) dst(%arg15 : memref<80x128xf32, #tpu.memory_space<vmem>>)
        %mul3A_91 = arith.constant 80 : i32
        %mul3A_92 = arith.muli %mul3A_75, %mul3A_91 : i32
        %add3A_93 = arith.addi %mul3A_0, %mul3A_92 : i32
        %multiple_of3A_94 = tpu.assume_multiple %add3A_93, 8 : i32
        "tpu.region"() ({
          %run_scoped3A = tpu.sem_alloc : memref<!tpu.dma_semaphore, #tpu.memory_space<semaphore_mem>>
          %dma_start3A_117 = tpu.memref_slice %arg7[%multiple_of3A_94] : memref<160000xi32, #tpu.memory_space<hbm>> -> memref<80xi32, #tpu.memory_space<hbm>>
          %dma_start3A_118 = tpu.memref_slice %arg7[%multiple_of3A_94] : memref<160000xi32, #tpu.memory_space<hbm>> -> memref<80xi32, #tpu.memory_space<hbm>>
          tpu.enqueue_dma source(%dma_start3A_118 : memref<80xi32, #tpu.memory_space<hbm>>) target(%arg14 : memref<80xi32, #tpu.memory_space<vmem>>) target_semaphore(%run_scoped3A : memref<!tpu.dma_semaphore, #tpu.memory_space<semaphore_mem>>)
          %dma_wait3A_119 = tpu.memref_slice %arg7[%multiple_of3A_94] : memref<160000xi32, #tpu.memory_space<hbm>> -> memref<80xi32, #tpu.memory_space<hbm>>
          %dma_wait3A_120 = tpu.memref_slice %arg7[%multiple_of3A_94] : memref<160000xi32, #tpu.memory_space<hbm>> -> memref<80xi32, #tpu.memory_space<hbm>>
          tpu.wait_dma2 semaphore(%run_scoped3A : memref<!tpu.dma_semaphore, #tpu.memory_space<semaphore_mem>>) src(%dma_wait3A_120 : memref<80xi32, #tpu.memory_space<hbm>>) dst(%arg14 : memref<80xi32, #tpu.memory_space<vmem>>)
          tpu.yield
        }) : () -> ()
        "tpu.region"() ({
          %run_scoped3A = tpu.sem_alloc : memref<!tpu.dma_semaphore, #tpu.memory_space<semaphore_mem>>
          %dma_start3A_117 = arith.constant 0 : i32
          %dma_start3A_118 = arith.constant 0 : i32
          %dma_start3A_119 = tpu.memref_slice %arg19[%dma_start3A_117, %dma_start3A_118] : memref<10240x128xf32, #tpu.memory_space<vmem_shared>> -> memref<10240x128xf32, #tpu.memory_space<vmem_shared>>
          tpu.enqueue_indirect_dma source(%arg15 : memref<80x128xf32, #tpu.memory_space<vmem>>) target(%dma_start3A_119 : memref<10240x128xf32, #tpu.memory_space<vmem_shared>>) offsets(%arg14 : memref<80xi32, #tpu.memory_space<vmem>>) semaphore(%run_scoped3A : memref<!tpu.dma_semaphore, #tpu.memory_space<semaphore_mem>>) {add = true}
          %dma_wait3A_120 = arith.constant 0 : i32
          %dma_wait3A_121 = arith.constant 0 : i32
          %dma_wait3A_122 = tpu.memref_slice %arg19[%dma_wait3A_120, %dma_wait3A_121] : memref<10240x128xf32, #tpu.memory_space<vmem_shared>> -> memref<10240x128xf32, #tpu.memory_space<vmem_shared>>
          tpu.wait_indirect_dma semaphore(%run_scoped3A : memref<!tpu.dma_semaphore, #tpu.memory_space<semaphore_mem>>) src(%arg15 : memref<80x128xf32, #tpu.memory_space<vmem>>) dst(%dma_wait3A_122 : memref<10240x128xf32, #tpu.memory_space<vmem_shared>>)
          tpu.yield
        }) : () -> ()
        %add3A_95 = arith.constant 2 : i32
        %add3A_96 = arith.addi %mul3A_75, %add3A_95 : i32
        %mul3A_97 = arith.constant 80 : i32
        %mul3A_98 = arith.muli %add3A_96, %mul3A_97 : i32
        %add3A_99 = arith.addi %mul3A_0, %mul3A_98 : i32
        %multiple_of3A_100 = tpu.assume_multiple %add3A_99, 8 : i32
        "tpu.region"() ({
          %run_scoped3A = tpu.sem_alloc : memref<!tpu.dma_semaphore, #tpu.memory_space<semaphore_mem>>
          %dma_start3A_117 = tpu.memref_slice %arg6[%multiple_of3A_100] : memref<160000xi32, #tpu.memory_space<hbm>> -> memref<80xi32, #tpu.memory_space<hbm>>
          %dma_start3A_118 = tpu.memref_slice %arg6[%multiple_of3A_100] : memref<160000xi32, #tpu.memory_space<hbm>> -> memref<80xi32, #tpu.memory_space<hbm>>
          tpu.enqueue_dma source(%dma_start3A_118 : memref<80xi32, #tpu.memory_space<hbm>>) target(%arg12 : memref<80xi32, #tpu.memory_space<vmem>>) target_semaphore(%run_scoped3A : memref<!tpu.dma_semaphore, #tpu.memory_space<semaphore_mem>>)
          %dma_wait3A_119 = tpu.memref_slice %arg6[%multiple_of3A_100] : memref<160000xi32, #tpu.memory_space<hbm>> -> memref<80xi32, #tpu.memory_space<hbm>>
          %dma_wait3A_120 = tpu.memref_slice %arg6[%multiple_of3A_100] : memref<160000xi32, #tpu.memory_space<hbm>> -> memref<80xi32, #tpu.memory_space<hbm>>
          tpu.wait_dma2 semaphore(%run_scoped3A : memref<!tpu.dma_semaphore, #tpu.memory_space<semaphore_mem>>) src(%dma_wait3A_120 : memref<80xi32, #tpu.memory_space<hbm>>) dst(%arg12 : memref<80xi32, #tpu.memory_space<vmem>>)
          tpu.yield
        }) : () -> ()
        %dma_start3A_101 = arith.constant 0 : i32
        %dma_start3A_102 = arith.constant 0 : i32
        %dma_start3A_103 = tpu.memref_slice %arg2[%dma_start3A_101, %dma_start3A_102] : memref<10240x128xf32, #tpu.memory_space<hbm>> -> memref<10240x128xf32, #tpu.memory_space<hbm>>
        tpu.enqueue_indirect_dma source(%dma_start3A_103 : memref<10240x128xf32, #tpu.memory_space<hbm>>) target(%arg15 : memref<80x128xf32, #tpu.memory_space<vmem>>) offsets(%arg12 : memref<80xi32, #tpu.memory_space<vmem>>) semaphore(%arg17 : memref<!tpu.dma_semaphore, #tpu.memory_space<semaphore_mem>>)
        %dma_wait3A_104 = arith.constant 0 : i32
        %dma_wait3A_105 = arith.constant 0 : i32
        %dma_wait3A_106 = tpu.memref_slice %arg2[%dma_wait3A_104, %dma_wait3A_105] : memref<10240x128xf32, #tpu.memory_space<hbm>> -> memref<80x128xf32, #tpu.memory_space<hbm>>
        %dma_wait3A_107 = arith.constant 0 : i32
        %dma_wait3A_108 = arith.constant 0 : i32
        %dma_wait3A_109 = tpu.memref_slice %arg2[%dma_wait3A_107, %dma_wait3A_108] : memref<10240x128xf32, #tpu.memory_space<hbm>> -> memref<80x128xf32, #tpu.memory_space<hbm>>
        tpu.wait_dma2 semaphore(%arg18 : memref<!tpu.dma_semaphore, #tpu.memory_space<semaphore_mem>>) src(%dma_wait3A_109 : memref<80x128xf32, #tpu.memory_space<hbm>>) dst(%arg16 : memref<80x128xf32, #tpu.memory_space<vmem>>)
        %add3A_110 = arith.constant 1 : i32
        %add3A_111 = arith.addi %mul3A_75, %add3A_110 : i32
        %mul3A_112 = arith.constant 80 : i32
        %mul3A_113 = arith.muli %add3A_111, %mul3A_112 : i32
        %add3A_114 = arith.addi %mul3A_0, %mul3A_113 : i32
        %multiple_of3A_115 = tpu.assume_multiple %add3A_114, 8 : i32
        "tpu.region"() ({
          %run_scoped3A = tpu.sem_alloc : memref<!tpu.dma_semaphore, #tpu.memory_space<semaphore_mem>>
          %dma_start3A_117 = tpu.memref_slice %arg7[%multiple_of3A_115] : memref<160000xi32, #tpu.memory_space<hbm>> -> memref<80xi32, #tpu.memory_space<hbm>>
          %dma_start3A_118 = tpu.memref_slice %arg7[%multiple_of3A_115] : memref<160000xi32, #tpu.memory_space<hbm>> -> memref<80xi32, #tpu.memory_space<hbm>>
          tpu.enqueue_dma source(%dma_start3A_118 : memref<80xi32, #tpu.memory_space<hbm>>) target(%arg14 : memref<80xi32, #tpu.memory_space<vmem>>) target_semaphore(%run_scoped3A : memref<!tpu.dma_semaphore, #tpu.memory_space<semaphore_mem>>)
          %dma_wait3A_119 = tpu.memref_slice %arg7[%multiple_of3A_115] : memref<160000xi32, #tpu.memory_space<hbm>> -> memref<80xi32, #tpu.memory_space<hbm>>
          %dma_wait3A_120 = tpu.memref_slice %arg7[%multiple_of3A_115] : memref<160000xi32, #tpu.memory_space<hbm>> -> memref<80xi32, #tpu.memory_space<hbm>>
          tpu.wait_dma2 semaphore(%run_scoped3A : memref<!tpu.dma_semaphore, #tpu.memory_space<semaphore_mem>>) src(%dma_wait3A_120 : memref<80xi32, #tpu.memory_space<hbm>>) dst(%arg14 : memref<80xi32, #tpu.memory_space<vmem>>)
          tpu.yield
        }) : () -> ()
        "tpu.region"() ({
          %run_scoped3A = tpu.sem_alloc : memref<!tpu.dma_semaphore, #tpu.memory_space<semaphore_mem>>
          %dma_start3A_117 = arith.constant 0 : i32
          %dma_start3A_118 = arith.constant 0 : i32
          %dma_start3A_119 = tpu.memref_slice %arg19[%dma_start3A_117, %dma_start3A_118] : memref<10240x128xf32, #tpu.memory_space<vmem_shared>> -> memref<10240x128xf32, #tpu.memory_space<vmem_shared>>
          tpu.enqueue_indirect_dma source(%arg16 : memref<80x128xf32, #tpu.memory_space<vmem>>) target(%dma_start3A_119 : memref<10240x128xf32, #tpu.memory_space<vmem_shared>>) offsets(%arg14 : memref<80xi32, #tpu.memory_space<vmem>>) semaphore(%run_scoped3A : memref<!tpu.dma_semaphore, #tpu.memory_space<semaphore_mem>>) {add = true}
          %dma_wait3A_120 = arith.constant 0 : i32
          %dma_wait3A_121 = arith.constant 0 : i32
          %dma_wait3A_122 = tpu.memref_slice %arg19[%dma_wait3A_120, %dma_wait3A_121] : memref<10240x128xf32, #tpu.memory_space<vmem_shared>> -> memref<10240x128xf32, #tpu.memory_space<vmem_shared>>
          tpu.wait_indirect_dma semaphore(%run_scoped3A : memref<!tpu.dma_semaphore, #tpu.memory_space<semaphore_mem>>) src(%arg16 : memref<80x128xf32, #tpu.memory_space<vmem>>) dst(%dma_wait3A_122 : memref<10240x128xf32, #tpu.memory_space<vmem_shared>>)
          tpu.yield
        }) : () -> ()
        %scan3A_116 = arith.constant 0 : i32
        scf.yield %scan3A_116 : i32
      }
      %scan3A_63 = arith.constant 62 : i32
      %dma_wait3A = arith.constant 0 : i32
      %dma_wait3A_64 = arith.constant 0 : i32
      %dma_wait3A_65 = tpu.memref_slice %arg2[%dma_wait3A, %dma_wait3A_64] : memref<10240x128xf32, #tpu.memory_space<hbm>> -> memref<80x128xf32, #tpu.memory_space<hbm>>
      %dma_wait3A_66 = arith.constant 0 : i32
      %dma_wait3A_67 = arith.constant 0 : i32
      %dma_wait3A_68 = tpu.memref_slice %arg2[%dma_wait3A_66, %dma_wait3A_67] : memref<10240x128xf32, #tpu.memory_space<hbm>> -> memref<80x128xf32, #tpu.memory_space<hbm>>
      tpu.wait_dma2 semaphore(%arg17 : memref<!tpu.dma_semaphore, #tpu.memory_space<semaphore_mem>>) src(%dma_wait3A_68 : memref<80x128xf32, #tpu.memory_space<hbm>>) dst(%arg15 : memref<80x128xf32, #tpu.memory_space<vmem>>)
      %add3A_69 = arith.constant 9920 : i32
      %add3A_70 = arith.addi %mul3A_0, %add3A_69 : i32
      %multiple_of3A_71 = tpu.assume_multiple %add3A_70, 8 : i32
      "tpu.region"() ({
        %run_scoped3A = tpu.sem_alloc : memref<!tpu.dma_semaphore, #tpu.memory_space<semaphore_mem>>
        %dma_start3A_72 = tpu.memref_slice %arg7[%multiple_of3A_71] : memref<160000xi32, #tpu.memory_space<hbm>> -> memref<80xi32, #tpu.memory_space<hbm>>
        %dma_start3A_73 = tpu.memref_slice %arg7[%multiple_of3A_71] : memref<160000xi32, #tpu.memory_space<hbm>> -> memref<80xi32, #tpu.memory_space<hbm>>
        tpu.enqueue_dma source(%dma_start3A_73 : memref<80xi32, #tpu.memory_space<hbm>>) target(%arg14 : memref<80xi32, #tpu.memory_space<vmem>>) target_semaphore(%run_scoped3A : memref<!tpu.dma_semaphore, #tpu.memory_space<semaphore_mem>>)
        %dma_wait3A_74 = tpu.memref_slice %arg7[%multiple_of3A_71] : memref<160000xi32, #tpu.memory_space<hbm>> -> memref<80xi32, #tpu.memory_space<hbm>>
        %dma_wait3A_75 = tpu.memref_slice %arg7[%multiple_of3A_71] : memref<160000xi32, #tpu.memory_space<hbm>> -> memref<80xi32, #tpu.memory_space<hbm>>
        tpu.wait_dma2 semaphore(%run_scoped3A : memref<!tpu.dma_semaphore, #tpu.memory_space<semaphore_mem>>) src(%dma_wait3A_75 : memref<80xi32, #tpu.memory_space<hbm>>) dst(%arg14 : memref<80xi32, #tpu.memory_space<vmem>>)
        tpu.yield
      }) : () -> ()
      "tpu.region"() ({
        %run_scoped3A = tpu.sem_alloc : memref<!tpu.dma_semaphore, #tpu.memory_space<semaphore_mem>>
        %dma_start3A_72 = arith.constant 0 : i32
        %dma_start3A_73 = arith.constant 0 : i32
        %dma_start3A_74 = tpu.memref_slice %arg19[%dma_start3A_72, %dma_start3A_73] : memref<10240x128xf32, #tpu.memory_space<vmem_shared>> -> memref<10240x128xf32, #tpu.memory_space<vmem_shared>>
        tpu.enqueue_indirect_dma source(%arg15 : memref<80x128xf32, #tpu.memory_space<vmem>>) target(%dma_start3A_74 : memref<10240x128xf32, #tpu.memory_space<vmem_shared>>) offsets(%arg14 : memref<80xi32, #tpu.memory_space<vmem>>) semaphore(%run_scoped3A : memref<!tpu.dma_semaphore, #tpu.memory_space<semaphore_mem>>) {add = true}
        %dma_wait3A_75 = arith.constant 0 : i32
        %dma_wait3A_76 = arith.constant 0 : i32
        %dma_wait3A_77 = tpu.memref_slice %arg19[%dma_wait3A_75, %dma_wait3A_76] : memref<10240x128xf32, #tpu.memory_space<vmem_shared>> -> memref<10240x128xf32, #tpu.memory_space<vmem_shared>>
        tpu.wait_indirect_dma semaphore(%run_scoped3A : memref<!tpu.dma_semaphore, #tpu.memory_space<semaphore_mem>>) src(%arg15 : memref<80x128xf32, #tpu.memory_space<vmem>>) dst(%dma_wait3A_77 : memref<10240x128xf32, #tpu.memory_space<vmem_shared>>)
        tpu.yield
      }) : () -> ()
    } else {
    }
    %barrier3A_8 = arith.constant 0 : index
    tpu.barrier barrier_id(%barrier3A_8)
    %convert_element_type3A_9 = arith.extui %eq3A_3 : i1 to i32
    %cond3A_10 = arith.constant 0 : i32
    %cond3A_11 = arith.cmpi ne, %convert_element_type3A_9, %cond3A_10 : i32
    scf.if %cond3A_11 {
      "tpu.region"() ({
        %run_scoped3A = tpu.sem_alloc : memref<!tpu.dma_semaphore, #tpu.memory_space<semaphore_mem>>
        %dma_start3A = arith.constant 0 : i32
        %dma_start3A_55 = tpu.memref_slice %arg8[%mul3A_2, %dma_start3A] : memref<10240x128xf32, #tpu.memory_space<hbm>> -> memref<640x128xf32, #tpu.memory_space<hbm>>
        %dma_start3A_56 = arith.constant 0 : i32
        %dma_start3A_57 = tpu.memref_slice %arg19[%mul3A_2, %dma_start3A_56] : memref<10240x128xf32, #tpu.memory_space<vmem_shared>> -> memref<640x128xf32, #tpu.memory_space<vmem_shared>>
        tpu.enqueue_dma source(%dma_start3A_57 : memref<640x128xf32, #tpu.memory_space<vmem_shared>>) target(%dma_start3A_55 : memref<640x128xf32, #tpu.memory_space<hbm>>) target_semaphore(%run_scoped3A : memref<!tpu.dma_semaphore, #tpu.memory_space<semaphore_mem>>)
        %dma_wait3A = arith.constant 0 : i32
        %dma_wait3A_58 = tpu.memref_slice %arg8[%mul3A_2, %dma_wait3A] : memref<10240x128xf32, #tpu.memory_space<hbm>> -> memref<640x128xf32, #tpu.memory_space<hbm>>
        %dma_wait3A_59 = arith.constant 0 : i32
        %dma_wait3A_60 = tpu.memref_slice %arg19[%mul3A_2, %dma_wait3A_59] : memref<10240x128xf32, #tpu.memory_space<vmem_shared>> -> memref<640x128xf32, #tpu.memory_space<vmem_shared>>
        tpu.wait_dma2 semaphore(%run_scoped3A : memref<!tpu.dma_semaphore, #tpu.memory_space<semaphore_mem>>) src(%dma_wait3A_60 : memref<640x128xf32, #tpu.memory_space<vmem_shared>>) dst(%dma_wait3A_58 : memref<640x128xf32, #tpu.memory_space<hbm>>)
        tpu.yield
      }) : () -> ()
    } else {
    }
    %barrier3A_12 = arith.constant 0 : index
    tpu.barrier barrier_id(%barrier3A_12)
    %eq3A_13 = arith.constant 1 : i32
    %eq3A_14 = arith.cmpi eq, %arg0, %eq3A_13 : i32
    %convert_element_type3A_15 = arith.extui %eq3A_14 : i1 to i32
    %cond3A_16 = arith.constant 0 : i32
    %cond3A_17 = arith.cmpi ne, %convert_element_type3A_15, %cond3A_16 : i32
    scf.if %cond3A_17 {
      "tpu.region"() ({
        %run_scoped3A = tpu.sem_alloc : memref<!tpu.dma_semaphore, #tpu.memory_space<semaphore_mem>>
        %dma_start3A = arith.constant 0 : i32
        %dma_start3A_55 = tpu.memref_slice %arg19[%mul3A_2, %dma_start3A] : memref<10240x128xf32, #tpu.memory_space<vmem_shared>> -> memref<640x128xf32, #tpu.memory_space<vmem_shared>>
        %dma_start3A_56 = arith.constant 0 : i32
        %dma_start3A_57 = tpu.memref_slice %arg3[%mul3A_2, %dma_start3A_56] : memref<10240x128xf32, #tpu.memory_space<hbm>> -> memref<640x128xf32, #tpu.memory_space<hbm>>
        tpu.enqueue_dma source(%dma_start3A_57 : memref<640x128xf32, #tpu.memory_space<hbm>>) target(%dma_start3A_55 : memref<640x128xf32, #tpu.memory_space<vmem_shared>>) target_semaphore(%run_scoped3A : memref<!tpu.dma_semaphore, #tpu.memory_space<semaphore_mem>>)
        %dma_wait3A = arith.constant 0 : i32
        %dma_wait3A_58 = tpu.memref_slice %arg19[%mul3A_2, %dma_wait3A] : memref<10240x128xf32, #tpu.memory_space<vmem_shared>> -> memref<640x128xf32, #tpu.memory_space<vmem_shared>>
        %dma_wait3A_59 = arith.constant 0 : i32
        %dma_wait3A_60 = tpu.memref_slice %arg3[%mul3A_2, %dma_wait3A_59] : memref<10240x128xf32, #tpu.memory_space<hbm>> -> memref<640x128xf32, #tpu.memory_space<hbm>>
        tpu.wait_dma2 semaphore(%run_scoped3A : memref<!tpu.dma_semaphore, #tpu.memory_space<semaphore_mem>>) src(%dma_wait3A_60 : memref<640x128xf32, #tpu.memory_space<hbm>>) dst(%dma_wait3A_58 : memref<640x128xf32, #tpu.memory_space<vmem_shared>>)
        tpu.yield
      }) : () -> ()
    } else {
    }
    %barrier3A_18 = arith.constant 0 : index
    tpu.barrier barrier_id(%barrier3A_18)
    %convert_element_type3A_19 = arith.extui %eq3A_14 : i1 to i32
    %cond3A_20 = arith.constant 0 : i32
    %cond3A_21 = arith.cmpi ne, %convert_element_type3A_19, %cond3A_20 : i32
    scf.if %cond3A_21 {
      %add3A = arith.constant 0 : i32
      %add3A_55 = arith.addi %mul3A_0, %add3A : i32
      %multiple_of3A = tpu.assume_multiple %add3A_55, 8 : i32
      "tpu.region"() ({
        %run_scoped3A = tpu.sem_alloc : memref<!tpu.dma_semaphore, #tpu.memory_space<semaphore_mem>>
        %dma_start3A_72 = tpu.memref_slice %arg6[%multiple_of3A] : memref<160000xi32, #tpu.memory_space<hbm>> -> memref<80xi32, #tpu.memory_space<hbm>>
        %dma_start3A_73 = tpu.memref_slice %arg6[%multiple_of3A] : memref<160000xi32, #tpu.memory_space<hbm>> -> memref<80xi32, #tpu.memory_space<hbm>>
        tpu.enqueue_dma source(%dma_start3A_73 : memref<80xi32, #tpu.memory_space<hbm>>) target(%arg12 : memref<80xi32, #tpu.memory_space<vmem>>) target_semaphore(%run_scoped3A : memref<!tpu.dma_semaphore, #tpu.memory_space<semaphore_mem>>)
        %dma_wait3A_74 = tpu.memref_slice %arg6[%multiple_of3A] : memref<160000xi32, #tpu.memory_space<hbm>> -> memref<80xi32, #tpu.memory_space<hbm>>
        %dma_wait3A_75 = tpu.memref_slice %arg6[%multiple_of3A] : memref<160000xi32, #tpu.memory_space<hbm>> -> memref<80xi32, #tpu.memory_space<hbm>>
        tpu.wait_dma2 semaphore(%run_scoped3A : memref<!tpu.dma_semaphore, #tpu.memory_space<semaphore_mem>>) src(%dma_wait3A_75 : memref<80xi32, #tpu.memory_space<hbm>>) dst(%arg12 : memref<80xi32, #tpu.memory_space<vmem>>)
        tpu.yield
      }) : () -> ()
      %dma_start3A = arith.constant 0 : i32
      %dma_start3A_56 = arith.constant 0 : i32
      %dma_start3A_57 = tpu.memref_slice %arg3[%dma_start3A, %dma_start3A_56] : memref<10240x128xf32, #tpu.memory_space<hbm>> -> memref<10240x128xf32, #tpu.memory_space<hbm>>
      tpu.enqueue_indirect_dma source(%dma_start3A_57 : memref<10240x128xf32, #tpu.memory_space<hbm>>) target(%arg15 : memref<80x128xf32, #tpu.memory_space<vmem>>) offsets(%arg12 : memref<80xi32, #tpu.memory_space<vmem>>) semaphore(%arg17 : memref<!tpu.dma_semaphore, #tpu.memory_space<semaphore_mem>>)
      %scan3A = arith.constant 0 : i32
      %scan3A_58 = arith.constant 0 : i32
      %scan3A_59 = arith.constant 62 : i32
      %scan3A_60 = arith.addi %scan3A_58, %scan3A_59 : i32
      %scan3A_61 = arith.constant 1 : i32
      %scan3A_62 = scf.for %scan3A_72 = %scan3A_58 to %scan3A_60 step %scan3A_61 iter_args(%scan3A_73 = %scan3A) -> (i32)  : i32 {
        %mul3A_74 = arith.constant 2 : i32
        %mul3A_75 = arith.muli %mul3A_74, %scan3A_72 : i32
        %add3A_76 = arith.constant 1 : i32
        %add3A_77 = arith.addi %mul3A_75, %add3A_76 : i32
        %mul3A_78 = arith.constant 80 : i32
        %mul3A_79 = arith.muli %add3A_77, %mul3A_78 : i32
        %add3A_80 = arith.addi %mul3A_0, %mul3A_79 : i32
        %multiple_of3A_81 = tpu.assume_multiple %add3A_80, 8 : i32
        "tpu.region"() ({
          %run_scoped3A = tpu.sem_alloc : memref<!tpu.dma_semaphore, #tpu.memory_space<semaphore_mem>>
          %dma_start3A_117 = tpu.memref_slice %arg6[%multiple_of3A_81] : memref<160000xi32, #tpu.memory_space<hbm>> -> memref<80xi32, #tpu.memory_space<hbm>>
          %dma_start3A_118 = tpu.memref_slice %arg6[%multiple_of3A_81] : memref<160000xi32, #tpu.memory_space<hbm>> -> memref<80xi32, #tpu.memory_space<hbm>>
          tpu.enqueue_dma source(%dma_start3A_118 : memref<80xi32, #tpu.memory_space<hbm>>) target(%arg13 : memref<80xi32, #tpu.memory_space<vmem>>) target_semaphore(%run_scoped3A : memref<!tpu.dma_semaphore, #tpu.memory_space<semaphore_mem>>)
          %dma_wait3A_119 = tpu.memref_slice %arg6[%multiple_of3A_81] : memref<160000xi32, #tpu.memory_space<hbm>> -> memref<80xi32, #tpu.memory_space<hbm>>
          %dma_wait3A_120 = tpu.memref_slice %arg6[%multiple_of3A_81] : memref<160000xi32, #tpu.memory_space<hbm>> -> memref<80xi32, #tpu.memory_space<hbm>>
          tpu.wait_dma2 semaphore(%run_scoped3A : memref<!tpu.dma_semaphore, #tpu.memory_space<semaphore_mem>>) src(%dma_wait3A_120 : memref<80xi32, #tpu.memory_space<hbm>>) dst(%arg13 : memref<80xi32, #tpu.memory_space<vmem>>)
          tpu.yield
        }) : () -> ()
        %dma_start3A_82 = arith.constant 0 : i32
        %dma_start3A_83 = arith.constant 0 : i32
        %dma_start3A_84 = tpu.memref_slice %arg3[%dma_start3A_82, %dma_start3A_83] : memref<10240x128xf32, #tpu.memory_space<hbm>> -> memref<10240x128xf32, #tpu.memory_space<hbm>>
        tpu.enqueue_indirect_dma source(%dma_start3A_84 : memref<10240x128xf32, #tpu.memory_space<hbm>>) target(%arg16 : memref<80x128xf32, #tpu.memory_space<vmem>>) offsets(%arg13 : memref<80xi32, #tpu.memory_space<vmem>>) semaphore(%arg18 : memref<!tpu.dma_semaphore, #tpu.memory_space<semaphore_mem>>)
        %dma_wait3A_85 = arith.constant 0 : i32
        %dma_wait3A_86 = arith.constant 0 : i32
        %dma_wait3A_87 = tpu.memref_slice %arg3[%dma_wait3A_85, %dma_wait3A_86] : memref<10240x128xf32, #tpu.memory_space<hbm>> -> memref<80x128xf32, #tpu.memory_space<hbm>>
        %dma_wait3A_88 = arith.constant 0 : i32
        %dma_wait3A_89 = arith.constant 0 : i32
        %dma_wait3A_90 = tpu.memref_slice %arg3[%dma_wait3A_88, %dma_wait3A_89] : memref<10240x128xf32, #tpu.memory_space<hbm>> -> memref<80x128xf32, #tpu.memory_space<hbm>>
        tpu.wait_dma2 semaphore(%arg17 : memref<!tpu.dma_semaphore, #tpu.memory_space<semaphore_mem>>) src(%dma_wait3A_90 : memref<80x128xf32, #tpu.memory_space<hbm>>) dst(%arg15 : memref<80x128xf32, #tpu.memory_space<vmem>>)
        %mul3A_91 = arith.constant 80 : i32
        %mul3A_92 = arith.muli %mul3A_75, %mul3A_91 : i32
        %add3A_93 = arith.addi %mul3A_0, %mul3A_92 : i32
        %multiple_of3A_94 = tpu.assume_multiple %add3A_93, 8 : i32
        "tpu.region"() ({
          %run_scoped3A = tpu.sem_alloc : memref<!tpu.dma_semaphore, #tpu.memory_space<semaphore_mem>>
          %dma_start3A_117 = tpu.memref_slice %arg7[%multiple_of3A_94] : memref<160000xi32, #tpu.memory_space<hbm>> -> memref<80xi32, #tpu.memory_space<hbm>>
          %dma_start3A_118 = tpu.memref_slice %arg7[%multiple_of3A_94] : memref<160000xi32, #tpu.memory_space<hbm>> -> memref<80xi32, #tpu.memory_space<hbm>>
          tpu.enqueue_dma source(%dma_start3A_118 : memref<80xi32, #tpu.memory_space<hbm>>) target(%arg14 : memref<80xi32, #tpu.memory_space<vmem>>) target_semaphore(%run_scoped3A : memref<!tpu.dma_semaphore, #tpu.memory_space<semaphore_mem>>)
          %dma_wait3A_119 = tpu.memref_slice %arg7[%multiple_of3A_94] : memref<160000xi32, #tpu.memory_space<hbm>> -> memref<80xi32, #tpu.memory_space<hbm>>
          %dma_wait3A_120 = tpu.memref_slice %arg7[%multiple_of3A_94] : memref<160000xi32, #tpu.memory_space<hbm>> -> memref<80xi32, #tpu.memory_space<hbm>>
          tpu.wait_dma2 semaphore(%run_scoped3A : memref<!tpu.dma_semaphore, #tpu.memory_space<semaphore_mem>>) src(%dma_wait3A_120 : memref<80xi32, #tpu.memory_space<hbm>>) dst(%arg14 : memref<80xi32, #tpu.memory_space<vmem>>)
          tpu.yield
        }) : () -> ()
        "tpu.region"() ({
          %run_scoped3A = tpu.sem_alloc : memref<!tpu.dma_semaphore, #tpu.memory_space<semaphore_mem>>
          %dma_start3A_117 = arith.constant 0 : i32
          %dma_start3A_118 = arith.constant 0 : i32
          %dma_start3A_119 = tpu.memref_slice %arg19[%dma_start3A_117, %dma_start3A_118] : memref<10240x128xf32, #tpu.memory_space<vmem_shared>> -> memref<10240x128xf32, #tpu.memory_space<vmem_shared>>
          tpu.enqueue_indirect_dma source(%arg15 : memref<80x128xf32, #tpu.memory_space<vmem>>) target(%dma_start3A_119 : memref<10240x128xf32, #tpu.memory_space<vmem_shared>>) offsets(%arg14 : memref<80xi32, #tpu.memory_space<vmem>>) semaphore(%run_scoped3A : memref<!tpu.dma_semaphore, #tpu.memory_space<semaphore_mem>>) {add = true}
          %dma_wait3A_120 = arith.constant 0 : i32
          %dma_wait3A_121 = arith.constant 0 : i32
          %dma_wait3A_122 = tpu.memref_slice %arg19[%dma_wait3A_120, %dma_wait3A_121] : memref<10240x128xf32, #tpu.memory_space<vmem_shared>> -> memref<10240x128xf32, #tpu.memory_space<vmem_shared>>
          tpu.wait_indirect_dma semaphore(%run_scoped3A : memref<!tpu.dma_semaphore, #tpu.memory_space<semaphore_mem>>) src(%arg15 : memref<80x128xf32, #tpu.memory_space<vmem>>) dst(%dma_wait3A_122 : memref<10240x128xf32, #tpu.memory_space<vmem_shared>>)
          tpu.yield
        }) : () -> ()
        %add3A_95 = arith.constant 2 : i32
        %add3A_96 = arith.addi %mul3A_75, %add3A_95 : i32
        %mul3A_97 = arith.constant 80 : i32
        %mul3A_98 = arith.muli %add3A_96, %mul3A_97 : i32
        %add3A_99 = arith.addi %mul3A_0, %mul3A_98 : i32
        %multiple_of3A_100 = tpu.assume_multiple %add3A_99, 8 : i32
        "tpu.region"() ({
          %run_scoped3A = tpu.sem_alloc : memref<!tpu.dma_semaphore, #tpu.memory_space<semaphore_mem>>
          %dma_start3A_117 = tpu.memref_slice %arg6[%multiple_of3A_100] : memref<160000xi32, #tpu.memory_space<hbm>> -> memref<80xi32, #tpu.memory_space<hbm>>
          %dma_start3A_118 = tpu.memref_slice %arg6[%multiple_of3A_100] : memref<160000xi32, #tpu.memory_space<hbm>> -> memref<80xi32, #tpu.memory_space<hbm>>
          tpu.enqueue_dma source(%dma_start3A_118 : memref<80xi32, #tpu.memory_space<hbm>>) target(%arg12 : memref<80xi32, #tpu.memory_space<vmem>>) target_semaphore(%run_scoped3A : memref<!tpu.dma_semaphore, #tpu.memory_space<semaphore_mem>>)
          %dma_wait3A_119 = tpu.memref_slice %arg6[%multiple_of3A_100] : memref<160000xi32, #tpu.memory_space<hbm>> -> memref<80xi32, #tpu.memory_space<hbm>>
          %dma_wait3A_120 = tpu.memref_slice %arg6[%multiple_of3A_100] : memref<160000xi32, #tpu.memory_space<hbm>> -> memref<80xi32, #tpu.memory_space<hbm>>
          tpu.wait_dma2 semaphore(%run_scoped3A : memref<!tpu.dma_semaphore, #tpu.memory_space<semaphore_mem>>) src(%dma_wait3A_120 : memref<80xi32, #tpu.memory_space<hbm>>) dst(%arg12 : memref<80xi32, #tpu.memory_space<vmem>>)
          tpu.yield
        }) : () -> ()
        %dma_start3A_101 = arith.constant 0 : i32
        %dma_start3A_102 = arith.constant 0 : i32
        %dma_start3A_103 = tpu.memref_slice %arg3[%dma_start3A_101, %dma_start3A_102] : memref<10240x128xf32, #tpu.memory_space<hbm>> -> memref<10240x128xf32, #tpu.memory_space<hbm>>
        tpu.enqueue_indirect_dma source(%dma_start3A_103 : memref<10240x128xf32, #tpu.memory_space<hbm>>) target(%arg15 : memref<80x128xf32, #tpu.memory_space<vmem>>) offsets(%arg12 : memref<80xi32, #tpu.memory_space<vmem>>) semaphore(%arg17 : memref<!tpu.dma_semaphore, #tpu.memory_space<semaphore_mem>>)
        %dma_wait3A_104 = arith.constant 0 : i32
        %dma_wait3A_105 = arith.constant 0 : i32
        %dma_wait3A_106 = tpu.memref_slice %arg3[%dma_wait3A_104, %dma_wait3A_105] : memref<10240x128xf32, #tpu.memory_space<hbm>> -> memref<80x128xf32, #tpu.memory_space<hbm>>
        %dma_wait3A_107 = arith.constant 0 : i32
        %dma_wait3A_108 = arith.constant 0 : i32
        %dma_wait3A_109 = tpu.memref_slice %arg3[%dma_wait3A_107, %dma_wait3A_108] : memref<10240x128xf32, #tpu.memory_space<hbm>> -> memref<80x128xf32, #tpu.memory_space<hbm>>
        tpu.wait_dma2 semaphore(%arg18 : memref<!tpu.dma_semaphore, #tpu.memory_space<semaphore_mem>>) src(%dma_wait3A_109 : memref<80x128xf32, #tpu.memory_space<hbm>>) dst(%arg16 : memref<80x128xf32, #tpu.memory_space<vmem>>)
        %add3A_110 = arith.constant 1 : i32
        %add3A_111 = arith.addi %mul3A_75, %add3A_110 : i32
        %mul3A_112 = arith.constant 80 : i32
        %mul3A_113 = arith.muli %add3A_111, %mul3A_112 : i32
        %add3A_114 = arith.addi %mul3A_0, %mul3A_113 : i32
        %multiple_of3A_115 = tpu.assume_multiple %add3A_114, 8 : i32
        "tpu.region"() ({
          %run_scoped3A = tpu.sem_alloc : memref<!tpu.dma_semaphore, #tpu.memory_space<semaphore_mem>>
          %dma_start3A_117 = tpu.memref_slice %arg7[%multiple_of3A_115] : memref<160000xi32, #tpu.memory_space<hbm>> -> memref<80xi32, #tpu.memory_space<hbm>>
          %dma_start3A_118 = tpu.memref_slice %arg7[%multiple_of3A_115] : memref<160000xi32, #tpu.memory_space<hbm>> -> memref<80xi32, #tpu.memory_space<hbm>>
          tpu.enqueue_dma source(%dma_start3A_118 : memref<80xi32, #tpu.memory_space<hbm>>) target(%arg14 : memref<80xi32, #tpu.memory_space<vmem>>) target_semaphore(%run_scoped3A : memref<!tpu.dma_semaphore, #tpu.memory_space<semaphore_mem>>)
          %dma_wait3A_119 = tpu.memref_slice %arg7[%multiple_of3A_115] : memref<160000xi32, #tpu.memory_space<hbm>> -> memref<80xi32, #tpu.memory_space<hbm>>
          %dma_wait3A_120 = tpu.memref_slice %arg7[%multiple_of3A_115] : memref<160000xi32, #tpu.memory_space<hbm>> -> memref<80xi32, #tpu.memory_space<hbm>>
          tpu.wait_dma2 semaphore(%run_scoped3A : memref<!tpu.dma_semaphore, #tpu.memory_space<semaphore_mem>>) src(%dma_wait3A_120 : memref<80xi32, #tpu.memory_space<hbm>>) dst(%arg14 : memref<80xi32, #tpu.memory_space<vmem>>)
          tpu.yield
        }) : () -> ()
        "tpu.region"() ({
          %run_scoped3A = tpu.sem_alloc : memref<!tpu.dma_semaphore, #tpu.memory_space<semaphore_mem>>
          %dma_start3A_117 = arith.constant 0 : i32
          %dma_start3A_118 = arith.constant 0 : i32
          %dma_start3A_119 = tpu.memref_slice %arg19[%dma_start3A_117, %dma_start3A_118] : memref<10240x128xf32, #tpu.memory_space<vmem_shared>> -> memref<10240x128xf32, #tpu.memory_space<vmem_shared>>
          tpu.enqueue_indirect_dma source(%arg16 : memref<80x128xf32, #tpu.memory_space<vmem>>) target(%dma_start3A_119 : memref<10240x128xf32, #tpu.memory_space<vmem_shared>>) offsets(%arg14 : memref<80xi32, #tpu.memory_space<vmem>>) semaphore(%run_scoped3A : memref<!tpu.dma_semaphore, #tpu.memory_space<semaphore_mem>>) {add = true}
          %dma_wait3A_120 = arith.constant 0 : i32
          %dma_wait3A_121 = arith.constant 0 : i32
          %dma_wait3A_122 = tpu.memref_slice %arg19[%dma_wait3A_120, %dma_wait3A_121] : memref<10240x128xf32, #tpu.memory_space<vmem_shared>> -> memref<10240x128xf32, #tpu.memory_space<vmem_shared>>
          tpu.wait_indirect_dma semaphore(%run_scoped3A : memref<!tpu.dma_semaphore, #tpu.memory_space<semaphore_mem>>) src(%arg16 : memref<80x128xf32, #tpu.memory_space<vmem>>) dst(%dma_wait3A_122 : memref<10240x128xf32, #tpu.memory_space<vmem_shared>>)
          tpu.yield
        }) : () -> ()
        %scan3A_116 = arith.constant 0 : i32
        scf.yield %scan3A_116 : i32
      }
      %scan3A_63 = arith.constant 62 : i32
      %dma_wait3A = arith.constant 0 : i32
      %dma_wait3A_64 = arith.constant 0 : i32
      %dma_wait3A_65 = tpu.memref_slice %arg3[%dma_wait3A, %dma_wait3A_64] : memref<10240x128xf32, #tpu.memory_space<hbm>> -> memref<80x128xf32, #tpu.memory_space<hbm>>
      %dma_wait3A_66 = arith.constant 0 : i32
      %dma_wait3A_67 = arith.constant 0 : i32
      %dma_wait3A_68 = tpu.memref_slice %arg3[%dma_wait3A_66, %dma_wait3A_67] : memref<10240x128xf32, #tpu.memory_space<hbm>> -> memref<80x128xf32, #tpu.memory_space<hbm>>
      tpu.wait_dma2 semaphore(%arg17 : memref<!tpu.dma_semaphore, #tpu.memory_space<semaphore_mem>>) src(%dma_wait3A_68 : memref<80x128xf32, #tpu.memory_space<hbm>>) dst(%arg15 : memref<80x128xf32, #tpu.memory_space<vmem>>)
      %add3A_69 = arith.constant 9920 : i32
      %add3A_70 = arith.addi %mul3A_0, %add3A_69 : i32
      %multiple_of3A_71 = tpu.assume_multiple %add3A_70, 8 : i32
      "tpu.region"() ({
        %run_scoped3A = tpu.sem_alloc : memref<!tpu.dma_semaphore, #tpu.memory_space<semaphore_mem>>
        %dma_start3A_72 = tpu.memref_slice %arg7[%multiple_of3A_71] : memref<160000xi32, #tpu.memory_space<hbm>> -> memref<80xi32, #tpu.memory_space<hbm>>
        %dma_start3A_73 = tpu.memref_slice %arg7[%multiple_of3A_71] : memref<160000xi32, #tpu.memory_space<hbm>> -> memref<80xi32, #tpu.memory_space<hbm>>
        tpu.enqueue_dma source(%dma_start3A_73 : memref<80xi32, #tpu.memory_space<hbm>>) target(%arg14 : memref<80xi32, #tpu.memory_space<vmem>>) target_semaphore(%run_scoped3A : memref<!tpu.dma_semaphore, #tpu.memory_space<semaphore_mem>>)
        %dma_wait3A_74 = tpu.memref_slice %arg7[%multiple_of3A_71] : memref<160000xi32, #tpu.memory_space<hbm>> -> memref<80xi32, #tpu.memory_space<hbm>>
        %dma_wait3A_75 = tpu.memref_slice %arg7[%multiple_of3A_71] : memref<160000xi32, #tpu.memory_space<hbm>> -> memref<80xi32, #tpu.memory_space<hbm>>
        tpu.wait_dma2 semaphore(%run_scoped3A : memref<!tpu.dma_semaphore, #tpu.memory_space<semaphore_mem>>) src(%dma_wait3A_75 : memref<80xi32, #tpu.memory_space<hbm>>) dst(%arg14 : memref<80xi32, #tpu.memory_space<vmem>>)
        tpu.yield
      }) : () -> ()
      "tpu.region"() ({
        %run_scoped3A = tpu.sem_alloc : memref<!tpu.dma_semaphore, #tpu.memory_space<semaphore_mem>>
        %dma_start3A_72 = arith.constant 0 : i32
        %dma_start3A_73 = arith.constant 0 : i32
        %dma_start3A_74 = tpu.memref_slice %arg19[%dma_start3A_72, %dma_start3A_73] : memref<10240x128xf32, #tpu.memory_space<vmem_shared>> -> memref<10240x128xf32, #tpu.memory_space<vmem_shared>>
        tpu.enqueue_indirect_dma source(%arg15 : memref<80x128xf32, #tpu.memory_space<vmem>>) target(%dma_start3A_74 : memref<10240x128xf32, #tpu.memory_space<vmem_shared>>) offsets(%arg14 : memref<80xi32, #tpu.memory_space<vmem>>) semaphore(%run_scoped3A : memref<!tpu.dma_semaphore, #tpu.memory_space<semaphore_mem>>) {add = true}
        %dma_wait3A_75 = arith.constant 0 : i32
        %dma_wait3A_76 = arith.constant 0 : i32
        %dma_wait3A_77 = tpu.memref_slice %arg19[%dma_wait3A_75, %dma_wait3A_76] : memref<10240x128xf32, #tpu.memory_space<vmem_shared>> -> memref<10240x128xf32, #tpu.memory_space<vmem_shared>>
        tpu.wait_indirect_dma semaphore(%run_scoped3A : memref<!tpu.dma_semaphore, #tpu.memory_space<semaphore_mem>>) src(%arg15 : memref<80x128xf32, #tpu.memory_space<vmem>>) dst(%dma_wait3A_77 : memref<10240x128xf32, #tpu.memory_space<vmem_shared>>)
        tpu.yield
      }) : () -> ()
    } else {
    }
    %barrier3A_22 = arith.constant 0 : index
    tpu.barrier barrier_id(%barrier3A_22)
    %convert_element_type3A_23 = arith.extui %eq3A_14 : i1 to i32
    %cond3A_24 = arith.constant 0 : i32
    %cond3A_25 = arith.cmpi ne, %convert_element_type3A_23, %cond3A_24 : i32
    scf.if %cond3A_25 {
      "tpu.region"() ({
        %run_scoped3A = tpu.sem_alloc : memref<!tpu.dma_semaphore, #tpu.memory_space<semaphore_mem>>
        %dma_start3A = arith.constant 0 : i32
        %dma_start3A_55 = tpu.memref_slice %arg9[%mul3A_2, %dma_start3A] : memref<10240x128xf32, #tpu.memory_space<hbm>> -> memref<640x128xf32, #tpu.memory_space<hbm>>
        %dma_start3A_56 = arith.constant 0 : i32
        %dma_start3A_57 = tpu.memref_slice %arg19[%mul3A_2, %dma_start3A_56] : memref<10240x128xf32, #tpu.memory_space<vmem_shared>> -> memref<640x128xf32, #tpu.memory_space<vmem_shared>>
        tpu.enqueue_dma source(%dma_start3A_57 : memref<640x128xf32, #tpu.memory_space<vmem_shared>>) target(%dma_start3A_55 : memref<640x128xf32, #tpu.memory_space<hbm>>) target_semaphore(%run_scoped3A : memref<!tpu.dma_semaphore, #tpu.memory_space<semaphore_mem>>)
        %dma_wait3A = arith.constant 0 : i32
        %dma_wait3A_58 = tpu.memref_slice %arg9[%mul3A_2, %dma_wait3A] : memref<10240x128xf32, #tpu.memory_space<hbm>> -> memref<640x128xf32, #tpu.memory_space<hbm>>
        %dma_wait3A_59 = arith.constant 0 : i32
        %dma_wait3A_60 = tpu.memref_slice %arg19[%mul3A_2, %dma_wait3A_59] : memref<10240x128xf32, #tpu.memory_space<vmem_shared>> -> memref<640x128xf32, #tpu.memory_space<vmem_shared>>
        tpu.wait_dma2 semaphore(%run_scoped3A : memref<!tpu.dma_semaphore, #tpu.memory_space<semaphore_mem>>) src(%dma_wait3A_60 : memref<640x128xf32, #tpu.memory_space<vmem_shared>>) dst(%dma_wait3A_58 : memref<640x128xf32, #tpu.memory_space<hbm>>)
        tpu.yield
      }) : () -> ()
    } else {
    }
    %barrier3A_26 = arith.constant 0 : index
    tpu.barrier barrier_id(%barrier3A_26)
    %eq3A_27 = arith.constant 0 : i32
    %eq3A_28 = arith.cmpi eq, %arg0, %eq3A_27 : i32
    %convert_element_type3A_29 = arith.extui %eq3A_28 : i1 to i32
    %cond3A_30 = arith.constant 0 : i32
    %cond3A_31 = arith.cmpi ne, %convert_element_type3A_29, %cond3A_30 : i32
    scf.if %cond3A_31 {
      "tpu.region"() ({
        %run_scoped3A = tpu.sem_alloc : memref<!tpu.dma_semaphore, #tpu.memory_space<semaphore_mem>>
        %dma_start3A = arith.constant 0 : i32
        %dma_start3A_55 = tpu.memref_slice %arg19[%mul3A_2, %dma_start3A] : memref<10240x128xf32, #tpu.memory_space<vmem_shared>> -> memref<640x128xf32, #tpu.memory_space<vmem_shared>>
        %dma_start3A_56 = arith.constant 0 : i32
        %dma_start3A_57 = tpu.memref_slice %arg4[%mul3A_2, %dma_start3A_56] : memref<10240x128xf32, #tpu.memory_space<hbm>> -> memref<640x128xf32, #tpu.memory_space<hbm>>
        tpu.enqueue_dma source(%dma_start3A_57 : memref<640x128xf32, #tpu.memory_space<hbm>>) target(%dma_start3A_55 : memref<640x128xf32, #tpu.memory_space<vmem_shared>>) target_semaphore(%run_scoped3A : memref<!tpu.dma_semaphore, #tpu.memory_space<semaphore_mem>>)
        %dma_wait3A = arith.constant 0 : i32
        %dma_wait3A_58 = tpu.memref_slice %arg19[%mul3A_2, %dma_wait3A] : memref<10240x128xf32, #tpu.memory_space<vmem_shared>> -> memref<640x128xf32, #tpu.memory_space<vmem_shared>>
        %dma_wait3A_59 = arith.constant 0 : i32
        %dma_wait3A_60 = tpu.memref_slice %arg4[%mul3A_2, %dma_wait3A_59] : memref<10240x128xf32, #tpu.memory_space<hbm>> -> memref<640x128xf32, #tpu.memory_space<hbm>>
        tpu.wait_dma2 semaphore(%run_scoped3A : memref<!tpu.dma_semaphore, #tpu.memory_space<semaphore_mem>>) src(%dma_wait3A_60 : memref<640x128xf32, #tpu.memory_space<hbm>>) dst(%dma_wait3A_58 : memref<640x128xf32, #tpu.memory_space<vmem_shared>>)
        tpu.yield
      }) : () -> ()
    } else {
    }
    %barrier3A_32 = arith.constant 0 : index
    tpu.barrier barrier_id(%barrier3A_32)
    %convert_element_type3A_33 = arith.extui %eq3A_28 : i1 to i32
    %cond3A_34 = arith.constant 0 : i32
    %cond3A_35 = arith.cmpi ne, %convert_element_type3A_33, %cond3A_34 : i32
    scf.if %cond3A_35 {
      %add3A = arith.constant 0 : i32
      %add3A_55 = arith.addi %mul3A_0, %add3A : i32
      %multiple_of3A = tpu.assume_multiple %add3A_55, 8 : i32
      "tpu.region"() ({
        %run_scoped3A = tpu.sem_alloc : memref<!tpu.dma_semaphore, #tpu.memory_space<semaphore_mem>>
        %dma_start3A_72 = tpu.memref_slice %arg6[%multiple_of3A] : memref<160000xi32, #tpu.memory_space<hbm>> -> memref<80xi32, #tpu.memory_space<hbm>>
        %dma_start3A_73 = tpu.memref_slice %arg6[%multiple_of3A] : memref<160000xi32, #tpu.memory_space<hbm>> -> memref<80xi32, #tpu.memory_space<hbm>>
        tpu.enqueue_dma source(%dma_start3A_73 : memref<80xi32, #tpu.memory_space<hbm>>) target(%arg12 : memref<80xi32, #tpu.memory_space<vmem>>) target_semaphore(%run_scoped3A : memref<!tpu.dma_semaphore, #tpu.memory_space<semaphore_mem>>)
        %dma_wait3A_74 = tpu.memref_slice %arg6[%multiple_of3A] : memref<160000xi32, #tpu.memory_space<hbm>> -> memref<80xi32, #tpu.memory_space<hbm>>
        %dma_wait3A_75 = tpu.memref_slice %arg6[%multiple_of3A] : memref<160000xi32, #tpu.memory_space<hbm>> -> memref<80xi32, #tpu.memory_space<hbm>>
        tpu.wait_dma2 semaphore(%run_scoped3A : memref<!tpu.dma_semaphore, #tpu.memory_space<semaphore_mem>>) src(%dma_wait3A_75 : memref<80xi32, #tpu.memory_space<hbm>>) dst(%arg12 : memref<80xi32, #tpu.memory_space<vmem>>)
        tpu.yield
      }) : () -> ()
      %dma_start3A = arith.constant 0 : i32
      %dma_start3A_56 = arith.constant 0 : i32
      %dma_start3A_57 = tpu.memref_slice %arg4[%dma_start3A, %dma_start3A_56] : memref<10240x128xf32, #tpu.memory_space<hbm>> -> memref<10240x128xf32, #tpu.memory_space<hbm>>
      tpu.enqueue_indirect_dma source(%dma_start3A_57 : memref<10240x128xf32, #tpu.memory_space<hbm>>) target(%arg15 : memref<80x128xf32, #tpu.memory_space<vmem>>) offsets(%arg12 : memref<80xi32, #tpu.memory_space<vmem>>) semaphore(%arg17 : memref<!tpu.dma_semaphore, #tpu.memory_space<semaphore_mem>>)
      %scan3A = arith.constant 0 : i32
      %scan3A_58 = arith.constant 0 : i32
      %scan3A_59 = arith.constant 62 : i32
      %scan3A_60 = arith.addi %scan3A_58, %scan3A_59 : i32
      %scan3A_61 = arith.constant 1 : i32
      %scan3A_62 = scf.for %scan3A_72 = %scan3A_58 to %scan3A_60 step %scan3A_61 iter_args(%scan3A_73 = %scan3A) -> (i32)  : i32 {
        %mul3A_74 = arith.constant 2 : i32
        %mul3A_75 = arith.muli %mul3A_74, %scan3A_72 : i32
        %add3A_76 = arith.constant 1 : i32
        %add3A_77 = arith.addi %mul3A_75, %add3A_76 : i32
        %mul3A_78 = arith.constant 80 : i32
        %mul3A_79 = arith.muli %add3A_77, %mul3A_78 : i32
        %add3A_80 = arith.addi %mul3A_0, %mul3A_79 : i32
        %multiple_of3A_81 = tpu.assume_multiple %add3A_80, 8 : i32
        "tpu.region"() ({
          %run_scoped3A = tpu.sem_alloc : memref<!tpu.dma_semaphore, #tpu.memory_space<semaphore_mem>>
          %dma_start3A_117 = tpu.memref_slice %arg6[%multiple_of3A_81] : memref<160000xi32, #tpu.memory_space<hbm>> -> memref<80xi32, #tpu.memory_space<hbm>>
          %dma_start3A_118 = tpu.memref_slice %arg6[%multiple_of3A_81] : memref<160000xi32, #tpu.memory_space<hbm>> -> memref<80xi32, #tpu.memory_space<hbm>>
          tpu.enqueue_dma source(%dma_start3A_118 : memref<80xi32, #tpu.memory_space<hbm>>) target(%arg13 : memref<80xi32, #tpu.memory_space<vmem>>) target_semaphore(%run_scoped3A : memref<!tpu.dma_semaphore, #tpu.memory_space<semaphore_mem>>)
          %dma_wait3A_119 = tpu.memref_slice %arg6[%multiple_of3A_81] : memref<160000xi32, #tpu.memory_space<hbm>> -> memref<80xi32, #tpu.memory_space<hbm>>
          %dma_wait3A_120 = tpu.memref_slice %arg6[%multiple_of3A_81] : memref<160000xi32, #tpu.memory_space<hbm>> -> memref<80xi32, #tpu.memory_space<hbm>>
          tpu.wait_dma2 semaphore(%run_scoped3A : memref<!tpu.dma_semaphore, #tpu.memory_space<semaphore_mem>>) src(%dma_wait3A_120 : memref<80xi32, #tpu.memory_space<hbm>>) dst(%arg13 : memref<80xi32, #tpu.memory_space<vmem>>)
          tpu.yield
        }) : () -> ()
        %dma_start3A_82 = arith.constant 0 : i32
        %dma_start3A_83 = arith.constant 0 : i32
        %dma_start3A_84 = tpu.memref_slice %arg4[%dma_start3A_82, %dma_start3A_83] : memref<10240x128xf32, #tpu.memory_space<hbm>> -> memref<10240x128xf32, #tpu.memory_space<hbm>>
        tpu.enqueue_indirect_dma source(%dma_start3A_84 : memref<10240x128xf32, #tpu.memory_space<hbm>>) target(%arg16 : memref<80x128xf32, #tpu.memory_space<vmem>>) offsets(%arg13 : memref<80xi32, #tpu.memory_space<vmem>>) semaphore(%arg18 : memref<!tpu.dma_semaphore, #tpu.memory_space<semaphore_mem>>)
        %dma_wait3A_85 = arith.constant 0 : i32
        %dma_wait3A_86 = arith.constant 0 : i32
        %dma_wait3A_87 = tpu.memref_slice %arg4[%dma_wait3A_85, %dma_wait3A_86] : memref<10240x128xf32, #tpu.memory_space<hbm>> -> memref<80x128xf32, #tpu.memory_space<hbm>>
        %dma_wait3A_88 = arith.constant 0 : i32
        %dma_wait3A_89 = arith.constant 0 : i32
        %dma_wait3A_90 = tpu.memref_slice %arg4[%dma_wait3A_88, %dma_wait3A_89] : memref<10240x128xf32, #tpu.memory_space<hbm>> -> memref<80x128xf32, #tpu.memory_space<hbm>>
        tpu.wait_dma2 semaphore(%arg17 : memref<!tpu.dma_semaphore, #tpu.memory_space<semaphore_mem>>) src(%dma_wait3A_90 : memref<80x128xf32, #tpu.memory_space<hbm>>) dst(%arg15 : memref<80x128xf32, #tpu.memory_space<vmem>>)
        %mul3A_91 = arith.constant 80 : i32
        %mul3A_92 = arith.muli %mul3A_75, %mul3A_91 : i32
        %add3A_93 = arith.addi %mul3A_0, %mul3A_92 : i32
        %multiple_of3A_94 = tpu.assume_multiple %add3A_93, 8 : i32
        "tpu.region"() ({
          %run_scoped3A = tpu.sem_alloc : memref<!tpu.dma_semaphore, #tpu.memory_space<semaphore_mem>>
          %dma_start3A_117 = tpu.memref_slice %arg7[%multiple_of3A_94] : memref<160000xi32, #tpu.memory_space<hbm>> -> memref<80xi32, #tpu.memory_space<hbm>>
          %dma_start3A_118 = tpu.memref_slice %arg7[%multiple_of3A_94] : memref<160000xi32, #tpu.memory_space<hbm>> -> memref<80xi32, #tpu.memory_space<hbm>>
          tpu.enqueue_dma source(%dma_start3A_118 : memref<80xi32, #tpu.memory_space<hbm>>) target(%arg14 : memref<80xi32, #tpu.memory_space<vmem>>) target_semaphore(%run_scoped3A : memref<!tpu.dma_semaphore, #tpu.memory_space<semaphore_mem>>)
          %dma_wait3A_119 = tpu.memref_slice %arg7[%multiple_of3A_94] : memref<160000xi32, #tpu.memory_space<hbm>> -> memref<80xi32, #tpu.memory_space<hbm>>
          %dma_wait3A_120 = tpu.memref_slice %arg7[%multiple_of3A_94] : memref<160000xi32, #tpu.memory_space<hbm>> -> memref<80xi32, #tpu.memory_space<hbm>>
          tpu.wait_dma2 semaphore(%run_scoped3A : memref<!tpu.dma_semaphore, #tpu.memory_space<semaphore_mem>>) src(%dma_wait3A_120 : memref<80xi32, #tpu.memory_space<hbm>>) dst(%arg14 : memref<80xi32, #tpu.memory_space<vmem>>)
          tpu.yield
        }) : () -> ()
        "tpu.region"() ({
          %run_scoped3A = tpu.sem_alloc : memref<!tpu.dma_semaphore, #tpu.memory_space<semaphore_mem>>
          %dma_start3A_117 = arith.constant 0 : i32
          %dma_start3A_118 = arith.constant 0 : i32
          %dma_start3A_119 = tpu.memref_slice %arg19[%dma_start3A_117, %dma_start3A_118] : memref<10240x128xf32, #tpu.memory_space<vmem_shared>> -> memref<10240x128xf32, #tpu.memory_space<vmem_shared>>
          tpu.enqueue_indirect_dma source(%arg15 : memref<80x128xf32, #tpu.memory_space<vmem>>) target(%dma_start3A_119 : memref<10240x128xf32, #tpu.memory_space<vmem_shared>>) offsets(%arg14 : memref<80xi32, #tpu.memory_space<vmem>>) semaphore(%run_scoped3A : memref<!tpu.dma_semaphore, #tpu.memory_space<semaphore_mem>>) {add = true}
          %dma_wait3A_120 = arith.constant 0 : i32
          %dma_wait3A_121 = arith.constant 0 : i32
          %dma_wait3A_122 = tpu.memref_slice %arg19[%dma_wait3A_120, %dma_wait3A_121] : memref<10240x128xf32, #tpu.memory_space<vmem_shared>> -> memref<10240x128xf32, #tpu.memory_space<vmem_shared>>
          tpu.wait_indirect_dma semaphore(%run_scoped3A : memref<!tpu.dma_semaphore, #tpu.memory_space<semaphore_mem>>) src(%arg15 : memref<80x128xf32, #tpu.memory_space<vmem>>) dst(%dma_wait3A_122 : memref<10240x128xf32, #tpu.memory_space<vmem_shared>>)
          tpu.yield
        }) : () -> ()
        %add3A_95 = arith.constant 2 : i32
        %add3A_96 = arith.addi %mul3A_75, %add3A_95 : i32
        %mul3A_97 = arith.constant 80 : i32
        %mul3A_98 = arith.muli %add3A_96, %mul3A_97 : i32
        %add3A_99 = arith.addi %mul3A_0, %mul3A_98 : i32
        %multiple_of3A_100 = tpu.assume_multiple %add3A_99, 8 : i32
        "tpu.region"() ({
          %run_scoped3A = tpu.sem_alloc : memref<!tpu.dma_semaphore, #tpu.memory_space<semaphore_mem>>
          %dma_start3A_117 = tpu.memref_slice %arg6[%multiple_of3A_100] : memref<160000xi32, #tpu.memory_space<hbm>> -> memref<80xi32, #tpu.memory_space<hbm>>
          %dma_start3A_118 = tpu.memref_slice %arg6[%multiple_of3A_100] : memref<160000xi32, #tpu.memory_space<hbm>> -> memref<80xi32, #tpu.memory_space<hbm>>
          tpu.enqueue_dma source(%dma_start3A_118 : memref<80xi32, #tpu.memory_space<hbm>>) target(%arg12 : memref<80xi32, #tpu.memory_space<vmem>>) target_semaphore(%run_scoped3A : memref<!tpu.dma_semaphore, #tpu.memory_space<semaphore_mem>>)
          %dma_wait3A_119 = tpu.memref_slice %arg6[%multiple_of3A_100] : memref<160000xi32, #tpu.memory_space<hbm>> -> memref<80xi32, #tpu.memory_space<hbm>>
          %dma_wait3A_120 = tpu.memref_slice %arg6[%multiple_of3A_100] : memref<160000xi32, #tpu.memory_space<hbm>> -> memref<80xi32, #tpu.memory_space<hbm>>
          tpu.wait_dma2 semaphore(%run_scoped3A : memref<!tpu.dma_semaphore, #tpu.memory_space<semaphore_mem>>) src(%dma_wait3A_120 : memref<80xi32, #tpu.memory_space<hbm>>) dst(%arg12 : memref<80xi32, #tpu.memory_space<vmem>>)
          tpu.yield
        }) : () -> ()
        %dma_start3A_101 = arith.constant 0 : i32
        %dma_start3A_102 = arith.constant 0 : i32
        %dma_start3A_103 = tpu.memref_slice %arg4[%dma_start3A_101, %dma_start3A_102] : memref<10240x128xf32, #tpu.memory_space<hbm>> -> memref<10240x128xf32, #tpu.memory_space<hbm>>
        tpu.enqueue_indirect_dma source(%dma_start3A_103 : memref<10240x128xf32, #tpu.memory_space<hbm>>) target(%arg15 : memref<80x128xf32, #tpu.memory_space<vmem>>) offsets(%arg12 : memref<80xi32, #tpu.memory_space<vmem>>) semaphore(%arg17 : memref<!tpu.dma_semaphore, #tpu.memory_space<semaphore_mem>>)
        %dma_wait3A_104 = arith.constant 0 : i32
        %dma_wait3A_105 = arith.constant 0 : i32
        %dma_wait3A_106 = tpu.memref_slice %arg4[%dma_wait3A_104, %dma_wait3A_105] : memref<10240x128xf32, #tpu.memory_space<hbm>> -> memref<80x128xf32, #tpu.memory_space<hbm>>
        %dma_wait3A_107 = arith.constant 0 : i32
        %dma_wait3A_108 = arith.constant 0 : i32
        %dma_wait3A_109 = tpu.memref_slice %arg4[%dma_wait3A_107, %dma_wait3A_108] : memref<10240x128xf32, #tpu.memory_space<hbm>> -> memref<80x128xf32, #tpu.memory_space<hbm>>
        tpu.wait_dma2 semaphore(%arg18 : memref<!tpu.dma_semaphore, #tpu.memory_space<semaphore_mem>>) src(%dma_wait3A_109 : memref<80x128xf32, #tpu.memory_space<hbm>>) dst(%arg16 : memref<80x128xf32, #tpu.memory_space<vmem>>)
        %add3A_110 = arith.constant 1 : i32
        %add3A_111 = arith.addi %mul3A_75, %add3A_110 : i32
        %mul3A_112 = arith.constant 80 : i32
        %mul3A_113 = arith.muli %add3A_111, %mul3A_112 : i32
        %add3A_114 = arith.addi %mul3A_0, %mul3A_113 : i32
        %multiple_of3A_115 = tpu.assume_multiple %add3A_114, 8 : i32
        "tpu.region"() ({
          %run_scoped3A = tpu.sem_alloc : memref<!tpu.dma_semaphore, #tpu.memory_space<semaphore_mem>>
          %dma_start3A_117 = tpu.memref_slice %arg7[%multiple_of3A_115] : memref<160000xi32, #tpu.memory_space<hbm>> -> memref<80xi32, #tpu.memory_space<hbm>>
          %dma_start3A_118 = tpu.memref_slice %arg7[%multiple_of3A_115] : memref<160000xi32, #tpu.memory_space<hbm>> -> memref<80xi32, #tpu.memory_space<hbm>>
          tpu.enqueue_dma source(%dma_start3A_118 : memref<80xi32, #tpu.memory_space<hbm>>) target(%arg14 : memref<80xi32, #tpu.memory_space<vmem>>) target_semaphore(%run_scoped3A : memref<!tpu.dma_semaphore, #tpu.memory_space<semaphore_mem>>)
          %dma_wait3A_119 = tpu.memref_slice %arg7[%multiple_of3A_115] : memref<160000xi32, #tpu.memory_space<hbm>> -> memref<80xi32, #tpu.memory_space<hbm>>
          %dma_wait3A_120 = tpu.memref_slice %arg7[%multiple_of3A_115] : memref<160000xi32, #tpu.memory_space<hbm>> -> memref<80xi32, #tpu.memory_space<hbm>>
          tpu.wait_dma2 semaphore(%run_scoped3A : memref<!tpu.dma_semaphore, #tpu.memory_space<semaphore_mem>>) src(%dma_wait3A_120 : memref<80xi32, #tpu.memory_space<hbm>>) dst(%arg14 : memref<80xi32, #tpu.memory_space<vmem>>)
          tpu.yield
        }) : () -> ()
        "tpu.region"() ({
          %run_scoped3A = tpu.sem_alloc : memref<!tpu.dma_semaphore, #tpu.memory_space<semaphore_mem>>
          %dma_start3A_117 = arith.constant 0 : i32
          %dma_start3A_118 = arith.constant 0 : i32
          %dma_start3A_119 = tpu.memref_slice %arg19[%dma_start3A_117, %dma_start3A_118] : memref<10240x128xf32, #tpu.memory_space<vmem_shared>> -> memref<10240x128xf32, #tpu.memory_space<vmem_shared>>
          tpu.enqueue_indirect_dma source(%arg16 : memref<80x128xf32, #tpu.memory_space<vmem>>) target(%dma_start3A_119 : memref<10240x128xf32, #tpu.memory_space<vmem_shared>>) offsets(%arg14 : memref<80xi32, #tpu.memory_space<vmem>>) semaphore(%run_scoped3A : memref<!tpu.dma_semaphore, #tpu.memory_space<semaphore_mem>>) {add = true}
          %dma_wait3A_120 = arith.constant 0 : i32
          %dma_wait3A_121 = arith.constant 0 : i32
          %dma_wait3A_122 = tpu.memref_slice %arg19[%dma_wait3A_120, %dma_wait3A_121] : memref<10240x128xf32, #tpu.memory_space<vmem_shared>> -> memref<10240x128xf32, #tpu.memory_space<vmem_shared>>
          tpu.wait_indirect_dma semaphore(%run_scoped3A : memref<!tpu.dma_semaphore, #tpu.memory_space<semaphore_mem>>) src(%arg16 : memref<80x128xf32, #tpu.memory_space<vmem>>) dst(%dma_wait3A_122 : memref<10240x128xf32, #tpu.memory_space<vmem_shared>>)
          tpu.yield
        }) : () -> ()
        %scan3A_116 = arith.constant 0 : i32
        scf.yield %scan3A_116 : i32
      }
      %scan3A_63 = arith.constant 62 : i32
      %dma_wait3A = arith.constant 0 : i32
      %dma_wait3A_64 = arith.constant 0 : i32
      %dma_wait3A_65 = tpu.memref_slice %arg4[%dma_wait3A, %dma_wait3A_64] : memref<10240x128xf32, #tpu.memory_space<hbm>> -> memref<80x128xf32, #tpu.memory_space<hbm>>
      %dma_wait3A_66 = arith.constant 0 : i32
      %dma_wait3A_67 = arith.constant 0 : i32
      %dma_wait3A_68 = tpu.memref_slice %arg4[%dma_wait3A_66, %dma_wait3A_67] : memref<10240x128xf32, #tpu.memory_space<hbm>> -> memref<80x128xf32, #tpu.memory_space<hbm>>
      tpu.wait_dma2 semaphore(%arg17 : memref<!tpu.dma_semaphore, #tpu.memory_space<semaphore_mem>>) src(%dma_wait3A_68 : memref<80x128xf32, #tpu.memory_space<hbm>>) dst(%arg15 : memref<80x128xf32, #tpu.memory_space<vmem>>)
      %add3A_69 = arith.constant 9920 : i32
      %add3A_70 = arith.addi %mul3A_0, %add3A_69 : i32
      %multiple_of3A_71 = tpu.assume_multiple %add3A_70, 8 : i32
      "tpu.region"() ({
        %run_scoped3A = tpu.sem_alloc : memref<!tpu.dma_semaphore, #tpu.memory_space<semaphore_mem>>
        %dma_start3A_72 = tpu.memref_slice %arg7[%multiple_of3A_71] : memref<160000xi32, #tpu.memory_space<hbm>> -> memref<80xi32, #tpu.memory_space<hbm>>
        %dma_start3A_73 = tpu.memref_slice %arg7[%multiple_of3A_71] : memref<160000xi32, #tpu.memory_space<hbm>> -> memref<80xi32, #tpu.memory_space<hbm>>
        tpu.enqueue_dma source(%dma_start3A_73 : memref<80xi32, #tpu.memory_space<hbm>>) target(%arg14 : memref<80xi32, #tpu.memory_space<vmem>>) target_semaphore(%run_scoped3A : memref<!tpu.dma_semaphore, #tpu.memory_space<semaphore_mem>>)
        %dma_wait3A_74 = tpu.memref_slice %arg7[%multiple_of3A_71] : memref<160000xi32, #tpu.memory_space<hbm>> -> memref<80xi32, #tpu.memory_space<hbm>>
        %dma_wait3A_75 = tpu.memref_slice %arg7[%multiple_of3A_71] : memref<160000xi32, #tpu.memory_space<hbm>> -> memref<80xi32, #tpu.memory_space<hbm>>
        tpu.wait_dma2 semaphore(%run_scoped3A : memref<!tpu.dma_semaphore, #tpu.memory_space<semaphore_mem>>) src(%dma_wait3A_75 : memref<80xi32, #tpu.memory_space<hbm>>) dst(%arg14 : memref<80xi32, #tpu.memory_space<vmem>>)
        tpu.yield
      }) : () -> ()
      "tpu.region"() ({
        %run_scoped3A = tpu.sem_alloc : memref<!tpu.dma_semaphore, #tpu.memory_space<semaphore_mem>>
        %dma_start3A_72 = arith.constant 0 : i32
        %dma_start3A_73 = arith.constant 0 : i32
        %dma_start3A_74 = tpu.memref_slice %arg19[%dma_start3A_72, %dma_start3A_73] : memref<10240x128xf32, #tpu.memory_space<vmem_shared>> -> memref<10240x128xf32, #tpu.memory_space<vmem_shared>>
        tpu.enqueue_indirect_dma source(%arg15 : memref<80x128xf32, #tpu.memory_space<vmem>>) target(%dma_start3A_74 : memref<10240x128xf32, #tpu.memory_space<vmem_shared>>) offsets(%arg14 : memref<80xi32, #tpu.memory_space<vmem>>) semaphore(%run_scoped3A : memref<!tpu.dma_semaphore, #tpu.memory_space<semaphore_mem>>) {add = true}
        %dma_wait3A_75 = arith.constant 0 : i32
        %dma_wait3A_76 = arith.constant 0 : i32
        %dma_wait3A_77 = tpu.memref_slice %arg19[%dma_wait3A_75, %dma_wait3A_76] : memref<10240x128xf32, #tpu.memory_space<vmem_shared>> -> memref<10240x128xf32, #tpu.memory_space<vmem_shared>>
        tpu.wait_indirect_dma semaphore(%run_scoped3A : memref<!tpu.dma_semaphore, #tpu.memory_space<semaphore_mem>>) src(%arg15 : memref<80x128xf32, #tpu.memory_space<vmem>>) dst(%dma_wait3A_77 : memref<10240x128xf32, #tpu.memory_space<vmem_shared>>)
        tpu.yield
      }) : () -> ()
    } else {
    }
    %barrier3A_36 = arith.constant 0 : index
    tpu.barrier barrier_id(%barrier3A_36)
    %convert_element_type3A_37 = arith.extui %eq3A_28 : i1 to i32
    %cond3A_38 = arith.constant 0 : i32
    %cond3A_39 = arith.cmpi ne, %convert_element_type3A_37, %cond3A_38 : i32
    scf.if %cond3A_39 {
      "tpu.region"() ({
        %run_scoped3A = tpu.sem_alloc : memref<!tpu.dma_semaphore, #tpu.memory_space<semaphore_mem>>
        %dma_start3A = arith.constant 0 : i32
        %dma_start3A_55 = tpu.memref_slice %arg10[%mul3A_2, %dma_start3A] : memref<10240x128xf32, #tpu.memory_space<hbm>> -> memref<640x128xf32, #tpu.memory_space<hbm>>
        %dma_start3A_56 = arith.constant 0 : i32
        %dma_start3A_57 = tpu.memref_slice %arg19[%mul3A_2, %dma_start3A_56] : memref<10240x128xf32, #tpu.memory_space<vmem_shared>> -> memref<640x128xf32, #tpu.memory_space<vmem_shared>>
        tpu.enqueue_dma source(%dma_start3A_57 : memref<640x128xf32, #tpu.memory_space<vmem_shared>>) target(%dma_start3A_55 : memref<640x128xf32, #tpu.memory_space<hbm>>) target_semaphore(%run_scoped3A : memref<!tpu.dma_semaphore, #tpu.memory_space<semaphore_mem>>)
        %dma_wait3A = arith.constant 0 : i32
        %dma_wait3A_58 = tpu.memref_slice %arg10[%mul3A_2, %dma_wait3A] : memref<10240x128xf32, #tpu.memory_space<hbm>> -> memref<640x128xf32, #tpu.memory_space<hbm>>
        %dma_wait3A_59 = arith.constant 0 : i32
        %dma_wait3A_60 = tpu.memref_slice %arg19[%mul3A_2, %dma_wait3A_59] : memref<10240x128xf32, #tpu.memory_space<vmem_shared>> -> memref<640x128xf32, #tpu.memory_space<vmem_shared>>
        tpu.wait_dma2 semaphore(%run_scoped3A : memref<!tpu.dma_semaphore, #tpu.memory_space<semaphore_mem>>) src(%dma_wait3A_60 : memref<640x128xf32, #tpu.memory_space<vmem_shared>>) dst(%dma_wait3A_58 : memref<640x128xf32, #tpu.memory_space<hbm>>)
        tpu.yield
      }) : () -> ()
    } else {
    }
    %barrier3A_40 = arith.constant 0 : index
    tpu.barrier barrier_id(%barrier3A_40)
    %eq3A_41 = arith.constant 1 : i32
    %eq3A_42 = arith.cmpi eq, %arg0, %eq3A_41 : i32
    %convert_element_type3A_43 = arith.extui %eq3A_42 : i1 to i32
    %cond3A_44 = arith.constant 0 : i32
    %cond3A_45 = arith.cmpi ne, %convert_element_type3A_43, %cond3A_44 : i32
    scf.if %cond3A_45 {
      "tpu.region"() ({
        %run_scoped3A = tpu.sem_alloc : memref<!tpu.dma_semaphore, #tpu.memory_space<semaphore_mem>>
        %dma_start3A = arith.constant 0 : i32
        %dma_start3A_55 = tpu.memref_slice %arg19[%mul3A_2, %dma_start3A] : memref<10240x128xf32, #tpu.memory_space<vmem_shared>> -> memref<640x128xf32, #tpu.memory_space<vmem_shared>>
        %dma_start3A_56 = arith.constant 0 : i32
        %dma_start3A_57 = tpu.memref_slice %arg5[%mul3A_2, %dma_start3A_56] : memref<10240x128xf32, #tpu.memory_space<hbm>> -> memref<640x128xf32, #tpu.memory_space<hbm>>
        tpu.enqueue_dma source(%dma_start3A_57 : memref<640x128xf32, #tpu.memory_space<hbm>>) target(%dma_start3A_55 : memref<640x128xf32, #tpu.memory_space<vmem_shared>>) target_semaphore(%run_scoped3A : memref<!tpu.dma_semaphore, #tpu.memory_space<semaphore_mem>>)
        %dma_wait3A = arith.constant 0 : i32
        %dma_wait3A_58 = tpu.memref_slice %arg19[%mul3A_2, %dma_wait3A] : memref<10240x128xf32, #tpu.memory_space<vmem_shared>> -> memref<640x128xf32, #tpu.memory_space<vmem_shared>>
        %dma_wait3A_59 = arith.constant 0 : i32
        %dma_wait3A_60 = tpu.memref_slice %arg5[%mul3A_2, %dma_wait3A_59] : memref<10240x128xf32, #tpu.memory_space<hbm>> -> memref<640x128xf32, #tpu.memory_space<hbm>>
        tpu.wait_dma2 semaphore(%run_scoped3A : memref<!tpu.dma_semaphore, #tpu.memory_space<semaphore_mem>>) src(%dma_wait3A_60 : memref<640x128xf32, #tpu.memory_space<hbm>>) dst(%dma_wait3A_58 : memref<640x128xf32, #tpu.memory_space<vmem_shared>>)
        tpu.yield
      }) : () -> ()
    } else {
    }
    %barrier3A_46 = arith.constant 0 : index
    tpu.barrier barrier_id(%barrier3A_46)
    %convert_element_type3A_47 = arith.extui %eq3A_42 : i1 to i32
    %cond3A_48 = arith.constant 0 : i32
    %cond3A_49 = arith.cmpi ne, %convert_element_type3A_47, %cond3A_48 : i32
    scf.if %cond3A_49 {
      %add3A = arith.constant 0 : i32
      %add3A_55 = arith.addi %mul3A_0, %add3A : i32
      %multiple_of3A = tpu.assume_multiple %add3A_55, 8 : i32
      "tpu.region"() ({
        %run_scoped3A = tpu.sem_alloc : memref<!tpu.dma_semaphore, #tpu.memory_space<semaphore_mem>>
        %dma_start3A_72 = tpu.memref_slice %arg6[%multiple_of3A] : memref<160000xi32, #tpu.memory_space<hbm>> -> memref<80xi32, #tpu.memory_space<hbm>>
        %dma_start3A_73 = tpu.memref_slice %arg6[%multiple_of3A] : memref<160000xi32, #tpu.memory_space<hbm>> -> memref<80xi32, #tpu.memory_space<hbm>>
        tpu.enqueue_dma source(%dma_start3A_73 : memref<80xi32, #tpu.memory_space<hbm>>) target(%arg12 : memref<80xi32, #tpu.memory_space<vmem>>) target_semaphore(%run_scoped3A : memref<!tpu.dma_semaphore, #tpu.memory_space<semaphore_mem>>)
        %dma_wait3A_74 = tpu.memref_slice %arg6[%multiple_of3A] : memref<160000xi32, #tpu.memory_space<hbm>> -> memref<80xi32, #tpu.memory_space<hbm>>
        %dma_wait3A_75 = tpu.memref_slice %arg6[%multiple_of3A] : memref<160000xi32, #tpu.memory_space<hbm>> -> memref<80xi32, #tpu.memory_space<hbm>>
        tpu.wait_dma2 semaphore(%run_scoped3A : memref<!tpu.dma_semaphore, #tpu.memory_space<semaphore_mem>>) src(%dma_wait3A_75 : memref<80xi32, #tpu.memory_space<hbm>>) dst(%arg12 : memref<80xi32, #tpu.memory_space<vmem>>)
        tpu.yield
      }) : () -> ()
      %dma_start3A = arith.constant 0 : i32
      %dma_start3A_56 = arith.constant 0 : i32
      %dma_start3A_57 = tpu.memref_slice %arg5[%dma_start3A, %dma_start3A_56] : memref<10240x128xf32, #tpu.memory_space<hbm>> -> memref<10240x128xf32, #tpu.memory_space<hbm>>
      tpu.enqueue_indirect_dma source(%dma_start3A_57 : memref<10240x128xf32, #tpu.memory_space<hbm>>) target(%arg15 : memref<80x128xf32, #tpu.memory_space<vmem>>) offsets(%arg12 : memref<80xi32, #tpu.memory_space<vmem>>) semaphore(%arg17 : memref<!tpu.dma_semaphore, #tpu.memory_space<semaphore_mem>>)
      %scan3A = arith.constant 0 : i32
      %scan3A_58 = arith.constant 0 : i32
      %scan3A_59 = arith.constant 62 : i32
      %scan3A_60 = arith.addi %scan3A_58, %scan3A_59 : i32
      %scan3A_61 = arith.constant 1 : i32
      %scan3A_62 = scf.for %scan3A_72 = %scan3A_58 to %scan3A_60 step %scan3A_61 iter_args(%scan3A_73 = %scan3A) -> (i32)  : i32 {
        %mul3A_74 = arith.constant 2 : i32
        %mul3A_75 = arith.muli %mul3A_74, %scan3A_72 : i32
        %add3A_76 = arith.constant 1 : i32
        %add3A_77 = arith.addi %mul3A_75, %add3A_76 : i32
        %mul3A_78 = arith.constant 80 : i32
        %mul3A_79 = arith.muli %add3A_77, %mul3A_78 : i32
        %add3A_80 = arith.addi %mul3A_0, %mul3A_79 : i32
        %multiple_of3A_81 = tpu.assume_multiple %add3A_80, 8 : i32
        "tpu.region"() ({
          %run_scoped3A = tpu.sem_alloc : memref<!tpu.dma_semaphore, #tpu.memory_space<semaphore_mem>>
          %dma_start3A_117 = tpu.memref_slice %arg6[%multiple_of3A_81] : memref<160000xi32, #tpu.memory_space<hbm>> -> memref<80xi32, #tpu.memory_space<hbm>>
          %dma_start3A_118 = tpu.memref_slice %arg6[%multiple_of3A_81] : memref<160000xi32, #tpu.memory_space<hbm>> -> memref<80xi32, #tpu.memory_space<hbm>>
          tpu.enqueue_dma source(%dma_start3A_118 : memref<80xi32, #tpu.memory_space<hbm>>) target(%arg13 : memref<80xi32, #tpu.memory_space<vmem>>) target_semaphore(%run_scoped3A : memref<!tpu.dma_semaphore, #tpu.memory_space<semaphore_mem>>)
          %dma_wait3A_119 = tpu.memref_slice %arg6[%multiple_of3A_81] : memref<160000xi32, #tpu.memory_space<hbm>> -> memref<80xi32, #tpu.memory_space<hbm>>
          %dma_wait3A_120 = tpu.memref_slice %arg6[%multiple_of3A_81] : memref<160000xi32, #tpu.memory_space<hbm>> -> memref<80xi32, #tpu.memory_space<hbm>>
          tpu.wait_dma2 semaphore(%run_scoped3A : memref<!tpu.dma_semaphore, #tpu.memory_space<semaphore_mem>>) src(%dma_wait3A_120 : memref<80xi32, #tpu.memory_space<hbm>>) dst(%arg13 : memref<80xi32, #tpu.memory_space<vmem>>)
          tpu.yield
        }) : () -> ()
        %dma_start3A_82 = arith.constant 0 : i32
        %dma_start3A_83 = arith.constant 0 : i32
        %dma_start3A_84 = tpu.memref_slice %arg5[%dma_start3A_82, %dma_start3A_83] : memref<10240x128xf32, #tpu.memory_space<hbm>> -> memref<10240x128xf32, #tpu.memory_space<hbm>>
        tpu.enqueue_indirect_dma source(%dma_start3A_84 : memref<10240x128xf32, #tpu.memory_space<hbm>>) target(%arg16 : memref<80x128xf32, #tpu.memory_space<vmem>>) offsets(%arg13 : memref<80xi32, #tpu.memory_space<vmem>>) semaphore(%arg18 : memref<!tpu.dma_semaphore, #tpu.memory_space<semaphore_mem>>)
        %dma_wait3A_85 = arith.constant 0 : i32
        %dma_wait3A_86 = arith.constant 0 : i32
        %dma_wait3A_87 = tpu.memref_slice %arg5[%dma_wait3A_85, %dma_wait3A_86] : memref<10240x128xf32, #tpu.memory_space<hbm>> -> memref<80x128xf32, #tpu.memory_space<hbm>>
        %dma_wait3A_88 = arith.constant 0 : i32
        %dma_wait3A_89 = arith.constant 0 : i32
        %dma_wait3A_90 = tpu.memref_slice %arg5[%dma_wait3A_88, %dma_wait3A_89] : memref<10240x128xf32, #tpu.memory_space<hbm>> -> memref<80x128xf32, #tpu.memory_space<hbm>>
        tpu.wait_dma2 semaphore(%arg17 : memref<!tpu.dma_semaphore, #tpu.memory_space<semaphore_mem>>) src(%dma_wait3A_90 : memref<80x128xf32, #tpu.memory_space<hbm>>) dst(%arg15 : memref<80x128xf32, #tpu.memory_space<vmem>>)
        %mul3A_91 = arith.constant 80 : i32
        %mul3A_92 = arith.muli %mul3A_75, %mul3A_91 : i32
        %add3A_93 = arith.addi %mul3A_0, %mul3A_92 : i32
        %multiple_of3A_94 = tpu.assume_multiple %add3A_93, 8 : i32
        "tpu.region"() ({
          %run_scoped3A = tpu.sem_alloc : memref<!tpu.dma_semaphore, #tpu.memory_space<semaphore_mem>>
          %dma_start3A_117 = tpu.memref_slice %arg7[%multiple_of3A_94] : memref<160000xi32, #tpu.memory_space<hbm>> -> memref<80xi32, #tpu.memory_space<hbm>>
          %dma_start3A_118 = tpu.memref_slice %arg7[%multiple_of3A_94] : memref<160000xi32, #tpu.memory_space<hbm>> -> memref<80xi32, #tpu.memory_space<hbm>>
          tpu.enqueue_dma source(%dma_start3A_118 : memref<80xi32, #tpu.memory_space<hbm>>) target(%arg14 : memref<80xi32, #tpu.memory_space<vmem>>) target_semaphore(%run_scoped3A : memref<!tpu.dma_semaphore, #tpu.memory_space<semaphore_mem>>)
          %dma_wait3A_119 = tpu.memref_slice %arg7[%multiple_of3A_94] : memref<160000xi32, #tpu.memory_space<hbm>> -> memref<80xi32, #tpu.memory_space<hbm>>
          %dma_wait3A_120 = tpu.memref_slice %arg7[%multiple_of3A_94] : memref<160000xi32, #tpu.memory_space<hbm>> -> memref<80xi32, #tpu.memory_space<hbm>>
          tpu.wait_dma2 semaphore(%run_scoped3A : memref<!tpu.dma_semaphore, #tpu.memory_space<semaphore_mem>>) src(%dma_wait3A_120 : memref<80xi32, #tpu.memory_space<hbm>>) dst(%arg14 : memref<80xi32, #tpu.memory_space<vmem>>)
          tpu.yield
        }) : () -> ()
        "tpu.region"() ({
          %run_scoped3A = tpu.sem_alloc : memref<!tpu.dma_semaphore, #tpu.memory_space<semaphore_mem>>
          %dma_start3A_117 = arith.constant 0 : i32
          %dma_start3A_118 = arith.constant 0 : i32
          %dma_start3A_119 = tpu.memref_slice %arg19[%dma_start3A_117, %dma_start3A_118] : memref<10240x128xf32, #tpu.memory_space<vmem_shared>> -> memref<10240x128xf32, #tpu.memory_space<vmem_shared>>
          tpu.enqueue_indirect_dma source(%arg15 : memref<80x128xf32, #tpu.memory_space<vmem>>) target(%dma_start3A_119 : memref<10240x128xf32, #tpu.memory_space<vmem_shared>>) offsets(%arg14 : memref<80xi32, #tpu.memory_space<vmem>>) semaphore(%run_scoped3A : memref<!tpu.dma_semaphore, #tpu.memory_space<semaphore_mem>>) {add = true}
          %dma_wait3A_120 = arith.constant 0 : i32
          %dma_wait3A_121 = arith.constant 0 : i32
          %dma_wait3A_122 = tpu.memref_slice %arg19[%dma_wait3A_120, %dma_wait3A_121] : memref<10240x128xf32, #tpu.memory_space<vmem_shared>> -> memref<10240x128xf32, #tpu.memory_space<vmem_shared>>
          tpu.wait_indirect_dma semaphore(%run_scoped3A : memref<!tpu.dma_semaphore, #tpu.memory_space<semaphore_mem>>) src(%arg15 : memref<80x128xf32, #tpu.memory_space<vmem>>) dst(%dma_wait3A_122 : memref<10240x128xf32, #tpu.memory_space<vmem_shared>>)
          tpu.yield
        }) : () -> ()
        %add3A_95 = arith.constant 2 : i32
        %add3A_96 = arith.addi %mul3A_75, %add3A_95 : i32
        %mul3A_97 = arith.constant 80 : i32
        %mul3A_98 = arith.muli %add3A_96, %mul3A_97 : i32
        %add3A_99 = arith.addi %mul3A_0, %mul3A_98 : i32
        %multiple_of3A_100 = tpu.assume_multiple %add3A_99, 8 : i32
        "tpu.region"() ({
          %run_scoped3A = tpu.sem_alloc : memref<!tpu.dma_semaphore, #tpu.memory_space<semaphore_mem>>
          %dma_start3A_117 = tpu.memref_slice %arg6[%multiple_of3A_100] : memref<160000xi32, #tpu.memory_space<hbm>> -> memref<80xi32, #tpu.memory_space<hbm>>
          %dma_start3A_118 = tpu.memref_slice %arg6[%multiple_of3A_100] : memref<160000xi32, #tpu.memory_space<hbm>> -> memref<80xi32, #tpu.memory_space<hbm>>
          tpu.enqueue_dma source(%dma_start3A_118 : memref<80xi32, #tpu.memory_space<hbm>>) target(%arg12 : memref<80xi32, #tpu.memory_space<vmem>>) target_semaphore(%run_scoped3A : memref<!tpu.dma_semaphore, #tpu.memory_space<semaphore_mem>>)
          %dma_wait3A_119 = tpu.memref_slice %arg6[%multiple_of3A_100] : memref<160000xi32, #tpu.memory_space<hbm>> -> memref<80xi32, #tpu.memory_space<hbm>>
          %dma_wait3A_120 = tpu.memref_slice %arg6[%multiple_of3A_100] : memref<160000xi32, #tpu.memory_space<hbm>> -> memref<80xi32, #tpu.memory_space<hbm>>
          tpu.wait_dma2 semaphore(%run_scoped3A : memref<!tpu.dma_semaphore, #tpu.memory_space<semaphore_mem>>) src(%dma_wait3A_120 : memref<80xi32, #tpu.memory_space<hbm>>) dst(%arg12 : memref<80xi32, #tpu.memory_space<vmem>>)
          tpu.yield
        }) : () -> ()
        %dma_start3A_101 = arith.constant 0 : i32
        %dma_start3A_102 = arith.constant 0 : i32
        %dma_start3A_103 = tpu.memref_slice %arg5[%dma_start3A_101, %dma_start3A_102] : memref<10240x128xf32, #tpu.memory_space<hbm>> -> memref<10240x128xf32, #tpu.memory_space<hbm>>
        tpu.enqueue_indirect_dma source(%dma_start3A_103 : memref<10240x128xf32, #tpu.memory_space<hbm>>) target(%arg15 : memref<80x128xf32, #tpu.memory_space<vmem>>) offsets(%arg12 : memref<80xi32, #tpu.memory_space<vmem>>) semaphore(%arg17 : memref<!tpu.dma_semaphore, #tpu.memory_space<semaphore_mem>>)
        %dma_wait3A_104 = arith.constant 0 : i32
        %dma_wait3A_105 = arith.constant 0 : i32
        %dma_wait3A_106 = tpu.memref_slice %arg5[%dma_wait3A_104, %dma_wait3A_105] : memref<10240x128xf32, #tpu.memory_space<hbm>> -> memref<80x128xf32, #tpu.memory_space<hbm>>
        %dma_wait3A_107 = arith.constant 0 : i32
        %dma_wait3A_108 = arith.constant 0 : i32
        %dma_wait3A_109 = tpu.memref_slice %arg5[%dma_wait3A_107, %dma_wait3A_108] : memref<10240x128xf32, #tpu.memory_space<hbm>> -> memref<80x128xf32, #tpu.memory_space<hbm>>
        tpu.wait_dma2 semaphore(%arg18 : memref<!tpu.dma_semaphore, #tpu.memory_space<semaphore_mem>>) src(%dma_wait3A_109 : memref<80x128xf32, #tpu.memory_space<hbm>>) dst(%arg16 : memref<80x128xf32, #tpu.memory_space<vmem>>)
        %add3A_110 = arith.constant 1 : i32
        %add3A_111 = arith.addi %mul3A_75, %add3A_110 : i32
        %mul3A_112 = arith.constant 80 : i32
        %mul3A_113 = arith.muli %add3A_111, %mul3A_112 : i32
        %add3A_114 = arith.addi %mul3A_0, %mul3A_113 : i32
        %multiple_of3A_115 = tpu.assume_multiple %add3A_114, 8 : i32
        "tpu.region"() ({
          %run_scoped3A = tpu.sem_alloc : memref<!tpu.dma_semaphore, #tpu.memory_space<semaphore_mem>>
          %dma_start3A_117 = tpu.memref_slice %arg7[%multiple_of3A_115] : memref<160000xi32, #tpu.memory_space<hbm>> -> memref<80xi32, #tpu.memory_space<hbm>>
          %dma_start3A_118 = tpu.memref_slice %arg7[%multiple_of3A_115] : memref<160000xi32, #tpu.memory_space<hbm>> -> memref<80xi32, #tpu.memory_space<hbm>>
          tpu.enqueue_dma source(%dma_start3A_118 : memref<80xi32, #tpu.memory_space<hbm>>) target(%arg14 : memref<80xi32, #tpu.memory_space<vmem>>) target_semaphore(%run_scoped3A : memref<!tpu.dma_semaphore, #tpu.memory_space<semaphore_mem>>)
          %dma_wait3A_119 = tpu.memref_slice %arg7[%multiple_of3A_115] : memref<160000xi32, #tpu.memory_space<hbm>> -> memref<80xi32, #tpu.memory_space<hbm>>
          %dma_wait3A_120 = tpu.memref_slice %arg7[%multiple_of3A_115] : memref<160000xi32, #tpu.memory_space<hbm>> -> memref<80xi32, #tpu.memory_space<hbm>>
          tpu.wait_dma2 semaphore(%run_scoped3A : memref<!tpu.dma_semaphore, #tpu.memory_space<semaphore_mem>>) src(%dma_wait3A_120 : memref<80xi32, #tpu.memory_space<hbm>>) dst(%arg14 : memref<80xi32, #tpu.memory_space<vmem>>)
          tpu.yield
        }) : () -> ()
        "tpu.region"() ({
          %run_scoped3A = tpu.sem_alloc : memref<!tpu.dma_semaphore, #tpu.memory_space<semaphore_mem>>
          %dma_start3A_117 = arith.constant 0 : i32
          %dma_start3A_118 = arith.constant 0 : i32
          %dma_start3A_119 = tpu.memref_slice %arg19[%dma_start3A_117, %dma_start3A_118] : memref<10240x128xf32, #tpu.memory_space<vmem_shared>> -> memref<10240x128xf32, #tpu.memory_space<vmem_shared>>
          tpu.enqueue_indirect_dma source(%arg16 : memref<80x128xf32, #tpu.memory_space<vmem>>) target(%dma_start3A_119 : memref<10240x128xf32, #tpu.memory_space<vmem_shared>>) offsets(%arg14 : memref<80xi32, #tpu.memory_space<vmem>>) semaphore(%run_scoped3A : memref<!tpu.dma_semaphore, #tpu.memory_space<semaphore_mem>>) {add = true}
          %dma_wait3A_120 = arith.constant 0 : i32
          %dma_wait3A_121 = arith.constant 0 : i32
          %dma_wait3A_122 = tpu.memref_slice %arg19[%dma_wait3A_120, %dma_wait3A_121] : memref<10240x128xf32, #tpu.memory_space<vmem_shared>> -> memref<10240x128xf32, #tpu.memory_space<vmem_shared>>
          tpu.wait_indirect_dma semaphore(%run_scoped3A : memref<!tpu.dma_semaphore, #tpu.memory_space<semaphore_mem>>) src(%arg16 : memref<80x128xf32, #tpu.memory_space<vmem>>) dst(%dma_wait3A_122 : memref<10240x128xf32, #tpu.memory_space<vmem_shared>>)
          tpu.yield
        }) : () -> ()
        %scan3A_116 = arith.constant 0 : i32
        scf.yield %scan3A_116 : i32
      }
      %scan3A_63 = arith.constant 62 : i32
      %dma_wait3A = arith.constant 0 : i32
      %dma_wait3A_64 = arith.constant 0 : i32
      %dma_wait3A_65 = tpu.memref_slice %arg5[%dma_wait3A, %dma_wait3A_64] : memref<10240x128xf32, #tpu.memory_space<hbm>> -> memref<80x128xf32, #tpu.memory_space<hbm>>
      %dma_wait3A_66 = arith.constant 0 : i32
      %dma_wait3A_67 = arith.constant 0 : i32
      %dma_wait3A_68 = tpu.memref_slice %arg5[%dma_wait3A_66, %dma_wait3A_67] : memref<10240x128xf32, #tpu.memory_space<hbm>> -> memref<80x128xf32, #tpu.memory_space<hbm>>
      tpu.wait_dma2 semaphore(%arg17 : memref<!tpu.dma_semaphore, #tpu.memory_space<semaphore_mem>>) src(%dma_wait3A_68 : memref<80x128xf32, #tpu.memory_space<hbm>>) dst(%arg15 : memref<80x128xf32, #tpu.memory_space<vmem>>)
      %add3A_69 = arith.constant 9920 : i32
      %add3A_70 = arith.addi %mul3A_0, %add3A_69 : i32
      %multiple_of3A_71 = tpu.assume_multiple %add3A_70, 8 : i32
      "tpu.region"() ({
        %run_scoped3A = tpu.sem_alloc : memref<!tpu.dma_semaphore, #tpu.memory_space<semaphore_mem>>
        %dma_start3A_72 = tpu.memref_slice %arg7[%multiple_of3A_71] : memref<160000xi32, #tpu.memory_space<hbm>> -> memref<80xi32, #tpu.memory_space<hbm>>
        %dma_start3A_73 = tpu.memref_slice %arg7[%multiple_of3A_71] : memref<160000xi32, #tpu.memory_space<hbm>> -> memref<80xi32, #tpu.memory_space<hbm>>
        tpu.enqueue_dma source(%dma_start3A_73 : memref<80xi32, #tpu.memory_space<hbm>>) target(%arg14 : memref<80xi32, #tpu.memory_space<vmem>>) target_semaphore(%run_scoped3A : memref<!tpu.dma_semaphore, #tpu.memory_space<semaphore_mem>>)
        %dma_wait3A_74 = tpu.memref_slice %arg7[%multiple_of3A_71] : memref<160000xi32, #tpu.memory_space<hbm>> -> memref<80xi32, #tpu.memory_space<hbm>>
        %dma_wait3A_75 = tpu.memref_slice %arg7[%multiple_of3A_71] : memref<160000xi32, #tpu.memory_space<hbm>> -> memref<80xi32, #tpu.memory_space<hbm>>
        tpu.wait_dma2 semaphore(%run_scoped3A : memref<!tpu.dma_semaphore, #tpu.memory_space<semaphore_mem>>) src(%dma_wait3A_75 : memref<80xi32, #tpu.memory_space<hbm>>) dst(%arg14 : memref<80xi32, #tpu.memory_space<vmem>>)
        tpu.yield
      }) : () -> ()
      "tpu.region"() ({
        %run_scoped3A = tpu.sem_alloc : memref<!tpu.dma_semaphore, #tpu.memory_space<semaphore_mem>>
        %dma_start3A_72 = arith.constant 0 : i32
        %dma_start3A_73 = arith.constant 0 : i32
        %dma_start3A_74 = tpu.memref_slice %arg19[%dma_start3A_72, %dma_start3A_73] : memref<10240x128xf32, #tpu.memory_space<vmem_shared>> -> memref<10240x128xf32, #tpu.memory_space<vmem_shared>>
        tpu.enqueue_indirect_dma source(%arg15 : memref<80x128xf32, #tpu.memory_space<vmem>>) target(%dma_start3A_74 : memref<10240x128xf32, #tpu.memory_space<vmem_shared>>) offsets(%arg14 : memref<80xi32, #tpu.memory_space<vmem>>) semaphore(%run_scoped3A : memref<!tpu.dma_semaphore, #tpu.memory_space<semaphore_mem>>) {add = true}
        %dma_wait3A_75 = arith.constant 0 : i32
        %dma_wait3A_76 = arith.constant 0 : i32
        %dma_wait3A_77 = tpu.memref_slice %arg19[%dma_wait3A_75, %dma_wait3A_76] : memref<10240x128xf32, #tpu.memory_space<vmem_shared>> -> memref<10240x128xf32, #tpu.memory_space<vmem_shared>>
        tpu.wait_indirect_dma semaphore(%run_scoped3A : memref<!tpu.dma_semaphore, #tpu.memory_space<semaphore_mem>>) src(%arg15 : memref<80x128xf32, #tpu.memory_space<vmem>>) dst(%dma_wait3A_77 : memref<10240x128xf32, #tpu.memory_space<vmem_shared>>)
        tpu.yield
      }) : () -> ()
    } else {
    }
    %barrier3A_50 = arith.constant 0 : index
    tpu.barrier barrier_id(%barrier3A_50)
    %convert_element_type3A_51 = arith.extui %eq3A_42 : i1 to i32
    %cond3A_52 = arith.constant 0 : i32
    %cond3A_53 = arith.cmpi ne, %convert_element_type3A_51, %cond3A_52 : i32
    scf.if %cond3A_53 {
      "tpu.region"() ({
        %run_scoped3A = tpu.sem_alloc : memref<!tpu.dma_semaphore, #tpu.memory_space<semaphore_mem>>
        %dma_start3A = arith.constant 0 : i32
        %dma_start3A_55 = tpu.memref_slice %arg11[%mul3A_2, %dma_start3A] : memref<10240x128xf32, #tpu.memory_space<hbm>> -> memref<640x128xf32, #tpu.memory_space<hbm>>
        %dma_start3A_56 = arith.constant 0 : i32
        %dma_start3A_57 = tpu.memref_slice %arg19[%mul3A_2, %dma_start3A_56] : memref<10240x128xf32, #tpu.memory_space<vmem_shared>> -> memref<640x128xf32, #tpu.memory_space<vmem_shared>>
        tpu.enqueue_dma source(%dma_start3A_57 : memref<640x128xf32, #tpu.memory_space<vmem_shared>>) target(%dma_start3A_55 : memref<640x128xf32, #tpu.memory_space<hbm>>) target_semaphore(%run_scoped3A : memref<!tpu.dma_semaphore, #tpu.memory_space<semaphore_mem>>)
        %dma_wait3A = arith.constant 0 : i32
        %dma_wait3A_58 = tpu.memref_slice %arg11[%mul3A_2, %dma_wait3A] : memref<10240x128xf32, #tpu.memory_space<hbm>> -> memref<640x128xf32, #tpu.memory_space<hbm>>
        %dma_wait3A_59 = arith.constant 0 : i32
        %dma_wait3A_60 = tpu.memref_slice %arg19[%mul3A_2, %dma_wait3A_59] : memref<10240x128xf32, #tpu.memory_space<vmem_shared>> -> memref<640x128xf32, #tpu.memory_space<vmem_shared>>
        tpu.wait_dma2 semaphore(%run_scoped3A : memref<!tpu.dma_semaphore, #tpu.memory_space<semaphore_mem>>) src(%dma_wait3A_60 : memref<640x128xf32, #tpu.memory_space<vmem_shared>>) dst(%dma_wait3A_58 : memref<640x128xf32, #tpu.memory_space<hbm>>)
        tpu.yield
      }) : () -> ()
    } else {
    }
    %barrier3A_54 = arith.constant 0 : index
    tpu.barrier barrier_id(%barrier3A_54)
    return
  }
}

module attributes {stable_mosaic.version = 14 : i64} {
  func.func @_a1_body(%arg0: i32, %arg1: memref<1000x256xf32, #tpu.memory_space<vmem>>, %arg2: memref<2x1000x128xf32, #tpu.memory_space<vmem>>, %arg3: memref<256x512xf32, #tpu.memory_space<vmem>>, %arg4: memref<1000x128xf32, #tpu.memory_space<vmem>>, %arg5: memref<1000x128xf32, #tpu.memory_space<vmem>>, %arg6: memref<1000x128xf32, #tpu.memory_space<vmem>>, %arg7: memref<1000x128xf32, #tpu.memory_space<vmem>>) attributes {dimension_semantics = [#tpu.dimension_semantics<arbitrary>], iteration_bounds = array<i64: 10>, scalar_prefetch = 0 : i64, scratch_operands = 0 : i64, tpu.core_type = #tpu.core_type<tc>, window_params = [{transform_indices = @transform_0, window_bounds = array<i64: 1000, 256>}, {transform_indices = @transform_1, window_bounds = array<i64: 2, 1000, 128>}, {pipeline_mode = #tpu.pipeline_mode<synchronous>, transform_indices = @transform_2, window_bounds = array<i64: 256, 512>}, {transform_indices = @transform_3, window_bounds = array<i64: 1000, 128>}, {transform_indices = @transform_4, window_bounds = array<i64: 1000, 128>}, {transform_indices = @transform_5, window_bounds = array<i64: 1000, 128>}, {transform_indices = @transform_6, window_bounds = array<i64: 1000, 128>}]} {
    %get3A = arith.constant 0 : index
    %get3A_0 = arith.constant 0 : index
    %get3A_1 = arith.constant 0 : index
    %get3A_2 = vector.load %arg2[%get3A, %get3A_0, %get3A_1] : memref<2x1000x128xf32, #tpu.memory_space<vmem>>, vector<2x1000x128xf32>
    %slice3A = vector.extract_strided_slice %get3A_2 {offsets = [0, 0, 0], sizes = [1, 1000, 1], strides = [1, 1, 1]} : vector<2x1000x128xf32> to vector<1x1000x1xf32>
    %squeeze3A = vector.shape_cast %slice3A : vector<1x1000x1xf32> to vector<1000xf32>
    %slice3A_3 = vector.extract_strided_slice %get3A_2 {offsets = [1, 0, 0], sizes = [1, 1000, 1], strides = [1, 1, 1]} : vector<2x1000x128xf32> to vector<1x1000x1xf32>
    %squeeze3A_4 = vector.shape_cast %slice3A_3 : vector<1x1000x1xf32> to vector<1000xf32>
    %add3A = arith.addf %squeeze3A, %squeeze3A_4 : vector<1000xf32>
    %add3A_5 = arith.constant 1.000000e+00 : f32
    %add3A_6 = vector.broadcast %add3A_5 : f32 to vector<1000xf32>
    %add3A_7 = arith.addf %add3A, %add3A_6 : vector<1000xf32>
    %rsqrt3A = math.rsqrt %add3A_7 : vector<1000xf32>
    %get3A_8 = arith.constant 0 : index
    %get3A_9 = arith.constant 0 : index
    %get3A_10 = vector.load %arg1[%get3A_8, %get3A_9] : memref<1000x256xf32, #tpu.memory_space<vmem>>, vector<1000x256xf32>
    %get3A_11 = arith.constant 0 : index
    %get3A_12 = arith.constant 0 : index
    %get3A_13 = vector.load %arg3[%get3A_11, %get3A_12] : memref<256x512xf32, #tpu.memory_space<vmem>>, vector<256x512xf32>
    %dot_general3A = arith.constant dense<0.000000e+00> : vector<1000x512xf32>
    %dot_general3A_14 = tpu.matmul %get3A_10, %get3A_13, %dot_general3A {dimension_numbers = #tpu.dot_dimension_numbers<[1], [0], [0], [1], [0, 0, 1, 1], [], []>, precision = #tpu.contract_precision<fp32>, transpose_lhs_hint = false} : vector<1000x256xf32>, vector<256x512xf32>, vector<1000x512xf32> -> vector<1000x512xf32>
    %broadcast_in_dim3A = vector.shape_cast %rsqrt3A : vector<1000xf32> to vector<1000x1xf32>
    %mul3A = vector.broadcast %broadcast_in_dim3A : vector<1000x1xf32> to vector<1000x512xf32>
    %mul3A_15 = arith.mulf %dot_general3A_14, %mul3A : vector<1000x512xf32>
    %slice3A_16 = vector.extract_strided_slice %mul3A_15 {offsets = [0, 0], sizes = [1000, 128], strides = [1, 1]} : vector<1000x512xf32> to vector<1000x128xf32>
    %swap3A = arith.constant 0 : index
    %swap3A_17 = arith.constant 0 : index
    %swap3A_18 = vector.load %arg4[%swap3A, %swap3A_17] : memref<1000x128xf32, #tpu.memory_space<vmem>>, vector<1000x128xf32>
    tpu.vector_store %arg4[%swap3A, %swap3A_17], %slice3A_16 {strides = array<i32>} : memref<1000x128xf32, #tpu.memory_space<vmem>>, vector<1000x128xf32>,
    %slice3A_19 = vector.extract_strided_slice %mul3A_15 {offsets = [0, 128], sizes = [1000, 128], strides = [1, 1]} : vector<1000x512xf32> to vector<1000x128xf32>
    %swap3A_20 = arith.constant 0 : index
    %swap3A_21 = arith.constant 0 : index
    %swap3A_22 = vector.load %arg5[%swap3A_20, %swap3A_21] : memref<1000x128xf32, #tpu.memory_space<vmem>>, vector<1000x128xf32>
    tpu.vector_store %arg5[%swap3A_20, %swap3A_21], %slice3A_19 {strides = array<i32>} : memref<1000x128xf32, #tpu.memory_space<vmem>>, vector<1000x128xf32>,
    %slice3A_23 = vector.extract_strided_slice %mul3A_15 {offsets = [0, 256], sizes = [1000, 128], strides = [1, 1]} : vector<1000x512xf32> to vector<1000x128xf32>
    %swap3A_24 = arith.constant 0 : index
    %swap3A_25 = arith.constant 0 : index
    %swap3A_26 = vector.load %arg6[%swap3A_24, %swap3A_25] : memref<1000x128xf32, #tpu.memory_space<vmem>>, vector<1000x128xf32>
    tpu.vector_store %arg6[%swap3A_24, %swap3A_25], %slice3A_23 {strides = array<i32>} : memref<1000x128xf32, #tpu.memory_space<vmem>>, vector<1000x128xf32>,
    %slice3A_27 = vector.extract_strided_slice %mul3A_15 {offsets = [0, 384], sizes = [1000, 128], strides = [1, 1]} : vector<1000x512xf32> to vector<1000x128xf32>
    %swap3A_28 = arith.constant 0 : index
    %swap3A_29 = arith.constant 0 : index
    %swap3A_30 = vector.load %arg7[%swap3A_28, %swap3A_29] : memref<1000x128xf32, #tpu.memory_space<vmem>>, vector<1000x128xf32>
    tpu.vector_store %arg7[%swap3A_28, %swap3A_29], %slice3A_27 {strides = array<i32>} : memref<1000x128xf32, #tpu.memory_space<vmem>>, vector<1000x128xf32>,
    return
  }
  func.func @transform_0(%arg0: i32) -> (i32, i32) {
    %c0_i32 = arith.constant 0 : i32
    %c0_i32_0 = arith.constant 0 : i32
    return %arg0, %c0_i32 : i32, i32
  }
  func.func @transform_1(%arg0: i32) -> (i32, i32, i32) {
    %c0_i32 = arith.constant 0 : i32
    %c0_i32_0 = arith.constant 0 : i32
    %c0_i32_1 = arith.constant 0 : i32
    return %c0_i32, %arg0, %c0_i32_0 : i32, i32, i32
  }
  func.func @transform_2(%arg0: i32) -> (i32, i32) {
    %c0_i32 = arith.constant 0 : i32
    %c0_i32_0 = arith.constant 0 : i32
    %c0_i32_1 = arith.constant 0 : i32
    return %c0_i32, %c0_i32_0 : i32, i32
  }
  func.func @transform_3(%arg0: i32) -> (i32, i32) {
    %c0_i32 = arith.constant 0 : i32
    %c0_i32_0 = arith.constant 0 : i32
    return %arg0, %c0_i32 : i32, i32
  }
  func.func @transform_4(%arg0: i32) -> (i32, i32) {
    %c0_i32 = arith.constant 0 : i32
    %c0_i32_0 = arith.constant 0 : i32
    return %arg0, %c0_i32 : i32, i32
  }
  func.func @transform_5(%arg0: i32) -> (i32, i32) {
    %c0_i32 = arith.constant 0 : i32
    %c0_i32_0 = arith.constant 0 : i32
    return %arg0, %c0_i32 : i32, i32
  }
  func.func @transform_6(%arg0: i32) -> (i32, i32) {
    %c0_i32 = arith.constant 0 : i32
    %c0_i32_0 = arith.constant 0 : i32
    return %arg0, %c0_i32 : i32, i32
  }
}

module attributes {stable_mosaic.version = 14 : i64} {
  func.func @_a23_body(%arg0: i32, %arg1: memref<1000x512xf32, #tpu.memory_space<vmem>>, %arg2: memref<8x64xf32, #tpu.memory_space<vmem>>, %arg3: memref<1x1x1000xi32, #tpu.memory_space<vmem>>, %arg4: memref<2x1000x128xf32, #tpu.memory_space<vmem>>, %arg5: memref<1x512xf32, #tpu.memory_space<vmem>>, %arg6: memref<1x512xf32, #tpu.memory_space<vmem>>, %arg7: memref<512x512xf32, #tpu.memory_space<vmem>>, %arg8: memref<1000x128xf32, #tpu.memory_space<vmem>>, %arg9: memref<1000x128xf32, #tpu.memory_space<vmem>>, %arg10: memref<1000x128xf32, #tpu.memory_space<vmem>>, %arg11: memref<1000x128xf32, #tpu.memory_space<vmem>>) attributes {dimension_semantics = [#tpu.dimension_semantics<arbitrary>], iteration_bounds = array<i64: 10>, scalar_prefetch = 0 : i64, scratch_operands = 0 : i64, tpu.core_type = #tpu.core_type<tc>, window_params = [{transform_indices = @transform_0, window_bounds = array<i64: 1000, 512>}, {pipeline_mode = #tpu.pipeline_mode<synchronous>, transform_indices = @transform_1, window_bounds = array<i64: 8, 64>}, {transform_indices = @transform_2, window_bounds = array<i64: 1, 1, 1000>}, {transform_indices = @transform_3, window_bounds = array<i64: 2, 1000, 128>}, {pipeline_mode = #tpu.pipeline_mode<synchronous>, transform_indices = @transform_4, window_bounds = array<i64: 1, 512>}, {pipeline_mode = #tpu.pipeline_mode<synchronous>, transform_indices = @transform_5, window_bounds = array<i64: 1, 512>}, {pipeline_mode = #tpu.pipeline_mode<synchronous>, transform_indices = @transform_6, window_bounds = array<i64: 512, 512>}, {transform_indices = @transform_7, window_bounds = array<i64: 1000, 128>}, {transform_indices = @transform_8, window_bounds = array<i64: 1000, 128>}, {transform_indices = @transform_9, window_bounds = array<i64: 1000, 128>}, {transform_indices = @transform_10, window_bounds = array<i64: 1000, 128>}]} {
    %get3A = arith.constant 0 : index
    %get3A_0 = arith.constant 0 : index
    %get3A_1 = vector.load %arg2[%get3A, %get3A_0] : memref<8x64xf32, #tpu.memory_space<vmem>>, vector<8x64xf32>
    %slice3A = vector.extract_strided_slice %get3A_1 {offsets = [2, 0], sizes = [1, 64], strides = [1, 1]} : vector<8x64xf32> to vector<1x64xf32>
    %squeeze3A = vector.shape_cast %slice3A : vector<1x64xf32> to vector<64xf32>
    %max3A = arith.constant 1.000000e+00 : f32
    %max3A_2 = vector.broadcast %max3A : f32 to vector<64xf32>
    %max3A_3 = arith.maximumf %squeeze3A, %max3A_2 : vector<64xf32>
    %mul3A = arith.constant 5.120000e+02 : f32
    %mul3A_4 = vector.broadcast %mul3A : f32 to vector<64xf32>
    %mul3A_5 = arith.mulf %max3A_3, %mul3A_4 : vector<64xf32>
    %slice3A_6 = vector.extract_strided_slice %get3A_1 {offsets = [0, 0], sizes = [1, 64], strides = [1, 1]} : vector<8x64xf32> to vector<1x64xf32>
    %squeeze3A_7 = vector.shape_cast %slice3A_6 : vector<1x64xf32> to vector<64xf32>
    %div3A = arith.divf %squeeze3A_7, %mul3A_5 : vector<64xf32>
    %slice3A_8 = vector.extract_strided_slice %get3A_1 {offsets = [1, 0], sizes = [1, 64], strides = [1, 1]} : vector<8x64xf32> to vector<1x64xf32>
    %squeeze3A_9 = vector.shape_cast %slice3A_8 : vector<1x64xf32> to vector<64xf32>
    %div3A_10 = arith.divf %squeeze3A_9, %mul3A_5 : vector<64xf32>
    %mul3A_11 = arith.mulf %div3A, %div3A : vector<64xf32>
    %sub3A = arith.subf %div3A_10, %mul3A_11 : vector<64xf32>
    %add3A = arith.constant 9.99999974E-6 : f32
    %add3A_12 = vector.broadcast %add3A : f32 to vector<64xf32>
    %add3A_13 = arith.addf %sub3A, %add3A_12 : vector<64xf32>
    %rsqrt3A = math.rsqrt %add3A_13 : vector<64xf32>
    %get3A_14 = arith.constant 0 : index
    %get3A_15 = arith.constant 0 : index
    %get3A_16 = arith.constant 0 : index
    %get3A_17 = vector.load %arg3[%get3A_14, %get3A_15, %get3A_16] : memref<1x1x1000xi32, #tpu.memory_space<vmem>>, vector<1x1x1000xi32>
    %get3A_18 = vector.shape_cast %get3A_17 : vector<1x1x1000xi32> to vector<1000xi32>
    %iota3A = tpu.iota {dimensions = array<i32: 1>} : vector<1000x64xi32>
    %broadcast_in_dim3A = vector.shape_cast %get3A_18 : vector<1000xi32> to vector<1000x1xi32>
    %eq3A = vector.broadcast %broadcast_in_dim3A : vector<1000x1xi32> to vector<1000x64xi32>
    %eq3A_19 = arith.cmpi eq, %eq3A, %iota3A : vector<1000x64xi32>
    %convert_element_type3A = arith.extui %eq3A_19 : vector<1000x64xi1> to vector<1000x64xi32>
    %convert_element_type3A_20 = arith.sitofp %convert_element_type3A : vector<1000x64xi32> to vector<1000x64xf32>
    %stack3A = vector.shape_cast %div3A : vector<64xf32> to vector<64x1xf32>
    %stack3A_21 = vector.shape_cast %rsqrt3A : vector<64xf32> to vector<64x1xf32>
    %stack3A_22 = tpu.concatenate %stack3A, %stack3A_21 in 1 : vector<64x1xf32>, vector<64x1xf32> -> vector<64x2xf32>
    %dot_general3A = arith.constant dense<0.000000e+00> : vector<1000x2xf32>
    %dot_general3A_23 = tpu.matmul %convert_element_type3A_20, %stack3A_22, %dot_general3A {dimension_numbers = #tpu.dot_dimension_numbers<[1], [0], [0], [1], [0, 0, 1, 1], [], []>, precision = #tpu.contract_precision<fp32>, transpose_lhs_hint = false} : vector<1000x64xf32>, vector<64x2xf32>, vector<1000x2xf32> -> vector<1000x2xf32>
    %get3A_24 = arith.constant 0 : index
    %get3A_25 = arith.constant 0 : index
    %get3A_26 = vector.load %arg1[%get3A_24, %get3A_25] : memref<1000x512xf32, #tpu.memory_space<vmem>>, vector<1000x512xf32>
    %slice3A_27 = vector.extract_strided_slice %dot_general3A_23 {offsets = [0, 0], sizes = [1000, 1], strides = [1, 1]} : vector<1000x2xf32> to vector<1000x1xf32>
    %sub3A_28 = vector.broadcast %slice3A_27 : vector<1000x1xf32> to vector<1000x512xf32>
    %sub3A_29 = arith.subf %get3A_26, %sub3A_28 : vector<1000x512xf32>
    %slice3A_30 = vector.extract_strided_slice %dot_general3A_23 {offsets = [0, 1], sizes = [1000, 1], strides = [1, 1]} : vector<1000x2xf32> to vector<1000x1xf32>
    %mul3A_31 = vector.broadcast %slice3A_30 : vector<1000x1xf32> to vector<1000x512xf32>
    %mul3A_32 = arith.mulf %sub3A_29, %mul3A_31 : vector<1000x512xf32>
    %get3A_33 = arith.constant 0 : index
    %get3A_34 = arith.constant 0 : index
    %get3A_35 = vector.load %arg5[%get3A_33, %get3A_34] : memref<1x512xf32, #tpu.memory_space<vmem>>, vector<1x512xf32>
    %mul3A_36 = vector.broadcast %get3A_35 : vector<1x512xf32> to vector<1000x512xf32>
    %mul3A_37 = arith.mulf %mul3A_32, %mul3A_36 : vector<1000x512xf32>
    %get3A_38 = arith.constant 0 : index
    %get3A_39 = arith.constant 0 : index
    %get3A_40 = vector.load %arg6[%get3A_38, %get3A_39] : memref<1x512xf32, #tpu.memory_space<vmem>>, vector<1x512xf32>
    %add3A_41 = vector.broadcast %get3A_40 : vector<1x512xf32> to vector<1000x512xf32>
    %add3A_42 = arith.addf %mul3A_37, %add3A_41 : vector<1000x512xf32>
    %mul3A_43 = arith.constant 5.000000e-01 : f32
    %mul3A_44 = vector.broadcast %mul3A_43 : f32 to vector<1000x512xf32>
    %mul3A_45 = arith.mulf %mul3A_44, %add3A_42 : vector<1000x512xf32>
    %div3A_46 = arith.constant 1.41421354 : f32
    %div3A_47 = vector.broadcast %div3A_46 : f32 to vector<1000x512xf32>
    %div3A_48 = arith.divf %add3A_42, %div3A_47 : vector<1000x512xf32>
    %erf3A = math.erf %div3A_48 : vector<1000x512xf32>
    %add3A_49 = arith.constant 1.000000e+00 : f32
    %add3A_50 = vector.broadcast %add3A_49 : f32 to vector<1000x512xf32>
    %add3A_51 = arith.addf %add3A_50, %erf3A : vector<1000x512xf32>
    %mul3A_52 = arith.mulf %mul3A_45, %add3A_51 : vector<1000x512xf32>
    %get3A_53 = arith.constant 0 : index
    %get3A_54 = arith.constant 0 : index
    %get3A_55 = arith.constant 0 : index
    %get3A_56 = vector.load %arg4[%get3A_53, %get3A_54, %get3A_55] : memref<2x1000x128xf32, #tpu.memory_space<vmem>>, vector<2x1000x128xf32>
    %slice3A_57 = vector.extract_strided_slice %get3A_56 {offsets = [0, 0, 0], sizes = [1, 1000, 1], strides = [1, 1, 1]} : vector<2x1000x128xf32> to vector<1x1000x1xf32>
    %squeeze3A_58 = vector.shape_cast %slice3A_57 : vector<1x1000x1xf32> to vector<1000xf32>
    %slice3A_59 = vector.extract_strided_slice %get3A_56 {offsets = [1, 0, 0], sizes = [1, 1000, 1], strides = [1, 1, 1]} : vector<2x1000x128xf32> to vector<1x1000x1xf32>
    %squeeze3A_60 = vector.shape_cast %slice3A_59 : vector<1x1000x1xf32> to vector<1000xf32>
    %add3A_61 = arith.addf %squeeze3A_58, %squeeze3A_60 : vector<1000xf32>
    %add3A_62 = arith.constant 1.000000e+00 : f32
    %add3A_63 = vector.broadcast %add3A_62 : f32 to vector<1000xf32>
    %add3A_64 = arith.addf %add3A_61, %add3A_63 : vector<1000xf32>
    %rsqrt3A_65 = math.rsqrt %add3A_64 : vector<1000xf32>
    %get3A_66 = arith.constant 0 : index
    %get3A_67 = arith.constant 0 : index
    %get3A_68 = vector.load %arg7[%get3A_66, %get3A_67] : memref<512x512xf32, #tpu.memory_space<vmem>>, vector<512x512xf32>
    %dot_general3A_69 = arith.constant dense<0.000000e+00> : vector<1000x512xf32>
    %dot_general3A_70 = tpu.matmul %mul3A_52, %get3A_68, %dot_general3A_69 {dimension_numbers = #tpu.dot_dimension_numbers<[1], [0], [0], [1], [0, 0, 1, 1], [], []>, precision = #tpu.contract_precision<fp32>, transpose_lhs_hint = false} : vector<1000x512xf32>, vector<512x512xf32>, vector<1000x512xf32> -> vector<1000x512xf32>
    %broadcast_in_dim3A_71 = vector.shape_cast %rsqrt3A_65 : vector<1000xf32> to vector<1000x1xf32>
    %mul3A_72 = vector.broadcast %broadcast_in_dim3A_71 : vector<1000x1xf32> to vector<1000x512xf32>
    %mul3A_73 = arith.mulf %dot_general3A_70, %mul3A_72 : vector<1000x512xf32>
    %slice3A_74 = vector.extract_strided_slice %mul3A_73 {offsets = [0, 0], sizes = [1000, 128], strides = [1, 1]} : vector<1000x512xf32> to vector<1000x128xf32>
    %swap3A = arith.constant 0 : index
    %swap3A_75 = arith.constant 0 : index
    %swap3A_76 = vector.load %arg8[%swap3A, %swap3A_75] : memref<1000x128xf32, #tpu.memory_space<vmem>>, vector<1000x128xf32>
    tpu.vector_store %arg8[%swap3A, %swap3A_75], %slice3A_74 {strides = array<i32>} : memref<1000x128xf32, #tpu.memory_space<vmem>>, vector<1000x128xf32>,
    %slice3A_77 = vector.extract_strided_slice %mul3A_73 {offsets = [0, 128], sizes = [1000, 128], strides = [1, 1]} : vector<1000x512xf32> to vector<1000x128xf32>
    %swap3A_78 = arith.constant 0 : index
    %swap3A_79 = arith.constant 0 : index
    %swap3A_80 = vector.load %arg9[%swap3A_78, %swap3A_79] : memref<1000x128xf32, #tpu.memory_space<vmem>>, vector<1000x128xf32>
    tpu.vector_store %arg9[%swap3A_78, %swap3A_79], %slice3A_77 {strides = array<i32>} : memref<1000x128xf32, #tpu.memory_space<vmem>>, vector<1000x128xf32>,
    %slice3A_81 = vector.extract_strided_slice %mul3A_73 {offsets = [0, 256], sizes = [1000, 128], strides = [1, 1]} : vector<1000x512xf32> to vector<1000x128xf32>
    %swap3A_82 = arith.constant 0 : index
    %swap3A_83 = arith.constant 0 : index
    %swap3A_84 = vector.load %arg10[%swap3A_82, %swap3A_83] : memref<1000x128xf32, #tpu.memory_space<vmem>>, vector<1000x128xf32>
    tpu.vector_store %arg10[%swap3A_82, %swap3A_83], %slice3A_81 {strides = array<i32>} : memref<1000x128xf32, #tpu.memory_space<vmem>>, vector<1000x128xf32>,
    %slice3A_85 = vector.extract_strided_slice %mul3A_73 {offsets = [0, 384], sizes = [1000, 128], strides = [1, 1]} : vector<1000x512xf32> to vector<1000x128xf32>
    %swap3A_86 = arith.constant 0 : index
    %swap3A_87 = arith.constant 0 : index
    %swap3A_88 = vector.load %arg11[%swap3A_86, %swap3A_87] : memref<1000x128xf32, #tpu.memory_space<vmem>>, vector<1000x128xf32>
    tpu.vector_store %arg11[%swap3A_86, %swap3A_87], %slice3A_85 {strides = array<i32>} : memref<1000x128xf32, #tpu.memory_space<vmem>>, vector<1000x128xf32>,
    return
  }
  func.func @transform_0(%arg0: i32) -> (i32, i32) {
    %c0_i32 = arith.constant 0 : i32
    %c0_i32_0 = arith.constant 0 : i32
    return %arg0, %c0_i32 : i32, i32
  }
  func.func @transform_1(%arg0: i32) -> (i32, i32) {
    %c0_i32 = arith.constant 0 : i32
    %c0_i32_0 = arith.constant 0 : i32
    %c0_i32_1 = arith.constant 0 : i32
    return %c0_i32, %c0_i32_0 : i32, i32
  }
  func.func @transform_2(%arg0: i32) -> (i32, i32, i32) {
    %c0_i32 = arith.constant 0 : i32
    %c0_i32_0 = arith.constant 0 : i32
    %c0_i32_1 = arith.constant 0 : i32
    return %arg0, %c0_i32, %c0_i32_0 : i32, i32, i32
  }
  func.func @transform_3(%arg0: i32) -> (i32, i32, i32) {
    %c0_i32 = arith.constant 0 : i32
    %c0_i32_0 = arith.constant 0 : i32
    %c0_i32_1 = arith.constant 0 : i32
    return %c0_i32, %arg0, %c0_i32_0 : i32, i32, i32
  }
  func.func @transform_4(%arg0: i32) -> (i32, i32) {
    %c0_i32 = arith.constant 0 : i32
    %c0_i32_0 = arith.constant 0 : i32
    %c0_i32_1 = arith.constant 0 : i32
    return %c0_i32, %c0_i32_0 : i32, i32
  }
  func.func @transform_5(%arg0: i32) -> (i32, i32) {
    %c0_i32 = arith.constant 0 : i32
    %c0_i32_0 = arith.constant 0 : i32
    %c0_i32_1 = arith.constant 0 : i32
    return %c0_i32, %c0_i32_0 : i32, i32
  }
  func.func @transform_6(%arg0: i32) -> (i32, i32) {
    %c0_i32 = arith.constant 0 : i32
    %c0_i32_0 = arith.constant 0 : i32
    %c0_i32_1 = arith.constant 0 : i32
    return %c0_i32, %c0_i32_0 : i32, i32
  }
  func.func @transform_7(%arg0: i32) -> (i32, i32) {
    %c0_i32 = arith.constant 0 : i32
    %c0_i32_0 = arith.constant 0 : i32
    return %arg0, %c0_i32 : i32, i32
  }
  func.func @transform_8(%arg0: i32) -> (i32, i32) {
    %c0_i32 = arith.constant 0 : i32
    %c0_i32_0 = arith.constant 0 : i32
    return %arg0, %c0_i32 : i32, i32
  }
  func.func @transform_9(%arg0: i32) -> (i32, i32) {
    %c0_i32 = arith.constant 0 : i32
    %c0_i32_0 = arith.constant 0 : i32
    return %arg0, %c0_i32 : i32, i32
  }
  func.func @transform_10(%arg0: i32) -> (i32, i32) {
    %c0_i32 = arith.constant 0 : i32
    %c0_i32_0 = arith.constant 0 : i32
    return %arg0, %c0_i32 : i32, i32
  }
}

module attributes {stable_mosaic.version = 14 : i64} {
  func.func @_c_body(%arg0: i32, %arg1: memref<1000x128xf32, #tpu.memory_space<vmem>>, %arg2: memref<1000x128xf32, #tpu.memory_space<vmem>>, %arg3: memref<1000x128xf32, #tpu.memory_space<vmem>>, %arg4: memref<1000x128xf32, #tpu.memory_space<vmem>>, %arg5: memref<2x1000x128xf32, #tpu.memory_space<vmem>>, %arg6: memref<1x512xf32, #tpu.memory_space<vmem>>, %arg7: memref<1x1x1000xi32, #tpu.memory_space<vmem>>, %arg8: memref<1000x512xf32, #tpu.memory_space<vmem>>, %arg9: memref<8x64xf32, #tpu.memory_space<vmem>>) attributes {dimension_semantics = [#tpu.dimension_semantics<arbitrary>], iteration_bounds = array<i64: 10>, scalar_prefetch = 0 : i64, scratch_operands = 0 : i64, tpu.core_type = #tpu.core_type<tc>, window_params = [{transform_indices = @transform_0, window_bounds = array<i64: 1000, 128>}, {transform_indices = @transform_1, window_bounds = array<i64: 1000, 128>}, {transform_indices = @transform_2, window_bounds = array<i64: 1000, 128>}, {transform_indices = @transform_3, window_bounds = array<i64: 1000, 128>}, {transform_indices = @transform_4, window_bounds = array<i64: 2, 1000, 128>}, {pipeline_mode = #tpu.pipeline_mode<synchronous>, transform_indices = @transform_5, window_bounds = array<i64: 1, 512>}, {transform_indices = @transform_6, window_bounds = array<i64: 1, 1, 1000>}, {transform_indices = @transform_7, window_bounds = array<i64: 1000, 512>}, {pipeline_mode = #tpu.pipeline_mode<synchronous>, transform_indices = @transform_8, window_bounds = array<i64: 8, 64>}]} {
    %get3A = arith.constant 0 : index
    %get3A_0 = arith.constant 0 : index
    %get3A_1 = arith.constant 0 : index
    %get3A_2 = vector.load %arg5[%get3A, %get3A_0, %get3A_1] : memref<2x1000x128xf32, #tpu.memory_space<vmem>>, vector<2x1000x128xf32>
    %slice3A = vector.extract_strided_slice %get3A_2 {offsets = [0, 0, 0], sizes = [1, 1000, 1], strides = [1, 1, 1]} : vector<2x1000x128xf32> to vector<1x1000x1xf32>
    %squeeze3A = vector.shape_cast %slice3A : vector<1x1000x1xf32> to vector<1000xf32>
    %slice3A_3 = vector.extract_strided_slice %get3A_2 {offsets = [1, 0, 0], sizes = [1, 1000, 1], strides = [1, 1, 1]} : vector<2x1000x128xf32> to vector<1x1000x1xf32>
    %squeeze3A_4 = vector.shape_cast %slice3A_3 : vector<1x1000x1xf32> to vector<1000xf32>
    %add3A = arith.addf %squeeze3A, %squeeze3A_4 : vector<1000xf32>
    %add3A_5 = arith.constant 1.000000e+00 : f32
    %add3A_6 = vector.broadcast %add3A_5 : f32 to vector<1000xf32>
    %add3A_7 = arith.addf %add3A, %add3A_6 : vector<1000xf32>
    %rsqrt3A = math.rsqrt %add3A_7 : vector<1000xf32>
    %get3A_8 = arith.constant 0 : index
    %get3A_9 = arith.constant 0 : index
    %get3A_10 = vector.load %arg1[%get3A_8, %get3A_9] : memref<1000x128xf32, #tpu.memory_space<vmem>>, vector<1000x128xf32>
    %get3A_11 = arith.constant 0 : index
    %get3A_12 = arith.constant 0 : index
    %get3A_13 = vector.load %arg2[%get3A_11, %get3A_12] : memref<1000x128xf32, #tpu.memory_space<vmem>>, vector<1000x128xf32>
    %get3A_14 = arith.constant 0 : index
    %get3A_15 = arith.constant 0 : index
    %get3A_16 = vector.load %arg3[%get3A_14, %get3A_15] : memref<1000x128xf32, #tpu.memory_space<vmem>>, vector<1000x128xf32>
    %get3A_17 = arith.constant 0 : index
    %get3A_18 = arith.constant 0 : index
    %get3A_19 = vector.load %arg4[%get3A_17, %get3A_18] : memref<1000x128xf32, #tpu.memory_space<vmem>>, vector<1000x128xf32>
    %concatenate3A = tpu.concatenate %get3A_10, %get3A_13, %get3A_16, %get3A_19 in 1 : vector<1000x128xf32>, vector<1000x128xf32>, vector<1000x128xf32>, vector<1000x128xf32> -> vector<1000x512xf32>
    %broadcast_in_dim3A = vector.shape_cast %rsqrt3A : vector<1000xf32> to vector<1000x1xf32>
    %mul3A = vector.broadcast %broadcast_in_dim3A : vector<1000x1xf32> to vector<1000x512xf32>
    %mul3A_20 = arith.mulf %concatenate3A, %mul3A : vector<1000x512xf32>
    %get3A_21 = arith.constant 0 : index
    %get3A_22 = arith.constant 0 : index
    %get3A_23 = vector.load %arg6[%get3A_21, %get3A_22] : memref<1x512xf32, #tpu.memory_space<vmem>>, vector<1x512xf32>
    %add3A_24 = vector.broadcast %get3A_23 : vector<1x512xf32> to vector<1000x512xf32>
    %add3A_25 = arith.addf %mul3A_20, %add3A_24 : vector<1000x512xf32>
    %swap3A = arith.constant 0 : index
    %swap3A_26 = arith.constant 0 : index
    %swap3A_27 = vector.load %arg8[%swap3A, %swap3A_26] : memref<1000x512xf32, #tpu.memory_space<vmem>>, vector<1000x512xf32>
    tpu.vector_store %arg8[%swap3A, %swap3A_26], %add3A_25 {strides = array<i32>} : memref<1000x512xf32, #tpu.memory_space<vmem>>, vector<1000x512xf32>,
    %reduce_sum3A = arith.constant dense<0.000000e+00> : vector<1000xf32>
    %reduce_sum3A_28 = vector.multi_reduction <add>, %add3A_25, %reduce_sum3A [1] : vector<1000x512xf32> to vector<1000xf32>
    %mul3A_29 = arith.mulf %add3A_25, %add3A_25 : vector<1000x512xf32>
    %reduce_sum3A_30 = arith.constant dense<0.000000e+00> : vector<1000xf32>
    %reduce_sum3A_31 = vector.multi_reduction <add>, %mul3A_29, %reduce_sum3A_30 [1] : vector<1000x512xf32> to vector<1000xf32>
    %broadcast_in_dim3A_32 = arith.constant 1.000000e+00 : f32
    %broadcast_in_dim3A_33 = vector.broadcast %broadcast_in_dim3A_32 : f32 to vector<1000xf32>
    %broadcast_in_dim3A_34 = arith.constant 0.000000e+00 : f32
    %broadcast_in_dim3A_35 = vector.broadcast %broadcast_in_dim3A_34 : f32 to vector<1000xf32>
    %stack3A = vector.shape_cast %reduce_sum3A_28 : vector<1000xf32> to vector<1x1000xf32>
    %stack3A_36 = vector.shape_cast %reduce_sum3A_31 : vector<1000xf32> to vector<1x1000xf32>
    %stack3A_37 = vector.shape_cast %broadcast_in_dim3A_33 : vector<1000xf32> to vector<1x1000xf32>
    %stack3A_38 = vector.shape_cast %broadcast_in_dim3A_35 : vector<1000xf32> to vector<1x1000xf32>
    %stack3A_39 = vector.shape_cast %broadcast_in_dim3A_35 : vector<1000xf32> to vector<1x1000xf32>
    %stack3A_40 = vector.shape_cast %broadcast_in_dim3A_35 : vector<1000xf32> to vector<1x1000xf32>
    %stack3A_41 = vector.shape_cast %broadcast_in_dim3A_35 : vector<1000xf32> to vector<1x1000xf32>
    %stack3A_42 = vector.shape_cast %broadcast_in_dim3A_35 : vector<1000xf32> to vector<1x1000xf32>
    %stack3A_43 = tpu.concatenate %stack3A, %stack3A_36, %stack3A_37, %stack3A_38, %stack3A_39, %stack3A_40, %stack3A_41, %stack3A_42 in 0 : vector<1x1000xf32>, vector<1x1000xf32>, vector<1x1000xf32>, vector<1x1000xf32>, vector<1x1000xf32>, vector<1x1000xf32>, vector<1x1000xf32>, vector<1x1000xf32> -> vector<8x1000xf32>
    %get3A_44 = arith.constant 0 : index
    %get3A_45 = arith.constant 0 : index
    %get3A_46 = arith.constant 0 : index
    %get3A_47 = vector.load %arg7[%get3A_44, %get3A_45, %get3A_46] : memref<1x1x1000xi32, #tpu.memory_space<vmem>>, vector<1x1x1000xi32>
    %get3A_48 = vector.shape_cast %get3A_47 : vector<1x1x1000xi32> to vector<1000xi32>
    %iota3A = tpu.iota {dimensions = array<i32: 1>} : vector<1000x64xi32>
    %broadcast_in_dim3A_49 = vector.shape_cast %get3A_48 : vector<1000xi32> to vector<1000x1xi32>
    %eq3A = vector.broadcast %broadcast_in_dim3A_49 : vector<1000x1xi32> to vector<1000x64xi32>
    %eq3A_50 = arith.cmpi eq, %eq3A, %iota3A : vector<1000x64xi32>
    %convert_element_type3A = arith.extui %eq3A_50 : vector<1000x64xi1> to vector<1000x64xi32>
    %convert_element_type3A_51 = arith.sitofp %convert_element_type3A : vector<1000x64xi32> to vector<1000x64xf32>
    %dot_general3A = arith.constant dense<0.000000e+00> : vector<8x64xf32>
    %dot_general3A_52 = tpu.matmul %stack3A_43, %convert_element_type3A_51, %dot_general3A {dimension_numbers = #tpu.dot_dimension_numbers<[1], [0], [0], [1], [0, 0, 1, 1], [], []>, precision = #tpu.contract_precision<fp32>, transpose_lhs_hint = false} : vector<8x1000xf32>, vector<1000x64xf32>, vector<8x64xf32> -> vector<8x64xf32>
    %eq3A_53 = arith.constant 0 : i32
    %eq3A_54 = arith.cmpi eq, %arg0, %eq3A_53 : i32
    %convert_element_type3A_55 = arith.extui %eq3A_54 : i1 to i32
    %cond3A = arith.constant 0 : i32
    %cond3A_56 = arith.cmpi ne, %convert_element_type3A_55, %cond3A : i32
    scf.if %cond3A_56 {
      %broadcast_in_dim3A_64 = arith.constant 0.000000e+00 : f32
      %broadcast_in_dim3A_65 = vector.broadcast %broadcast_in_dim3A_64 : f32 to vector<8x64xf32>
      %swap3A_66 = arith.constant 0 : index
      %swap3A_67 = arith.constant 0 : index
      %swap3A_68 = vector.load %arg9[%swap3A_66, %swap3A_67] : memref<8x64xf32, #tpu.memory_space<vmem>>, vector<8x64xf32>
      tpu.vector_store %arg9[%swap3A_66, %swap3A_67], %broadcast_in_dim3A_65 {strides = array<i32>} : memref<8x64xf32, #tpu.memory_space<vmem>>, vector<8x64xf32>,
    } else {
    }
    %get3A_57 = arith.constant 0 : index
    %get3A_58 = arith.constant 0 : index
    %get3A_59 = vector.load %arg9[%get3A_57, %get3A_58] : memref<8x64xf32, #tpu.memory_space<vmem>>, vector<8x64xf32>
    %add3A_60 = arith.addf %get3A_59, %dot_general3A_52 : vector<8x64xf32>
    %swap3A_61 = arith.constant 0 : index
    %swap3A_62 = arith.constant 0 : index
    %swap3A_63 = vector.load %arg9[%swap3A_61, %swap3A_62] : memref<8x64xf32, #tpu.memory_space<vmem>>, vector<8x64xf32>
    tpu.vector_store %arg9[%swap3A_61, %swap3A_62], %add3A_60 {strides = array<i32>} : memref<8x64xf32, #tpu.memory_space<vmem>>, vector<8x64xf32>,
    return
  }
  func.func @transform_0(%arg0: i32) -> (i32, i32) {
    %c0_i32 = arith.constant 0 : i32
    %c0_i32_0 = arith.constant 0 : i32
    return %arg0, %c0_i32 : i32, i32
  }
  func.func @transform_1(%arg0: i32) -> (i32, i32) {
    %c0_i32 = arith.constant 0 : i32
    %c0_i32_0 = arith.constant 0 : i32
    return %arg0, %c0_i32 : i32, i32
  }
  func.func @transform_2(%arg0: i32) -> (i32, i32) {
    %c0_i32 = arith.constant 0 : i32
    %c0_i32_0 = arith.constant 0 : i32
    return %arg0, %c0_i32 : i32, i32
  }
  func.func @transform_3(%arg0: i32) -> (i32, i32) {
    %c0_i32 = arith.constant 0 : i32
    %c0_i32_0 = arith.constant 0 : i32
    return %arg0, %c0_i32 : i32, i32
  }
  func.func @transform_4(%arg0: i32) -> (i32, i32, i32) {
    %c0_i32 = arith.constant 0 : i32
    %c0_i32_0 = arith.constant 0 : i32
    %c0_i32_1 = arith.constant 0 : i32
    return %c0_i32, %arg0, %c0_i32_0 : i32, i32, i32
  }
  func.func @transform_5(%arg0: i32) -> (i32, i32) {
    %c0_i32 = arith.constant 0 : i32
    %c0_i32_0 = arith.constant 0 : i32
    %c0_i32_1 = arith.constant 0 : i32
    return %c0_i32, %c0_i32_0 : i32, i32
  }
  func.func @transform_6(%arg0: i32) -> (i32, i32, i32) {
    %c0_i32 = arith.constant 0 : i32
    %c0_i32_0 = arith.constant 0 : i32
    %c0_i32_1 = arith.constant 0 : i32
    return %arg0, %c0_i32, %c0_i32_0 : i32, i32, i32
  }
  func.func @transform_7(%arg0: i32) -> (i32, i32) {
    %c0_i32 = arith.constant 0 : i32
    %c0_i32_0 = arith.constant 0 : i32
    return %arg0, %c0_i32 : i32, i32
  }
  func.func @transform_8(%arg0: i32) -> (i32, i32) {
    %c0_i32 = arith.constant 0 : i32
    %c0_i32_0 = arith.constant 0 : i32
    %c0_i32_1 = arith.constant 0 : i32
    return %c0_i32, %c0_i32_0 : i32, i32
  }
}

module attributes {stable_mosaic.version = 14 : i64} {
  func.func @_e_body(%arg0: i32, %arg1: memref<1000x512xf32, #tpu.memory_space<vmem>>, %arg2: memref<8x64xf32, #tpu.memory_space<vmem>>, %arg3: memref<1x1x1000xi32, #tpu.memory_space<vmem>>, %arg4: memref<1x512xf32, #tpu.memory_space<vmem>>, %arg5: memref<1x512xf32, #tpu.memory_space<vmem>>, %arg6: memref<512x256xf32, #tpu.memory_space<vmem>>, %arg7: memref<1x256xf32, #tpu.memory_space<vmem>>, %arg8: memref<256x128xf32, #tpu.memory_space<vmem>>, %arg9: memref<1x128xf32, #tpu.memory_space<vmem>>, %arg10: memref<128x256xf32, #tpu.memory_space<vmem>>, %arg11: memref<1x256xf32, #tpu.memory_space<vmem>>, %arg12: memref<64x256xf32, #tpu.memory_space<vmem>>, %arg13: memref<64x512xf32, #tpu.memory_space<vmem>>) attributes {dimension_semantics = [#tpu.dimension_semantics<arbitrary>], iteration_bounds = array<i64: 10>, scalar_prefetch = 0 : i64, scratch_operands = 1 : i64, tpu.core_type = #tpu.core_type<tc>, window_params = [{transform_indices = @transform_0, window_bounds = array<i64: 1000, 512>}, {pipeline_mode = #tpu.pipeline_mode<synchronous>, transform_indices = @transform_1, window_bounds = array<i64: 8, 64>}, {transform_indices = @transform_2, window_bounds = array<i64: 1, 1, 1000>}, {pipeline_mode = #tpu.pipeline_mode<synchronous>, transform_indices = @transform_3, window_bounds = array<i64: 1, 512>}, {pipeline_mode = #tpu.pipeline_mode<synchronous>, transform_indices = @transform_4, window_bounds = array<i64: 1, 512>}, {pipeline_mode = #tpu.pipeline_mode<synchronous>, transform_indices = @transform_5, window_bounds = array<i64: 512, 256>}, {pipeline_mode = #tpu.pipeline_mode<synchronous>, transform_indices = @transform_6, window_bounds = array<i64: 1, 256>}, {pipeline_mode = #tpu.pipeline_mode<synchronous>, transform_indices = @transform_7, window_bounds = array<i64: 256, 128>}, {pipeline_mode = #tpu.pipeline_mode<synchronous>, transform_indices = @transform_8, window_bounds = array<i64: 1, 128>}, {pipeline_mode = #tpu.pipeline_mode<synchronous>, transform_indices = @transform_9, window_bounds = array<i64: 128, 256>}, {pipeline_mode = #tpu.pipeline_mode<synchronous>, transform_indices = @transform_10, window_bounds = array<i64: 1, 256>}, {pipeline_mode = #tpu.pipeline_mode<synchronous>, transform_indices = @transform_11, window_bounds = array<i64: 64, 256>}]} {
    %get3A = arith.constant 0 : index
    %get3A_0 = arith.constant 0 : index
    %get3A_1 = vector.load %arg2[%get3A, %get3A_0] : memref<8x64xf32, #tpu.memory_space<vmem>>, vector<8x64xf32>
    %slice3A = vector.extract_strided_slice %get3A_1 {offsets = [2, 0], sizes = [1, 64], strides = [1, 1]} : vector<8x64xf32> to vector<1x64xf32>
    %squeeze3A = vector.shape_cast %slice3A : vector<1x64xf32> to vector<64xf32>
    %max3A = arith.constant 1.000000e+00 : f32
    %max3A_2 = vector.broadcast %max3A : f32 to vector<64xf32>
    %max3A_3 = arith.maximumf %squeeze3A, %max3A_2 : vector<64xf32>
    %mul3A = arith.constant 5.120000e+02 : f32
    %mul3A_4 = vector.broadcast %mul3A : f32 to vector<64xf32>
    %mul3A_5 = arith.mulf %max3A_3, %mul3A_4 : vector<64xf32>
    %slice3A_6 = vector.extract_strided_slice %get3A_1 {offsets = [0, 0], sizes = [1, 64], strides = [1, 1]} : vector<8x64xf32> to vector<1x64xf32>
    %squeeze3A_7 = vector.shape_cast %slice3A_6 : vector<1x64xf32> to vector<64xf32>
    %div3A = arith.divf %squeeze3A_7, %mul3A_5 : vector<64xf32>
    %slice3A_8 = vector.extract_strided_slice %get3A_1 {offsets = [1, 0], sizes = [1, 64], strides = [1, 1]} : vector<8x64xf32> to vector<1x64xf32>
    %squeeze3A_9 = vector.shape_cast %slice3A_8 : vector<1x64xf32> to vector<64xf32>
    %div3A_10 = arith.divf %squeeze3A_9, %mul3A_5 : vector<64xf32>
    %mul3A_11 = arith.mulf %div3A, %div3A : vector<64xf32>
    %sub3A = arith.subf %div3A_10, %mul3A_11 : vector<64xf32>
    %add3A = arith.constant 9.99999974E-6 : f32
    %add3A_12 = vector.broadcast %add3A : f32 to vector<64xf32>
    %add3A_13 = arith.addf %sub3A, %add3A_12 : vector<64xf32>
    %rsqrt3A = math.rsqrt %add3A_13 : vector<64xf32>
    %get3A_14 = arith.constant 0 : index
    %get3A_15 = arith.constant 0 : index
    %get3A_16 = arith.constant 0 : index
    %get3A_17 = vector.load %arg3[%get3A_14, %get3A_15, %get3A_16] : memref<1x1x1000xi32, #tpu.memory_space<vmem>>, vector<1x1x1000xi32>
    %get3A_18 = vector.shape_cast %get3A_17 : vector<1x1x1000xi32> to vector<1000xi32>
    %iota3A = tpu.iota {dimensions = array<i32: 1>} : vector<1000x64xi32>
    %broadcast_in_dim3A = vector.shape_cast %get3A_18 : vector<1000xi32> to vector<1000x1xi32>
    %eq3A = vector.broadcast %broadcast_in_dim3A : vector<1000x1xi32> to vector<1000x64xi32>
    %eq3A_19 = arith.cmpi eq, %eq3A, %iota3A : vector<1000x64xi32>
    %convert_element_type3A = arith.extui %eq3A_19 : vector<1000x64xi1> to vector<1000x64xi32>
    %convert_element_type3A_20 = arith.sitofp %convert_element_type3A : vector<1000x64xi32> to vector<1000x64xf32>
    %stack3A = vector.shape_cast %div3A : vector<64xf32> to vector<64x1xf32>
    %stack3A_21 = vector.shape_cast %rsqrt3A : vector<64xf32> to vector<64x1xf32>
    %stack3A_22 = tpu.concatenate %stack3A, %stack3A_21 in 1 : vector<64x1xf32>, vector<64x1xf32> -> vector<64x2xf32>
    %dot_general3A = arith.constant dense<0.000000e+00> : vector<1000x2xf32>
    %dot_general3A_23 = tpu.matmul %convert_element_type3A_20, %stack3A_22, %dot_general3A {dimension_numbers = #tpu.dot_dimension_numbers<[1], [0], [0], [1], [0, 0, 1, 1], [], []>, precision = #tpu.contract_precision<fp32>, transpose_lhs_hint = false} : vector<1000x64xf32>, vector<64x2xf32>, vector<1000x2xf32> -> vector<1000x2xf32>
    %get3A_24 = arith.constant 0 : index
    %get3A_25 = arith.constant 0 : index
    %get3A_26 = vector.load %arg1[%get3A_24, %get3A_25] : memref<1000x512xf32, #tpu.memory_space<vmem>>, vector<1000x512xf32>
    %slice3A_27 = vector.extract_strided_slice %dot_general3A_23 {offsets = [0, 0], sizes = [1000, 1], strides = [1, 1]} : vector<1000x2xf32> to vector<1000x1xf32>
    %sub3A_28 = vector.broadcast %slice3A_27 : vector<1000x1xf32> to vector<1000x512xf32>
    %sub3A_29 = arith.subf %get3A_26, %sub3A_28 : vector<1000x512xf32>
    %slice3A_30 = vector.extract_strided_slice %dot_general3A_23 {offsets = [0, 1], sizes = [1000, 1], strides = [1, 1]} : vector<1000x2xf32> to vector<1000x1xf32>
    %mul3A_31 = vector.broadcast %slice3A_30 : vector<1000x1xf32> to vector<1000x512xf32>
    %mul3A_32 = arith.mulf %sub3A_29, %mul3A_31 : vector<1000x512xf32>
    %get3A_33 = arith.constant 0 : index
    %get3A_34 = arith.constant 0 : index
    %get3A_35 = vector.load %arg4[%get3A_33, %get3A_34] : memref<1x512xf32, #tpu.memory_space<vmem>>, vector<1x512xf32>
    %mul3A_36 = vector.broadcast %get3A_35 : vector<1x512xf32> to vector<1000x512xf32>
    %mul3A_37 = arith.mulf %mul3A_32, %mul3A_36 : vector<1000x512xf32>
    %get3A_38 = arith.constant 0 : index
    %get3A_39 = arith.constant 0 : index
    %get3A_40 = vector.load %arg5[%get3A_38, %get3A_39] : memref<1x512xf32, #tpu.memory_space<vmem>>, vector<1x512xf32>
    %add3A_41 = vector.broadcast %get3A_40 : vector<1x512xf32> to vector<1000x512xf32>
    %add3A_42 = arith.addf %mul3A_37, %add3A_41 : vector<1000x512xf32>
    %mul3A_43 = arith.constant 5.000000e-01 : f32
    %mul3A_44 = vector.broadcast %mul3A_43 : f32 to vector<1000x512xf32>
    %mul3A_45 = arith.mulf %mul3A_44, %add3A_42 : vector<1000x512xf32>
    %div3A_46 = arith.constant 1.41421354 : f32
    %div3A_47 = vector.broadcast %div3A_46 : f32 to vector<1000x512xf32>
    %div3A_48 = arith.divf %add3A_42, %div3A_47 : vector<1000x512xf32>
    %erf3A = math.erf %div3A_48 : vector<1000x512xf32>
    %add3A_49 = arith.constant 1.000000e+00 : f32
    %add3A_50 = vector.broadcast %add3A_49 : f32 to vector<1000x512xf32>
    %add3A_51 = arith.addf %add3A_50, %erf3A : vector<1000x512xf32>
    %mul3A_52 = arith.mulf %mul3A_45, %add3A_51 : vector<1000x512xf32>
    %dot_general3A_53 = arith.constant dense<0.000000e+00> : vector<64x512xf32>
    %dot_general3A_54 = tpu.matmul %convert_element_type3A_20, %mul3A_52, %dot_general3A_53 {dimension_numbers = #tpu.dot_dimension_numbers<[0], [0], [1], [1], [0, 1, 1, 1], [], []>, precision = #tpu.contract_precision<fp32>, transpose_lhs_hint = false} : vector<1000x64xf32>, vector<1000x512xf32>, vector<64x512xf32> -> vector<64x512xf32>
    %eq3A_55 = arith.constant 0 : i32
    %eq3A_56 = arith.cmpi eq, %arg0, %eq3A_55 : i32
    %convert_element_type3A_57 = arith.extui %eq3A_56 : i1 to i32
    %cond3A = arith.constant 0 : i32
    %cond3A_58 = arith.cmpi ne, %convert_element_type3A_57, %cond3A : i32
    scf.if %cond3A_58 {
      %broadcast_in_dim3A_70 = arith.constant 0.000000e+00 : f32
      %broadcast_in_dim3A_71 = vector.broadcast %broadcast_in_dim3A_70 : f32 to vector<64x512xf32>
      %swap3A_72 = arith.constant 0 : index
      %swap3A_73 = arith.constant 0 : index
      %swap3A_74 = vector.load %arg13[%swap3A_72, %swap3A_73] : memref<64x512xf32, #tpu.memory_space<vmem>>, vector<64x512xf32>
      tpu.vector_store %arg13[%swap3A_72, %swap3A_73], %broadcast_in_dim3A_71 {strides = array<i32>} : memref<64x512xf32, #tpu.memory_space<vmem>>, vector<64x512xf32>,
    } else {
    }
    %get3A_59 = arith.constant 0 : index
    %get3A_60 = arith.constant 0 : index
    %get3A_61 = vector.load %arg13[%get3A_59, %get3A_60] : memref<64x512xf32, #tpu.memory_space<vmem>>, vector<64x512xf32>
    %add3A_62 = arith.addf %get3A_61, %dot_general3A_54 : vector<64x512xf32>
    %swap3A = arith.constant 0 : index
    %swap3A_63 = arith.constant 0 : index
    %swap3A_64 = vector.load %arg13[%swap3A, %swap3A_63] : memref<64x512xf32, #tpu.memory_space<vmem>>, vector<64x512xf32>
    tpu.vector_store %arg13[%swap3A, %swap3A_63], %add3A_62 {strides = array<i32>} : memref<64x512xf32, #tpu.memory_space<vmem>>, vector<64x512xf32>,
    %eq3A_65 = arith.constant 9 : i32
    %eq3A_66 = arith.cmpi eq, %arg0, %eq3A_65 : i32
    %convert_element_type3A_67 = arith.extui %eq3A_66 : i1 to i32
    %cond3A_68 = arith.constant 0 : i32
    %cond3A_69 = arith.cmpi ne, %convert_element_type3A_67, %cond3A_68 : i32
    scf.if %cond3A_69 {
      %get3A_70 = arith.constant 0 : index
      %get3A_71 = arith.constant 0 : index
      %get3A_72 = vector.load %arg13[%get3A_70, %get3A_71] : memref<64x512xf32, #tpu.memory_space<vmem>>, vector<64x512xf32>
      %broadcast_in_dim3A_73 = vector.shape_cast %max3A_3 : vector<64xf32> to vector<64x1xf32>
      %div3A_74 = vector.broadcast %broadcast_in_dim3A_73 : vector<64x1xf32> to vector<64x512xf32>
      %div3A_75 = arith.divf %get3A_72, %div3A_74 : vector<64x512xf32>
      %get3A_76 = arith.constant 0 : index
      %get3A_77 = arith.constant 0 : index
      %get3A_78 = vector.load %arg6[%get3A_76, %get3A_77] : memref<512x256xf32, #tpu.memory_space<vmem>>, vector<512x256xf32>
      %dot_general3A_79 = arith.constant dense<0.000000e+00> : vector<64x256xf32>
      %dot_general3A_80 = tpu.matmul %div3A_75, %get3A_78, %dot_general3A_79 {dimension_numbers = #tpu.dot_dimension_numbers<[1], [0], [0], [1], [0, 0, 1, 1], [], []>, precision = #tpu.contract_precision<fp32>, transpose_lhs_hint = false} : vector<64x512xf32>, vector<512x256xf32>, vector<64x256xf32> -> vector<64x256xf32>
      %get3A_81 = arith.constant 0 : index
      %get3A_82 = arith.constant 0 : index
      %get3A_83 = vector.load %arg7[%get3A_81, %get3A_82] : memref<1x256xf32, #tpu.memory_space<vmem>>, vector<1x256xf32>
      %add3A_84 = vector.broadcast %get3A_83 : vector<1x256xf32> to vector<64x256xf32>
      %add3A_85 = arith.addf %dot_general3A_80, %add3A_84 : vector<64x256xf32>
      %mul3A_86 = arith.constant 5.000000e-01 : f32
      %mul3A_87 = vector.broadcast %mul3A_86 : f32 to vector<64x256xf32>
      %mul3A_88 = arith.mulf %mul3A_87, %add3A_85 : vector<64x256xf32>
      %div3A_89 = arith.constant 1.41421354 : f32
      %div3A_90 = vector.broadcast %div3A_89 : f32 to vector<64x256xf32>
      %div3A_91 = arith.divf %add3A_85, %div3A_90 : vector<64x256xf32>
      %erf3A_92 = math.erf %div3A_91 : vector<64x256xf32>
      %add3A_93 = arith.constant 1.000000e+00 : f32
      %add3A_94 = vector.broadcast %add3A_93 : f32 to vector<64x256xf32>
      %add3A_95 = arith.addf %add3A_94, %erf3A_92 : vector<64x256xf32>
      %mul3A_96 = arith.mulf %mul3A_88, %add3A_95 : vector<64x256xf32>
      %get3A_97 = arith.constant 0 : index
      %get3A_98 = arith.constant 0 : index
      %get3A_99 = vector.load %arg8[%get3A_97, %get3A_98] : memref<256x128xf32, #tpu.memory_space<vmem>>, vector<256x128xf32>
      %dot_general3A_100 = arith.constant dense<0.000000e+00> : vector<64x128xf32>
      %dot_general3A_101 = tpu.matmul %mul3A_96, %get3A_99, %dot_general3A_100 {dimension_numbers = #tpu.dot_dimension_numbers<[1], [0], [0], [1], [0, 0, 1, 1], [], []>, precision = #tpu.contract_precision<fp32>, transpose_lhs_hint = false} : vector<64x256xf32>, vector<256x128xf32>, vector<64x128xf32> -> vector<64x128xf32>
      %get3A_102 = arith.constant 0 : index
      %get3A_103 = arith.constant 0 : index
      %get3A_104 = vector.load %arg9[%get3A_102, %get3A_103] : memref<1x128xf32, #tpu.memory_space<vmem>>, vector<1x128xf32>
      %add3A_105 = vector.broadcast %get3A_104 : vector<1x128xf32> to vector<64x128xf32>
      %add3A_106 = arith.addf %dot_general3A_101, %add3A_105 : vector<64x128xf32>
      %mul3A_107 = arith.constant 5.000000e-01 : f32
      %mul3A_108 = vector.broadcast %mul3A_107 : f32 to vector<64x128xf32>
      %mul3A_109 = arith.mulf %mul3A_108, %add3A_106 : vector<64x128xf32>
      %div3A_110 = arith.constant 1.41421354 : f32
      %div3A_111 = vector.broadcast %div3A_110 : f32 to vector<64x128xf32>
      %div3A_112 = arith.divf %add3A_106, %div3A_111 : vector<64x128xf32>
      %erf3A_113 = math.erf %div3A_112 : vector<64x128xf32>
      %add3A_114 = arith.constant 1.000000e+00 : f32
      %add3A_115 = vector.broadcast %add3A_114 : f32 to vector<64x128xf32>
      %add3A_116 = arith.addf %add3A_115, %erf3A_113 : vector<64x128xf32>
      %mul3A_117 = arith.mulf %mul3A_109, %add3A_116 : vector<64x128xf32>
      %get3A_118 = arith.constant 0 : index
      %get3A_119 = arith.constant 0 : index
      %get3A_120 = vector.load %arg10[%get3A_118, %get3A_119] : memref<128x256xf32, #tpu.memory_space<vmem>>, vector<128x256xf32>
      %dot_general3A_121 = arith.constant dense<0.000000e+00> : vector<64x256xf32>
      %dot_general3A_122 = tpu.matmul %mul3A_117, %get3A_120, %dot_general3A_121 {dimension_numbers = #tpu.dot_dimension_numbers<[1], [0], [0], [1], [0, 0, 1, 1], [], []>, precision = #tpu.contract_precision<fp32>, transpose_lhs_hint = false} : vector<64x128xf32>, vector<128x256xf32>, vector<64x256xf32> -> vector<64x256xf32>
      %get3A_123 = arith.constant 0 : index
      %get3A_124 = arith.constant 0 : index
      %get3A_125 = vector.load %arg11[%get3A_123, %get3A_124] : memref<1x256xf32, #tpu.memory_space<vmem>>, vector<1x256xf32>
      %add3A_126 = vector.broadcast %get3A_125 : vector<1x256xf32> to vector<64x256xf32>
      %add3A_127 = arith.addf %dot_general3A_122, %add3A_126 : vector<64x256xf32>
      %swap3A_128 = arith.constant 0 : index
      %swap3A_129 = arith.constant 0 : index
      %swap3A_130 = vector.load %arg12[%swap3A_128, %swap3A_129] : memref<64x256xf32, #tpu.memory_space<vmem>>, vector<64x256xf32>
      tpu.vector_store %arg12[%swap3A_128, %swap3A_129], %add3A_127 {strides = array<i32>} : memref<64x256xf32, #tpu.memory_space<vmem>>, vector<64x256xf32>,
    } else {
    }
    return
  }
  func.func @transform_0(%arg0: i32) -> (i32, i32) {
    %c0_i32 = arith.constant 0 : i32
    %c0_i32_0 = arith.constant 0 : i32
    return %arg0, %c0_i32 : i32, i32
  }
  func.func @transform_1(%arg0: i32) -> (i32, i32) {
    %c0_i32 = arith.constant 0 : i32
    %c0_i32_0 = arith.constant 0 : i32
    %c0_i32_1 = arith.constant 0 : i32
    return %c0_i32, %c0_i32_0 : i32, i32
  }
  func.func @transform_2(%arg0: i32) -> (i32, i32, i32) {
    %c0_i32 = arith.constant 0 : i32
    %c0_i32_0 = arith.constant 0 : i32
    %c0_i32_1 = arith.constant 0 : i32
    return %arg0, %c0_i32, %c0_i32_0 : i32, i32, i32
  }
  func.func @transform_3(%arg0: i32) -> (i32, i32) {
    %c0_i32 = arith.constant 0 : i32
    %c0_i32_0 = arith.constant 0 : i32
    %c0_i32_1 = arith.constant 0 : i32
    return %c0_i32, %c0_i32_0 : i32, i32
  }
  func.func @transform_4(%arg0: i32) -> (i32, i32) {
    %c0_i32 = arith.constant 0 : i32
    %c0_i32_0 = arith.constant 0 : i32
    %c0_i32_1 = arith.constant 0 : i32
    return %c0_i32, %c0_i32_0 : i32, i32
  }
  func.func @transform_5(%arg0: i32) -> (i32, i32) {
    %c0_i32 = arith.constant 0 : i32
    %c0_i32_0 = arith.constant 0 : i32
    %c0_i32_1 = arith.constant 0 : i32
    return %c0_i32, %c0_i32_0 : i32, i32
  }
  func.func @transform_6(%arg0: i32) -> (i32, i32) {
    %c0_i32 = arith.constant 0 : i32
    %c0_i32_0 = arith.constant 0 : i32
    %c0_i32_1 = arith.constant 0 : i32
    return %c0_i32, %c0_i32_0 : i32, i32
  }
  func.func @transform_7(%arg0: i32) -> (i32, i32) {
    %c0_i32 = arith.constant 0 : i32
    %c0_i32_0 = arith.constant 0 : i32
    %c0_i32_1 = arith.constant 0 : i32
    return %c0_i32, %c0_i32_0 : i32, i32
  }
  func.func @transform_8(%arg0: i32) -> (i32, i32) {
    %c0_i32 = arith.constant 0 : i32
    %c0_i32_0 = arith.constant 0 : i32
    %c0_i32_1 = arith.constant 0 : i32
    return %c0_i32, %c0_i32_0 : i32, i32
  }
  func.func @transform_9(%arg0: i32) -> (i32, i32) {
    %c0_i32 = arith.constant 0 : i32
    %c0_i32_0 = arith.constant 0 : i32
    %c0_i32_1 = arith.constant 0 : i32
    return %c0_i32, %c0_i32_0 : i32, i32
  }
  func.func @transform_10(%arg0: i32) -> (i32, i32) {
    %c0_i32 = arith.constant 0 : i32
    %c0_i32_0 = arith.constant 0 : i32
    %c0_i32_1 = arith.constant 0 : i32
    return %c0_i32, %c0_i32_0 : i32, i32
  }
  func.func @transform_11(%arg0: i32) -> (i32, i32) {
    %c0_i32 = arith.constant 0 : i32
    %c0_i32_0 = arith.constant 0 : i32
    %c0_i32_1 = arith.constant 0 : i32
    return %c0_i32, %c0_i32_0 : i32, i32
  }
}

</mosaic_0001>

<sc_bundles>
// kernel: kernel.13.cloned.1.call-start
scs
__scs_entry_jumppad:
0x0: {  	(pc) =	sbr.rel $0x88, $3  }
0x1: {  	(tag) =	ssettag $0x0;
	lr =	simm.s32 $0x1  }
0x2: {  	[smem:$0x3F8C] =	sst lr;
	_ =	strace $0xD0000000  }
0x3: {  	_ = 	snop  }
0x4: {  	_ = 	snop  }
0x5: {  	_ = 	snop  }
0x6: {  	_ = 	snop  }
0x7: {  	_ = 	snop  }
__scs_overlays_trampoline_lowered:
0x8: {  	[smem:$0x3F9B] =	sst s0  }
0x9: {  	[smem:$0x3F9C] =	sst s1  }
0xa: {  	[smem:$0x3F9D] =	sst s2  }
0xb: {  	[smem:$0x3F9E] =	sst s3  }
0xc: {  	[smem:$0x3F9F] =	sst s4  }
0xd: {  	[smem:$0x3FA0] =	sst s5  }
0xe: {  	[smem:$0x3FA1] =	sst s6  }
0xf: {  	[smem:$0x3FA2] =	sst s7  }
0x10: {  	[smem:$0x3FA3] =	sst s8  }
0x11: {  	[smem:$0x3FA4] =	sst s9;
	s0 =	simm.s32 @!p0 $0x0  }
0x12: {  	s1 =	sld [smem:$0x3F8A];
	s0 =	simm.s32 @p0 $0x1  }
0x13: {  	[smem:$0x3FA5] =	sst s0;
	s0 =	simm.s32 @!p1 $0x0  }
0x14: {  	s2 =	sld [smem:$0x3F89];
	s0 =	simm.s32 @p1 $0x1  }
0x15: {  	[smem:$0x3FA6] =	sst s0;
	s0 =	simm.s32 @!p2 $0x0  }
0x16: {  	s3 =	sld [smem:$0x3FDB];
	s0 =	simm.s32 @p2 $0x1  }
0x17: {  	s4 =	simm.s32 $0x1BF5;
	[smem:$0x3FA8] =	sst s0  }
0x18: {  	s0 =	sld [smem:$0x3F8B];
	_ =	swait.ge [sflag:s4], $0x0  }
0x19: {  	s7 =	sld [smem:$0x3F8C]  }
0x1a: {  	s8 =	sadd.s32 $0xFFFFE003, lr  }
0x1b: {  	s9 =	sadd.s32 $0xFFFFFEF7, lr;
	s5 =	simm.s32 $0xFFFFFFFF;
	p2 =	slt.u32 s8, $0xFFFFF086  }
0x1c: {  	p1 =	slt.u32 s9, $0xF7A;
	s5 =	simm.s32 @!p2 $0x0  }
0x1d: {  	s5 =	simm.s32 @p1 $0x1;
	p0 =	seq.s32 s7, s2  }
0x1e: {  	s7 =	smul.u32 @!p0 $0xF7A, s2;
	p2 =	seq.s32 @!p0 s5, $0x0  }
0x1f: {  	s9 =	smul.u32 $0xF7A, s1;
	s8 =	simm.s32 @!p0 $0x1BF5;
	p2 =	por !p2, p0  }
0x20: {  	[sflag:s8] =	ssyncset.s32 @!p0 $0xFFFFF086;
	s6 =	sadd.s32 @!p0 s3, s7;
	s7 =	simm.s32 @!p0 $0x108  }
0x21: {  	s3 =	sadd.s32 s3, s9;
	s6 =	sadd.s32 @!p0 $0x88, s6;
	s7 =	simm.s32 @p2 $0x1082  }
0x22: {  	[simem:s7], [sflag:s8] =	dma.local @!p0 [hbm:s6], $0xF7A  }
0x23: {  	s9 =	sor.u32 $0xD0000000, s2;
	s6 =	simm.s32 $0x108;
	_ =	swait.ge @!p0 [sflag:s8], $0x0  }
0x24: {  	s3 =	sadd.s32 $0x88, s3;
	s6 =	simm.s32 @!p1 $0x1082;
	[sflag:s4] =	ssyncset.s32 $0xFFFFF086  }
0x25: {  	[simem:s6], [sflag:s4] =	dma.local [hbm:s3], $0xF7A  }
0x26: {  	[smem:$0x3F8C] =	sst s1;
	(tag) =	ssettag s2;
	_ =	strace s9  }
0x27: {  	s1 =	sld [smem:$0x3F9C]  }
0x28: {  	s2 =	sld [smem:$0x3F9D]  }
0x29: {  	s4 =	sld [smem:$0x3F9F]  }
0x2a: {  	p0 =	seq.s32 s5, $0x0;
	s5 =	sld [smem:$0x3FA0]  }
0x2b: {  	s6 =	sld [smem:$0x3FA1]  }
0x2c: {  	s7 =	sld [smem:$0x3FA2]  }
0x2d: {  	s3 =	simm.s32 $0x108;
	s8 =	sld [smem:$0x3FA3]  }
0x2e: {  	s3 =	simm.s32 @!p0 $0x1082;
	s9 =	sld [smem:$0x3FA4]  }
0x2f: {  	lr =	sadd.s32 s0, s3;
	s0 =	sld [smem:$0x3F9B]  }
0x30: {  	s3 =	sld [smem:$0x3F9E]  }
0x31: {  	[smem:$0x3FA7] =	sst s10  }
0x32: {  	s10 =	sld [smem:$0x3FA5];
	_ =	sdelay $0x3  }
0x33: {  	p0 =	seq.s32 s10, $0x1;
	s10 =	sld [smem:$0x3FA7];
	_ =	sdelay $0x3  }
0x34: {  	[smem:$0x3FA7] =	sst s10  }
0x35: {  	s10 =	sld [smem:$0x3FA6];
	_ =	sdelay $0x3  }
0x36: {  	p1 =	seq.s32 s10, $0x1;
	s10 =	sld [smem:$0x3FA7];
	_ =	sdelay $0x3  }
0x37: {  	[smem:$0x3FA7] =	sst s10  }
0x38: {  	s10 =	sld [smem:$0x3FA8]  }
0x39: {  	_ = 	snop;
	(pc) =	sbr.ind lr, $3  }
0x3a: {  	_ = 	snop  }
0x3b: {  	_ = 	snop  }
0x3c: {  	p2 =	seq.s32 s10, $0x1;
	s10 =	sld [smem:$0x3FA7]  }
0x3d: {  	_ =	shalt  }
0x3e: {  	_ =	shalt  }
0x3f: {  	_ =	shalt  }
0x40: {  	_ =	shalt  }
0x41: {  	_ =	shalt  }
0x42: {  	_ =	shalt  }
0x43: {  	_ =	shalt  }
0x44: {  	_ =	shalt  }
0x45: {  	_ =	shalt  }
0x46: {  	_ =	shalt  }
0x47: {  	_ =	shalt  }
0x48: {  	_ =	shalt  }
0x49: {  	_ =	shalt  }
0x4a: {  	_ =	shalt  }
0x4b: {  	_ =	shalt  }
0x4c: {  	_ =	shalt  }
0x4d: {  	_ =	shalt  }
0x4e: {  	_ =	shalt  }
0x4f: {  	_ =	shalt  }
0x50: {  	_ =	shalt  }
0x51: {  	_ =	shalt  }
0x52: {  	_ =	shalt  }
0x53: {  	_ =	shalt  }
0x54: {  	_ =	shalt  }
0x55: {  	_ =	shalt  }
0x56: {  	_ =	shalt  }
0x57: {  	_ =	shalt  }
0x58: {  	_ =	shalt  }
0x59: {  	_ =	shalt  }
0x5a: {  	_ =	shalt  }
0x5b: {  	_ =	shalt  }
0x5c: {  	_ =	shalt  }
0x5d: {  	_ =	shalt  }
0x5e: {  	_ =	shalt  }
0x5f: {  	_ =	shalt  }
0x60: {  	_ =	shalt  }
0x61: {  	_ =	shalt  }
0x62: {  	_ =	shalt  }
0x63: {  	_ =	shalt  }
0x64: {  	_ =	shalt  }
0x65: {  	_ =	shalt  }
0x66: {  	_ =	shalt  }
0x67: {  	_ =	shalt  }
0x68: {  	_ =	shalt  }
0x69: {  	_ =	shalt  }
0x6a: {  	_ =	shalt  }
0x6b: {  	_ =	shalt  }
0x6c: {  	_ =	shalt  }
0x6d: {  	_ =	shalt  }
0x6e: {  	_ =	shalt  }
0x6f: {  	_ =	shalt  }
0x70: {  	_ =	shalt  }
0x71: {  	_ =	shalt  }
0x72: {  	_ =	shalt  }
0x73: {  	_ =	shalt  }
0x74: {  	_ =	shalt  }
0x75: {  	_ =	shalt  }
0x76: {  	_ =	shalt  }
0x77: {  	_ =	shalt  }
0x78: {  	_ =	shalt  }
0x79: {  	_ =	shalt  }
0x7a: {  	_ =	shalt  }
0x7b: {  	_ =	shalt  }
0x7c: {  	_ =	shalt  }
0x7d: {  	_ =	shalt  }
0x7e: {  	_ =	shalt  }
0x7f: {  	_ =	shalt  }
0x80: {  	_ =	shalt  }
0x81: {  	_ =	shalt  }
0x82: {  	_ =	shalt  }
0x83: {  	_ =	shalt  }
0x84: {  	_ =	shalt  }
0x85: {  	_ =	shalt  }
0x86: {  	_ =	shalt  }
0x87: {  	_ =	shalt  }
.Lfunc_end0:
.L_simem_size_0:
called_computation_lowered:
.L_overlay_start_0:
0x88: {  	s2 =	sld [smem:$0x3FD9]  }
0x89: {  	s3 =	sld [smem:$0x3FFE];
	_ =	sdelay $0x1  }
0x8a: {  	s1 =	srdreg.scid  }
0x8b: {  	s0 =	sand.u32 $0x1, s1  }
0x8c: {  	s17 =	sshll.u32 s0, $0xA;
	s2 =	sadd.s32 s3, s2  }
0x8d: {  	s2 =	sadd.s32 s2, s17  }
0x8e: {  	[smem:$0x3FB3] =	sst s2  }
0x8f: {  	_ = 	snop  }
0x90: {  	s2 =	sld [smem:$0x3FD0];
	(tm) =	ssettm $0x1  }
0x91: {  	s18 =	sld [smem:$0x3FFB];
	_ =	sdelay $0x3  }
0x92: {  	_ =	strace s18  }
0x93: {  	s3 =	sld [smem:$0x3FFC];
	_ =	sdelay $0x3  }
0x94: {  	_ =	strace s3  }
0x95: {  	s3 =	sld [smem:$0x3FFD];
	_ =	sdelay $0x3  }
0x96: {  	_ =	strace s3  }
0x97: {  	_ =	strace $0x8FFFFFFF  }
0x98: {  	s19 =	sld [smem:$0x3FDB];
	_ =	sdelay $0x1  }
0x99: {  	s4 =	simm.s32 $_scs_section_size  }
0x9a: {  	s5 =	simm.s32 $_size__tile_overlayer_lowered;
	s6 =	simm.s32 $_tile_overlayer_lowered  }
0x9b: {  	s22 =	simm.s32 $0x1BFF;
	s21 =	sshll.u32 s6, $0x1;
	s3 =	sadd.s32 s4, s19  }
0x9c: {  	s7 =	simm.s32 $0x0;
	s20 =	sshll.u32 s5, $0x1;
	s5 =	sadd.s32 s21, s3  }
0x9d: {  	[timem:s7], [sflag:s22] =	dma.local [hbm:s5], s20  }
0x9e: {  	_ =	swait.ge [sflag:s22], s20  }
0x9f: {  	s4 =	ssub.s32 $0x0, s20;
	[sflag:s22] =	ssyncset.done $0x0  }
0xa0: {  	[sflag:s22] =	ssyncadd.s32 s4;
	_ =	sdelay $0x1  }
0xa1: {  	s23 =	simm.s32 $0x1B8B  }
0xa2: {  	_ =	swait.ge [sflag:s23], $0x1  }
0xa3: {  	[sflag:s23] =	ssyncset.done $0x0  }
0xa4: {  	s25 =	simm.s32 $0x1B8E;
	s24 =	sld [smem:$0x3FFE];
	[sflag:s23] =	ssyncadd.s32 $0xFFFFFFFF  }
0xa5: {  	s26 =	simm.s32 $execute0_lowered;
	[smem:$0x3FD2] =	sst s25  }
0xa6: {  	s5 =	sshll.u32 s26, $0x1;
	_ =	strace $0x80000046;
	[dreg:$0x1] =	wrdreg $0xFFFFFFFF  }
0xa7: {  	s28 =	simm.s32 $_size_execute0_lowered;
	s3 =	sadd.s32 s3, s5;
	[dreg:$0x0] =	wrdreg $0x0  }
0xa8: {  	s5 =	sshll.u32 s28, $0x1;
	[dreg:$0x2] =	wrdreg s3  }
0xa9: {  	[dreg:$0x3] =	wrdreg s5  }
0xaa: {  	[dreg:$0x4] =	wrdreg $0xC0  }
0xab: {  	_ =	task [dreg:s7], $0x5FFFF  }
0xac: {  	[dreg:$0x1] =	wrdreg $0xFFFFFFFF  }
0xad: {  	[dreg:$0x0] =	wrdreg $0x60  }
0xae: {  	[dreg:$0x2] =	wrdreg s24  }
0xaf: {  	[dreg:$0x3] =	wrdreg s2  }
0xb0: {  	[dreg:$0x4] =	wrdreg $0x14800  }
0xb1: {  	[dreg:$0x5] =	wrdreg $0x9  }
0xb2: {  	_ =	task.clear_ibuf [dreg:s7], $0x6FFFF;
	_ =	strace $0x90000046  }
0xb3: {  	s29 =	simm.s32 $0x9;
	_ =	strace $0x80000048  }
0xb4: {  	_ =	swait.ge [sflag:s29], $0x1  }
0xb5: {  	[sflag:s29] =	ssyncadd.s32 $0xFFFFFFFF  }
0xb6: {  	_ =	strace $0x90000048  }
0xb7: {  	_ =	sfence  }
0xb8: {  	s30 =	sld [smem:$0x0];
	_ =	sdelay $0x2  }
0xb9: {  	s31 =	sshll.u32 s1, $0xD;
	s1 =	sshrl.u32 s1, $0x2  }
0xba: {  	s3 =	sand.u32 $0x4000, s31;
	s1 =	sadd.s32 s1, s30  }
0xbb: {  	s0 =	sor.u32 s3, s0;
	s1 =	sshll.u32 s1, $0x11  }
0xbc: {  	s0 =	sor.u32 s1, s0  }
0xbd: {  	s0 =	sadd.s32 $0x8F2B, s0  }
0xbe: {  	[sflag:s0] =	ssyncadd.remote.s32 $0x1  }
0xbf: {  	_ =	sfence.sel $0xFFFF  }
0xc0: {  	[dreg:$0x0] =	wrdreg $0xFFFFFFFF;
	(pc) =	sbr.abs _section_cstart, $3  }
0xc1: {  	[dreg:$0x1] =	wrdreg $0xFFFFFFFF  }
0xc2: {  	_ =	task.clear_ibuf [dreg:s7], $0x2FFFF;
	_ =	strace $0x9FFFFFFF  }
0xc3: {  	(tm) =	ssettm $0x7FFFFFFF  }
tec
execute0_lowered:
.L_overlay_start_1:
0x0: {  	(tag) =	ssettag $0x1  }
0x1: {  	s5 =	rddreg [dreg:$0x0]  }
0x2: {  	s0 =	srdreg.scid;
	s2 =	rddreg [dreg:$0x1]  }
0x3: {  	s3 =	rddreg [dreg:$0x2];
	s6 =	sand.u32 $0x1, s0  }
0x4: {  	s0 =	stileid.u32;
	s7 =	smul.u32 $0x13880, s6  }
0x5: {  	s1 =	rddreg [dreg:$0x3];
	s8 =	smul.u32 $0x1388, s0  }
0x6: {  	s4 =	simm.s32 $0x0;
	s13 =	simm.s32 $0x28;
	s26 =	smul.u32 $0x14000, s0  }
0x7: {  	s14 =	simm.s32 $0x0;
	[smem:$0x7FF] =	sst s4;
	s9 =	smul.u32 $0x140000, s6  }
0x8: {  	_ =	strace $0x80000047;
	s6 =	ssub.s32 $0x2, s6;
	s29 =	smul.u32 $0x50000, s0  }
0x9: {  	s31 =	sshll.u32 s0, $0x6;
	s11 =	sshrl.u32 s6, $0x1;
	s7 =	sadd.s32 s8, s7  }
0xa: {  	s28 =	sshrl.u32 s26, $0x3;
	s8 =	sadd.s32 s26, s9;
	s11 =	ssub.s32 s6, s11  }
0xb: {  	s30 =	sshrl.u32 s29, $0x2;
	s6 =	sor.u32 $0x1C01, s31;
	s7 =	sshrl.u32 s7, $0x3  }
0xc: {  	s8 =	sshrl.u32 s8, $0x3;
	s10 =	sadd.s32 s7, s5;
	s7 =	sadd.s32 s28, s5  }
0xd: {  	s12 =	sadd.s32 s30, s3;
	s8 =	sadd.s32 s8, s5;
	s5 =	sadd.s32 $0x11800, s7  }
0xe: {  	s7 =	sadd.s32 $0x39800, s8;
	s8 =	smax.u32 s11, $0x1;
	s9 =	sadd.s32 $0xC800, s10  }
0xf: {  	s10 =	sshrl.u32 s12, $0x3;
	s11 =	simm.s32 $0x1;
	s12 =	simm.s32 $0x80  }
.LBB2_1:
0x10: {  	[spmem:s10], [sflag:s6] =	dma.local [hbm:s5], $0x2800  }
0x11: {  	_ =	swait.ge [sflag:s11], $0x2800  }
0x12: {  	[sflag:s11] =	ssyncset.done $0x0  }
0x13: {  	[sflag:s11] =	ssyncadd.s32 $0xFFFFD800  }
0x14: {  	[tilespmem:s12], [sflag:$0x1] =	stream.linear.gather [hbm4b:s2+s4], $0x1400, $0x38;
	[tilespmem:$0x15480] =	vst v63  }
0x15: {  	_ =	swait.ge [sflag:s11], $0x1400  }
0x16: {  	[sflag:s11] =	ssyncset.done $0x0  }
0x17: {  	[sflag:s11] =	ssyncadd.s32 $0xFFFFEC00  }
0x18: {  	s15 =	sadd.s32 $0x0, s9;
	[bflag:$0x0] =	sbarrier.arrive $0xFFFF  }
0x19: {  	[tilespmem:s4], [sflag:$0x1] =	stream.linear.gather [hbm4b:s15+s4], $0x28, $0x38;
	[tilespmem:$0x15480] =	vst v63  }
0x1a: {  	_ =	swait.ge [sflag:s11], $0x28  }
0x1b: {  	[sflag:s11] =	ssyncset.done $0x0  }
0x1c: {  	[sflag:s11] =	ssyncadd.s32 $0xFFFFFFD8  }
0x1d: {  	[spmem:s3] =	stream.indirect.scatter.add.f32 [tilespmem:s12], [sflag:$0x1], $0x80, s4, s13, $0xb8;
	[tilespmem:$0x15480] =	vst v63  }
0x1e: {  	_ =	swait.ge [sflag:s11], $0x1400  }
0x1f: {  	s16 =	simm.s32 $0xA;
	s15 =	simm.s32 $0x5;
	[sflag:s11] =	ssyncset.done $0x0  }
.LBB2_2:
0x20: {  	s17 =	sadd.s32 s15, s9  }
0x21: {  	[sflag:s11] =	ssyncadd.s32 $0xFFFFEC00;
	s15 =	smov.u32 s16;
	s18 =	sadd.s32 $0x5, s16  }
0x22: {  	[tilespmem:s4], [sflag:$0x1] =	stream.linear.gather [hbm4b:s17+s4], $0x28, $0x38;
	[tilespmem:$0x15480] =	vst v63  }
0x23: {  	p0 =	sne.s32 s16, $0x26C;
	_ =	swait.ge [sflag:s11], $0x28  }
.Ltmp0:
0x24: {  	[sflag:s11] =	ssyncset.done $0x0;
	(pc) =	sbr.rel @p0 .LBB2_2-.Ltmp0, $4  }
0x25: {  	[sflag:s11] =	ssyncadd.s32 $0xFFFFFFD8  }
0x26: {  	[spmem:s3] =	stream.indirect.scatter.add.f32 [tilespmem:s12], [sflag:$0x1], $0x80, s4, s13, $0xb8;
	[tilespmem:$0x15480] =	vst v63  }
0x27: {  	_ =	swait.ge [sflag:s11], $0x1400  }
0x28: {  	s16 =	smov.u32 s18;
	[sflag:s11] =	ssyncset.done $0x0  }
0x29: {  	s15 =	sadd.s32 s15, s9;
	[sflag:s11] =	ssyncadd.s32 $0xFFFFEC00  }
0x2a: {  	[tilespmem:s4], [sflag:$0x1] =	stream.linear.gather [hbm4b:s15+s4], $0x28, $0x38;
	[tilespmem:$0x15480] =	vst v63  }
0x2b: {  	_ =	swait.ge [sflag:s11], $0x28  }
0x2c: {  	[sflag:s11] =	ssyncset.done $0x0  }
0x2d: {  	[sflag:s11] =	ssyncadd.s32 $0xFFFFFFD8  }
0x2e: {  	[spmem:s3] =	stream.indirect.scatter.add.f32 [tilespmem:s12], [sflag:$0x1], $0x80, s4, s13, $0xb8;
	[tilespmem:$0x15480] =	vst v63  }
0x2f: {  	_ =	swait.ge [sflag:s11], $0x1400  }
0x30: {  	s14 =	sadd.s32 $0x1, s14;
	[sflag:s11] =	ssyncset.done $0x0  }
0x31: {  	p0 =	sne.s32 s14, s8;
	[sflag:s11] =	ssyncadd.s32 $0xFFFFEC00  }
.Ltmp1:
0x32: {  	[bflag:$0x0] =	sbarrier.arrive $0xFFFF;
	(pc) =	sbr.rel @p0 .LBB2_1-.Ltmp1, $4  }
0x33: {  	[hbm:s7], [sflag:s6] =	dma.local [spmem:s10], $0x2800  }
0x34: {  	_ =	swait.ge [sflag:s11], $0x2800  }
0x35: {  	[sflag:s11] =	ssyncset.done $0x0  }
0x36: {  	[sflag:s11] =	ssyncadd.s32 $0xFFFFD800  }
0x37: {  	_ =	sfence.sel $0x180000  }
0x38: {  	[bflag:$0x0] =	sbarrier.arrive $0xFFFF  }
0x39: {  	p0 =	sne.s32 s0, $0x0;
	_ =	strace $0x90000047  }
0x3a: {  	s0 =	sadd.s32 @!p0 $0x100000, s1;
	[bflag:$0x2] =	sbarrier.arrive $0xFFFF  }
0x3b: {  	[sflag:s0] =	ssyncadd.tile.s32 @!p0 $0x1;
	_ =	shalt  }
.Lfunc_end2:
_tile_overlayer_lowered:
.L_overlay_start_2:
0x3c: {  	(tag) =	ssettag $0x2  }
0x3d: {  	s0 =	rddreg [dreg:$0x0];
	s2 =	stileid.u32  }
0x3e: {  	s1 =	rddreg [dreg:$0x1];
	p0 =	sne.s32 s2, $0x0  }
0x3f: {  	s3 =	rddreg [dreg:$0x2];
	[bflag:$0x3] =	sbarrier.arrive $0xFFFF;
	s2 =	simm.s32 @!p0 $0x1C01  }
0x40: {  	[timem:s3], [sflag:s2] =	dma.local @!p0 [hbm:s0], s1  }
0x41: {  	s0 =	simm.s32 @!p0 $0x1  }
0x42: {  	_ =	swait.ge @!p0 [sflag:s0], s1  }
0x43: {  	s1 =	ssub.s32 @!p0 $0x0, s1;
	[sflag:s0] =	ssyncset.done @!p0 $0x0  }
0x44: {  	[sflag:s0] =	ssyncadd.s32 @!p0 s1  }
0x45: {  	[bflag:$0x3] =	sbarrier.arrive $0xFFFF  }
0x46: {  	_ =	shalt  }

// kernel: kernel.16.cloned.1.call-start
scs
__scs_entry_jumppad:
0x0: {  	(pc) =	sbr.rel $0x88, $3  }
0x1: {  	(tag) =	ssettag $0x0;
	lr =	simm.s32 $0x1  }
0x2: {  	[smem:$0x3F8C] =	sst lr;
	_ =	strace $0xD0000000  }
0x3: {  	_ = 	snop  }
0x4: {  	_ = 	snop  }
0x5: {  	_ = 	snop  }
0x6: {  	_ = 	snop  }
0x7: {  	_ = 	snop  }
__scs_overlays_trampoline_lowered:
0x8: {  	[smem:$0x3F9B] =	sst s0  }
0x9: {  	[smem:$0x3F9C] =	sst s1  }
0xa: {  	[smem:$0x3F9D] =	sst s2  }
0xb: {  	[smem:$0x3F9E] =	sst s3  }
0xc: {  	[smem:$0x3F9F] =	sst s4  }
0xd: {  	[smem:$0x3FA0] =	sst s5  }
0xe: {  	[smem:$0x3FA1] =	sst s6  }
0xf: {  	[smem:$0x3FA2] =	sst s7  }
0x10: {  	[smem:$0x3FA3] =	sst s8  }
0x11: {  	[smem:$0x3FA4] =	sst s9;
	s0 =	simm.s32 @!p0 $0x0  }
0x12: {  	s1 =	sld [smem:$0x3F8A];
	s0 =	simm.s32 @p0 $0x1  }
0x13: {  	[smem:$0x3FA5] =	sst s0;
	s0 =	simm.s32 @!p1 $0x0  }
0x14: {  	s2 =	sld [smem:$0x3F89];
	s0 =	simm.s32 @p1 $0x1  }
0x15: {  	[smem:$0x3FA6] =	sst s0;
	s0 =	simm.s32 @!p2 $0x0  }
0x16: {  	s3 =	sld [smem:$0x3FDB];
	s0 =	simm.s32 @p2 $0x1  }
0x17: {  	s4 =	simm.s32 $0x1BF5;
	[smem:$0x3FA8] =	sst s0  }
0x18: {  	s0 =	sld [smem:$0x3F8B];
	_ =	swait.ge [sflag:s4], $0x0  }
0x19: {  	s7 =	sld [smem:$0x3F8C]  }
0x1a: {  	s8 =	sadd.s32 $0xFFFFE003, lr  }
0x1b: {  	s9 =	sadd.s32 $0xFFFFFEF7, lr;
	s5 =	simm.s32 $0xFFFFFFFF;
	p2 =	slt.u32 s8, $0xFFFFF086  }
0x1c: {  	p1 =	slt.u32 s9, $0xF7A;
	s5 =	simm.s32 @!p2 $0x0  }
0x1d: {  	s5 =	simm.s32 @p1 $0x1;
	p0 =	seq.s32 s7, s2  }
0x1e: {  	s7 =	smul.u32 @!p0 $0xF7A, s2;
	p2 =	seq.s32 @!p0 s5, $0x0  }
0x1f: {  	s9 =	smul.u32 $0xF7A, s1;
	s8 =	simm.s32 @!p0 $0x1BF5;
	p2 =	por !p2, p0  }
0x20: {  	[sflag:s8] =	ssyncset.s32 @!p0 $0xFFFFF086;
	s6 =	sadd.s32 @!p0 s3, s7;
	s7 =	simm.s32 @!p0 $0x108  }
0x21: {  	s3 =	sadd.s32 s3, s9;
	s6 =	sadd.s32 @!p0 $0x88, s6;
	s7 =	simm.s32 @p2 $0x1082  }
0x22: {  	[simem:s7], [sflag:s8] =	dma.local @!p0 [hbm:s6], $0xF7A  }
0x23: {  	s9 =	sor.u32 $0xD0000000, s2;
	s6 =	simm.s32 $0x108;
	_ =	swait.ge @!p0 [sflag:s8], $0x0  }
0x24: {  	s3 =	sadd.s32 $0x88, s3;
	s6 =	simm.s32 @!p1 $0x1082;
	[sflag:s4] =	ssyncset.s32 $0xFFFFF086  }
0x25: {  	[simem:s6], [sflag:s4] =	dma.local [hbm:s3], $0xF7A  }
0x26: {  	[smem:$0x3F8C] =	sst s1;
	(tag) =	ssettag s2;
	_ =	strace s9  }
0x27: {  	s1 =	sld [smem:$0x3F9C]  }
0x28: {  	s2 =	sld [smem:$0x3F9D]  }
0x29: {  	s4 =	sld [smem:$0x3F9F]  }
0x2a: {  	p0 =	seq.s32 s5, $0x0;
	s5 =	sld [smem:$0x3FA0]  }
0x2b: {  	s6 =	sld [smem:$0x3FA1]  }
0x2c: {  	s7 =	sld [smem:$0x3FA2]  }
0x2d: {  	s3 =	simm.s32 $0x108;
	s8 =	sld [smem:$0x3FA3]  }
0x2e: {  	s3 =	simm.s32 @!p0 $0x1082;
	s9 =	sld [smem:$0x3FA4]  }
0x2f: {  	lr =	sadd.s32 s0, s3;
	s0 =	sld [smem:$0x3F9B]  }
0x30: {  	s3 =	sld [smem:$0x3F9E]  }
0x31: {  	[smem:$0x3FA7] =	sst s10  }
0x32: {  	s10 =	sld [smem:$0x3FA5];
	_ =	sdelay $0x3  }
0x33: {  	p0 =	seq.s32 s10, $0x1;
	s10 =	sld [smem:$0x3FA7];
	_ =	sdelay $0x3  }
0x34: {  	[smem:$0x3FA7] =	sst s10  }
0x35: {  	s10 =	sld [smem:$0x3FA6];
	_ =	sdelay $0x3  }
0x36: {  	p1 =	seq.s32 s10, $0x1;
	s10 =	sld [smem:$0x3FA7];
	_ =	sdelay $0x3  }
0x37: {  	[smem:$0x3FA7] =	sst s10  }
0x38: {  	s10 =	sld [smem:$0x3FA8]  }
0x39: {  	_ = 	snop;
	(pc) =	sbr.ind lr, $3  }
0x3a: {  	_ = 	snop  }
0x3b: {  	_ = 	snop  }
0x3c: {  	p2 =	seq.s32 s10, $0x1;
	s10 =	sld [smem:$0x3FA7]  }
0x3d: {  	_ =	shalt  }
0x3e: {  	_ =	shalt  }
0x3f: {  	_ =	shalt  }
0x40: {  	_ =	shalt  }
0x41: {  	_ =	shalt  }
0x42: {  	_ =	shalt  }
0x43: {  	_ =	shalt  }
0x44: {  	_ =	shalt  }
0x45: {  	_ =	shalt  }
0x46: {  	_ =	shalt  }
0x47: {  	_ =	shalt  }
0x48: {  	_ =	shalt  }
0x49: {  	_ =	shalt  }
0x4a: {  	_ =	shalt  }
0x4b: {  	_ =	shalt  }
0x4c: {  	_ =	shalt  }
0x4d: {  	_ =	shalt  }
0x4e: {  	_ =	shalt  }
0x4f: {  	_ =	shalt  }
0x50: {  	_ =	shalt  }
0x51: {  	_ =	shalt  }
0x52: {  	_ =	shalt  }
0x53: {  	_ =	shalt  }
0x54: {  	_ =	shalt  }
0x55: {  	_ =	shalt  }
0x56: {  	_ =	shalt  }
0x57: {  	_ =	shalt  }
0x58: {  	_ =	shalt  }
0x59: {  	_ =	shalt  }
0x5a: {  	_ =	shalt  }
0x5b: {  	_ =	shalt  }
0x5c: {  	_ =	shalt  }
0x5d: {  	_ =	shalt  }
0x5e: {  	_ =	shalt  }
0x5f: {  	_ =	shalt  }
0x60: {  	_ =	shalt  }
0x61: {  	_ =	shalt  }
0x62: {  	_ =	shalt  }
0x63: {  	_ =	shalt  }
0x64: {  	_ =	shalt  }
0x65: {  	_ =	shalt  }
0x66: {  	_ =	shalt  }
0x67: {  	_ =	shalt  }
0x68: {  	_ =	shalt  }
0x69: {  	_ =	shalt  }
0x6a: {  	_ =	shalt  }
0x6b: {  	_ =	shalt  }
0x6c: {  	_ =	shalt  }
0x6d: {  	_ =	shalt  }
0x6e: {  	_ =	shalt  }
0x6f: {  	_ =	shalt  }
0x70: {  	_ =	shalt  }
0x71: {  	_ =	shalt  }
0x72: {  	_ =	shalt  }
0x73: {  	_ =	shalt  }
0x74: {  	_ =	shalt  }
0x75: {  	_ =	shalt  }
0x76: {  	_ =	shalt  }
0x77: {  	_ =	shalt  }
0x78: {  	_ =	shalt  }
0x79: {  	_ =	shalt  }
0x7a: {  	_ =	shalt  }
0x7b: {  	_ =	shalt  }
0x7c: {  	_ =	shalt  }
0x7d: {  	_ =	shalt  }
0x7e: {  	_ =	shalt  }
0x7f: {  	_ =	shalt  }
0x80: {  	_ =	shalt  }
0x81: {  	_ =	shalt  }
0x82: {  	_ =	shalt  }
0x83: {  	_ =	shalt  }
0x84: {  	_ =	shalt  }
0x85: {  	_ =	shalt  }
0x86: {  	_ =	shalt  }
0x87: {  	_ =	shalt  }
.Lfunc_end0:
.L_simem_size_0:
called_computation.1_lowered:
.L_overlay_start_0:
0x88: {  	s2 =	sld [smem:$0x3FD9]  }
0x89: {  	s3 =	sld [smem:$0x3FFE];
	_ =	sdelay $0x1  }
0x8a: {  	s1 =	srdreg.scid  }
0x8b: {  	s0 =	sand.u32 $0x1, s1  }
0x8c: {  	s16 =	sshll.u32 s0, $0xA;
	s2 =	sadd.s32 s3, s2  }
0x8d: {  	s2 =	sadd.s32 s2, s16  }
0x8e: {  	[smem:$0x3FB3] =	sst s2  }
0x8f: {  	_ = 	snop  }
0x90: {  	(tm) =	ssettm $0x1  }
0x91: {  	s17 =	sld [smem:$0x3FFB];
	_ =	sdelay $0x3  }
0x92: {  	_ =	strace s17  }
0x93: {  	s2 =	sld [smem:$0x3FFC];
	_ =	sdelay $0x3  }
0x94: {  	_ =	strace s2  }
0x95: {  	s2 =	sld [smem:$0x3FFD];
	_ =	sdelay $0x3  }
0x96: {  	_ =	strace s2  }
0x97: {  	_ =	strace $0x8FFFFFFF  }
0x98: {  	s18 =	sld [smem:$0x3FDB];
	_ =	sdelay $0x1  }
0x99: {  	s19 =	simm.s32 $_scs_section_size  }
0x9a: {  	s4 =	simm.s32 $_size__tile_overlayer_lowered;
	s5 =	simm.s32 $_tile_overlayer_lowered  }
0x9b: {  	s22 =	simm.s32 $0x1BFF;
	s21 =	sshll.u32 s5, $0x1;
	s2 =	sadd.s32 s19, s18  }
0x9c: {  	s6 =	simm.s32 $0x0;
	s20 =	sshll.u32 s4, $0x1;
	s4 =	sadd.s32 s21, s2  }
0x9d: {  	[timem:s6], [sflag:s22] =	dma.local [hbm:s4], s20  }
0x9e: {  	_ =	swait.ge [sflag:s22], s20  }
0x9f: {  	s3 =	ssub.s32 $0x0, s20;
	[sflag:s22] =	ssyncset.done $0x0  }
0xa0: {  	[sflag:s22] =	ssyncadd.s32 s3;
	_ =	sdelay $0x1  }
0xa1: {  	s23 =	simm.s32 $0x1B8B  }
0xa2: {  	_ =	swait.ge [sflag:s23], $0x1  }
0xa3: {  	[sflag:s23] =	ssyncset.done $0x0  }
0xa4: {  	s25 =	simm.s32 $0x1B8E;
	s24 =	sld [smem:$0x3FFE];
	[sflag:s23] =	ssyncadd.s32 $0xFFFFFFFF  }
0xa5: {  	s26 =	simm.s32 $execute0_lowered;
	[smem:$0x3FD2] =	sst s25  }
0xa6: {  	s4 =	sshll.u32 s26, $0x1;
	_ =	strace $0x80000049;
	[dreg:$0x1] =	wrdreg $0xFFFFFFFF  }
0xa7: {  	s28 =	simm.s32 $_size_execute0_lowered;
	s2 =	sadd.s32 s2, s4;
	[dreg:$0x0] =	wrdreg $0x0  }
0xa8: {  	s4 =	sshll.u32 s28, $0x1;
	[dreg:$0x2] =	wrdreg s2  }
0xa9: {  	[dreg:$0x3] =	wrdreg s4  }
0xaa: {  	[dreg:$0x4] =	wrdreg $0xC0  }
0xab: {  	_ =	task [dreg:s6], $0x5FFFF  }
0xac: {  	[dreg:$0x1] =	wrdreg $0xFFFFFFFF  }
0xad: {  	[dreg:$0x0] =	wrdreg $0x60  }
0xae: {  	[dreg:$0x2] =	wrdreg s24  }
0xaf: {  	[dreg:$0x3] =	wrdreg $0x51800  }
0xb0: {  	[dreg:$0x4] =	wrdreg $0x9  }
0xb1: {  	_ =	task.clear_ibuf [dreg:s6], $0x5FFFF;
	_ =	strace $0x90000049  }
0xb2: {  	s29 =	simm.s32 $0x9;
	_ =	strace $0x8000004B  }
0xb3: {  	_ =	swait.ge [sflag:s29], $0x1  }
0xb4: {  	[sflag:s29] =	ssyncadd.s32 $0xFFFFFFFF  }
0xb5: {  	_ =	strace $0x9000004B  }
0xb6: {  	_ =	sfence  }
0xb7: {  	s30 =	sld [smem:$0x0];
	_ =	sdelay $0x2  }
0xb8: {  	s31 =	sshll.u32 s1, $0xD;
	s1 =	sshrl.u32 s1, $0x2  }
0xb9: {  	s3 =	sand.u32 $0x4000, s31;
	s1 =	sadd.s32 s1, s30  }
0xba: {  	s0 =	sor.u32 s3, s0;
	s1 =	sshll.u32 s1, $0x11  }
0xbb: {  	s0 =	sor.u32 s1, s0  }
0xbc: {  	s0 =	sadd.s32 $0x8F2B, s0  }
0xbd: {  	[sflag:s0] =	ssyncadd.remote.s32 $0x1  }
0xbe: {  	_ =	sfence.sel $0xFFFF  }
0xbf: {  	[dreg:$0x0] =	wrdreg $0xFFFFFFFF;
	(pc) =	sbr.abs _section_cstart, $3  }
0xc0: {  	[dreg:$0x1] =	wrdreg $0xFFFFFFFF  }
0xc1: {  	_ =	task.clear_ibuf [dreg:s6], $0x2FFFF;
	_ =	strace $0x9FFFFFFF  }
0xc2: {  	(tm) =	ssettm $0x7FFFFFFF  }
0xc3: {  	_ =	shalt  }
tec
execute0_lowered:
.L_overlay_start_1:
0x0: {  	(tag) =	ssettag $0x1  }
0x1: {  	s0 =	rddreg [dreg:$0x0]  }
0x2: {  	s1 =	rddreg [dreg:$0x1];
	s3 =	simm.s32 $0x0  }
0x3: {  	s2 =	stileid.u32;
	s8 =	srdreg.scid;
	s28 =	simm.s32 $0x1  }
0x4: {  	s29 =	simm.s32 $0x100;
	s30 =	simm.s32 $0x2;
	s31 =	simm.s32 $0x0  }
0x5: {  	[smem:$0x7FF] =	sst s3;
	s4 =	sadd.s32 $0x11800, s0;
	s9 =	smul.u32 $0x2800, s2  }
0x6: {  	s5 =	sadd.s32 $0x89800, s0;
	s6 =	sadd.s32 $0xB1800, s0;
	s10 =	smul.u32 $0x2710, s2  }
0x7: {  	s7 =	sadd.s32 $0xD9800, s0;
	s12 =	sadd.s32 $0x7800, s0;
	s19 =	smul.u32 $0x50000, s2  }
0x8: {  	s13 =	sand.u32 $0x1, s8;
	s14 =	sadd.s32 $0xC800, s0;
	s25 =	smul.u32 $0x4E2, s2  }
0x9: {  	_ =	strace $0x8000004A;
	s11 =	ssub.s32 $0x2, s13;
	p0 =	sne.s32 s13, $0x0  }
0xa: {  	s0 =	sadd.s32 s9, s0;
	s15 =	sshrl.u32 s11, $0x1;
	s8 =	sshrl.u32 s19, $0x2  }
0xb: {  	s10 =	sshrl.u32 s10, $0x3;
	s16 =	sadd.s32 s5, s9;
	s22 =	sadd.s32 s4, s9  }
0xc: {  	s24 =	sadd.s32 s6, s9;
	s9 =	sadd.s32 s7, s9;
	[dreg:$0x3] =	wrdreg s16  }
0xd: {  	s15 =	ssub.s32 s11, s15;
	s8 =	sadd.s32 s8, s1;
	[dreg:$0x5] =	wrdreg s22  }
0xe: {  	s20 =	sadd.s32 s14, s10;
	s10 =	sadd.s32 s12, s10;
	[dreg:$0x7] =	wrdreg s24  }
0xf: {  	s21 =	sadd.s32 $0x129800, s0;
	s23 =	sadd.s32 $0x101800, s0;
	[dreg:$0x8] =	wrdreg s9  }
.Ltmp0:
0x10: {  	s26 =	sadd.s32 $0x179800, s0;
	[dreg:$0x4] =	wrdreg s21;
	(pc) =	sbr.rel .LBB2_1-.Ltmp0, $4  }
0x11: {  	s18 =	sadd.s32 $0x151800, s0;
	s22 =	simm.s32 $0x3;
	[dreg:$0x6] =	wrdreg s23  }
0x12: {  	s24 =	simm.s32 $0x180;
	s11 =	sadd.s32 $0x4D8, s20;
	[dreg:$0x9] =	wrdreg s26  }
0x13: {  	s19 =	smax.u32 s15, $0x1;
	s20 =	sadd.s32 s25, s12;
	s21 =	sadd.s32 s25, s14  }
0x14: {  	s23 =	simm.s32 $0x50;
	s25 =	simm.s32 $0x80;
	s26 =	simm.s32 $0x2980  }
.LBB2_11:
0x15: {  	s13 =	sadd.s32 $0xA, s14;
	[sflag:s22] =	ssyncadd.s32 $0xFFFFD800  }
0x16: {  	[tilespmem:s25], [sflag:$0x3] =	stream.linear.gather [hbm4b:s13+s3], $0x50, $0x38;
	[tilespmem:$0x19180] =	vst v63  }
0x17: {  	_ =	swait.ge [sflag:s22], $0x50  }
0x18: {  	[sflag:s22] =	ssyncset.done $0x0  }
0x19: {  	[sflag:s22] =	ssyncadd.s32 $0xFFFFFFB0  }
0x1a: {  	[tilespmem:s26], [sflag:$0x2] =	stream.indirect.gather [hbm4b:s7+s23], $0x80, s25, s23, $0xb8;
	[tilespmem:$0x19180] =	vst v63  }
0x1b: {  	_ =	swait.ge [sflag:s28], $0x2800  }
0x1c: {  	[sflag:s28] =	ssyncset.done $0x0  }
0x1d: {  	s12 =	sadd.s32 s12, s21;
	[sflag:s28] =	ssyncadd.s32 $0xFFFFD800  }
0x1e: {  	[tilespmem:s29], [sflag:$0x3] =	stream.linear.gather [hbm4b:s12+s3], $0x50, $0x38;
	[tilespmem:$0x19180] =	vst v63  }
0x1f: {  	_ =	swait.ge [sflag:s22], $0x50  }
0x20: {  	[sflag:s22] =	ssyncset.done $0x0  }
0x21: {  	[sflag:s22] =	ssyncadd.s32 $0xFFFFFFB0  }
0x22: {  	[spmem:s1] =	stream.indirect.scatter.add.f32 [tilespmem:s24], [sflag:$0x3], $0x80, s29, s23, $0xb8;
	[tilespmem:$0x19180] =	vst v63  }
0x23: {  	_ =	swait.ge [sflag:s22], $0x2800  }
0x24: {  	[sflag:s22] =	ssyncset.done $0x0  }
0x25: {  	s16 =	sadd.s32 $0x14, s14;
	[sflag:s22] =	ssyncadd.s32 $0xFFFFD800  }
0x26: {  	[tilespmem:s3], [sflag:$0x3] =	stream.linear.gather [hbm4b:s16+s3], $0x50, $0x38;
	[tilespmem:$0x19180] =	vst v63  }
0x27: {  	_ =	swait.ge [sflag:s22], $0x50  }
0x28: {  	[sflag:s22] =	ssyncset.done $0x0  }
0x29: {  	[sflag:s22] =	ssyncadd.s32 $0xFFFFFFB0  }
0x2a: {  	[tilespmem:s24], [sflag:$0x1] =	stream.indirect.gather [hbm4b:s7+s23], $0x80, s3, s23, $0xb8;
	[tilespmem:$0x19180] =	vst v63  }
0x2b: {  	_ =	swait.ge [sflag:s30], $0x2800  }
0x2c: {  	[sflag:s30] =	ssyncset.done $0x0  }
0x2d: {  	s12 =	sadd.s32 $0xA, s12;
	[sflag:s30] =	ssyncadd.s32 $0xFFFFD800  }
0x2e: {  	[tilespmem:s29], [sflag:$0x3] =	stream.linear.gather [hbm4b:s12+s3], $0x50, $0x38;
	[tilespmem:$0x19180] =	vst v63  }
0x2f: {  	_ =	swait.ge [sflag:s22], $0x50  }
0x30: {  	[sflag:s22] =	ssyncset.done $0x0  }
0x31: {  	[sflag:s22] =	ssyncadd.s32 $0xFFFFFFB0  }
0x32: {  	[spmem:s1] =	stream.indirect.scatter.add.f32 [tilespmem:s26], [sflag:$0x3], $0x80, s29, s23, $0xb8;
	[tilespmem:$0x19180] =	vst v63  }
0x33: {  	_ =	swait.ge [sflag:s22], $0x2800  }
0x34: {  	[sflag:s22] =	ssyncset.done $0x0  }
0x35: {  	[sflag:s22] =	ssyncadd.s32 $0xFFFFD800  }
0x36: {  	_ =	swait.ge [sflag:s28], $0x2800  }
0x37: {  	[sflag:s28] =	ssyncset.done $0x0  }
0x38: {  	[sflag:s28] =	ssyncadd.s32 $0xFFFFD800  }
0x39: {  	[tilespmem:s29], [sflag:$0x3] =	stream.linear.gather [hbm4b:s11+s3], $0x50, $0x38;
	[tilespmem:$0x19180] =	vst v63  }
0x3a: {  	_ =	swait.ge [sflag:s22], $0x50  }
0x3b: {  	[sflag:s22] =	ssyncset.done $0x0  }
0x3c: {  	[sflag:s22] =	ssyncadd.s32 $0xFFFFFFB0  }
0x3d: {  	[spmem:s1] =	stream.indirect.scatter.add.f32 [tilespmem:s24], [sflag:$0x3], $0x80, s29, s23, $0xb8;
	[tilespmem:$0x19180] =	vst v63  }
0x3e: {  	_ =	swait.ge [sflag:s22], $0x2800  }
0x3f: {  	[sflag:s22] =	ssyncset.done $0x0  }
0x40: {  	[sflag:s22] =	ssyncadd.s32 $0xFFFFD800  }
0x41: {  	[bflag:$0x0] =	sbarrier.arrive $0xFFFF  }
0x42: {  	s17 =	rddreg [dreg:$0x9]  }
0x43: {  	[hbm:s17], [sflag:s9] =	dma.local [spmem:s0], $0x2800  }
0x44: {  	_ =	swait.ge [sflag:s22], $0x2800  }
0x45: {  	[sflag:s22] =	ssyncset.done $0x0  }
0x46: {  	[sflag:s22] =	ssyncadd.s32 $0xFFFFD800  }
.LBB2_12:
0x47: {  	s31 =	sadd.s32 $0x1, s31  }
0x48: {  	p1 =	sne.s32 s31, s19  }
.Ltmp1:
0x49: {  	_ = 	snop;
	(pc) =	sbr.rel @!p1 .LBB2_13-.Ltmp1, $2  }
0x4a: {  	_ =	sdelay $0x1  }
0x4b: {  	[bflag:$0x0] =	sbarrier.arrive $0xFFFF;
	_ =	sdelay $0x1  }
.LBB2_1:
.Ltmp2:
0x4c: {  	(pc) =	sbr.rel @p0 .LBB2_7-.Ltmp2, $3  }
0x4d: {  	_ =	sdelay $0x1  }
0x4e: {  	s9 =	sshll.u32 s2, $0x6  }
0x4f: {  	s0 =	sshrl.u32 s8, $0x3;
	s9 =	sor.u32 $0x1C03, s9  }
0x50: {  	s12 =	rddreg [dreg:$0x5]  }
0x51: {  	[spmem:s0], [sflag:s9] =	dma.local [hbm:s12], $0x2800  }
0x52: {  	_ =	swait.ge [sflag:s22], $0x2800  }
0x53: {  	[sflag:s22] =	ssyncset.done $0x0  }
0x54: {  	[sflag:s22] =	ssyncadd.s32 $0xFFFFD800  }
0x55: {  	s14 =	simm.s32 $0x0;
	[bflag:$0x0] =	sbarrier.arrive $0xFFFF  }
0x56: {  	[tilespmem:s14], [sflag:$0x3] =	stream.linear.gather [hbm4b:s10+s14], $0x50, $0x38;
	[tilespmem:$0x19180] =	vst v63  }
0x57: {  	_ =	swait.ge [sflag:s22], $0x50  }
0x58: {  	[sflag:s22] =	ssyncset.done $0x0  }
0x59: {  	s15 =	sadd.s32 $0x0, s20;
	[sflag:s22] =	ssyncadd.s32 $0xFFFFFFB0  }
0x5a: {  	[tilespmem:s24], [sflag:$0x1] =	stream.indirect.gather [hbm4b:s4+s23], $0x80, s14, s23, $0xb8;
	[tilespmem:$0x19180] =	vst v63  }
0x5b: {  	s13 =	sadd.s32 $0xA, s15  }
0x5c: {  	[tilespmem:s25], [sflag:$0x3] =	stream.linear.gather [hbm4b:s13+s3], $0x50, $0x38;
	[tilespmem:$0x19180] =	vst v63  }
0x5d: {  	_ =	swait.ge [sflag:s22], $0x50  }
0x5e: {  	[sflag:s22] =	ssyncset.done $0x0  }
0x5f: {  	[sflag:s22] =	ssyncadd.s32 $0xFFFFFFB0  }
0x60: {  	[tilespmem:s26], [sflag:$0x2] =	stream.indirect.gather [hbm4b:s4+s23], $0x80, s25, s23, $0xb8;
	[tilespmem:$0x19180] =	vst v63  }
0x61: {  	_ =	swait.ge [sflag:s28], $0x2800  }
0x62: {  	[sflag:s28] =	ssyncset.done $0x0  }
0x63: {  	s16 =	sadd.s32 $0x0, s21;
	[sflag:s28] =	ssyncadd.s32 $0xFFFFD800  }
0x64: {  	[tilespmem:s29], [sflag:$0x3] =	stream.linear.gather [hbm4b:s16+s3], $0x50, $0x38;
	[tilespmem:$0x19180] =	vst v63  }
0x65: {  	_ =	swait.ge [sflag:s22], $0x50  }
0x66: {  	[sflag:s22] =	ssyncset.done $0x0  }
0x67: {  	[sflag:s22] =	ssyncadd.s32 $0xFFFFFFB0  }
0x68: {  	[spmem:s1] =	stream.indirect.scatter.add.f32 [tilespmem:s24], [sflag:$0x3], $0x80, s29, s23, $0xb8;
	[tilespmem:$0x19180] =	vst v63  }
0x69: {  	_ =	swait.ge [sflag:s22], $0x2800  }
0x6a: {  	[sflag:s22] =	ssyncset.done $0x0  }
0x6b: {  	s12 =	sadd.s32 $0x14, s15;
	[sflag:s22] =	ssyncadd.s32 $0xFFFFD800  }
0x6c: {  	[tilespmem:s3], [sflag:$0x3] =	stream.linear.gather [hbm4b:s12+s3], $0x50, $0x38;
	[tilespmem:$0x19180] =	vst v63  }
0x6d: {  	_ =	swait.ge [sflag:s22], $0x50  }
0x6e: {  	[sflag:s22] =	ssyncset.done $0x0  }
0x6f: {  	[sflag:s22] =	ssyncadd.s32 $0xFFFFFFB0  }
0x70: {  	[tilespmem:s24], [sflag:$0x1] =	stream.indirect.gather [hbm4b:s4+s23], $0x80, s3, s23, $0xb8;
	[tilespmem:$0x19180] =	vst v63  }
0x71: {  	_ =	swait.ge [sflag:s30], $0x2800  }
0x72: {  	[sflag:s30] =	ssyncset.done $0x0  }
0x73: {  	s17 =	sadd.s32 $0xA, s16;
	[sflag:s30] =	ssyncadd.s32 $0xFFFFD800  }
0x74: {  	[tilespmem:s29], [sflag:$0x3] =	stream.linear.gather [hbm4b:s17+s3], $0x50, $0x38;
	[tilespmem:$0x19180] =	vst v63  }
0x75: {  	_ =	swait.ge [sflag:s22], $0x50  }
0x76: {  	[sflag:s22] =	ssyncset.done $0x0  }
0x77: {  	[sflag:s22] =	ssyncadd.s32 $0xFFFFFFB0  }
0x78: {  	[spmem:s1] =	stream.indirect.scatter.add.f32 [tilespmem:s26], [sflag:$0x3], $0x80, s29, s23, $0xb8;
	[tilespmem:$0x19180] =	vst v63  }
0x79: {  	s14 =	sadd.s32 $0x14, s20;
	_ =	swait.ge [sflag:s22], $0x2800  }
0x7a: {  	s13 =	simm.s32 $0x28;
	s12 =	simm.s32 $0x14;
	[sflag:s22] =	ssyncset.done $0x0  }
.LBB2_3:
0x7b: {  	s16 =	sadd.s32 $0xA, s14  }
0x7c: {  	[sflag:s22] =	ssyncadd.s32 $0xFFFFD800;
	s17 =	smov.u32 s13;
	s15 =	sadd.s32 $0x14, s13  }
0x7d: {  	[tilespmem:s25], [sflag:$0x3] =	stream.linear.gather [hbm4b:s16+s3], $0x50, $0x38;
	[tilespmem:$0x19180] =	vst v63  }
0x7e: {  	p1 =	seq.s32 s13, $0x4C4;
	_ =	swait.ge [sflag:s22], $0x50  }
0x7f: {  	[sflag:s22] =	ssyncset.done $0x0  }
0x80: {  	[sflag:s22] =	ssyncadd.s32 $0xFFFFFFB0  }
0x81: {  	[tilespmem:s26], [sflag:$0x2] =	stream.indirect.gather [hbm4b:s4+s23], $0x80, s25, s23, $0xb8;
	[tilespmem:$0x19180] =	vst v63  }
0x82: {  	_ =	swait.ge [sflag:s28], $0x2800  }
0x83: {  	[sflag:s28] =	ssyncset.done $0x0  }
0x84: {  	s13 =	sadd.s32 s12, s21;
	s12 =	smov.u32 s17;
	[sflag:s28] =	ssyncadd.s32 $0xFFFFD800  }
0x85: {  	[tilespmem:s29], [sflag:$0x3] =	stream.linear.gather [hbm4b:s13+s3], $0x50, $0x38;
	[tilespmem:$0x19180] =	vst v63  }
0x86: {  	_ =	swait.ge [sflag:s22], $0x50  }
0x87: {  	[sflag:s22] =	ssyncset.done $0x0  }
0x88: {  	[sflag:s22] =	ssyncadd.s32 $0xFFFFFFB0  }
0x89: {  	[spmem:s1] =	stream.indirect.scatter.add.f32 [tilespmem:s24], [sflag:$0x3], $0x80, s29, s23, $0xb8;
	[tilespmem:$0x19180] =	vst v63  }
0x8a: {  	_ =	swait.ge [sflag:s22], $0x2800  }
0x8b: {  	[sflag:s22] =	ssyncset.done $0x0  }
0x8c: {  	s14 =	sadd.s32 $0x14, s14;
	[sflag:s22] =	ssyncadd.s32 $0xFFFFD800  }
0x8d: {  	[tilespmem:s3], [sflag:$0x3] =	stream.linear.gather [hbm4b:s14+s3], $0x50, $0x38;
	[tilespmem:$0x19180] =	vst v63  }
0x8e: {  	_ =	swait.ge [sflag:s22], $0x50  }
0x8f: {  	[sflag:s22] =	ssyncset.done $0x0  }
0x90: {  	[sflag:s22] =	ssyncadd.s32 $0xFFFFFFB0  }
0x91: {  	[tilespmem:s24], [sflag:$0x1] =	stream.indirect.gather [hbm4b:s4+s23], $0x80, s3, s23, $0xb8;
	[tilespmem:$0x19180] =	vst v63  }
0x92: {  	_ =	swait.ge [sflag:s30], $0x2800  }
0x93: {  	[sflag:s30] =	ssyncset.done $0x0  }
0x94: {  	s13 =	sadd.s32 $0xA, s13;
	[sflag:s30] =	ssyncadd.s32 $0xFFFFD800  }
0x95: {  	[tilespmem:s29], [sflag:$0x3] =	stream.linear.gather [hbm4b:s13+s3], $0x50, $0x38;
	[tilespmem:$0x19180] =	vst v63  }
0x96: {  	_ =	swait.ge [sflag:s22], $0x50  }
.Ltmp3:
0x97: {  	[sflag:s22] =	ssyncset.done $0x0;
	(pc) =	sbr.rel @!p1 .LBB2_3-.Ltmp3, $4  }
0x98: {  	[sflag:s22] =	ssyncadd.s32 $0xFFFFFFB0  }
0x99: {  	[spmem:s1] =	stream.indirect.scatter.add.f32 [tilespmem:s26], [sflag:$0x3], $0x80, s29, s23, $0xb8;
	[tilespmem:$0x19180] =	vst v63  }
0x9a: {  	_ =	swait.ge [sflag:s22], $0x2800  }
0x9b: {  	s14 =	sadd.s32 s12, s20;
	s13 =	smov.u32 s15;
	[sflag:s22] =	ssyncset.done $0x0  }
0x9c: {  	s13 =	sadd.s32 $0xA, s14;
	[sflag:s22] =	ssyncadd.s32 $0xFFFFD800  }
0x9d: {  	[tilespmem:s25], [sflag:$0x3] =	stream.linear.gather [hbm4b:s13+s3], $0x50, $0x38;
	[tilespmem:$0x19180] =	vst v63  }
0x9e: {  	_ =	swait.ge [sflag:s22], $0x50  }
0x9f: {  	[sflag:s22] =	ssyncset.done $0x0  }
0xa0: {  	[sflag:s22] =	ssyncadd.s32 $0xFFFFFFB0  }
0xa1: {  	[tilespmem:s26], [sflag:$0x2] =	stream.indirect.gather [hbm4b:s4+s23], $0x80, s25, s23, $0xb8;
	[tilespmem:$0x19180] =	vst v63  }
0xa2: {  	_ =	swait.ge [sflag:s28], $0x2800  }
0xa3: {  	[sflag:s28] =	ssyncset.done $0x0  }
0xa4: {  	s12 =	sadd.s32 s12, s21;
	[sflag:s28] =	ssyncadd.s32 $0xFFFFD800  }
0xa5: {  	[tilespmem:s29], [sflag:$0x3] =	stream.linear.gather [hbm4b:s12+s3], $0x50, $0x38;
	[tilespmem:$0x19180] =	vst v63  }
0xa6: {  	_ =	swait.ge [sflag:s22], $0x50  }
0xa7: {  	[sflag:s22] =	ssyncset.done $0x0  }
0xa8: {  	[sflag:s22] =	ssyncadd.s32 $0xFFFFFFB0  }
0xa9: {  	[spmem:s1] =	stream.indirect.scatter.add.f32 [tilespmem:s24], [sflag:$0x3], $0x80, s29, s23, $0xb8;
	[tilespmem:$0x19180] =	vst v63  }
0xaa: {  	_ =	swait.ge [sflag:s22], $0x2800  }
0xab: {  	[sflag:s22] =	ssyncset.done $0x0  }
0xac: {  	s14 =	sadd.s32 $0x14, s14;
	[sflag:s22] =	ssyncadd.s32 $0xFFFFD800  }
0xad: {  	[tilespmem:s3], [sflag:$0x3] =	stream.linear.gather [hbm4b:s14+s3], $0x50, $0x38;
	[tilespmem:$0x19180] =	vst v63  }
0xae: {  	_ =	swait.ge [sflag:s22], $0x50  }
0xaf: {  	[sflag:s22] =	ssyncset.done $0x0  }
0xb0: {  	[sflag:s22] =	ssyncadd.s32 $0xFFFFFFB0  }
0xb1: {  	[tilespmem:s24], [sflag:$0x1] =	stream.indirect.gather [hbm4b:s4+s23], $0x80, s3, s23, $0xb8;
	[tilespmem:$0x19180] =	vst v63  }
0xb2: {  	_ =	swait.ge [sflag:s30], $0x2800  }
0xb3: {  	[sflag:s30] =	ssyncset.done $0x0  }
0xb4: {  	s12 =	sadd.s32 $0xA, s12;
	[sflag:s30] =	ssyncadd.s32 $0xFFFFD800  }
0xb5: {  	[tilespmem:s29], [sflag:$0x3] =	stream.linear.gather [hbm4b:s12+s3], $0x50, $0x38;
	[tilespmem:$0x19180] =	vst v63  }
0xb6: {  	_ =	swait.ge [sflag:s22], $0x50  }
0xb7: {  	[sflag:s22] =	ssyncset.done $0x0  }
0xb8: {  	[sflag:s22] =	ssyncadd.s32 $0xFFFFFFB0  }
0xb9: {  	[spmem:s1] =	stream.indirect.scatter.add.f32 [tilespmem:s26], [sflag:$0x3], $0x80, s29, s23, $0xb8;
	[tilespmem:$0x19180] =	vst v63  }
0xba: {  	_ =	swait.ge [sflag:s22], $0x2800  }
0xbb: {  	[sflag:s22] =	ssyncset.done $0x0  }
0xbc: {  	[sflag:s22] =	ssyncadd.s32 $0xFFFFD800  }
0xbd: {  	_ =	swait.ge [sflag:s28], $0x2800  }
0xbe: {  	[sflag:s28] =	ssyncset.done $0x0  }
0xbf: {  	s15 =	simm.s32 $0x0;
	[sflag:s28] =	ssyncadd.s32 $0xFFFFD800  }
0xc0: {  	[tilespmem:s29], [sflag:$0x3] =	stream.linear.gather [hbm4b:s11+s15], $0x50, $0x38;
	[tilespmem:$0x19180] =	vst v63  }
0xc1: {  	_ =	swait.ge [sflag:s22], $0x50  }
0xc2: {  	[sflag:s22] =	ssyncset.done $0x0  }
0xc3: {  	[sflag:s22] =	ssyncadd.s32 $0xFFFFFFB0  }
0xc4: {  	[spmem:s1] =	stream.indirect.scatter.add.f32 [tilespmem:s24], [sflag:$0x3], $0x80, s29, s23, $0xb8;
	[tilespmem:$0x19180] =	vst v63  }
0xc5: {  	_ =	swait.ge [sflag:s22], $0x2800  }
0xc6: {  	[sflag:s22] =	ssyncset.done $0x0  }
0xc7: {  	[sflag:s22] =	ssyncadd.s32 $0xFFFFD800  }
0xc8: {  	[bflag:$0x0] =	sbarrier.arrive $0xFFFF  }
0xc9: {  	s16 =	rddreg [dreg:$0x6]  }
0xca: {  	[hbm:s16], [sflag:s9] =	dma.local [spmem:s0], $0x2800  }
0xcb: {  	_ =	swait.ge [sflag:s22], $0x2800  }
0xcc: {  	[sflag:s22] =	ssyncset.done $0x0  }
0xcd: {  	[sflag:s22] =	ssyncadd.s32 $0xFFFFD800  }
0xce: {  	[bflag:$0x0] =	sbarrier.arrive $0xFFFF  }
0xcf: {  	[bflag:$0x0] =	sbarrier.arrive $0xFFFF  }
0xd0: {  	[bflag:$0x0] =	sbarrier.arrive $0xFFFF  }
0xd1: {  	[bflag:$0x0] =	sbarrier.arrive $0xFFFF  }
0xd2: {  	s17 =	rddreg [dreg:$0x7]  }
0xd3: {  	[spmem:s0], [sflag:s9] =	dma.local [hbm:s17], $0x2800  }
0xd4: {  	_ =	swait.ge [sflag:s22], $0x2800  }
0xd5: {  	[sflag:s22] =	ssyncset.done $0x0  }
0xd6: {  	[sflag:s22] =	ssyncadd.s32 $0xFFFFD800  }
0xd7: {  	[bflag:$0x0] =	sbarrier.arrive $0xFFFF  }
0xd8: {  	[tilespmem:s15], [sflag:$0x3] =	stream.linear.gather [hbm4b:s10+s15], $0x50, $0x38;
	[tilespmem:$0x19180] =	vst v63  }
0xd9: {  	_ =	swait.ge [sflag:s22], $0x50  }
0xda: {  	[sflag:s22] =	ssyncset.done $0x0  }
0xdb: {  	s14 =	sadd.s32 $0x0, s20;
	[sflag:s22] =	ssyncadd.s32 $0xFFFFFFB0  }
0xdc: {  	[tilespmem:s24], [sflag:$0x1] =	stream.indirect.gather [hbm4b:s6+s23], $0x80, s15, s23, $0xb8;
	[tilespmem:$0x19180] =	vst v63  }
0xdd: {  	s15 =	sadd.s32 $0xA, s14  }
0xde: {  	[tilespmem:s25], [sflag:$0x3] =	stream.linear.gather [hbm4b:s15+s3], $0x50, $0x38;
	[tilespmem:$0x19180] =	vst v63  }
0xdf: {  	_ =	swait.ge [sflag:s22], $0x50  }
0xe0: {  	[sflag:s22] =	ssyncset.done $0x0  }
0xe1: {  	[sflag:s22] =	ssyncadd.s32 $0xFFFFFFB0  }
0xe2: {  	[tilespmem:s26], [sflag:$0x2] =	stream.indirect.gather [hbm4b:s6+s23], $0x80, s25, s23, $0xb8;
	[tilespmem:$0x19180] =	vst v63  }
0xe3: {  	_ =	swait.ge [sflag:s28], $0x2800  }
0xe4: {  	[sflag:s28] =	ssyncset.done $0x0  }
0xe5: {  	s16 =	sadd.s32 $0x0, s21;
	[sflag:s28] =	ssyncadd.s32 $0xFFFFD800  }
0xe6: {  	[tilespmem:s29], [sflag:$0x3] =	stream.linear.gather [hbm4b:s16+s3], $0x50, $0x38;
	[tilespmem:$0x19180] =	vst v63  }
0xe7: {  	_ =	swait.ge [sflag:s22], $0x50  }
0xe8: {  	[sflag:s22] =	ssyncset.done $0x0  }
0xe9: {  	[sflag:s22] =	ssyncadd.s32 $0xFFFFFFB0  }
0xea: {  	[spmem:s1] =	stream.indirect.scatter.add.f32 [tilespmem:s24], [sflag:$0x3], $0x80, s29, s23, $0xb8;
	[tilespmem:$0x19180] =	vst v63  }
0xeb: {  	_ =	swait.ge [sflag:s22], $0x2800  }
0xec: {  	[sflag:s22] =	ssyncset.done $0x0  }
0xed: {  	s12 =	sadd.s32 $0x14, s14;
	[sflag:s22] =	ssyncadd.s32 $0xFFFFD800  }
0xee: {  	[tilespmem:s3], [sflag:$0x3] =	stream.linear.gather [hbm4b:s12+s3], $0x50, $0x38;
	[tilespmem:$0x19180] =	vst v63  }
0xef: {  	_ =	swait.ge [sflag:s22], $0x50  }
0xf0: {  	[sflag:s22] =	ssyncset.done $0x0  }
0xf1: {  	[sflag:s22] =	ssyncadd.s32 $0xFFFFFFB0  }
0xf2: {  	[tilespmem:s24], [sflag:$0x1] =	stream.indirect.gather [hbm4b:s6+s23], $0x80, s3, s23, $0xb8;
	[tilespmem:$0x19180] =	vst v63  }
0xf3: {  	_ =	swait.ge [sflag:s30], $0x2800  }
0xf4: {  	[sflag:s30] =	ssyncset.done $0x0  }
0xf5: {  	s17 =	sadd.s32 $0xA, s16;
	[sflag:s30] =	ssyncadd.s32 $0xFFFFD800  }
0xf6: {  	[tilespmem:s29], [sflag:$0x3] =	stream.linear.gather [hbm4b:s17+s3], $0x50, $0x38;
	[tilespmem:$0x19180] =	vst v63  }
0xf7: {  	_ =	swait.ge [sflag:s22], $0x50  }
0xf8: {  	[sflag:s22] =	ssyncset.done $0x0  }
0xf9: {  	[sflag:s22] =	ssyncadd.s32 $0xFFFFFFB0  }
0xfa: {  	[spmem:s1] =	stream.indirect.scatter.add.f32 [tilespmem:s26], [sflag:$0x3], $0x80, s29, s23, $0xb8;
	[tilespmem:$0x19180] =	vst v63  }
0xfb: {  	s14 =	sadd.s32 $0x14, s20;
	_ =	swait.ge [sflag:s22], $0x2800  }
0xfc: {  	s15 =	simm.s32 $0x28;
	s12 =	simm.s32 $0x14;
	[sflag:s22] =	ssyncset.done $0x0  }
.LBB2_5:
0xfd: {  	s16 =	sadd.s32 $0xA, s14  }
0xfe: {  	[sflag:s22] =	ssyncadd.s32 $0xFFFFD800;
	s17 =	smov.u32 s15;
	s13 =	sadd.s32 $0x14, s15  }
0xff: {  	[tilespmem:s25], [sflag:$0x3] =	stream.linear.gather [hbm4b:s16+s3], $0x50, $0x38;
	[tilespmem:$0x19180] =	vst v63  }
0x100: {  	p1 =	seq.s32 s15, $0x4C4;
	_ =	swait.ge [sflag:s22], $0x50  }
0x101: {  	[sflag:s22] =	ssyncset.done $0x0  }
0x102: {  	[sflag:s22] =	ssyncadd.s32 $0xFFFFFFB0  }
0x103: {  	[tilespmem:s26], [sflag:$0x2] =	stream.indirect.gather [hbm4b:s6+s23], $0x80, s25, s23, $0xb8;
	[tilespmem:$0x19180] =	vst v63  }
0x104: {  	_ =	swait.ge [sflag:s28], $0x2800  }
0x105: {  	[sflag:s28] =	ssyncset.done $0x0  }
0x106: {  	s15 =	sadd.s32 s12, s21;
	s12 =	smov.u32 s17;
	[sflag:s28] =	ssyncadd.s32 $0xFFFFD800  }
0x107: {  	[tilespmem:s29], [sflag:$0x3] =	stream.linear.gather [hbm4b:s15+s3], $0x50, $0x38;
	[tilespmem:$0x19180] =	vst v63  }
0x108: {  	_ =	swait.ge [sflag:s22], $0x50  }
0x109: {  	[sflag:s22] =	ssyncset.done $0x0  }
0x10a: {  	[sflag:s22] =	ssyncadd.s32 $0xFFFFFFB0  }
0x10b: {  	[spmem:s1] =	stream.indirect.scatter.add.f32 [tilespmem:s24], [sflag:$0x3], $0x80, s29, s23, $0xb8;
	[tilespmem:$0x19180] =	vst v63  }
0x10c: {  	_ =	swait.ge [sflag:s22], $0x2800  }
0x10d: {  	[sflag:s22] =	ssyncset.done $0x0  }
0x10e: {  	s14 =	sadd.s32 $0x14, s14;
	[sflag:s22] =	ssyncadd.s32 $0xFFFFD800  }
0x10f: {  	[tilespmem:s3], [sflag:$0x3] =	stream.linear.gather [hbm4b:s14+s3], $0x50, $0x38;
	[tilespmem:$0x19180] =	vst v63  }
0x110: {  	_ =	swait.ge [sflag:s22], $0x50  }
0x111: {  	[sflag:s22] =	ssyncset.done $0x0  }
0x112: {  	[sflag:s22] =	ssyncadd.s32 $0xFFFFFFB0  }
0x113: {  	[tilespmem:s24], [sflag:$0x1] =	stream.indirect.gather [hbm4b:s6+s23], $0x80, s3, s23, $0xb8;
	[tilespmem:$0x19180] =	vst v63  }
0x114: {  	_ =	swait.ge [sflag:s30], $0x2800  }
0x115: {  	[sflag:s30] =	ssyncset.done $0x0  }
0x116: {  	s14 =	sadd.s32 $0xA, s15;
	[sflag:s30] =	ssyncadd.s32 $0xFFFFD800  }
0x117: {  	[tilespmem:s29], [sflag:$0x3] =	stream.linear.gather [hbm4b:s14+s3], $0x50, $0x38;
	[tilespmem:$0x19180] =	vst v63  }
0x118: {  	_ =	swait.ge [sflag:s22], $0x50  }
.Ltmp4:
0x119: {  	[sflag:s22] =	ssyncset.done $0x0;
	(pc) =	sbr.rel @!p1 .LBB2_5-.Ltmp4, $4  }
0x11a: {  	[sflag:s22] =	ssyncadd.s32 $0xFFFFFFB0  }
0x11b: {  	[spmem:s1] =	stream.indirect.scatter.add.f32 [tilespmem:s26], [sflag:$0x3], $0x80, s29, s23, $0xb8;
	[tilespmem:$0x19180] =	vst v63  }
0x11c: {  	_ =	swait.ge [sflag:s22], $0x2800  }
0x11d: {  	s15 =	smov.u32 s13;
	s14 =	sadd.s32 s12, s20;
	[sflag:s22] =	ssyncset.done $0x0  }
0x11e: {  	s13 =	sadd.s32 $0xA, s14;
	[sflag:s22] =	ssyncadd.s32 $0xFFFFD800  }
0x11f: {  	[tilespmem:s25], [sflag:$0x3] =	stream.linear.gather [hbm4b:s13+s3], $0x50, $0x38;
	[tilespmem:$0x19180] =	vst v63  }
0x120: {  	_ =	swait.ge [sflag:s22], $0x50  }
0x121: {  	[sflag:s22] =	ssyncset.done $0x0  }
0x122: {  	[sflag:s22] =	ssyncadd.s32 $0xFFFFFFB0  }
0x123: {  	[tilespmem:s26], [sflag:$0x2] =	stream.indirect.gather [hbm4b:s6+s23], $0x80, s25, s23, $0xb8;
	[tilespmem:$0x19180] =	vst v63  }
0x124: {  	_ =	swait.ge [sflag:s28], $0x2800  }
0x125: {  	[sflag:s28] =	ssyncset.done $0x0  }
0x126: {  	s12 =	sadd.s32 s12, s21;
	[sflag:s28] =	ssyncadd.s32 $0xFFFFD800  }
0x127: {  	[tilespmem:s29], [sflag:$0x3] =	stream.linear.gather [hbm4b:s12+s3], $0x50, $0x38;
	[tilespmem:$0x19180] =	vst v63  }
0x128: {  	_ =	swait.ge [sflag:s22], $0x50  }
0x129: {  	[sflag:s22] =	ssyncset.done $0x0  }
0x12a: {  	[sflag:s22] =	ssyncadd.s32 $0xFFFFFFB0  }
0x12b: {  	[spmem:s1] =	stream.indirect.scatter.add.f32 [tilespmem:s24], [sflag:$0x3], $0x80, s29, s23, $0xb8;
	[tilespmem:$0x19180] =	vst v63  }
0x12c: {  	_ =	swait.ge [sflag:s22], $0x2800  }
0x12d: {  	[sflag:s22] =	ssyncset.done $0x0  }
0x12e: {  	s17 =	sadd.s32 $0x14, s14;
	[sflag:s22] =	ssyncadd.s32 $0xFFFFD800  }
0x12f: {  	[tilespmem:s3], [sflag:$0x3] =	stream.linear.gather [hbm4b:s17+s3], $0x50, $0x38;
	[tilespmem:$0x19180] =	vst v63  }
0x130: {  	_ =	swait.ge [sflag:s22], $0x50  }
0x131: {  	[sflag:s22] =	ssyncset.done $0x0  }
0x132: {  	[sflag:s22] =	ssyncadd.s32 $0xFFFFFFB0  }
0x133: {  	[tilespmem:s24], [sflag:$0x1] =	stream.indirect.gather [hbm4b:s6+s23], $0x80, s3, s23, $0xb8;
	[tilespmem:$0x19180] =	vst v63  }
0x134: {  	_ =	swait.ge [sflag:s30], $0x2800  }
0x135: {  	[sflag:s30] =	ssyncset.done $0x0  }
0x136: {  	s12 =	sadd.s32 $0xA, s12;
	[sflag:s30] =	ssyncadd.s32 $0xFFFFD800  }
0x137: {  	[tilespmem:s29], [sflag:$0x3] =	stream.linear.gather [hbm4b:s12+s3], $0x50, $0x38;
	[tilespmem:$0x19180] =	vst v63  }
0x138: {  	_ =	swait.ge [sflag:s22], $0x50  }
0x139: {  	[sflag:s22] =	ssyncset.done $0x0  }
0x13a: {  	[sflag:s22] =	ssyncadd.s32 $0xFFFFFFB0  }
0x13b: {  	[spmem:s1] =	stream.indirect.scatter.add.f32 [tilespmem:s26], [sflag:$0x3], $0x80, s29, s23, $0xb8;
	[tilespmem:$0x19180] =	vst v63  }
0x13c: {  	_ =	swait.ge [sflag:s22], $0x2800  }
0x13d: {  	[sflag:s22] =	ssyncset.done $0x0  }
0x13e: {  	[sflag:s22] =	ssyncadd.s32 $0xFFFFD800  }
0x13f: {  	_ =	swait.ge [sflag:s28], $0x2800  }
0x140: {  	[sflag:s28] =	ssyncset.done $0x0  }
0x141: {  	[sflag:s28] =	ssyncadd.s32 $0xFFFFD800  }
0x142: {  	[tilespmem:s29], [sflag:$0x3] =	stream.linear.gather [hbm4b:s11+s3], $0x50, $0x38;
	[tilespmem:$0x19180] =	vst v63  }
0x143: {  	_ =	swait.ge [sflag:s22], $0x50  }
0x144: {  	[sflag:s22] =	ssyncset.done $0x0  }
0x145: {  	[sflag:s22] =	ssyncadd.s32 $0xFFFFFFB0  }
0x146: {  	[spmem:s1] =	stream.indirect.scatter.add.f32 [tilespmem:s24], [sflag:$0x3], $0x80, s29, s23, $0xb8;
	[tilespmem:$0x19180] =	vst v63  }
0x147: {  	_ =	swait.ge [sflag:s22], $0x2800  }
0x148: {  	[sflag:s22] =	ssyncset.done $0x0  }
0x149: {  	[sflag:s22] =	ssyncadd.s32 $0xFFFFD800  }
0x14a: {  	[bflag:$0x0] =	sbarrier.arrive $0xFFFF  }
0x14b: {  	[hbm:s18], [sflag:s9] =	dma.local [spmem:s0], $0x2800  }
0x14c: {  	_ =	swait.ge [sflag:s22], $0x2800  }
0x14d: {  	[sflag:s22] =	ssyncset.done $0x0  }
.Ltmp5:
0x14e: {  	[sflag:s22] =	ssyncadd.s32 $0xFFFFD800;
	(pc) =	sbr.rel .LBB2_12-.Ltmp5, $3  }
0x14f: {  	[bflag:$0x0] =	sbarrier.arrive $0xFFFF  }
0x150: {  	[bflag:$0x0] =	sbarrier.arrive $0xFFFF  }
0x151: {  	[bflag:$0x0] =	sbarrier.arrive $0xFFFF;
	_ =	sdelay $0x1  }
.LBB2_7:
0x152: {  	[bflag:$0x0] =	sbarrier.arrive $0xFFFF  }
0x153: {  	[bflag:$0x0] =	sbarrier.arrive $0xFFFF  }
0x154: {  	[bflag:$0x0] =	sbarrier.arrive $0xFFFF  }
0x155: {  	s12 =	rddreg [dreg:$0x3]  }
0x156: {  	[spmem:s0], [sflag:s9] =	dma.local [hbm:s12], $0x2800  }
0x157: {  	_ =	swait.ge [sflag:s22], $0x2800  }
0x158: {  	[sflag:s22] =	ssyncset.done $0x0  }
0x159: {  	[sflag:s22] =	ssyncadd.s32 $0xFFFFD800  }
0x15a: {  	s14 =	simm.s32 $0x0;
	[bflag:$0x0] =	sbarrier.arrive $0xFFFF  }
0x15b: {  	[tilespmem:s14], [sflag:$0x3] =	stream.linear.gather [hbm4b:s10+s14], $0x50, $0x38;
	[tilespmem:$0x19180] =	vst v63  }
0x15c: {  	_ =	swait.ge [sflag:s22], $0x50  }
0x15d: {  	[sflag:s22] =	ssyncset.done $0x0  }
0x15e: {  	s15 =	sadd.s32 $0x0, s20;
	[sflag:s22] =	ssyncadd.s32 $0xFFFFFFB0  }
0x15f: {  	[tilespmem:s24], [sflag:$0x1] =	stream.indirect.gather [hbm4b:s5+s23], $0x80, s14, s23, $0xb8;
	[tilespmem:$0x19180] =	vst v63  }
0x160: {  	s13 =	sadd.s32 $0xA, s15  }
0x161: {  	[tilespmem:s25], [sflag:$0x3] =	stream.linear.gather [hbm4b:s13+s3], $0x50, $0x38;
	[tilespmem:$0x19180] =	vst v63  }
0x162: {  	_ =	swait.ge [sflag:s22], $0x50  }
0x163: {  	[sflag:s22] =	ssyncset.done $0x0  }
0x164: {  	[sflag:s22] =	ssyncadd.s32 $0xFFFFFFB0  }
0x165: {  	[tilespmem:s26], [sflag:$0x2] =	stream.indirect.gather [hbm4b:s5+s23], $0x80, s25, s23, $0xb8;
	[tilespmem:$0x19180] =	vst v63  }
0x166: {  	_ =	swait.ge [sflag:s28], $0x2800  }
0x167: {  	[sflag:s28] =	ssyncset.done $0x0  }
0x168: {  	s16 =	sadd.s32 $0x0, s21;
	[sflag:s28] =	ssyncadd.s32 $0xFFFFD800  }
0x169: {  	[tilespmem:s29], [sflag:$0x3] =	stream.linear.gather [hbm4b:s16+s3], $0x50, $0x38;
	[tilespmem:$0x19180] =	vst v63  }
0x16a: {  	_ =	swait.ge [sflag:s22], $0x50  }
0x16b: {  	[sflag:s22] =	ssyncset.done $0x0  }
0x16c: {  	[sflag:s22] =	ssyncadd.s32 $0xFFFFFFB0  }
0x16d: {  	[spmem:s1] =	stream.indirect.scatter.add.f32 [tilespmem:s24], [sflag:$0x3], $0x80, s29, s23, $0xb8;
	[tilespmem:$0x19180] =	vst v63  }
0x16e: {  	_ =	swait.ge [sflag:s22], $0x2800  }
0x16f: {  	[sflag:s22] =	ssyncset.done $0x0  }
0x170: {  	s12 =	sadd.s32 $0x14, s15;
	[sflag:s22] =	ssyncadd.s32 $0xFFFFD800  }
0x171: {  	[tilespmem:s3], [sflag:$0x3] =	stream.linear.gather [hbm4b:s12+s3], $0x50, $0x38;
	[tilespmem:$0x19180] =	vst v63  }
0x172: {  	_ =	swait.ge [sflag:s22], $0x50  }
0x173: {  	[sflag:s22] =	ssyncset.done $0x0  }
0x174: {  	[sflag:s22] =	ssyncadd.s32 $0xFFFFFFB0  }
0x175: {  	[tilespmem:s24], [sflag:$0x1] =	stream.indirect.gather [hbm4b:s5+s23], $0x80, s3, s23, $0xb8;
	[tilespmem:$0x19180] =	vst v63  }
0x176: {  	_ =	swait.ge [sflag:s30], $0x2800  }
0x177: {  	[sflag:s30] =	ssyncset.done $0x0  }
0x178: {  	s17 =	sadd.s32 $0xA, s16;
	[sflag:s30] =	ssyncadd.s32 $0xFFFFD800  }
0x179: {  	[tilespmem:s29], [sflag:$0x3] =	stream.linear.gather [hbm4b:s17+s3], $0x50, $0x38;
	[tilespmem:$0x19180] =	vst v63  }
0x17a: {  	_ =	swait.ge [sflag:s22], $0x50  }
0x17b: {  	[sflag:s22] =	ssyncset.done $0x0  }
0x17c: {  	[sflag:s22] =	ssyncadd.s32 $0xFFFFFFB0  }
0x17d: {  	[spmem:s1] =	stream.indirect.scatter.add.f32 [tilespmem:s26], [sflag:$0x3], $0x80, s29, s23, $0xb8;
	[tilespmem:$0x19180] =	vst v63  }
0x17e: {  	s15 =	simm.s32 $0x28;
	_ =	swait.ge [sflag:s22], $0x2800  }
0x17f: {  	s14 =	sadd.s32 $0x14, s20;
	s12 =	simm.s32 $0x14;
	[sflag:s22] =	ssyncset.done $0x0  }
.LBB2_8:
0x180: {  	s16 =	sadd.s32 $0xA, s14  }
0x181: {  	[sflag:s22] =	ssyncadd.s32 $0xFFFFD800;
	s17 =	smov.u32 s15;
	s13 =	sadd.s32 $0x14, s15  }
0x182: {  	[tilespmem:s25], [sflag:$0x3] =	stream.linear.gather [hbm4b:s16+s3], $0x50, $0x38;
	[tilespmem:$0x19180] =	vst v63  }
0x183: {  	p1 =	seq.s32 s15, $0x4C4;
	_ =	swait.ge [sflag:s22], $0x50  }
0x184: {  	[sflag:s22] =	ssyncset.done $0x0  }
0x185: {  	[sflag:s22] =	ssyncadd.s32 $0xFFFFFFB0  }
0x186: {  	[tilespmem:s26], [sflag:$0x2] =	stream.indirect.gather [hbm4b:s5+s23], $0x80, s25, s23, $0xb8;
	[tilespmem:$0x19180] =	vst v63  }
0x187: {  	_ =	swait.ge [sflag:s28], $0x2800  }
0x188: {  	[sflag:s28] =	ssyncset.done $0x0  }
0x189: {  	s15 =	sadd.s32 s12, s21;
	s12 =	smov.u32 s17;
	[sflag:s28] =	ssyncadd.s32 $0xFFFFD800  }
0x18a: {  	[tilespmem:s29], [sflag:$0x3] =	stream.linear.gather [hbm4b:s15+s3], $0x50, $0x38;
	[tilespmem:$0x19180] =	vst v63  }
0x18b: {  	_ =	swait.ge [sflag:s22], $0x50  }
0x18c: {  	[sflag:s22] =	ssyncset.done $0x0  }
0x18d: {  	[sflag:s22] =	ssyncadd.s32 $0xFFFFFFB0  }
0x18e: {  	[spmem:s1] =	stream.indirect.scatter.add.f32 [tilespmem:s24], [sflag:$0x3], $0x80, s29, s23, $0xb8;
	[tilespmem:$0x19180] =	vst v63  }
0x18f: {  	_ =	swait.ge [sflag:s22], $0x2800  }
0x190: {  	[sflag:s22] =	ssyncset.done $0x0  }
0x191: {  	s14 =	sadd.s32 $0x14, s14;
	[sflag:s22] =	ssyncadd.s32 $0xFFFFD800  }
0x192: {  	[tilespmem:s3], [sflag:$0x3] =	stream.linear.gather [hbm4b:s14+s3], $0x50, $0x38;
	[tilespmem:$0x19180] =	vst v63  }
0x193: {  	_ =	swait.ge [sflag:s22], $0x50  }
0x194: {  	[sflag:s22] =	ssyncset.done $0x0  }
0x195: {  	[sflag:s22] =	ssyncadd.s32 $0xFFFFFFB0  }
0x196: {  	[tilespmem:s24], [sflag:$0x1] =	stream.indirect.gather [hbm4b:s5+s23], $0x80, s3, s23, $0xb8;
	[tilespmem:$0x19180] =	vst v63  }
0x197: {  	_ =	swait.ge [sflag:s30], $0x2800  }
0x198: {  	[sflag:s30] =	ssyncset.done $0x0  }
0x199: {  	s14 =	sadd.s32 $0xA, s15;
	[sflag:s30] =	ssyncadd.s32 $0xFFFFD800  }
0x19a: {  	[tilespmem:s29], [sflag:$0x3] =	stream.linear.gather [hbm4b:s14+s3], $0x50, $0x38;
	[tilespmem:$0x19180] =	vst v63  }
0x19b: {  	_ =	swait.ge [sflag:s22], $0x50  }
.Ltmp6:
0x19c: {  	[sflag:s22] =	ssyncset.done $0x0;
	(pc) =	sbr.rel @!p1 .LBB2_8-.Ltmp6, $4  }
0x19d: {  	[sflag:s22] =	ssyncadd.s32 $0xFFFFFFB0  }
0x19e: {  	[spmem:s1] =	stream.indirect.scatter.add.f32 [tilespmem:s26], [sflag:$0x3], $0x80, s29, s23, $0xb8;
	[tilespmem:$0x19180] =	vst v63  }
0x19f: {  	_ =	swait.ge [sflag:s22], $0x2800  }
0x1a0: {  	s15 =	smov.u32 s13;
	s14 =	sadd.s32 s12, s20;
	[sflag:s22] =	ssyncset.done $0x0  }
0x1a1: {  	s13 =	sadd.s32 $0xA, s14;
	[sflag:s22] =	ssyncadd.s32 $0xFFFFD800  }
0x1a2: {  	[tilespmem:s25], [sflag:$0x3] =	stream.linear.gather [hbm4b:s13+s3], $0x50, $0x38;
	[tilespmem:$0x19180] =	vst v63  }
0x1a3: {  	_ =	swait.ge [sflag:s22], $0x50  }
0x1a4: {  	[sflag:s22] =	ssyncset.done $0x0  }
0x1a5: {  	[sflag:s22] =	ssyncadd.s32 $0xFFFFFFB0  }
0x1a6: {  	[tilespmem:s26], [sflag:$0x2] =	stream.indirect.gather [hbm4b:s5+s23], $0x80, s25, s23, $0xb8;
	[tilespmem:$0x19180] =	vst v63  }
0x1a7: {  	_ =	swait.ge [sflag:s28], $0x2800  }
0x1a8: {  	[sflag:s28] =	ssyncset.done $0x0  }
0x1a9: {  	s12 =	sadd.s32 s12, s21;
	[sflag:s28] =	ssyncadd.s32 $0xFFFFD800  }
0x1aa: {  	[tilespmem:s29], [sflag:$0x3] =	stream.linear.gather [hbm4b:s12+s3], $0x50, $0x38;
	[tilespmem:$0x19180] =	vst v63  }
0x1ab: {  	_ =	swait.ge [sflag:s22], $0x50  }
0x1ac: {  	[sflag:s22] =	ssyncset.done $0x0  }
0x1ad: {  	[sflag:s22] =	ssyncadd.s32 $0xFFFFFFB0  }
0x1ae: {  	[spmem:s1] =	stream.indirect.scatter.add.f32 [tilespmem:s24], [sflag:$0x3], $0x80, s29, s23, $0xb8;
	[tilespmem:$0x19180] =	vst v63  }
0x1af: {  	_ =	swait.ge [sflag:s22], $0x2800  }
0x1b0: {  	[sflag:s22] =	ssyncset.done $0x0  }
0x1b1: {  	s14 =	sadd.s32 $0x14, s14;
	[sflag:s22] =	ssyncadd.s32 $0xFFFFD800  }
0x1b2: {  	[tilespmem:s3], [sflag:$0x3] =	stream.linear.gather [hbm4b:s14+s3], $0x50, $0x38;
	[tilespmem:$0x19180] =	vst v63  }
0x1b3: {  	_ =	swait.ge [sflag:s22], $0x50  }
0x1b4: {  	[sflag:s22] =	ssyncset.done $0x0  }
0x1b5: {  	[sflag:s22] =	ssyncadd.s32 $0xFFFFFFB0  }
0x1b6: {  	[tilespmem:s24], [sflag:$0x1] =	stream.indirect.gather [hbm4b:s5+s23], $0x80, s3, s23, $0xb8;
	[tilespmem:$0x19180] =	vst v63  }
0x1b7: {  	_ =	swait.ge [sflag:s30], $0x2800  }
0x1b8: {  	[sflag:s30] =	ssyncset.done $0x0  }
0x1b9: {  	s12 =	sadd.s32 $0xA, s12;
	[sflag:s30] =	ssyncadd.s32 $0xFFFFD800  }
0x1ba: {  	[tilespmem:s29], [sflag:$0x3] =	stream.linear.gather [hbm4b:s12+s3], $0x50, $0x38;
	[tilespmem:$0x19180] =	vst v63  }
0x1bb: {  	_ =	swait.ge [sflag:s22], $0x50  }
0x1bc: {  	[sflag:s22] =	ssyncset.done $0x0  }
0x1bd: {  	[sflag:s22] =	ssyncadd.s32 $0xFFFFFFB0  }
0x1be: {  	[spmem:s1] =	stream.indirect.scatter.add.f32 [tilespmem:s26], [sflag:$0x3], $0x80, s29, s23, $0xb8;
	[tilespmem:$0x19180] =	vst v63  }
0x1bf: {  	_ =	swait.ge [sflag:s22], $0x2800  }
0x1c0: {  	[sflag:s22] =	ssyncset.done $0x0  }
0x1c1: {  	[sflag:s22] =	ssyncadd.s32 $0xFFFFD800  }
0x1c2: {  	_ =	swait.ge [sflag:s28], $0x2800  }
0x1c3: {  	[sflag:s28] =	ssyncset.done $0x0  }
0x1c4: {  	s15 =	simm.s32 $0x0;
	[sflag:s28] =	ssyncadd.s32 $0xFFFFD800  }
0x1c5: {  	[tilespmem:s29], [sflag:$0x3] =	stream.linear.gather [hbm4b:s11+s15], $0x50, $0x38;
	[tilespmem:$0x19180] =	vst v63  }
0x1c6: {  	_ =	swait.ge [sflag:s22], $0x50  }
0x1c7: {  	[sflag:s22] =	ssyncset.done $0x0  }
0x1c8: {  	[sflag:s22] =	ssyncadd.s32 $0xFFFFFFB0  }
0x1c9: {  	[spmem:s1] =	stream.indirect.scatter.add.f32 [tilespmem:s24], [sflag:$0x3], $0x80, s29, s23, $0xb8;
	[tilespmem:$0x19180] =	vst v63  }
0x1ca: {  	_ =	swait.ge [sflag:s22], $0x2800  }
0x1cb: {  	[sflag:s22] =	ssyncset.done $0x0  }
0x1cc: {  	[sflag:s22] =	ssyncadd.s32 $0xFFFFD800  }
0x1cd: {  	[bflag:$0x0] =	sbarrier.arrive $0xFFFF  }
0x1ce: {  	s16 =	rddreg [dreg:$0x4]  }
0x1cf: {  	[hbm:s16], [sflag:s9] =	dma.local [spmem:s0], $0x2800  }
0x1d0: {  	_ =	swait.ge [sflag:s22], $0x2800  }
0x1d1: {  	[sflag:s22] =	ssyncset.done $0x0  }
0x1d2: {  	[sflag:s22] =	ssyncadd.s32 $0xFFFFD800  }
0x1d3: {  	[bflag:$0x0] =	sbarrier.arrive $0xFFFF  }
0x1d4: {  	[bflag:$0x0] =	sbarrier.arrive $0xFFFF  }
0x1d5: {  	[bflag:$0x0] =	sbarrier.arrive $0xFFFF  }
0x1d6: {  	[bflag:$0x0] =	sbarrier.arrive $0xFFFF  }
0x1d7: {  	s17 =	rddreg [dreg:$0x8]  }
0x1d8: {  	[spmem:s0], [sflag:s9] =	dma.local [hbm:s17], $0x2800  }
0x1d9: {  	_ =	swait.ge [sflag:s22], $0x2800  }
0x1da: {  	[sflag:s22] =	ssyncset.done $0x0  }
0x1db: {  	[sflag:s22] =	ssyncadd.s32 $0xFFFFD800  }
0x1dc: {  	[bflag:$0x0] =	sbarrier.arrive $0xFFFF  }
0x1dd: {  	[tilespmem:s15], [sflag:$0x3] =	stream.linear.gather [hbm4b:s10+s15], $0x50, $0x38;
	[tilespmem:$0x19180] =	vst v63  }
0x1de: {  	_ =	swait.ge [sflag:s22], $0x50  }
0x1df: {  	[sflag:s22] =	ssyncset.done $0x0  }
0x1e0: {  	s14 =	sadd.s32 $0x0, s20;
	[sflag:s22] =	ssyncadd.s32 $0xFFFFFFB0  }
0x1e1: {  	[tilespmem:s24], [sflag:$0x1] =	stream.indirect.gather [hbm4b:s7+s23], $0x80, s15, s23, $0xb8;
	[tilespmem:$0x19180] =	vst v63  }
0x1e2: {  	s15 =	sadd.s32 $0xA, s14  }
0x1e3: {  	[tilespmem:s25], [sflag:$0x3] =	stream.linear.gather [hbm4b:s15+s3], $0x50, $0x38;
	[tilespmem:$0x19180] =	vst v63  }
0x1e4: {  	_ =	swait.ge [sflag:s22], $0x50  }
0x1e5: {  	[sflag:s22] =	ssyncset.done $0x0  }
0x1e6: {  	[sflag:s22] =	ssyncadd.s32 $0xFFFFFFB0  }
0x1e7: {  	[tilespmem:s26], [sflag:$0x2] =	stream.indirect.gather [hbm4b:s7+s23], $0x80, s25, s23, $0xb8;
	[tilespmem:$0x19180] =	vst v63  }
0x1e8: {  	_ =	swait.ge [sflag:s28], $0x2800  }
0x1e9: {  	[sflag:s28] =	ssyncset.done $0x0  }
0x1ea: {  	s16 =	sadd.s32 $0x0, s21;
	[sflag:s28] =	ssyncadd.s32 $0xFFFFD800  }
0x1eb: {  	[tilespmem:s29], [sflag:$0x3] =	stream.linear.gather [hbm4b:s16+s3], $0x50, $0x38;
	[tilespmem:$0x19180] =	vst v63  }
0x1ec: {  	_ =	swait.ge [sflag:s22], $0x50  }
0x1ed: {  	[sflag:s22] =	ssyncset.done $0x0  }
0x1ee: {  	[sflag:s22] =	ssyncadd.s32 $0xFFFFFFB0  }
0x1ef: {  	[spmem:s1] =	stream.indirect.scatter.add.f32 [tilespmem:s24], [sflag:$0x3], $0x80, s29, s23, $0xb8;
	[tilespmem:$0x19180] =	vst v63  }
0x1f0: {  	_ =	swait.ge [sflag:s22], $0x2800  }
0x1f1: {  	[sflag:s22] =	ssyncset.done $0x0  }
0x1f2: {  	s12 =	sadd.s32 $0x14, s14;
	[sflag:s22] =	ssyncadd.s32 $0xFFFFD800  }
0x1f3: {  	[tilespmem:s3], [sflag:$0x3] =	stream.linear.gather [hbm4b:s12+s3], $0x50, $0x38;
	[tilespmem:$0x19180] =	vst v63  }
0x1f4: {  	_ =	swait.ge [sflag:s22], $0x50  }
0x1f5: {  	[sflag:s22] =	ssyncset.done $0x0  }
0x1f6: {  	[sflag:s22] =	ssyncadd.s32 $0xFFFFFFB0  }
0x1f7: {  	[tilespmem:s24], [sflag:$0x1] =	stream.indirect.gather [hbm4b:s7+s23], $0x80, s3, s23, $0xb8;
	[tilespmem:$0x19180] =	vst v63  }
0x1f8: {  	_ =	swait.ge [sflag:s30], $0x2800  }
0x1f9: {  	[sflag:s30] =	ssyncset.done $0x0  }
0x1fa: {  	s17 =	sadd.s32 $0xA, s16;
	[sflag:s30] =	ssyncadd.s32 $0xFFFFD800  }
0x1fb: {  	[tilespmem:s29], [sflag:$0x3] =	stream.linear.gather [hbm4b:s17+s3], $0x50, $0x38;
	[tilespmem:$0x19180] =	vst v63  }
0x1fc: {  	_ =	swait.ge [sflag:s22], $0x50  }
0x1fd: {  	[sflag:s22] =	ssyncset.done $0x0  }
0x1fe: {  	[sflag:s22] =	ssyncadd.s32 $0xFFFFFFB0  }
0x1ff: {  	[spmem:s1] =	stream.indirect.scatter.add.f32 [tilespmem:s26], [sflag:$0x3], $0x80, s29, s23, $0xb8;
	[tilespmem:$0x19180] =	vst v63  }
0x200: {  	s14 =	sadd.s32 $0x14, s20;
	_ =	swait.ge [sflag:s22], $0x2800  }
0x201: {  	s15 =	simm.s32 $0x28;
	s12 =	simm.s32 $0x14;
	[sflag:s22] =	ssyncset.done $0x0  }
.LBB2_10:
0x202: {  	s16 =	sadd.s32 $0xA, s14  }
0x203: {  	[sflag:s22] =	ssyncadd.s32 $0xFFFFD800;
	s17 =	smov.u32 s15;
	s13 =	sadd.s32 $0x14, s15  }
0x204: {  	[tilespmem:s25], [sflag:$0x3] =	stream.linear.gather [hbm4b:s16+s3], $0x50, $0x38;
	[tilespmem:$0x19180] =	vst v63  }
0x205: {  	p1 =	seq.s32 s15, $0x4C4;
	_ =	swait.ge [sflag:s22], $0x50  }
0x206: {  	[sflag:s22] =	ssyncset.done $0x0  }
0x207: {  	[sflag:s22] =	ssyncadd.s32 $0xFFFFFFB0  }
0x208: {  	[tilespmem:s26], [sflag:$0x2] =	stream.indirect.gather [hbm4b:s7+s23], $0x80, s25, s23, $0xb8;
	[tilespmem:$0x19180] =	vst v63  }
0x209: {  	_ =	swait.ge [sflag:s28], $0x2800  }
0x20a: {  	[sflag:s28] =	ssyncset.done $0x0  }
0x20b: {  	s15 =	sadd.s32 s12, s21;
	s12 =	smov.u32 s17;
	[sflag:s28] =	ssyncadd.s32 $0xFFFFD800  }
0x20c: {  	[tilespmem:s29], [sflag:$0x3] =	stream.linear.gather [hbm4b:s15+s3], $0x50, $0x38;
	[tilespmem:$0x19180] =	vst v63  }
0x20d: {  	_ =	swait.ge [sflag:s22], $0x50  }
0x20e: {  	[sflag:s22] =	ssyncset.done $0x0  }
0x20f: {  	[sflag:s22] =	ssyncadd.s32 $0xFFFFFFB0  }
0x210: {  	[spmem:s1] =	stream.indirect.scatter.add.f32 [tilespmem:s24], [sflag:$0x3], $0x80, s29, s23, $0xb8;
	[tilespmem:$0x19180] =	vst v63  }
0x211: {  	_ =	swait.ge [sflag:s22], $0x2800  }
0x212: {  	[sflag:s22] =	ssyncset.done $0x0  }
0x213: {  	s14 =	sadd.s32 $0x14, s14;
	[sflag:s22] =	ssyncadd.s32 $0xFFFFD800  }
0x214: {  	[tilespmem:s3], [sflag:$0x3] =	stream.linear.gather [hbm4b:s14+s3], $0x50, $0x38;
	[tilespmem:$0x19180] =	vst v63  }
0x215: {  	_ =	swait.ge [sflag:s22], $0x50  }
0x216: {  	[sflag:s22] =	ssyncset.done $0x0  }
0x217: {  	[sflag:s22] =	ssyncadd.s32 $0xFFFFFFB0  }
0x218: {  	[tilespmem:s24], [sflag:$0x1] =	stream.indirect.gather [hbm4b:s7+s23], $0x80, s3, s23, $0xb8;
	[tilespmem:$0x19180] =	vst v63  }
0x219: {  	_ =	swait.ge [sflag:s30], $0x2800  }
0x21a: {  	[sflag:s30] =	ssyncset.done $0x0  }
0x21b: {  	s14 =	sadd.s32 $0xA, s15;
	[sflag:s30] =	ssyncadd.s32 $0xFFFFD800  }
0x21c: {  	[tilespmem:s29], [sflag:$0x3] =	stream.linear.gather [hbm4b:s14+s3], $0x50, $0x38;
	[tilespmem:$0x19180] =	vst v63  }
0x21d: {  	_ =	swait.ge [sflag:s22], $0x50  }
.Ltmp7:
0x21e: {  	[sflag:s22] =	ssyncset.done $0x0;
	(pc) =	sbr.rel @!p1 .LBB2_10-.Ltmp7, $4  }
0x21f: {  	[sflag:s22] =	ssyncadd.s32 $0xFFFFFFB0  }
0x220: {  	[spmem:s1] =	stream.indirect.scatter.add.f32 [tilespmem:s26], [sflag:$0x3], $0x80, s29, s23, $0xb8;
	[tilespmem:$0x19180] =	vst v63  }
0x221: {  	_ =	swait.ge [sflag:s22], $0x2800  }
0x222: {  	s15 =	smov.u32 s13;
	s14 =	sadd.s32 s12, s20;
	[sflag:s22] =	ssyncset.done $0x0  }
.Ltmp8:
0x223: {  	_ = 	snop;
	(pc) =	sbr.rel .LBB2_11-.Ltmp8, $1  }
0x224: {  	_ =	sdelay $0x3  }
.LBB2_13:
0x225: {  	_ =	sfence.sel $0x180000  }
0x226: {  	[bflag:$0x0] =	sbarrier.arrive $0xFFFF  }
0x227: {  	_ =	strace $0x9000004A  }
0x228: {  	[bflag:$0x2] =	sbarrier.arrive $0xFFFF  }
0x229: {  	p0 =	sne.s32 s2, $0x0;
	s0 =	rddreg [dreg:$0x2]  }
0x22a: {  	s0 =	sadd.s32 @!p0 $0x100000, s0  }
0x22b: {  	[sflag:s0] =	ssyncadd.tile.s32 @!p0 $0x1;
	_ =	shalt  }
.Lfunc_end2:
_tile_overlayer_lowered:
.L_overlay_start_2:
0x22c: {  	(tag) =	ssettag $0x2  }
0x22d: {  	s0 =	rddreg [dreg:$0x0];
	s2 =	stileid.u32  }
0x22e: {  	s1 =	rddreg [dreg:$0x1];
	p0 =	sne.s32 s2, $0x0  }
0x22f: {  	s3 =	rddreg [dreg:$0x2];
	[bflag:$0x3] =	sbarrier.arrive $0xFFFF;
	s2 =	simm.s32 @!p0 $0x1C03  }
0x230: {  	[timem:s3], [sflag:s2] =	dma.local @!p0 [hbm:s0], s1  }
0x231: {  	s0 =	simm.s32 @!p0 $0x3  }
0x232: {  	_ =	swait.ge @!p0 [sflag:s0], s1  }
0x233: {  	s1 =	ssub.s32 @!p0 $0x0, s1;
	[sflag:s0] =	ssyncset.done @!p0 $0x0  }
0x234: {  	[sflag:s0] =	ssyncadd.s32 @!p0 s1  }
0x235: {  	[bflag:$0x3] =	sbarrier.arrive $0xFFFF  }
0x236: {  	_ =	shalt  }

// kernel: kernel.19.cloned.1.call-start
scs
__scs_entry_jumppad:
0x0: {  	(pc) =	sbr.rel $0x88, $3  }
0x1: {  	(tag) =	ssettag $0x0;
	lr =	simm.s32 $0x1  }
0x2: {  	[smem:$0x3F8C] =	sst lr;
	_ =	strace $0xD0000000  }
0x3: {  	_ = 	snop  }
0x4: {  	_ = 	snop  }
0x5: {  	_ = 	snop  }
0x6: {  	_ = 	snop  }
0x7: {  	_ = 	snop  }
__scs_overlays_trampoline_lowered:
0x8: {  	[smem:$0x3F9B] =	sst s0  }
0x9: {  	[smem:$0x3F9C] =	sst s1  }
0xa: {  	[smem:$0x3F9D] =	sst s2  }
0xb: {  	[smem:$0x3F9E] =	sst s3  }
0xc: {  	[smem:$0x3F9F] =	sst s4  }
0xd: {  	[smem:$0x3FA0] =	sst s5  }
0xe: {  	[smem:$0x3FA1] =	sst s6  }
0xf: {  	[smem:$0x3FA2] =	sst s7  }
0x10: {  	[smem:$0x3FA3] =	sst s8  }
0x11: {  	[smem:$0x3FA4] =	sst s9;
	s0 =	simm.s32 @!p0 $0x0  }
0x12: {  	s1 =	sld [smem:$0x3F8A];
	s0 =	simm.s32 @p0 $0x1  }
0x13: {  	[smem:$0x3FA5] =	sst s0;
	s0 =	simm.s32 @!p1 $0x0  }
0x14: {  	s2 =	sld [smem:$0x3F89];
	s0 =	simm.s32 @p1 $0x1  }
0x15: {  	[smem:$0x3FA6] =	sst s0;
	s0 =	simm.s32 @!p2 $0x0  }
0x16: {  	s3 =	sld [smem:$0x3FDB];
	s0 =	simm.s32 @p2 $0x1  }
0x17: {  	s4 =	simm.s32 $0x1BF5;
	[smem:$0x3FA8] =	sst s0  }
0x18: {  	s0 =	sld [smem:$0x3F8B];
	_ =	swait.ge [sflag:s4], $0x0  }
0x19: {  	s7 =	sld [smem:$0x3F8C]  }
0x1a: {  	s8 =	sadd.s32 $0xFFFFE003, lr  }
0x1b: {  	s9 =	sadd.s32 $0xFFFFFEF7, lr;
	s5 =	simm.s32 $0xFFFFFFFF;
	p2 =	slt.u32 s8, $0xFFFFF086  }
0x1c: {  	p1 =	slt.u32 s9, $0xF7A;
	s5 =	simm.s32 @!p2 $0x0  }
0x1d: {  	s5 =	simm.s32 @p1 $0x1;
	p0 =	seq.s32 s7, s2  }
0x1e: {  	s7 =	smul.u32 @!p0 $0xF7A, s2;
	p2 =	seq.s32 @!p0 s5, $0x0  }
0x1f: {  	s9 =	smul.u32 $0xF7A, s1;
	s8 =	simm.s32 @!p0 $0x1BF5;
	p2 =	por !p2, p0  }
0x20: {  	[sflag:s8] =	ssyncset.s32 @!p0 $0xFFFFF086;
	s6 =	sadd.s32 @!p0 s3, s7;
	s7 =	simm.s32 @!p0 $0x108  }
0x21: {  	s3 =	sadd.s32 s3, s9;
	s6 =	sadd.s32 @!p0 $0x88, s6;
	s7 =	simm.s32 @p2 $0x1082  }
0x22: {  	[simem:s7], [sflag:s8] =	dma.local @!p0 [hbm:s6], $0xF7A  }
0x23: {  	s9 =	sor.u32 $0xD0000000, s2;
	s6 =	simm.s32 $0x108;
	_ =	swait.ge @!p0 [sflag:s8], $0x0  }
0x24: {  	s3 =	sadd.s32 $0x88, s3;
	s6 =	simm.s32 @!p1 $0x1082;
	[sflag:s4] =	ssyncset.s32 $0xFFFFF086  }
0x25: {  	[simem:s6], [sflag:s4] =	dma.local [hbm:s3], $0xF7A  }
0x26: {  	[smem:$0x3F8C] =	sst s1;
	(tag) =	ssettag s2;
	_ =	strace s9  }
0x27: {  	s1 =	sld [smem:$0x3F9C]  }
0x28: {  	s2 =	sld [smem:$0x3F9D]  }
0x29: {  	s4 =	sld [smem:$0x3F9F]  }
0x2a: {  	p0 =	seq.s32 s5, $0x0;
	s5 =	sld [smem:$0x3FA0]  }
0x2b: {  	s6 =	sld [smem:$0x3FA1]  }
0x2c: {  	s7 =	sld [smem:$0x3FA2]  }
0x2d: {  	s3 =	simm.s32 $0x108;
	s8 =	sld [smem:$0x3FA3]  }
0x2e: {  	s3 =	simm.s32 @!p0 $0x1082;
	s9 =	sld [smem:$0x3FA4]  }
0x2f: {  	lr =	sadd.s32 s0, s3;
	s0 =	sld [smem:$0x3F9B]  }
0x30: {  	s3 =	sld [smem:$0x3F9E]  }
0x31: {  	[smem:$0x3FA7] =	sst s10  }
0x32: {  	s10 =	sld [smem:$0x3FA5];
	_ =	sdelay $0x3  }
0x33: {  	p0 =	seq.s32 s10, $0x1;
	s10 =	sld [smem:$0x3FA7];
	_ =	sdelay $0x3  }
0x34: {  	[smem:$0x3FA7] =	sst s10  }
0x35: {  	s10 =	sld [smem:$0x3FA6];
	_ =	sdelay $0x3  }
0x36: {  	p1 =	seq.s32 s10, $0x1;
	s10 =	sld [smem:$0x3FA7];
	_ =	sdelay $0x3  }
0x37: {  	[smem:$0x3FA7] =	sst s10  }
0x38: {  	s10 =	sld [smem:$0x3FA8]  }
0x39: {  	_ = 	snop;
	(pc) =	sbr.ind lr, $3  }
0x3a: {  	_ = 	snop  }
0x3b: {  	_ = 	snop  }
0x3c: {  	p2 =	seq.s32 s10, $0x1;
	s10 =	sld [smem:$0x3FA7]  }
0x3d: {  	_ =	shalt  }
0x3e: {  	_ =	shalt  }
0x3f: {  	_ =	shalt  }
0x40: {  	_ =	shalt  }
0x41: {  	_ =	shalt  }
0x42: {  	_ =	shalt  }
0x43: {  	_ =	shalt  }
0x44: {  	_ =	shalt  }
0x45: {  	_ =	shalt  }
0x46: {  	_ =	shalt  }
0x47: {  	_ =	shalt  }
0x48: {  	_ =	shalt  }
0x49: {  	_ =	shalt  }
0x4a: {  	_ =	shalt  }
0x4b: {  	_ =	shalt  }
0x4c: {  	_ =	shalt  }
0x4d: {  	_ =	shalt  }
0x4e: {  	_ =	shalt  }
0x4f: {  	_ =	shalt  }
0x50: {  	_ =	shalt  }
0x51: {  	_ =	shalt  }
0x52: {  	_ =	shalt  }
0x53: {  	_ =	shalt  }
0x54: {  	_ =	shalt  }
0x55: {  	_ =	shalt  }
0x56: {  	_ =	shalt  }
0x57: {  	_ =	shalt  }
0x58: {  	_ =	shalt  }
0x59: {  	_ =	shalt  }
0x5a: {  	_ =	shalt  }
0x5b: {  	_ =	shalt  }
0x5c: {  	_ =	shalt  }
0x5d: {  	_ =	shalt  }
0x5e: {  	_ =	shalt  }
0x5f: {  	_ =	shalt  }
0x60: {  	_ =	shalt  }
0x61: {  	_ =	shalt  }
0x62: {  	_ =	shalt  }
0x63: {  	_ =	shalt  }
0x64: {  	_ =	shalt  }
0x65: {  	_ =	shalt  }
0x66: {  	_ =	shalt  }
0x67: {  	_ =	shalt  }
0x68: {  	_ =	shalt  }
0x69: {  	_ =	shalt  }
0x6a: {  	_ =	shalt  }
0x6b: {  	_ =	shalt  }
0x6c: {  	_ =	shalt  }
0x6d: {  	_ =	shalt  }
0x6e: {  	_ =	shalt  }
0x6f: {  	_ =	shalt  }
0x70: {  	_ =	shalt  }
0x71: {  	_ =	shalt  }
0x72: {  	_ =	shalt  }
0x73: {  	_ =	shalt  }
0x74: {  	_ =	shalt  }
0x75: {  	_ =	shalt  }
0x76: {  	_ =	shalt  }
0x77: {  	_ =	shalt  }
0x78: {  	_ =	shalt  }
0x79: {  	_ =	shalt  }
0x7a: {  	_ =	shalt  }
0x7b: {  	_ =	shalt  }
0x7c: {  	_ =	shalt  }
0x7d: {  	_ =	shalt  }
0x7e: {  	_ =	shalt  }
0x7f: {  	_ =	shalt  }
0x80: {  	_ =	shalt  }
0x81: {  	_ =	shalt  }
0x82: {  	_ =	shalt  }
0x83: {  	_ =	shalt  }
0x84: {  	_ =	shalt  }
0x85: {  	_ =	shalt  }
0x86: {  	_ =	shalt  }
0x87: {  	_ =	shalt  }
.Lfunc_end0:
.L_simem_size_0:
called_computation.2_lowered:
.L_overlay_start_0:
0x88: {  	s2 =	sld [smem:$0x3FD9]  }
0x89: {  	s3 =	sld [smem:$0x3FFE];
	_ =	sdelay $0x1  }
0x8a: {  	s1 =	srdreg.scid  }
0x8b: {  	s0 =	sand.u32 $0x1, s1  }
0x8c: {  	s16 =	sshll.u32 s0, $0xA;
	s2 =	sadd.s32 s3, s2  }
0x8d: {  	s2 =	sadd.s32 s2, s16  }
0x8e: {  	[smem:$0x3FB3] =	sst s2  }
0x8f: {  	_ = 	snop  }
0x90: {  	(tm) =	ssettm $0x1  }
0x91: {  	s17 =	sld [smem:$0x3FFB];
	_ =	sdelay $0x3  }
0x92: {  	_ =	strace s17  }
0x93: {  	s2 =	sld [smem:$0x3FFC];
	_ =	sdelay $0x3  }
0x94: {  	_ =	strace s2  }
0x95: {  	s2 =	sld [smem:$0x3FFD];
	_ =	sdelay $0x3  }
0x96: {  	_ =	strace s2  }
0x97: {  	_ =	strace $0x8FFFFFFF  }
0x98: {  	s18 =	sld [smem:$0x3FDB];
	_ =	sdelay $0x1  }
0x99: {  	s19 =	simm.s32 $_scs_section_size  }
0x9a: {  	s4 =	simm.s32 $_size__tile_overlayer_lowered;
	s5 =	simm.s32 $_tile_overlayer_lowered  }
0x9b: {  	s22 =	simm.s32 $0x1BFF;
	s21 =	sshll.u32 s5, $0x1;
	s2 =	sadd.s32 s19, s18  }
0x9c: {  	s6 =	simm.s32 $0x0;
	s20 =	sshll.u32 s4, $0x1;
	s4 =	sadd.s32 s21, s2  }
0x9d: {  	[timem:s6], [sflag:s22] =	dma.local [hbm:s4], s20  }
0x9e: {  	_ =	swait.ge [sflag:s22], s20  }
0x9f: {  	s3 =	ssub.s32 $0x0, s20;
	[sflag:s22] =	ssyncset.done $0x0  }
0xa0: {  	[sflag:s22] =	ssyncadd.s32 s3;
	_ =	sdelay $0x1  }
0xa1: {  	s23 =	simm.s32 $0x1B8B  }
0xa2: {  	_ =	swait.ge [sflag:s23], $0x1  }
0xa3: {  	[sflag:s23] =	ssyncset.done $0x0  }
0xa4: {  	s25 =	simm.s32 $0x1B8E;
	s24 =	sld [smem:$0x3FFE];
	[sflag:s23] =	ssyncadd.s32 $0xFFFFFFFF  }
0xa5: {  	s26 =	simm.s32 $execute0_lowered;
	[smem:$0x3FD2] =	sst s25  }
0xa6: {  	s4 =	sshll.u32 s26, $0x1;
	_ =	strace $0x8000004C;
	[dreg:$0x1] =	wrdreg $0xFFFFFFFF  }
0xa7: {  	s28 =	simm.s32 $_size_execute0_lowered;
	s2 =	sadd.s32 s2, s4;
	[dreg:$0x0] =	wrdreg $0x0  }
0xa8: {  	s4 =	sshll.u32 s28, $0x1;
	[dreg:$0x2] =	wrdreg s2  }
0xa9: {  	[dreg:$0x3] =	wrdreg s4  }
0xaa: {  	[dreg:$0x4] =	wrdreg $0xC0  }
0xab: {  	_ =	task [dreg:s6], $0x5FFFF  }
0xac: {  	[dreg:$0x1] =	wrdreg $0xFFFFFFFF  }
0xad: {  	[dreg:$0x0] =	wrdreg $0x60  }
0xae: {  	[dreg:$0x2] =	wrdreg s24  }
0xaf: {  	[dreg:$0x3] =	wrdreg $0x51800  }
0xb0: {  	[dreg:$0x4] =	wrdreg $0x9  }
0xb1: {  	_ =	task.clear_ibuf [dreg:s6], $0x5FFFF;
	_ =	strace $0x9000004C  }
0xb2: {  	s29 =	simm.s32 $0x9;
	_ =	strace $0x8000004E  }
0xb3: {  	_ =	swait.ge [sflag:s29], $0x1  }
0xb4: {  	[sflag:s29] =	ssyncadd.s32 $0xFFFFFFFF  }
0xb5: {  	_ =	strace $0x9000004E  }
0xb6: {  	_ =	sfence  }
0xb7: {  	s30 =	sld [smem:$0x0];
	_ =	sdelay $0x2  }
0xb8: {  	s31 =	sshll.u32 s1, $0xD;
	s1 =	sshrl.u32 s1, $0x2  }
0xb9: {  	s3 =	sand.u32 $0x4000, s31;
	s1 =	sadd.s32 s1, s30  }
0xba: {  	s0 =	sor.u32 s3, s0;
	s1 =	sshll.u32 s1, $0x11  }
0xbb: {  	s0 =	sor.u32 s1, s0  }
0xbc: {  	s0 =	sadd.s32 $0x8F2B, s0  }
0xbd: {  	[sflag:s0] =	ssyncadd.remote.s32 $0x1  }
0xbe: {  	_ =	sfence.sel $0xFFFF  }
0xbf: {  	[dreg:$0x0] =	wrdreg $0xFFFFFFFF;
	(pc) =	sbr.abs _section_cstart, $3  }
0xc0: {  	[dreg:$0x1] =	wrdreg $0xFFFFFFFF  }
0xc1: {  	_ =	task.clear_ibuf [dreg:s6], $0x2FFFF;
	_ =	strace $0x9FFFFFFF  }
0xc2: {  	(tm) =	ssettm $0x7FFFFFFF  }
0xc3: {  	_ =	shalt  }
tec
execute0_lowered:
.L_overlay_start_1:
0x0: {  	(tag) =	ssettag $0x1  }
0x1: {  	s0 =	rddreg [dreg:$0x0]  }
0x2: {  	s1 =	rddreg [dreg:$0x1];
	s3 =	simm.s32 $0x0  }
0x3: {  	s2 =	stileid.u32;
	s8 =	srdreg.scid;
	s28 =	simm.s32 $0x1  }
0x4: {  	s29 =	simm.s32 $0x100;
	s30 =	simm.s32 $0x2;
	s31 =	simm.s32 $0x0  }
0x5: {  	[smem:$0x7FF] =	sst s3;
	s4 =	sadd.s32 $0x11800, s0;
	s9 =	smul.u32 $0x2800, s2  }
0x6: {  	s5 =	sadd.s32 $0x89800, s0;
	s6 =	sadd.s32 $0xB1800, s0;
	s10 =	smul.u32 $0x2710, s2  }
0x7: {  	s7 =	sadd.s32 $0xD9800, s0;
	s12 =	sadd.s32 $0x7800, s0;
	s19 =	smul.u32 $0x50000, s2  }
0x8: {  	s13 =	sand.u32 $0x1, s8;
	s14 =	sadd.s32 $0xC800, s0;
	s25 =	smul.u32 $0x4E2, s2  }
0x9: {  	_ =	strace $0x8000004D;
	s11 =	ssub.s32 $0x2, s13;
	p0 =	sne.s32 s13, $0x0  }
0xa: {  	s0 =	sadd.s32 s9, s0;
	s15 =	sshrl.u32 s11, $0x1;
	s8 =	sshrl.u32 s19, $0x2  }
0xb: {  	s10 =	sshrl.u32 s10, $0x3;
	s16 =	sadd.s32 s5, s9;
	s22 =	sadd.s32 s4, s9  }
0xc: {  	s24 =	sadd.s32 s6, s9;
	s9 =	sadd.s32 s7, s9;
	[dreg:$0x3] =	wrdreg s16  }
0xd: {  	s15 =	ssub.s32 s11, s15;
	s8 =	sadd.s32 s8, s1;
	[dreg:$0x5] =	wrdreg s22  }
0xe: {  	s20 =	sadd.s32 s14, s10;
	s10 =	sadd.s32 s12, s10;
	[dreg:$0x7] =	wrdreg s24  }
0xf: {  	s21 =	sadd.s32 $0x129800, s0;
	s23 =	sadd.s32 $0x101800, s0;
	[dreg:$0x8] =	wrdreg s9  }
.Ltmp0:
0x10: {  	s26 =	sadd.s32 $0x179800, s0;
	[dreg:$0x4] =	wrdreg s21;
	(pc) =	sbr.rel .LBB2_1-.Ltmp0, $4  }
0x11: {  	s18 =	sadd.s32 $0x151800, s0;
	s22 =	simm.s32 $0x3;
	[dreg:$0x6] =	wrdreg s23  }
0x12: {  	s24 =	simm.s32 $0x180;
	s11 =	sadd.s32 $0x4D8, s20;
	[dreg:$0x9] =	wrdreg s26  }
0x13: {  	s19 =	smax.u32 s15, $0x1;
	s20 =	sadd.s32 s25, s12;
	s21 =	sadd.s32 s25, s14  }
0x14: {  	s23 =	simm.s32 $0x50;
	s25 =	simm.s32 $0x80;
	s26 =	simm.s32 $0x2980  }
.LBB2_11:
0x15: {  	s13 =	sadd.s32 $0xA, s14;
	[sflag:s22] =	ssyncadd.s32 $0xFFFFD800  }
0x16: {  	[tilespmem:s25], [sflag:$0x3] =	stream.linear.gather [hbm4b:s13+s3], $0x50, $0x38;
	[tilespmem:$0x19180] =	vst v63  }
0x17: {  	_ =	swait.ge [sflag:s22], $0x50  }
0x18: {  	[sflag:s22] =	ssyncset.done $0x0  }
0x19: {  	[sflag:s22] =	ssyncadd.s32 $0xFFFFFFB0  }
0x1a: {  	[tilespmem:s26], [sflag:$0x2] =	stream.indirect.gather [hbm4b:s7+s23], $0x80, s25, s23, $0xb8;
	[tilespmem:$0x19180] =	vst v63  }
0x1b: {  	_ =	swait.ge [sflag:s28], $0x2800  }
0x1c: {  	[sflag:s28] =	ssyncset.done $0x0  }
0x1d: {  	s12 =	sadd.s32 s12, s21;
	[sflag:s28] =	ssyncadd.s32 $0xFFFFD800  }
0x1e: {  	[tilespmem:s29], [sflag:$0x3] =	stream.linear.gather [hbm4b:s12+s3], $0x50, $0x38;
	[tilespmem:$0x19180] =	vst v63  }
0x1f: {  	_ =	swait.ge [sflag:s22], $0x50  }
0x20: {  	[sflag:s22] =	ssyncset.done $0x0  }
0x21: {  	[sflag:s22] =	ssyncadd.s32 $0xFFFFFFB0  }
0x22: {  	[spmem:s1] =	stream.indirect.scatter.add.f32 [tilespmem:s24], [sflag:$0x3], $0x80, s29, s23, $0xb8;
	[tilespmem:$0x19180] =	vst v63  }
0x23: {  	_ =	swait.ge [sflag:s22], $0x2800  }
0x24: {  	[sflag:s22] =	ssyncset.done $0x0  }
0x25: {  	s16 =	sadd.s32 $0x14, s14;
	[sflag:s22] =	ssyncadd.s32 $0xFFFFD800  }
0x26: {  	[tilespmem:s3], [sflag:$0x3] =	stream.linear.gather [hbm4b:s16+s3], $0x50, $0x38;
	[tilespmem:$0x19180] =	vst v63  }
0x27: {  	_ =	swait.ge [sflag:s22], $0x50  }
0x28: {  	[sflag:s22] =	ssyncset.done $0x0  }
0x29: {  	[sflag:s22] =	ssyncadd.s32 $0xFFFFFFB0  }
0x2a: {  	[tilespmem:s24], [sflag:$0x1] =	stream.indirect.gather [hbm4b:s7+s23], $0x80, s3, s23, $0xb8;
	[tilespmem:$0x19180] =	vst v63  }
0x2b: {  	_ =	swait.ge [sflag:s30], $0x2800  }
0x2c: {  	[sflag:s30] =	ssyncset.done $0x0  }
0x2d: {  	s12 =	sadd.s32 $0xA, s12;
	[sflag:s30] =	ssyncadd.s32 $0xFFFFD800  }
0x2e: {  	[tilespmem:s29], [sflag:$0x3] =	stream.linear.gather [hbm4b:s12+s3], $0x50, $0x38;
	[tilespmem:$0x19180] =	vst v63  }
0x2f: {  	_ =	swait.ge [sflag:s22], $0x50  }
0x30: {  	[sflag:s22] =	ssyncset.done $0x0  }
0x31: {  	[sflag:s22] =	ssyncadd.s32 $0xFFFFFFB0  }
0x32: {  	[spmem:s1] =	stream.indirect.scatter.add.f32 [tilespmem:s26], [sflag:$0x3], $0x80, s29, s23, $0xb8;
	[tilespmem:$0x19180] =	vst v63  }
0x33: {  	_ =	swait.ge [sflag:s22], $0x2800  }
0x34: {  	[sflag:s22] =	ssyncset.done $0x0  }
0x35: {  	[sflag:s22] =	ssyncadd.s32 $0xFFFFD800  }
0x36: {  	_ =	swait.ge [sflag:s28], $0x2800  }
0x37: {  	[sflag:s28] =	ssyncset.done $0x0  }
0x38: {  	[sflag:s28] =	ssyncadd.s32 $0xFFFFD800  }
0x39: {  	[tilespmem:s29], [sflag:$0x3] =	stream.linear.gather [hbm4b:s11+s3], $0x50, $0x38;
	[tilespmem:$0x19180] =	vst v63  }
0x3a: {  	_ =	swait.ge [sflag:s22], $0x50  }
0x3b: {  	[sflag:s22] =	ssyncset.done $0x0  }
0x3c: {  	[sflag:s22] =	ssyncadd.s32 $0xFFFFFFB0  }
0x3d: {  	[spmem:s1] =	stream.indirect.scatter.add.f32 [tilespmem:s24], [sflag:$0x3], $0x80, s29, s23, $0xb8;
	[tilespmem:$0x19180] =	vst v63  }
0x3e: {  	_ =	swait.ge [sflag:s22], $0x2800  }
0x3f: {  	[sflag:s22] =	ssyncset.done $0x0  }
0x40: {  	[sflag:s22] =	ssyncadd.s32 $0xFFFFD800  }
0x41: {  	[bflag:$0x0] =	sbarrier.arrive $0xFFFF  }
0x42: {  	s17 =	rddreg [dreg:$0x9]  }
0x43: {  	[hbm:s17], [sflag:s9] =	dma.local [spmem:s0], $0x2800  }
0x44: {  	_ =	swait.ge [sflag:s22], $0x2800  }
0x45: {  	[sflag:s22] =	ssyncset.done $0x0  }
0x46: {  	[sflag:s22] =	ssyncadd.s32 $0xFFFFD800  }
.LBB2_12:
0x47: {  	s31 =	sadd.s32 $0x1, s31  }
0x48: {  	p1 =	sne.s32 s31, s19  }
.Ltmp1:
0x49: {  	_ = 	snop;
	(pc) =	sbr.rel @!p1 .LBB2_13-.Ltmp1, $2  }
0x4a: {  	_ =	sdelay $0x1  }
0x4b: {  	[bflag:$0x0] =	sbarrier.arrive $0xFFFF;
	_ =	sdelay $0x1  }
.LBB2_1:
.Ltmp2:
0x4c: {  	(pc) =	sbr.rel @p0 .LBB2_7-.Ltmp2, $3  }
0x4d: {  	_ =	sdelay $0x1  }
0x4e: {  	s9 =	sshll.u32 s2, $0x6  }
0x4f: {  	s0 =	sshrl.u32 s8, $0x3;
	s9 =	sor.u32 $0x1C03, s9  }
0x50: {  	s12 =	rddreg [dreg:$0x5]  }
0x51: {  	[spmem:s0], [sflag:s9] =	dma.local [hbm:s12], $0x2800  }
0x52: {  	_ =	swait.ge [sflag:s22], $0x2800  }
0x53: {  	[sflag:s22] =	ssyncset.done $0x0  }
0x54: {  	[sflag:s22] =	ssyncadd.s32 $0xFFFFD800  }
0x55: {  	s14 =	simm.s32 $0x0;
	[bflag:$0x0] =	sbarrier.arrive $0xFFFF  }
0x56: {  	[tilespmem:s14], [sflag:$0x3] =	stream.linear.gather [hbm4b:s10+s14], $0x50, $0x38;
	[tilespmem:$0x19180] =	vst v63  }
0x57: {  	_ =	swait.ge [sflag:s22], $0x50  }
0x58: {  	[sflag:s22] =	ssyncset.done $0x0  }
0x59: {  	s15 =	sadd.s32 $0x0, s20;
	[sflag:s22] =	ssyncadd.s32 $0xFFFFFFB0  }
0x5a: {  	[tilespmem:s24], [sflag:$0x1] =	stream.indirect.gather [hbm4b:s4+s23], $0x80, s14, s23, $0xb8;
	[tilespmem:$0x19180] =	vst v63  }
0x5b: {  	s13 =	sadd.s32 $0xA, s15  }
0x5c: {  	[tilespmem:s25], [sflag:$0x3] =	stream.linear.gather [hbm4b:s13+s3], $0x50, $0x38;
	[tilespmem:$0x19180] =	vst v63  }
0x5d: {  	_ =	swait.ge [sflag:s22], $0x50  }
0x5e: {  	[sflag:s22] =	ssyncset.done $0x0  }
0x5f: {  	[sflag:s22] =	ssyncadd.s32 $0xFFFFFFB0  }
0x60: {  	[tilespmem:s26], [sflag:$0x2] =	stream.indirect.gather [hbm4b:s4+s23], $0x80, s25, s23, $0xb8;
	[tilespmem:$0x19180] =	vst v63  }
0x61: {  	_ =	swait.ge [sflag:s28], $0x2800  }
0x62: {  	[sflag:s28] =	ssyncset.done $0x0  }
0x63: {  	s16 =	sadd.s32 $0x0, s21;
	[sflag:s28] =	ssyncadd.s32 $0xFFFFD800  }
0x64: {  	[tilespmem:s29], [sflag:$0x3] =	stream.linear.gather [hbm4b:s16+s3], $0x50, $0x38;
	[tilespmem:$0x19180] =	vst v63  }
0x65: {  	_ =	swait.ge [sflag:s22], $0x50  }
0x66: {  	[sflag:s22] =	ssyncset.done $0x0  }
0x67: {  	[sflag:s22] =	ssyncadd.s32 $0xFFFFFFB0  }
0x68: {  	[spmem:s1] =	stream.indirect.scatter.add.f32 [tilespmem:s24], [sflag:$0x3], $0x80, s29, s23, $0xb8;
	[tilespmem:$0x19180] =	vst v63  }
0x69: {  	_ =	swait.ge [sflag:s22], $0x2800  }
0x6a: {  	[sflag:s22] =	ssyncset.done $0x0  }
0x6b: {  	s12 =	sadd.s32 $0x14, s15;
	[sflag:s22] =	ssyncadd.s32 $0xFFFFD800  }
0x6c: {  	[tilespmem:s3], [sflag:$0x3] =	stream.linear.gather [hbm4b:s12+s3], $0x50, $0x38;
	[tilespmem:$0x19180] =	vst v63  }
0x6d: {  	_ =	swait.ge [sflag:s22], $0x50  }
0x6e: {  	[sflag:s22] =	ssyncset.done $0x0  }
0x6f: {  	[sflag:s22] =	ssyncadd.s32 $0xFFFFFFB0  }
0x70: {  	[tilespmem:s24], [sflag:$0x1] =	stream.indirect.gather [hbm4b:s4+s23], $0x80, s3, s23, $0xb8;
	[tilespmem:$0x19180] =	vst v63  }
0x71: {  	_ =	swait.ge [sflag:s30], $0x2800  }
0x72: {  	[sflag:s30] =	ssyncset.done $0x0  }
0x73: {  	s17 =	sadd.s32 $0xA, s16;
	[sflag:s30] =	ssyncadd.s32 $0xFFFFD800  }
0x74: {  	[tilespmem:s29], [sflag:$0x3] =	stream.linear.gather [hbm4b:s17+s3], $0x50, $0x38;
	[tilespmem:$0x19180] =	vst v63  }
0x75: {  	_ =	swait.ge [sflag:s22], $0x50  }
0x76: {  	[sflag:s22] =	ssyncset.done $0x0  }
0x77: {  	[sflag:s22] =	ssyncadd.s32 $0xFFFFFFB0  }
0x78: {  	[spmem:s1] =	stream.indirect.scatter.add.f32 [tilespmem:s26], [sflag:$0x3], $0x80, s29, s23, $0xb8;
	[tilespmem:$0x19180] =	vst v63  }
0x79: {  	s14 =	sadd.s32 $0x14, s20;
	_ =	swait.ge [sflag:s22], $0x2800  }
0x7a: {  	s13 =	simm.s32 $0x28;
	s12 =	simm.s32 $0x14;
	[sflag:s22] =	ssyncset.done $0x0  }
.LBB2_3:
0x7b: {  	s16 =	sadd.s32 $0xA, s14  }
0x7c: {  	[sflag:s22] =	ssyncadd.s32 $0xFFFFD800;
	s17 =	smov.u32 s13;
	s15 =	sadd.s32 $0x14, s13  }
0x7d: {  	[tilespmem:s25], [sflag:$0x3] =	stream.linear.gather [hbm4b:s16+s3], $0x50, $0x38;
	[tilespmem:$0x19180] =	vst v63  }
0x7e: {  	p1 =	seq.s32 s13, $0x4C4;
	_ =	swait.ge [sflag:s22], $0x50  }
0x7f: {  	[sflag:s22] =	ssyncset.done $0x0  }
0x80: {  	[sflag:s22] =	ssyncadd.s32 $0xFFFFFFB0  }
0x81: {  	[tilespmem:s26], [sflag:$0x2] =	stream.indirect.gather [hbm4b:s4+s23], $0x80, s25, s23, $0xb8;
	[tilespmem:$0x19180] =	vst v63  }
0x82: {  	_ =	swait.ge [sflag:s28], $0x2800  }
0x83: {  	[sflag:s28] =	ssyncset.done $0x0  }
0x84: {  	s13 =	sadd.s32 s12, s21;
	s12 =	smov.u32 s17;
	[sflag:s28] =	ssyncadd.s32 $0xFFFFD800  }
0x85: {  	[tilespmem:s29], [sflag:$0x3] =	stream.linear.gather [hbm4b:s13+s3], $0x50, $0x38;
	[tilespmem:$0x19180] =	vst v63  }
0x86: {  	_ =	swait.ge [sflag:s22], $0x50  }
0x87: {  	[sflag:s22] =	ssyncset.done $0x0  }
0x88: {  	[sflag:s22] =	ssyncadd.s32 $0xFFFFFFB0  }
0x89: {  	[spmem:s1] =	stream.indirect.scatter.add.f32 [tilespmem:s24], [sflag:$0x3], $0x80, s29, s23, $0xb8;
	[tilespmem:$0x19180] =	vst v63  }
0x8a: {  	_ =	swait.ge [sflag:s22], $0x2800  }
0x8b: {  	[sflag:s22] =	ssyncset.done $0x0  }
0x8c: {  	s14 =	sadd.s32 $0x14, s14;
	[sflag:s22] =	ssyncadd.s32 $0xFFFFD800  }
0x8d: {  	[tilespmem:s3], [sflag:$0x3] =	stream.linear.gather [hbm4b:s14+s3], $0x50, $0x38;
	[tilespmem:$0x19180] =	vst v63  }
0x8e: {  	_ =	swait.ge [sflag:s22], $0x50  }
0x8f: {  	[sflag:s22] =	ssyncset.done $0x0  }
0x90: {  	[sflag:s22] =	ssyncadd.s32 $0xFFFFFFB0  }
0x91: {  	[tilespmem:s24], [sflag:$0x1] =	stream.indirect.gather [hbm4b:s4+s23], $0x80, s3, s23, $0xb8;
	[tilespmem:$0x19180] =	vst v63  }
0x92: {  	_ =	swait.ge [sflag:s30], $0x2800  }
0x93: {  	[sflag:s30] =	ssyncset.done $0x0  }
0x94: {  	s13 =	sadd.s32 $0xA, s13;
	[sflag:s30] =	ssyncadd.s32 $0xFFFFD800  }
0x95: {  	[tilespmem:s29], [sflag:$0x3] =	stream.linear.gather [hbm4b:s13+s3], $0x50, $0x38;
	[tilespmem:$0x19180] =	vst v63  }
0x96: {  	_ =	swait.ge [sflag:s22], $0x50  }
.Ltmp3:
0x97: {  	[sflag:s22] =	ssyncset.done $0x0;
	(pc) =	sbr.rel @!p1 .LBB2_3-.Ltmp3, $4  }
0x98: {  	[sflag:s22] =	ssyncadd.s32 $0xFFFFFFB0  }
0x99: {  	[spmem:s1] =	stream.indirect.scatter.add.f32 [tilespmem:s26], [sflag:$0x3], $0x80, s29, s23, $0xb8;
	[tilespmem:$0x19180] =	vst v63  }
0x9a: {  	_ =	swait.ge [sflag:s22], $0x2800  }
0x9b: {  	s14 =	sadd.s32 s12, s20;
	s13 =	smov.u32 s15;
	[sflag:s22] =	ssyncset.done $0x0  }
0x9c: {  	s13 =	sadd.s32 $0xA, s14;
	[sflag:s22] =	ssyncadd.s32 $0xFFFFD800  }
0x9d: {  	[tilespmem:s25], [sflag:$0x3] =	stream.linear.gather [hbm4b:s13+s3], $0x50, $0x38;
	[tilespmem:$0x19180] =	vst v63  }
0x9e: {  	_ =	swait.ge [sflag:s22], $0x50  }
0x9f: {  	[sflag:s22] =	ssyncset.done $0x0  }
0xa0: {  	[sflag:s22] =	ssyncadd.s32 $0xFFFFFFB0  }
0xa1: {  	[tilespmem:s26], [sflag:$0x2] =	stream.indirect.gather [hbm4b:s4+s23], $0x80, s25, s23, $0xb8;
	[tilespmem:$0x19180] =	vst v63  }
0xa2: {  	_ =	swait.ge [sflag:s28], $0x2800  }
0xa3: {  	[sflag:s28] =	ssyncset.done $0x0  }
0xa4: {  	s12 =	sadd.s32 s12, s21;
	[sflag:s28] =	ssyncadd.s32 $0xFFFFD800  }
0xa5: {  	[tilespmem:s29], [sflag:$0x3] =	stream.linear.gather [hbm4b:s12+s3], $0x50, $0x38;
	[tilespmem:$0x19180] =	vst v63  }
0xa6: {  	_ =	swait.ge [sflag:s22], $0x50  }
0xa7: {  	[sflag:s22] =	ssyncset.done $0x0  }
0xa8: {  	[sflag:s22] =	ssyncadd.s32 $0xFFFFFFB0  }
0xa9: {  	[spmem:s1] =	stream.indirect.scatter.add.f32 [tilespmem:s24], [sflag:$0x3], $0x80, s29, s23, $0xb8;
	[tilespmem:$0x19180] =	vst v63  }
0xaa: {  	_ =	swait.ge [sflag:s22], $0x2800  }
0xab: {  	[sflag:s22] =	ssyncset.done $0x0  }
0xac: {  	s14 =	sadd.s32 $0x14, s14;
	[sflag:s22] =	ssyncadd.s32 $0xFFFFD800  }
0xad: {  	[tilespmem:s3], [sflag:$0x3] =	stream.linear.gather [hbm4b:s14+s3], $0x50, $0x38;
	[tilespmem:$0x19180] =	vst v63  }
0xae: {  	_ =	swait.ge [sflag:s22], $0x50  }
0xaf: {  	[sflag:s22] =	ssyncset.done $0x0  }
0xb0: {  	[sflag:s22] =	ssyncadd.s32 $0xFFFFFFB0  }
0xb1: {  	[tilespmem:s24], [sflag:$0x1] =	stream.indirect.gather [hbm4b:s4+s23], $0x80, s3, s23, $0xb8;
	[tilespmem:$0x19180] =	vst v63  }
0xb2: {  	_ =	swait.ge [sflag:s30], $0x2800  }
0xb3: {  	[sflag:s30] =	ssyncset.done $0x0  }
0xb4: {  	s12 =	sadd.s32 $0xA, s12;
	[sflag:s30] =	ssyncadd.s32 $0xFFFFD800  }
0xb5: {  	[tilespmem:s29], [sflag:$0x3] =	stream.linear.gather [hbm4b:s12+s3], $0x50, $0x38;
	[tilespmem:$0x19180] =	vst v63  }
0xb6: {  	_ =	swait.ge [sflag:s22], $0x50  }
0xb7: {  	[sflag:s22] =	ssyncset.done $0x0  }
0xb8: {  	[sflag:s22] =	ssyncadd.s32 $0xFFFFFFB0  }
0xb9: {  	[spmem:s1] =	stream.indirect.scatter.add.f32 [tilespmem:s26], [sflag:$0x3], $0x80, s29, s23, $0xb8;
	[tilespmem:$0x19180] =	vst v63  }
0xba: {  	_ =	swait.ge [sflag:s22], $0x2800  }
0xbb: {  	[sflag:s22] =	ssyncset.done $0x0  }
0xbc: {  	[sflag:s22] =	ssyncadd.s32 $0xFFFFD800  }
0xbd: {  	_ =	swait.ge [sflag:s28], $0x2800  }
0xbe: {  	[sflag:s28] =	ssyncset.done $0x0  }
0xbf: {  	s15 =	simm.s32 $0x0;
	[sflag:s28] =	ssyncadd.s32 $0xFFFFD800  }
0xc0: {  	[tilespmem:s29], [sflag:$0x3] =	stream.linear.gather [hbm4b:s11+s15], $0x50, $0x38;
	[tilespmem:$0x19180] =	vst v63  }
0xc1: {  	_ =	swait.ge [sflag:s22], $0x50  }
0xc2: {  	[sflag:s22] =	ssyncset.done $0x0  }
0xc3: {  	[sflag:s22] =	ssyncadd.s32 $0xFFFFFFB0  }
0xc4: {  	[spmem:s1] =	stream.indirect.scatter.add.f32 [tilespmem:s24], [sflag:$0x3], $0x80, s29, s23, $0xb8;
	[tilespmem:$0x19180] =	vst v63  }
0xc5: {  	_ =	swait.ge [sflag:s22], $0x2800  }
0xc6: {  	[sflag:s22] =	ssyncset.done $0x0  }
0xc7: {  	[sflag:s22] =	ssyncadd.s32 $0xFFFFD800  }
0xc8: {  	[bflag:$0x0] =	sbarrier.arrive $0xFFFF  }
0xc9: {  	s16 =	rddreg [dreg:$0x6]  }
0xca: {  	[hbm:s16], [sflag:s9] =	dma.local [spmem:s0], $0x2800  }
0xcb: {  	_ =	swait.ge [sflag:s22], $0x2800  }
0xcc: {  	[sflag:s22] =	ssyncset.done $0x0  }
0xcd: {  	[sflag:s22] =	ssyncadd.s32 $0xFFFFD800  }
0xce: {  	[bflag:$0x0] =	sbarrier.arrive $0xFFFF  }
0xcf: {  	[bflag:$0x0] =	sbarrier.arrive $0xFFFF  }
0xd0: {  	[bflag:$0x0] =	sbarrier.arrive $0xFFFF  }
0xd1: {  	[bflag:$0x0] =	sbarrier.arrive $0xFFFF  }
0xd2: {  	s17 =	rddreg [dreg:$0x7]  }
0xd3: {  	[spmem:s0], [sflag:s9] =	dma.local [hbm:s17], $0x2800  }
0xd4: {  	_ =	swait.ge [sflag:s22], $0x2800  }
0xd5: {  	[sflag:s22] =	ssyncset.done $0x0  }
0xd6: {  	[sflag:s22] =	ssyncadd.s32 $0xFFFFD800  }
0xd7: {  	[bflag:$0x0] =	sbarrier.arrive $0xFFFF  }
0xd8: {  	[tilespmem:s15], [sflag:$0x3] =	stream.linear.gather [hbm4b:s10+s15], $0x50, $0x38;
	[tilespmem:$0x19180] =	vst v63  }
0xd9: {  	_ =	swait.ge [sflag:s22], $0x50  }
0xda: {  	[sflag:s22] =	ssyncset.done $0x0  }
0xdb: {  	s14 =	sadd.s32 $0x0, s20;
	[sflag:s22] =	ssyncadd.s32 $0xFFFFFFB0  }
0xdc: {  	[tilespmem:s24], [sflag:$0x1] =	stream.indirect.gather [hbm4b:s6+s23], $0x80, s15, s23, $0xb8;
	[tilespmem:$0x19180] =	vst v63  }
0xdd: {  	s15 =	sadd.s32 $0xA, s14  }
0xde: {  	[tilespmem:s25], [sflag:$0x3] =	stream.linear.gather [hbm4b:s15+s3], $0x50, $0x38;
	[tilespmem:$0x19180] =	vst v63  }
0xdf: {  	_ =	swait.ge [sflag:s22], $0x50  }
0xe0: {  	[sflag:s22] =	ssyncset.done $0x0  }
0xe1: {  	[sflag:s22] =	ssyncadd.s32 $0xFFFFFFB0  }
0xe2: {  	[tilespmem:s26], [sflag:$0x2] =	stream.indirect.gather [hbm4b:s6+s23], $0x80, s25, s23, $0xb8;
	[tilespmem:$0x19180] =	vst v63  }
0xe3: {  	_ =	swait.ge [sflag:s28], $0x2800  }
0xe4: {  	[sflag:s28] =	ssyncset.done $0x0  }
0xe5: {  	s16 =	sadd.s32 $0x0, s21;
	[sflag:s28] =	ssyncadd.s32 $0xFFFFD800  }
0xe6: {  	[tilespmem:s29], [sflag:$0x3] =	stream.linear.gather [hbm4b:s16+s3], $0x50, $0x38;
	[tilespmem:$0x19180] =	vst v63  }
0xe7: {  	_ =	swait.ge [sflag:s22], $0x50  }
0xe8: {  	[sflag:s22] =	ssyncset.done $0x0  }
0xe9: {  	[sflag:s22] =	ssyncadd.s32 $0xFFFFFFB0  }
0xea: {  	[spmem:s1] =	stream.indirect.scatter.add.f32 [tilespmem:s24], [sflag:$0x3], $0x80, s29, s23, $0xb8;
	[tilespmem:$0x19180] =	vst v63  }
0xeb: {  	_ =	swait.ge [sflag:s22], $0x2800  }
0xec: {  	[sflag:s22] =	ssyncset.done $0x0  }
0xed: {  	s12 =	sadd.s32 $0x14, s14;
	[sflag:s22] =	ssyncadd.s32 $0xFFFFD800  }
0xee: {  	[tilespmem:s3], [sflag:$0x3] =	stream.linear.gather [hbm4b:s12+s3], $0x50, $0x38;
	[tilespmem:$0x19180] =	vst v63  }
0xef: {  	_ =	swait.ge [sflag:s22], $0x50  }
0xf0: {  	[sflag:s22] =	ssyncset.done $0x0  }
0xf1: {  	[sflag:s22] =	ssyncadd.s32 $0xFFFFFFB0  }
0xf2: {  	[tilespmem:s24], [sflag:$0x1] =	stream.indirect.gather [hbm4b:s6+s23], $0x80, s3, s23, $0xb8;
	[tilespmem:$0x19180] =	vst v63  }
0xf3: {  	_ =	swait.ge [sflag:s30], $0x2800  }
0xf4: {  	[sflag:s30] =	ssyncset.done $0x0  }
0xf5: {  	s17 =	sadd.s32 $0xA, s16;
	[sflag:s30] =	ssyncadd.s32 $0xFFFFD800  }
0xf6: {  	[tilespmem:s29], [sflag:$0x3] =	stream.linear.gather [hbm4b:s17+s3], $0x50, $0x38;
	[tilespmem:$0x19180] =	vst v63  }
0xf7: {  	_ =	swait.ge [sflag:s22], $0x50  }
0xf8: {  	[sflag:s22] =	ssyncset.done $0x0  }
0xf9: {  	[sflag:s22] =	ssyncadd.s32 $0xFFFFFFB0  }
0xfa: {  	[spmem:s1] =	stream.indirect.scatter.add.f32 [tilespmem:s26], [sflag:$0x3], $0x80, s29, s23, $0xb8;
	[tilespmem:$0x19180] =	vst v63  }
0xfb: {  	s14 =	sadd.s32 $0x14, s20;
	_ =	swait.ge [sflag:s22], $0x2800  }
0xfc: {  	s15 =	simm.s32 $0x28;
	s12 =	simm.s32 $0x14;
	[sflag:s22] =	ssyncset.done $0x0  }
.LBB2_5:
0xfd: {  	s16 =	sadd.s32 $0xA, s14  }
0xfe: {  	[sflag:s22] =	ssyncadd.s32 $0xFFFFD800;
	s17 =	smov.u32 s15;
	s13 =	sadd.s32 $0x14, s15  }
0xff: {  	[tilespmem:s25], [sflag:$0x3] =	stream.linear.gather [hbm4b:s16+s3], $0x50, $0x38;
	[tilespmem:$0x19180] =	vst v63  }
0x100: {  	p1 =	seq.s32 s15, $0x4C4;
	_ =	swait.ge [sflag:s22], $0x50  }
0x101: {  	[sflag:s22] =	ssyncset.done $0x0  }
0x102: {  	[sflag:s22] =	ssyncadd.s32 $0xFFFFFFB0  }
0x103: {  	[tilespmem:s26], [sflag:$0x2] =	stream.indirect.gather [hbm4b:s6+s23], $0x80, s25, s23, $0xb8;
	[tilespmem:$0x19180] =	vst v63  }
0x104: {  	_ =	swait.ge [sflag:s28], $0x2800  }
0x105: {  	[sflag:s28] =	ssyncset.done $0x0  }
0x106: {  	s15 =	sadd.s32 s12, s21;
	s12 =	smov.u32 s17;
	[sflag:s28] =	ssyncadd.s32 $0xFFFFD800  }
0x107: {  	[tilespmem:s29], [sflag:$0x3] =	stream.linear.gather [hbm4b:s15+s3], $0x50, $0x38;
	[tilespmem:$0x19180] =	vst v63  }
0x108: {  	_ =	swait.ge [sflag:s22], $0x50  }
0x109: {  	[sflag:s22] =	ssyncset.done $0x0  }
0x10a: {  	[sflag:s22] =	ssyncadd.s32 $0xFFFFFFB0  }
0x10b: {  	[spmem:s1] =	stream.indirect.scatter.add.f32 [tilespmem:s24], [sflag:$0x3], $0x80, s29, s23, $0xb8;
	[tilespmem:$0x19180] =	vst v63  }
0x10c: {  	_ =	swait.ge [sflag:s22], $0x2800  }
0x10d: {  	[sflag:s22] =	ssyncset.done $0x0  }
0x10e: {  	s14 =	sadd.s32 $0x14, s14;
	[sflag:s22] =	ssyncadd.s32 $0xFFFFD800  }
0x10f: {  	[tilespmem:s3], [sflag:$0x3] =	stream.linear.gather [hbm4b:s14+s3], $0x50, $0x38;
	[tilespmem:$0x19180] =	vst v63  }
0x110: {  	_ =	swait.ge [sflag:s22], $0x50  }
0x111: {  	[sflag:s22] =	ssyncset.done $0x0  }
0x112: {  	[sflag:s22] =	ssyncadd.s32 $0xFFFFFFB0  }
0x113: {  	[tilespmem:s24], [sflag:$0x1] =	stream.indirect.gather [hbm4b:s6+s23], $0x80, s3, s23, $0xb8;
	[tilespmem:$0x19180] =	vst v63  }
0x114: {  	_ =	swait.ge [sflag:s30], $0x2800  }
0x115: {  	[sflag:s30] =	ssyncset.done $0x0  }
0x116: {  	s14 =	sadd.s32 $0xA, s15;
	[sflag:s30] =	ssyncadd.s32 $0xFFFFD800  }
0x117: {  	[tilespmem:s29], [sflag:$0x3] =	stream.linear.gather [hbm4b:s14+s3], $0x50, $0x38;
	[tilespmem:$0x19180] =	vst v63  }
0x118: {  	_ =	swait.ge [sflag:s22], $0x50  }
.Ltmp4:
0x119: {  	[sflag:s22] =	ssyncset.done $0x0;
	(pc) =	sbr.rel @!p1 .LBB2_5-.Ltmp4, $4  }
0x11a: {  	[sflag:s22] =	ssyncadd.s32 $0xFFFFFFB0  }
0x11b: {  	[spmem:s1] =	stream.indirect.scatter.add.f32 [tilespmem:s26], [sflag:$0x3], $0x80, s29, s23, $0xb8;
	[tilespmem:$0x19180] =	vst v63  }
0x11c: {  	_ =	swait.ge [sflag:s22], $0x2800  }
0x11d: {  	s15 =	smov.u32 s13;
	s14 =	sadd.s32 s12, s20;
	[sflag:s22] =	ssyncset.done $0x0  }
0x11e: {  	s13 =	sadd.s32 $0xA, s14;
	[sflag:s22] =	ssyncadd.s32 $0xFFFFD800  }
0x11f: {  	[tilespmem:s25], [sflag:$0x3] =	stream.linear.gather [hbm4b:s13+s3], $0x50, $0x38;
	[tilespmem:$0x19180] =	vst v63  }
0x120: {  	_ =	swait.ge [sflag:s22], $0x50  }
0x121: {  	[sflag:s22] =	ssyncset.done $0x0  }
0x122: {  	[sflag:s22] =	ssyncadd.s32 $0xFFFFFFB0  }
0x123: {  	[tilespmem:s26], [sflag:$0x2] =	stream.indirect.gather [hbm4b:s6+s23], $0x80, s25, s23, $0xb8;
	[tilespmem:$0x19180] =	vst v63  }
0x124: {  	_ =	swait.ge [sflag:s28], $0x2800  }
0x125: {  	[sflag:s28] =	ssyncset.done $0x0  }
0x126: {  	s12 =	sadd.s32 s12, s21;
	[sflag:s28] =	ssyncadd.s32 $0xFFFFD800  }
0x127: {  	[tilespmem:s29], [sflag:$0x3] =	stream.linear.gather [hbm4b:s12+s3], $0x50, $0x38;
	[tilespmem:$0x19180] =	vst v63  }
0x128: {  	_ =	swait.ge [sflag:s22], $0x50  }
0x129: {  	[sflag:s22] =	ssyncset.done $0x0  }
0x12a: {  	[sflag:s22] =	ssyncadd.s32 $0xFFFFFFB0  }
0x12b: {  	[spmem:s1] =	stream.indirect.scatter.add.f32 [tilespmem:s24], [sflag:$0x3], $0x80, s29, s23, $0xb8;
	[tilespmem:$0x19180] =	vst v63  }
0x12c: {  	_ =	swait.ge [sflag:s22], $0x2800  }
0x12d: {  	[sflag:s22] =	ssyncset.done $0x0  }
0x12e: {  	s17 =	sadd.s32 $0x14, s14;
	[sflag:s22] =	ssyncadd.s32 $0xFFFFD800  }
0x12f: {  	[tilespmem:s3], [sflag:$0x3] =	stream.linear.gather [hbm4b:s17+s3], $0x50, $0x38;
	[tilespmem:$0x19180] =	vst v63  }
0x130: {  	_ =	swait.ge [sflag:s22], $0x50  }
0x131: {  	[sflag:s22] =	ssyncset.done $0x0  }
0x132: {  	[sflag:s22] =	ssyncadd.s32 $0xFFFFFFB0  }
0x133: {  	[tilespmem:s24], [sflag:$0x1] =	stream.indirect.gather [hbm4b:s6+s23], $0x80, s3, s23, $0xb8;
	[tilespmem:$0x19180] =	vst v63  }
0x134: {  	_ =	swait.ge [sflag:s30], $0x2800  }
0x135: {  	[sflag:s30] =	ssyncset.done $0x0  }
0x136: {  	s12 =	sadd.s32 $0xA, s12;
	[sflag:s30] =	ssyncadd.s32 $0xFFFFD800  }
0x137: {  	[tilespmem:s29], [sflag:$0x3] =	stream.linear.gather [hbm4b:s12+s3], $0x50, $0x38;
	[tilespmem:$0x19180] =	vst v63  }
0x138: {  	_ =	swait.ge [sflag:s22], $0x50  }
0x139: {  	[sflag:s22] =	ssyncset.done $0x0  }
0x13a: {  	[sflag:s22] =	ssyncadd.s32 $0xFFFFFFB0  }
0x13b: {  	[spmem:s1] =	stream.indirect.scatter.add.f32 [tilespmem:s26], [sflag:$0x3], $0x80, s29, s23, $0xb8;
	[tilespmem:$0x19180] =	vst v63  }
0x13c: {  	_ =	swait.ge [sflag:s22], $0x2800  }
0x13d: {  	[sflag:s22] =	ssyncset.done $0x0  }
0x13e: {  	[sflag:s22] =	ssyncadd.s32 $0xFFFFD800  }
0x13f: {  	_ =	swait.ge [sflag:s28], $0x2800  }
0x140: {  	[sflag:s28] =	ssyncset.done $0x0  }
0x141: {  	[sflag:s28] =	ssyncadd.s32 $0xFFFFD800  }
0x142: {  	[tilespmem:s29], [sflag:$0x3] =	stream.linear.gather [hbm4b:s11+s3], $0x50, $0x38;
	[tilespmem:$0x19180] =	vst v63  }
0x143: {  	_ =	swait.ge [sflag:s22], $0x50  }
0x144: {  	[sflag:s22] =	ssyncset.done $0x0  }
0x145: {  	[sflag:s22] =	ssyncadd.s32 $0xFFFFFFB0  }
0x146: {  	[spmem:s1] =	stream.indirect.scatter.add.f32 [tilespmem:s24], [sflag:$0x3], $0x80, s29, s23, $0xb8;
	[tilespmem:$0x19180] =	vst v63  }
0x147: {  	_ =	swait.ge [sflag:s22], $0x2800  }
0x148: {  	[sflag:s22] =	ssyncset.done $0x0  }
0x149: {  	[sflag:s22] =	ssyncadd.s32 $0xFFFFD800  }
0x14a: {  	[bflag:$0x0] =	sbarrier.arrive $0xFFFF  }
0x14b: {  	[hbm:s18], [sflag:s9] =	dma.local [spmem:s0], $0x2800  }
0x14c: {  	_ =	swait.ge [sflag:s22], $0x2800  }
0x14d: {  	[sflag:s22] =	ssyncset.done $0x0  }
.Ltmp5:
0x14e: {  	[sflag:s22] =	ssyncadd.s32 $0xFFFFD800;
	(pc) =	sbr.rel .LBB2_12-.Ltmp5, $3  }
0x14f: {  	[bflag:$0x0] =	sbarrier.arrive $0xFFFF  }
0x150: {  	[bflag:$0x0] =	sbarrier.arrive $0xFFFF  }
0x151: {  	[bflag:$0x0] =	sbarrier.arrive $0xFFFF;
	_ =	sdelay $0x1  }
.LBB2_7:
0x152: {  	[bflag:$0x0] =	sbarrier.arrive $0xFFFF  }
0x153: {  	[bflag:$0x0] =	sbarrier.arrive $0xFFFF  }
0x154: {  	[bflag:$0x0] =	sbarrier.arrive $0xFFFF  }
0x155: {  	s12 =	rddreg [dreg:$0x3]  }
0x156: {  	[spmem:s0], [sflag:s9] =	dma.local [hbm:s12], $0x2800  }
0x157: {  	_ =	swait.ge [sflag:s22], $0x2800  }
0x158: {  	[sflag:s22] =	ssyncset.done $0x0  }
0x159: {  	[sflag:s22] =	ssyncadd.s32 $0xFFFFD800  }
0x15a: {  	s14 =	simm.s32 $0x0;
	[bflag:$0x0] =	sbarrier.arrive $0xFFFF  }
0x15b: {  	[tilespmem:s14], [sflag:$0x3] =	stream.linear.gather [hbm4b:s10+s14], $0x50, $0x38;
	[tilespmem:$0x19180] =	vst v63  }
0x15c: {  	_ =	swait.ge [sflag:s22], $0x50  }
0x15d: {  	[sflag:s22] =	ssyncset.done $0x0  }
0x15e: {  	s15 =	sadd.s32 $0x0, s20;
	[sflag:s22] =	ssyncadd.s32 $0xFFFFFFB0  }
0x15f: {  	[tilespmem:s24], [sflag:$0x1] =	stream.indirect.gather [hbm4b:s5+s23], $0x80, s14, s23, $0xb8;
	[tilespmem:$0x19180] =	vst v63  }
0x160: {  	s13 =	sadd.s32 $0xA, s15  }
0x161: {  	[tilespmem:s25], [sflag:$0x3] =	stream.linear.gather [hbm4b:s13+s3], $0x50, $0x38;
	[tilespmem:$0x19180] =	vst v63  }
0x162: {  	_ =	swait.ge [sflag:s22], $0x50  }
0x163: {  	[sflag:s22] =	ssyncset.done $0x0  }
0x164: {  	[sflag:s22] =	ssyncadd.s32 $0xFFFFFFB0  }
0x165: {  	[tilespmem:s26], [sflag:$0x2] =	stream.indirect.gather [hbm4b:s5+s23], $0x80, s25, s23, $0xb8;
	[tilespmem:$0x19180] =	vst v63  }
0x166: {  	_ =	swait.ge [sflag:s28], $0x2800  }
0x167: {  	[sflag:s28] =	ssyncset.done $0x0  }
0x168: {  	s16 =	sadd.s32 $0x0, s21;
	[sflag:s28] =	ssyncadd.s32 $0xFFFFD800  }
0x169: {  	[tilespmem:s29], [sflag:$0x3] =	stream.linear.gather [hbm4b:s16+s3], $0x50, $0x38;
	[tilespmem:$0x19180] =	vst v63  }
0x16a: {  	_ =	swait.ge [sflag:s22], $0x50  }
0x16b: {  	[sflag:s22] =	ssyncset.done $0x0  }
0x16c: {  	[sflag:s22] =	ssyncadd.s32 $0xFFFFFFB0  }
0x16d: {  	[spmem:s1] =	stream.indirect.scatter.add.f32 [tilespmem:s24], [sflag:$0x3], $0x80, s29, s23, $0xb8;
	[tilespmem:$0x19180] =	vst v63  }
0x16e: {  	_ =	swait.ge [sflag:s22], $0x2800  }
0x16f: {  	[sflag:s22] =	ssyncset.done $0x0  }
0x170: {  	s12 =	sadd.s32 $0x14, s15;
	[sflag:s22] =	ssyncadd.s32 $0xFFFFD800  }
0x171: {  	[tilespmem:s3], [sflag:$0x3] =	stream.linear.gather [hbm4b:s12+s3], $0x50, $0x38;
	[tilespmem:$0x19180] =	vst v63  }
0x172: {  	_ =	swait.ge [sflag:s22], $0x50  }
0x173: {  	[sflag:s22] =	ssyncset.done $0x0  }
0x174: {  	[sflag:s22] =	ssyncadd.s32 $0xFFFFFFB0  }
0x175: {  	[tilespmem:s24], [sflag:$0x1] =	stream.indirect.gather [hbm4b:s5+s23], $0x80, s3, s23, $0xb8;
	[tilespmem:$0x19180] =	vst v63  }
0x176: {  	_ =	swait.ge [sflag:s30], $0x2800  }
0x177: {  	[sflag:s30] =	ssyncset.done $0x0  }
0x178: {  	s17 =	sadd.s32 $0xA, s16;
	[sflag:s30] =	ssyncadd.s32 $0xFFFFD800  }
0x179: {  	[tilespmem:s29], [sflag:$0x3] =	stream.linear.gather [hbm4b:s17+s3], $0x50, $0x38;
	[tilespmem:$0x19180] =	vst v63  }
0x17a: {  	_ =	swait.ge [sflag:s22], $0x50  }
0x17b: {  	[sflag:s22] =	ssyncset.done $0x0  }
0x17c: {  	[sflag:s22] =	ssyncadd.s32 $0xFFFFFFB0  }
0x17d: {  	[spmem:s1] =	stream.indirect.scatter.add.f32 [tilespmem:s26], [sflag:$0x3], $0x80, s29, s23, $0xb8;
	[tilespmem:$0x19180] =	vst v63  }
0x17e: {  	s15 =	simm.s32 $0x28;
	_ =	swait.ge [sflag:s22], $0x2800  }
0x17f: {  	s14 =	sadd.s32 $0x14, s20;
	s12 =	simm.s32 $0x14;
	[sflag:s22] =	ssyncset.done $0x0  }
.LBB2_8:
0x180: {  	s16 =	sadd.s32 $0xA, s14  }
0x181: {  	[sflag:s22] =	ssyncadd.s32 $0xFFFFD800;
	s17 =	smov.u32 s15;
	s13 =	sadd.s32 $0x14, s15  }
0x182: {  	[tilespmem:s25], [sflag:$0x3] =	stream.linear.gather [hbm4b:s16+s3], $0x50, $0x38;
	[tilespmem:$0x19180] =	vst v63  }
0x183: {  	p1 =	seq.s32 s15, $0x4C4;
	_ =	swait.ge [sflag:s22], $0x50  }
0x184: {  	[sflag:s22] =	ssyncset.done $0x0  }
0x185: {  	[sflag:s22] =	ssyncadd.s32 $0xFFFFFFB0  }
0x186: {  	[tilespmem:s26], [sflag:$0x2] =	stream.indirect.gather [hbm4b:s5+s23], $0x80, s25, s23, $0xb8;
	[tilespmem:$0x19180] =	vst v63  }
0x187: {  	_ =	swait.ge [sflag:s28], $0x2800  }
0x188: {  	[sflag:s28] =	ssyncset.done $0x0  }
0x189: {  	s15 =	sadd.s32 s12, s21;
	s12 =	smov.u32 s17;
	[sflag:s28] =	ssyncadd.s32 $0xFFFFD800  }
0x18a: {  	[tilespmem:s29], [sflag:$0x3] =	stream.linear.gather [hbm4b:s15+s3], $0x50, $0x38;
	[tilespmem:$0x19180] =	vst v63  }
0x18b: {  	_ =	swait.ge [sflag:s22], $0x50  }
0x18c: {  	[sflag:s22] =	ssyncset.done $0x0  }
0x18d: {  	[sflag:s22] =	ssyncadd.s32 $0xFFFFFFB0  }
0x18e: {  	[spmem:s1] =	stream.indirect.scatter.add.f32 [tilespmem:s24], [sflag:$0x3], $0x80, s29, s23, $0xb8;
	[tilespmem:$0x19180] =	vst v63  }
0x18f: {  	_ =	swait.ge [sflag:s22], $0x2800  }
0x190: {  	[sflag:s22] =	ssyncset.done $0x0  }
0x191: {  	s14 =	sadd.s32 $0x14, s14;
	[sflag:s22] =	ssyncadd.s32 $0xFFFFD800  }
0x192: {  	[tilespmem:s3], [sflag:$0x3] =	stream.linear.gather [hbm4b:s14+s3], $0x50, $0x38;
	[tilespmem:$0x19180] =	vst v63  }
0x193: {  	_ =	swait.ge [sflag:s22], $0x50  }
0x194: {  	[sflag:s22] =	ssyncset.done $0x0  }
0x195: {  	[sflag:s22] =	ssyncadd.s32 $0xFFFFFFB0  }
0x196: {  	[tilespmem:s24], [sflag:$0x1] =	stream.indirect.gather [hbm4b:s5+s23], $0x80, s3, s23, $0xb8;
	[tilespmem:$0x19180] =	vst v63  }
0x197: {  	_ =	swait.ge [sflag:s30], $0x2800  }
0x198: {  	[sflag:s30] =	ssyncset.done $0x0  }
0x199: {  	s14 =	sadd.s32 $0xA, s15;
	[sflag:s30] =	ssyncadd.s32 $0xFFFFD800  }
0x19a: {  	[tilespmem:s29], [sflag:$0x3] =	stream.linear.gather [hbm4b:s14+s3], $0x50, $0x38;
	[tilespmem:$0x19180] =	vst v63  }
0x19b: {  	_ =	swait.ge [sflag:s22], $0x50  }
.Ltmp6:
0x19c: {  	[sflag:s22] =	ssyncset.done $0x0;
	(pc) =	sbr.rel @!p1 .LBB2_8-.Ltmp6, $4  }
0x19d: {  	[sflag:s22] =	ssyncadd.s32 $0xFFFFFFB0  }
0x19e: {  	[spmem:s1] =	stream.indirect.scatter.add.f32 [tilespmem:s26], [sflag:$0x3], $0x80, s29, s23, $0xb8;
	[tilespmem:$0x19180] =	vst v63  }
0x19f: {  	_ =	swait.ge [sflag:s22], $0x2800  }
0x1a0: {  	s15 =	smov.u32 s13;
	s14 =	sadd.s32 s12, s20;
	[sflag:s22] =	ssyncset.done $0x0  }
0x1a1: {  	s13 =	sadd.s32 $0xA, s14;
	[sflag:s22] =	ssyncadd.s32 $0xFFFFD800  }
0x1a2: {  	[tilespmem:s25], [sflag:$0x3] =	stream.linear.gather [hbm4b:s13+s3], $0x50, $0x38;
	[tilespmem:$0x19180] =	vst v63  }
0x1a3: {  	_ =	swait.ge [sflag:s22], $0x50  }
0x1a4: {  	[sflag:s22] =	ssyncset.done $0x0  }
0x1a5: {  	[sflag:s22] =	ssyncadd.s32 $0xFFFFFFB0  }
0x1a6: {  	[tilespmem:s26], [sflag:$0x2] =	stream.indirect.gather [hbm4b:s5+s23], $0x80, s25, s23, $0xb8;
	[tilespmem:$0x19180] =	vst v63  }
0x1a7: {  	_ =	swait.ge [sflag:s28], $0x2800  }
0x1a8: {  	[sflag:s28] =	ssyncset.done $0x0  }
0x1a9: {  	s12 =	sadd.s32 s12, s21;
	[sflag:s28] =	ssyncadd.s32 $0xFFFFD800  }
0x1aa: {  	[tilespmem:s29], [sflag:$0x3] =	stream.linear.gather [hbm4b:s12+s3], $0x50, $0x38;
	[tilespmem:$0x19180] =	vst v63  }
0x1ab: {  	_ =	swait.ge [sflag:s22], $0x50  }
0x1ac: {  	[sflag:s22] =	ssyncset.done $0x0  }
0x1ad: {  	[sflag:s22] =	ssyncadd.s32 $0xFFFFFFB0  }
0x1ae: {  	[spmem:s1] =	stream.indirect.scatter.add.f32 [tilespmem:s24], [sflag:$0x3], $0x80, s29, s23, $0xb8;
	[tilespmem:$0x19180] =	vst v63  }
0x1af: {  	_ =	swait.ge [sflag:s22], $0x2800  }
0x1b0: {  	[sflag:s22] =	ssyncset.done $0x0  }
0x1b1: {  	s14 =	sadd.s32 $0x14, s14;
	[sflag:s22] =	ssyncadd.s32 $0xFFFFD800  }
0x1b2: {  	[tilespmem:s3], [sflag:$0x3] =	stream.linear.gather [hbm4b:s14+s3], $0x50, $0x38;
	[tilespmem:$0x19180] =	vst v63  }
0x1b3: {  	_ =	swait.ge [sflag:s22], $0x50  }
0x1b4: {  	[sflag:s22] =	ssyncset.done $0x0  }
0x1b5: {  	[sflag:s22] =	ssyncadd.s32 $0xFFFFFFB0  }
0x1b6: {  	[tilespmem:s24], [sflag:$0x1] =	stream.indirect.gather [hbm4b:s5+s23], $0x80, s3, s23, $0xb8;
	[tilespmem:$0x19180] =	vst v63  }
0x1b7: {  	_ =	swait.ge [sflag:s30], $0x2800  }
0x1b8: {  	[sflag:s30] =	ssyncset.done $0x0  }
0x1b9: {  	s12 =	sadd.s32 $0xA, s12;
	[sflag:s30] =	ssyncadd.s32 $0xFFFFD800  }
0x1ba: {  	[tilespmem:s29], [sflag:$0x3] =	stream.linear.gather [hbm4b:s12+s3], $0x50, $0x38;
	[tilespmem:$0x19180] =	vst v63  }
0x1bb: {  	_ =	swait.ge [sflag:s22], $0x50  }
0x1bc: {  	[sflag:s22] =	ssyncset.done $0x0  }
0x1bd: {  	[sflag:s22] =	ssyncadd.s32 $0xFFFFFFB0  }
0x1be: {  	[spmem:s1] =	stream.indirect.scatter.add.f32 [tilespmem:s26], [sflag:$0x3], $0x80, s29, s23, $0xb8;
	[tilespmem:$0x19180] =	vst v63  }
0x1bf: {  	_ =	swait.ge [sflag:s22], $0x2800  }
0x1c0: {  	[sflag:s22] =	ssyncset.done $0x0  }
0x1c1: {  	[sflag:s22] =	ssyncadd.s32 $0xFFFFD800  }
0x1c2: {  	_ =	swait.ge [sflag:s28], $0x2800  }
0x1c3: {  	[sflag:s28] =	ssyncset.done $0x0  }
0x1c4: {  	s15 =	simm.s32 $0x0;
	[sflag:s28] =	ssyncadd.s32 $0xFFFFD800  }
0x1c5: {  	[tilespmem:s29], [sflag:$0x3] =	stream.linear.gather [hbm4b:s11+s15], $0x50, $0x38;
	[tilespmem:$0x19180] =	vst v63  }
0x1c6: {  	_ =	swait.ge [sflag:s22], $0x50  }
0x1c7: {  	[sflag:s22] =	ssyncset.done $0x0  }
0x1c8: {  	[sflag:s22] =	ssyncadd.s32 $0xFFFFFFB0  }
0x1c9: {  	[spmem:s1] =	stream.indirect.scatter.add.f32 [tilespmem:s24], [sflag:$0x3], $0x80, s29, s23, $0xb8;
	[tilespmem:$0x19180] =	vst v63  }
0x1ca: {  	_ =	swait.ge [sflag:s22], $0x2800  }
0x1cb: {  	[sflag:s22] =	ssyncset.done $0x0  }
0x1cc: {  	[sflag:s22] =	ssyncadd.s32 $0xFFFFD800  }
0x1cd: {  	[bflag:$0x0] =	sbarrier.arrive $0xFFFF  }
0x1ce: {  	s16 =	rddreg [dreg:$0x4]  }
0x1cf: {  	[hbm:s16], [sflag:s9] =	dma.local [spmem:s0], $0x2800  }
0x1d0: {  	_ =	swait.ge [sflag:s22], $0x2800  }
0x1d1: {  	[sflag:s22] =	ssyncset.done $0x0  }
0x1d2: {  	[sflag:s22] =	ssyncadd.s32 $0xFFFFD800  }
0x1d3: {  	[bflag:$0x0] =	sbarrier.arrive $0xFFFF  }
0x1d4: {  	[bflag:$0x0] =	sbarrier.arrive $0xFFFF  }
0x1d5: {  	[bflag:$0x0] =	sbarrier.arrive $0xFFFF  }
0x1d6: {  	[bflag:$0x0] =	sbarrier.arrive $0xFFFF  }
0x1d7: {  	s17 =	rddreg [dreg:$0x8]  }
0x1d8: {  	[spmem:s0], [sflag:s9] =	dma.local [hbm:s17], $0x2800  }
0x1d9: {  	_ =	swait.ge [sflag:s22], $0x2800  }
0x1da: {  	[sflag:s22] =	ssyncset.done $0x0  }
0x1db: {  	[sflag:s22] =	ssyncadd.s32 $0xFFFFD800  }
0x1dc: {  	[bflag:$0x0] =	sbarrier.arrive $0xFFFF  }
0x1dd: {  	[tilespmem:s15], [sflag:$0x3] =	stream.linear.gather [hbm4b:s10+s15], $0x50, $0x38;
	[tilespmem:$0x19180] =	vst v63  }
0x1de: {  	_ =	swait.ge [sflag:s22], $0x50  }
0x1df: {  	[sflag:s22] =	ssyncset.done $0x0  }
0x1e0: {  	s14 =	sadd.s32 $0x0, s20;
	[sflag:s22] =	ssyncadd.s32 $0xFFFFFFB0  }
0x1e1: {  	[tilespmem:s24], [sflag:$0x1] =	stream.indirect.gather [hbm4b:s7+s23], $0x80, s15, s23, $0xb8;
	[tilespmem:$0x19180] =	vst v63  }
0x1e2: {  	s15 =	sadd.s32 $0xA, s14  }
0x1e3: {  	[tilespmem:s25], [sflag:$0x3] =	stream.linear.gather [hbm4b:s15+s3], $0x50, $0x38;
	[tilespmem:$0x19180] =	vst v63  }
0x1e4: {  	_ =	swait.ge [sflag:s22], $0x50  }
0x1e5: {  	[sflag:s22] =	ssyncset.done $0x0  }
0x1e6: {  	[sflag:s22] =	ssyncadd.s32 $0xFFFFFFB0  }
0x1e7: {  	[tilespmem:s26], [sflag:$0x2] =	stream.indirect.gather [hbm4b:s7+s23], $0x80, s25, s23, $0xb8;
	[tilespmem:$0x19180] =	vst v63  }
0x1e8: {  	_ =	swait.ge [sflag:s28], $0x2800  }
0x1e9: {  	[sflag:s28] =	ssyncset.done $0x0  }
0x1ea: {  	s16 =	sadd.s32 $0x0, s21;
	[sflag:s28] =	ssyncadd.s32 $0xFFFFD800  }
0x1eb: {  	[tilespmem:s29], [sflag:$0x3] =	stream.linear.gather [hbm4b:s16+s3], $0x50, $0x38;
	[tilespmem:$0x19180] =	vst v63  }
0x1ec: {  	_ =	swait.ge [sflag:s22], $0x50  }
0x1ed: {  	[sflag:s22] =	ssyncset.done $0x0  }
0x1ee: {  	[sflag:s22] =	ssyncadd.s32 $0xFFFFFFB0  }
0x1ef: {  	[spmem:s1] =	stream.indirect.scatter.add.f32 [tilespmem:s24], [sflag:$0x3], $0x80, s29, s23, $0xb8;
	[tilespmem:$0x19180] =	vst v63  }
0x1f0: {  	_ =	swait.ge [sflag:s22], $0x2800  }
0x1f1: {  	[sflag:s22] =	ssyncset.done $0x0  }
0x1f2: {  	s12 =	sadd.s32 $0x14, s14;
	[sflag:s22] =	ssyncadd.s32 $0xFFFFD800  }
0x1f3: {  	[tilespmem:s3], [sflag:$0x3] =	stream.linear.gather [hbm4b:s12+s3], $0x50, $0x38;
	[tilespmem:$0x19180] =	vst v63  }
0x1f4: {  	_ =	swait.ge [sflag:s22], $0x50  }
0x1f5: {  	[sflag:s22] =	ssyncset.done $0x0  }
0x1f6: {  	[sflag:s22] =	ssyncadd.s32 $0xFFFFFFB0  }
0x1f7: {  	[tilespmem:s24], [sflag:$0x1] =	stream.indirect.gather [hbm4b:s7+s23], $0x80, s3, s23, $0xb8;
	[tilespmem:$0x19180] =	vst v63  }
0x1f8: {  	_ =	swait.ge [sflag:s30], $0x2800  }
0x1f9: {  	[sflag:s30] =	ssyncset.done $0x0  }
0x1fa: {  	s17 =	sadd.s32 $0xA, s16;
	[sflag:s30] =	ssyncadd.s32 $0xFFFFD800  }
0x1fb: {  	[tilespmem:s29], [sflag:$0x3] =	stream.linear.gather [hbm4b:s17+s3], $0x50, $0x38;
	[tilespmem:$0x19180] =	vst v63  }
0x1fc: {  	_ =	swait.ge [sflag:s22], $0x50  }
0x1fd: {  	[sflag:s22] =	ssyncset.done $0x0  }
0x1fe: {  	[sflag:s22] =	ssyncadd.s32 $0xFFFFFFB0  }
0x1ff: {  	[spmem:s1] =	stream.indirect.scatter.add.f32 [tilespmem:s26], [sflag:$0x3], $0x80, s29, s23, $0xb8;
	[tilespmem:$0x19180] =	vst v63  }
0x200: {  	s14 =	sadd.s32 $0x14, s20;
	_ =	swait.ge [sflag:s22], $0x2800  }
0x201: {  	s15 =	simm.s32 $0x28;
	s12 =	simm.s32 $0x14;
	[sflag:s22] =	ssyncset.done $0x0  }
.LBB2_10:
0x202: {  	s16 =	sadd.s32 $0xA, s14  }
0x203: {  	[sflag:s22] =	ssyncadd.s32 $0xFFFFD800;
	s17 =	smov.u32 s15;
	s13 =	sadd.s32 $0x14, s15  }
0x204: {  	[tilespmem:s25], [sflag:$0x3] =	stream.linear.gather [hbm4b:s16+s3], $0x50, $0x38;
	[tilespmem:$0x19180] =	vst v63  }
0x205: {  	p1 =	seq.s32 s15, $0x4C4;
	_ =	swait.ge [sflag:s22], $0x50  }
0x206: {  	[sflag:s22] =	ssyncset.done $0x0  }
0x207: {  	[sflag:s22] =	ssyncadd.s32 $0xFFFFFFB0  }
0x208: {  	[tilespmem:s26], [sflag:$0x2] =	stream.indirect.gather [hbm4b:s7+s23], $0x80, s25, s23, $0xb8;
	[tilespmem:$0x19180] =	vst v63  }
0x209: {  	_ =	swait.ge [sflag:s28], $0x2800  }
0x20a: {  	[sflag:s28] =	ssyncset.done $0x0  }
0x20b: {  	s15 =	sadd.s32 s12, s21;
	s12 =	smov.u32 s17;
	[sflag:s28] =	ssyncadd.s32 $0xFFFFD800  }
0x20c: {  	[tilespmem:s29], [sflag:$0x3] =	stream.linear.gather [hbm4b:s15+s3], $0x50, $0x38;
	[tilespmem:$0x19180] =	vst v63  }
0x20d: {  	_ =	swait.ge [sflag:s22], $0x50  }
0x20e: {  	[sflag:s22] =	ssyncset.done $0x0  }
0x20f: {  	[sflag:s22] =	ssyncadd.s32 $0xFFFFFFB0  }
0x210: {  	[spmem:s1] =	stream.indirect.scatter.add.f32 [tilespmem:s24], [sflag:$0x3], $0x80, s29, s23, $0xb8;
	[tilespmem:$0x19180] =	vst v63  }
0x211: {  	_ =	swait.ge [sflag:s22], $0x2800  }
0x212: {  	[sflag:s22] =	ssyncset.done $0x0  }
0x213: {  	s14 =	sadd.s32 $0x14, s14;
	[sflag:s22] =	ssyncadd.s32 $0xFFFFD800  }
0x214: {  	[tilespmem:s3], [sflag:$0x3] =	stream.linear.gather [hbm4b:s14+s3], $0x50, $0x38;
	[tilespmem:$0x19180] =	vst v63  }
0x215: {  	_ =	swait.ge [sflag:s22], $0x50  }
0x216: {  	[sflag:s22] =	ssyncset.done $0x0  }
0x217: {  	[sflag:s22] =	ssyncadd.s32 $0xFFFFFFB0  }
0x218: {  	[tilespmem:s24], [sflag:$0x1] =	stream.indirect.gather [hbm4b:s7+s23], $0x80, s3, s23, $0xb8;
	[tilespmem:$0x19180] =	vst v63  }
0x219: {  	_ =	swait.ge [sflag:s30], $0x2800  }
0x21a: {  	[sflag:s30] =	ssyncset.done $0x0  }
0x21b: {  	s14 =	sadd.s32 $0xA, s15;
	[sflag:s30] =	ssyncadd.s32 $0xFFFFD800  }
0x21c: {  	[tilespmem:s29], [sflag:$0x3] =	stream.linear.gather [hbm4b:s14+s3], $0x50, $0x38;
	[tilespmem:$0x19180] =	vst v63  }
0x21d: {  	_ =	swait.ge [sflag:s22], $0x50  }
.Ltmp7:
0x21e: {  	[sflag:s22] =	ssyncset.done $0x0;
	(pc) =	sbr.rel @!p1 .LBB2_10-.Ltmp7, $4  }
0x21f: {  	[sflag:s22] =	ssyncadd.s32 $0xFFFFFFB0  }
0x220: {  	[spmem:s1] =	stream.indirect.scatter.add.f32 [tilespmem:s26], [sflag:$0x3], $0x80, s29, s23, $0xb8;
	[tilespmem:$0x19180] =	vst v63  }
0x221: {  	_ =	swait.ge [sflag:s22], $0x2800  }
0x222: {  	s15 =	smov.u32 s13;
	s14 =	sadd.s32 s12, s20;
	[sflag:s22] =	ssyncset.done $0x0  }
.Ltmp8:
0x223: {  	_ = 	snop;
	(pc) =	sbr.rel .LBB2_11-.Ltmp8, $1  }
0x224: {  	_ =	sdelay $0x3  }
.LBB2_13:
0x225: {  	_ =	sfence.sel $0x180000  }
0x226: {  	[bflag:$0x0] =	sbarrier.arrive $0xFFFF  }
0x227: {  	_ =	strace $0x9000004D  }
0x228: {  	[bflag:$0x2] =	sbarrier.arrive $0xFFFF  }
0x229: {  	p0 =	sne.s32 s2, $0x0;
	s0 =	rddreg [dreg:$0x2]  }
0x22a: {  	s0 =	sadd.s32 @!p0 $0x100000, s0  }
0x22b: {  	[sflag:s0] =	ssyncadd.tile.s32 @!p0 $0x1;
	_ =	shalt  }
.Lfunc_end2:
_tile_overlayer_lowered:
.L_overlay_start_2:
0x22c: {  	(tag) =	ssettag $0x2  }
0x22d: {  	s0 =	rddreg [dreg:$0x0];
	s2 =	stileid.u32  }
0x22e: {  	s1 =	rddreg [dreg:$0x1];
	p0 =	sne.s32 s2, $0x0  }
0x22f: {  	s3 =	rddreg [dreg:$0x2];
	[bflag:$0x3] =	sbarrier.arrive $0xFFFF;
	s2 =	simm.s32 @!p0 $0x1C03  }
0x230: {  	[timem:s3], [sflag:s2] =	dma.local @!p0 [hbm:s0], s1  }
0x231: {  	s0 =	simm.s32 @!p0 $0x3  }
0x232: {  	_ =	swait.ge @!p0 [sflag:s0], s1  }
0x233: {  	s1 =	ssub.s32 @!p0 $0x0, s1;
	[sflag:s0] =	ssyncset.done @!p0 $0x0  }
0x234: {  	[sflag:s0] =	ssyncadd.s32 @!p0 s1  }
0x235: {  	[bflag:$0x3] =	sbarrier.arrive $0xFFFF  }
0x236: {  	_ =	shalt  }

// kernel: kernel.22.cloned.1.call-start
scs
__scs_entry_jumppad:
0x0: {  	(pc) =	sbr.rel $0x88, $3  }
0x1: {  	(tag) =	ssettag $0x0;
	lr =	simm.s32 $0x1  }
0x2: {  	[smem:$0x3F8C] =	sst lr;
	_ =	strace $0xD0000000  }
0x3: {  	_ = 	snop  }
0x4: {  	_ = 	snop  }
0x5: {  	_ = 	snop  }
0x6: {  	_ = 	snop  }
0x7: {  	_ = 	snop  }
__scs_overlays_trampoline_lowered:
0x8: {  	[smem:$0x3F9B] =	sst s0  }
0x9: {  	[smem:$0x3F9C] =	sst s1  }
0xa: {  	[smem:$0x3F9D] =	sst s2  }
0xb: {  	[smem:$0x3F9E] =	sst s3  }
0xc: {  	[smem:$0x3F9F] =	sst s4  }
0xd: {  	[smem:$0x3FA0] =	sst s5  }
0xe: {  	[smem:$0x3FA1] =	sst s6  }
0xf: {  	[smem:$0x3FA2] =	sst s7  }
0x10: {  	[smem:$0x3FA3] =	sst s8  }
0x11: {  	[smem:$0x3FA4] =	sst s9;
	s0 =	simm.s32 @!p0 $0x0  }
0x12: {  	s1 =	sld [smem:$0x3F8A];
	s0 =	simm.s32 @p0 $0x1  }
0x13: {  	[smem:$0x3FA5] =	sst s0;
	s0 =	simm.s32 @!p1 $0x0  }
0x14: {  	s2 =	sld [smem:$0x3F89];
	s0 =	simm.s32 @p1 $0x1  }
0x15: {  	[smem:$0x3FA6] =	sst s0;
	s0 =	simm.s32 @!p2 $0x0  }
0x16: {  	s3 =	sld [smem:$0x3FDB];
	s0 =	simm.s32 @p2 $0x1  }
0x17: {  	s4 =	simm.s32 $0x1BF5;
	[smem:$0x3FA8] =	sst s0  }
0x18: {  	s0 =	sld [smem:$0x3F8B];
	_ =	swait.ge [sflag:s4], $0x0  }
0x19: {  	s7 =	sld [smem:$0x3F8C]  }
0x1a: {  	s8 =	sadd.s32 $0xFFFFE003, lr  }
0x1b: {  	s9 =	sadd.s32 $0xFFFFFEF7, lr;
	s5 =	simm.s32 $0xFFFFFFFF;
	p2 =	slt.u32 s8, $0xFFFFF086  }
0x1c: {  	p1 =	slt.u32 s9, $0xF7A;
	s5 =	simm.s32 @!p2 $0x0  }
0x1d: {  	s5 =	simm.s32 @p1 $0x1;
	p0 =	seq.s32 s7, s2  }
0x1e: {  	s7 =	smul.u32 @!p0 $0xF7A, s2;
	p2 =	seq.s32 @!p0 s5, $0x0  }
0x1f: {  	s9 =	smul.u32 $0xF7A, s1;
	s8 =	simm.s32 @!p0 $0x1BF5;
	p2 =	por !p2, p0  }
0x20: {  	[sflag:s8] =	ssyncset.s32 @!p0 $0xFFFFF086;
	s6 =	sadd.s32 @!p0 s3, s7;
	s7 =	simm.s32 @!p0 $0x108  }
0x21: {  	s3 =	sadd.s32 s3, s9;
	s6 =	sadd.s32 @!p0 $0x88, s6;
	s7 =	simm.s32 @p2 $0x1082  }
0x22: {  	[simem:s7], [sflag:s8] =	dma.local @!p0 [hbm:s6], $0xF7A  }
0x23: {  	s9 =	sor.u32 $0xD0000000, s2;
	s6 =	simm.s32 $0x108;
	_ =	swait.ge @!p0 [sflag:s8], $0x0  }
0x24: {  	s3 =	sadd.s32 $0x88, s3;
	s6 =	simm.s32 @!p1 $0x1082;
	[sflag:s4] =	ssyncset.s32 $0xFFFFF086  }
0x25: {  	[simem:s6], [sflag:s4] =	dma.local [hbm:s3], $0xF7A  }
0x26: {  	[smem:$0x3F8C] =	sst s1;
	(tag) =	ssettag s2;
	_ =	strace s9  }
0x27: {  	s1 =	sld [smem:$0x3F9C]  }
0x28: {  	s2 =	sld [smem:$0x3F9D]  }
0x29: {  	s4 =	sld [smem:$0x3F9F]  }
0x2a: {  	p0 =	seq.s32 s5, $0x0;
	s5 =	sld [smem:$0x3FA0]  }
0x2b: {  	s6 =	sld [smem:$0x3FA1]  }
0x2c: {  	s7 =	sld [smem:$0x3FA2]  }
0x2d: {  	s3 =	simm.s32 $0x108;
	s8 =	sld [smem:$0x3FA3]  }
0x2e: {  	s3 =	simm.s32 @!p0 $0x1082;
	s9 =	sld [smem:$0x3FA4]  }
0x2f: {  	lr =	sadd.s32 s0, s3;
	s0 =	sld [smem:$0x3F9B]  }
0x30: {  	s3 =	sld [smem:$0x3F9E]  }
0x31: {  	[smem:$0x3FA7] =	sst s10  }
0x32: {  	s10 =	sld [smem:$0x3FA5];
	_ =	sdelay $0x3  }
0x33: {  	p0 =	seq.s32 s10, $0x1;
	s10 =	sld [smem:$0x3FA7];
	_ =	sdelay $0x3  }
0x34: {  	[smem:$0x3FA7] =	sst s10  }
0x35: {  	s10 =	sld [smem:$0x3FA6];
	_ =	sdelay $0x3  }
0x36: {  	p1 =	seq.s32 s10, $0x1;
	s10 =	sld [smem:$0x3FA7];
	_ =	sdelay $0x3  }
0x37: {  	[smem:$0x3FA7] =	sst s10  }
0x38: {  	s10 =	sld [smem:$0x3FA8]  }
0x39: {  	_ = 	snop;
	(pc) =	sbr.ind lr, $3  }
0x3a: {  	_ = 	snop  }
0x3b: {  	_ = 	snop  }
0x3c: {  	p2 =	seq.s32 s10, $0x1;
	s10 =	sld [smem:$0x3FA7]  }
0x3d: {  	_ =	shalt  }
0x3e: {  	_ =	shalt  }
0x3f: {  	_ =	shalt  }
0x40: {  	_ =	shalt  }
0x41: {  	_ =	shalt  }
0x42: {  	_ =	shalt  }
0x43: {  	_ =	shalt  }
0x44: {  	_ =	shalt  }
0x45: {  	_ =	shalt  }
0x46: {  	_ =	shalt  }
0x47: {  	_ =	shalt  }
0x48: {  	_ =	shalt  }
0x49: {  	_ =	shalt  }
0x4a: {  	_ =	shalt  }
0x4b: {  	_ =	shalt  }
0x4c: {  	_ =	shalt  }
0x4d: {  	_ =	shalt  }
0x4e: {  	_ =	shalt  }
0x4f: {  	_ =	shalt  }
0x50: {  	_ =	shalt  }
0x51: {  	_ =	shalt  }
0x52: {  	_ =	shalt  }
0x53: {  	_ =	shalt  }
0x54: {  	_ =	shalt  }
0x55: {  	_ =	shalt  }
0x56: {  	_ =	shalt  }
0x57: {  	_ =	shalt  }
0x58: {  	_ =	shalt  }
0x59: {  	_ =	shalt  }
0x5a: {  	_ =	shalt  }
0x5b: {  	_ =	shalt  }
0x5c: {  	_ =	shalt  }
0x5d: {  	_ =	shalt  }
0x5e: {  	_ =	shalt  }
0x5f: {  	_ =	shalt  }
0x60: {  	_ =	shalt  }
0x61: {  	_ =	shalt  }
0x62: {  	_ =	shalt  }
0x63: {  	_ =	shalt  }
0x64: {  	_ =	shalt  }
0x65: {  	_ =	shalt  }
0x66: {  	_ =	shalt  }
0x67: {  	_ =	shalt  }
0x68: {  	_ =	shalt  }
0x69: {  	_ =	shalt  }
0x6a: {  	_ =	shalt  }
0x6b: {  	_ =	shalt  }
0x6c: {  	_ =	shalt  }
0x6d: {  	_ =	shalt  }
0x6e: {  	_ =	shalt  }
0x6f: {  	_ =	shalt  }
0x70: {  	_ =	shalt  }
0x71: {  	_ =	shalt  }
0x72: {  	_ =	shalt  }
0x73: {  	_ =	shalt  }
0x74: {  	_ =	shalt  }
0x75: {  	_ =	shalt  }
0x76: {  	_ =	shalt  }
0x77: {  	_ =	shalt  }
0x78: {  	_ =	shalt  }
0x79: {  	_ =	shalt  }
0x7a: {  	_ =	shalt  }
0x7b: {  	_ =	shalt  }
0x7c: {  	_ =	shalt  }
0x7d: {  	_ =	shalt  }
0x7e: {  	_ =	shalt  }
0x7f: {  	_ =	shalt  }
0x80: {  	_ =	shalt  }
0x81: {  	_ =	shalt  }
0x82: {  	_ =	shalt  }
0x83: {  	_ =	shalt  }
0x84: {  	_ =	shalt  }
0x85: {  	_ =	shalt  }
0x86: {  	_ =	shalt  }
0x87: {  	_ =	shalt  }
.Lfunc_end0:
.L_simem_size_0:
called_computation.3_lowered:
.L_overlay_start_0:
0x88: {  	s2 =	sld [smem:$0x3FD9]  }
0x89: {  	s3 =	sld [smem:$0x3FFE];
	_ =	sdelay $0x1  }
0x8a: {  	s1 =	srdreg.scid  }
0x8b: {  	s0 =	sand.u32 $0x1, s1  }
0x8c: {  	s16 =	sshll.u32 s0, $0xA;
	s2 =	sadd.s32 s3, s2  }
0x8d: {  	s2 =	sadd.s32 s2, s16  }
0x8e: {  	[smem:$0x3FB3] =	sst s2  }
0x8f: {  	_ = 	snop  }
0x90: {  	(tm) =	ssettm $0x1  }
0x91: {  	s17 =	sld [smem:$0x3FFB];
	_ =	sdelay $0x3  }
0x92: {  	_ =	strace s17  }
0x93: {  	s2 =	sld [smem:$0x3FFC];
	_ =	sdelay $0x3  }
0x94: {  	_ =	strace s2  }
0x95: {  	s2 =	sld [smem:$0x3FFD];
	_ =	sdelay $0x3  }
0x96: {  	_ =	strace s2  }
0x97: {  	_ =	strace $0x8FFFFFFF  }
0x98: {  	s18 =	sld [smem:$0x3FDB];
	_ =	sdelay $0x1  }
0x99: {  	s19 =	simm.s32 $_scs_section_size  }
0x9a: {  	s4 =	simm.s32 $_size__tile_overlayer_lowered;
	s5 =	simm.s32 $_tile_overlayer_lowered  }
0x9b: {  	s22 =	simm.s32 $0x1BFF;
	s21 =	sshll.u32 s5, $0x1;
	s2 =	sadd.s32 s19, s18  }
0x9c: {  	s6 =	simm.s32 $0x0;
	s20 =	sshll.u32 s4, $0x1;
	s4 =	sadd.s32 s21, s2  }
0x9d: {  	[timem:s6], [sflag:s22] =	dma.local [hbm:s4], s20  }
0x9e: {  	_ =	swait.ge [sflag:s22], s20  }
0x9f: {  	s3 =	ssub.s32 $0x0, s20;
	[sflag:s22] =	ssyncset.done $0x0  }
0xa0: {  	[sflag:s22] =	ssyncadd.s32 s3;
	_ =	sdelay $0x1  }
0xa1: {  	s23 =	simm.s32 $0x1B8B  }
0xa2: {  	_ =	swait.ge [sflag:s23], $0x1  }
0xa3: {  	[sflag:s23] =	ssyncset.done $0x0  }
0xa4: {  	s25 =	simm.s32 $0x1B8E;
	s24 =	sld [smem:$0x3FFE];
	[sflag:s23] =	ssyncadd.s32 $0xFFFFFFFF  }
0xa5: {  	s26 =	simm.s32 $execute0_lowered;
	[smem:$0x3FD2] =	sst s25  }
0xa6: {  	s4 =	sshll.u32 s26, $0x1;
	_ =	strace $0x8000004F;
	[dreg:$0x1] =	wrdreg $0xFFFFFFFF  }
0xa7: {  	s28 =	simm.s32 $_size_execute0_lowered;
	s2 =	sadd.s32 s2, s4;
	[dreg:$0x0] =	wrdreg $0x0  }
0xa8: {  	s4 =	sshll.u32 s28, $0x1;
	[dreg:$0x2] =	wrdreg s2  }
0xa9: {  	[dreg:$0x3] =	wrdreg s4  }
0xaa: {  	[dreg:$0x4] =	wrdreg $0xC0  }
0xab: {  	_ =	task [dreg:s6], $0x5FFFF  }
0xac: {  	[dreg:$0x1] =	wrdreg $0xFFFFFFFF  }
0xad: {  	[dreg:$0x0] =	wrdreg $0x60  }
0xae: {  	[dreg:$0x2] =	wrdreg s24  }
0xaf: {  	[dreg:$0x3] =	wrdreg $0x51800  }
0xb0: {  	[dreg:$0x4] =	wrdreg $0x9  }
0xb1: {  	_ =	task.clear_ibuf [dreg:s6], $0x5FFFF;
	_ =	strace $0x9000004F  }
0xb2: {  	s29 =	simm.s32 $0x9;
	_ =	strace $0x80000051  }
0xb3: {  	_ =	swait.ge [sflag:s29], $0x1  }
0xb4: {  	[sflag:s29] =	ssyncadd.s32 $0xFFFFFFFF  }
0xb5: {  	_ =	strace $0x90000051  }
0xb6: {  	_ =	sfence  }
0xb7: {  	s30 =	sld [smem:$0x0];
	_ =	sdelay $0x2  }
0xb8: {  	s31 =	sshll.u32 s1, $0xD;
	s1 =	sshrl.u32 s1, $0x2  }
0xb9: {  	s3 =	sand.u32 $0x4000, s31;
	s1 =	sadd.s32 s1, s30  }
0xba: {  	s0 =	sor.u32 s3, s0;
	s1 =	sshll.u32 s1, $0x11  }
0xbb: {  	s0 =	sor.u32 s1, s0  }
0xbc: {  	s0 =	sadd.s32 $0x8F2B, s0  }
0xbd: {  	[sflag:s0] =	ssyncadd.remote.s32 $0x1  }
0xbe: {  	_ =	sfence.sel $0xFFFF  }
0xbf: {  	[dreg:$0x0] =	wrdreg $0xFFFFFFFF;
	(pc) =	sbr.abs _section_cstart, $3  }
0xc0: {  	[dreg:$0x1] =	wrdreg $0xFFFFFFFF  }
0xc1: {  	_ =	task.clear_ibuf [dreg:s6], $0x2FFFF;
	_ =	strace $0x9FFFFFFF  }
0xc2: {  	(tm) =	ssettm $0x7FFFFFFF  }
0xc3: {  	_ =	shalt  }
tec
execute0_lowered:
.L_overlay_start_1:
0x0: {  	(tag) =	ssettag $0x1  }
0x1: {  	s0 =	rddreg [dreg:$0x0]  }
0x2: {  	s1 =	rddreg [dreg:$0x1];
	s3 =	simm.s32 $0x0  }
0x3: {  	s2 =	stileid.u32;
	s8 =	srdreg.scid;
	s28 =	simm.s32 $0x1  }
0x4: {  	s29 =	simm.s32 $0x100;
	s30 =	simm.s32 $0x2;
	s31 =	simm.s32 $0x0  }
0x5: {  	[smem:$0x7FF] =	sst s3;
	s4 =	sadd.s32 $0x11800, s0;
	s9 =	smul.u32 $0x2800, s2  }
0x6: {  	s5 =	sadd.s32 $0x89800, s0;
	s6 =	sadd.s32 $0xB1800, s0;
	s10 =	smul.u32 $0x2710, s2  }
0x7: {  	s7 =	sadd.s32 $0xD9800, s0;
	s12 =	sadd.s32 $0x7800, s0;
	s19 =	smul.u32 $0x50000, s2  }
0x8: {  	s13 =	sand.u32 $0x1, s8;
	s14 =	sadd.s32 $0xC800, s0;
	s25 =	smul.u32 $0x4E2, s2  }
0x9: {  	_ =	strace $0x80000050;
	s11 =	ssub.s32 $0x2, s13;
	p0 =	sne.s32 s13, $0x0  }
0xa: {  	s0 =	sadd.s32 s9, s0;
	s15 =	sshrl.u32 s11, $0x1;
	s8 =	sshrl.u32 s19, $0x2  }
0xb: {  	s10 =	sshrl.u32 s10, $0x3;
	s16 =	sadd.s32 s5, s9;
	s22 =	sadd.s32 s4, s9  }
0xc: {  	s24 =	sadd.s32 s6, s9;
	s9 =	sadd.s32 s7, s9;
	[dreg:$0x3] =	wrdreg s16  }
0xd: {  	s15 =	ssub.s32 s11, s15;
	s8 =	sadd.s32 s8, s1;
	[dreg:$0x5] =	wrdreg s22  }
0xe: {  	s20 =	sadd.s32 s14, s10;
	s10 =	sadd.s32 s12, s10;
	[dreg:$0x7] =	wrdreg s24  }
0xf: {  	s21 =	sadd.s32 $0x129800, s0;
	s23 =	sadd.s32 $0x101800, s0;
	[dreg:$0x8] =	wrdreg s9  }
.Ltmp0:
0x10: {  	s26 =	sadd.s32 $0x179800, s0;
	[dreg:$0x4] =	wrdreg s21;
	(pc) =	sbr.rel .LBB2_1-.Ltmp0, $4  }
0x11: {  	s18 =	sadd.s32 $0x151800, s0;
	s22 =	simm.s32 $0x3;
	[dreg:$0x6] =	wrdreg s23  }
0x12: {  	s24 =	simm.s32 $0x180;
	s11 =	sadd.s32 $0x4D8, s20;
	[dreg:$0x9] =	wrdreg s26  }
0x13: {  	s19 =	smax.u32 s15, $0x1;
	s20 =	sadd.s32 s25, s12;
	s21 =	sadd.s32 s25, s14  }
0x14: {  	s23 =	simm.s32 $0x50;
	s25 =	simm.s32 $0x80;
	s26 =	simm.s32 $0x2980  }
.LBB2_11:
0x15: {  	s13 =	sadd.s32 $0xA, s14;
	[sflag:s22] =	ssyncadd.s32 $0xFFFFD800  }
0x16: {  	[tilespmem:s25], [sflag:$0x3] =	stream.linear.gather [hbm4b:s13+s3], $0x50, $0x38;
	[tilespmem:$0x19180] =	vst v63  }
0x17: {  	_ =	swait.ge [sflag:s22], $0x50  }
0x18: {  	[sflag:s22] =	ssyncset.done $0x0  }
0x19: {  	[sflag:s22] =	ssyncadd.s32 $0xFFFFFFB0  }
0x1a: {  	[tilespmem:s26], [sflag:$0x2] =	stream.indirect.gather [hbm4b:s7+s23], $0x80, s25, s23, $0xb8;
	[tilespmem:$0x19180] =	vst v63  }
0x1b: {  	_ =	swait.ge [sflag:s28], $0x2800  }
0x1c: {  	[sflag:s28] =	ssyncset.done $0x0  }
0x1d: {  	s12 =	sadd.s32 s12, s21;
	[sflag:s28] =	ssyncadd.s32 $0xFFFFD800  }
0x1e: {  	[tilespmem:s29], [sflag:$0x3] =	stream.linear.gather [hbm4b:s12+s3], $0x50, $0x38;
	[tilespmem:$0x19180] =	vst v63  }
0x1f: {  	_ =	swait.ge [sflag:s22], $0x50  }
0x20: {  	[sflag:s22] =	ssyncset.done $0x0  }
0x21: {  	[sflag:s22] =	ssyncadd.s32 $0xFFFFFFB0  }
0x22: {  	[spmem:s1] =	stream.indirect.scatter.add.f32 [tilespmem:s24], [sflag:$0x3], $0x80, s29, s23, $0xb8;
	[tilespmem:$0x19180] =	vst v63  }
0x23: {  	_ =	swait.ge [sflag:s22], $0x2800  }
0x24: {  	[sflag:s22] =	ssyncset.done $0x0  }
0x25: {  	s16 =	sadd.s32 $0x14, s14;
	[sflag:s22] =	ssyncadd.s32 $0xFFFFD800  }
0x26: {  	[tilespmem:s3], [sflag:$0x3] =	stream.linear.gather [hbm4b:s16+s3], $0x50, $0x38;
	[tilespmem:$0x19180] =	vst v63  }
0x27: {  	_ =	swait.ge [sflag:s22], $0x50  }
0x28: {  	[sflag:s22] =	ssyncset.done $0x0  }
0x29: {  	[sflag:s22] =	ssyncadd.s32 $0xFFFFFFB0  }
0x2a: {  	[tilespmem:s24], [sflag:$0x1] =	stream.indirect.gather [hbm4b:s7+s23], $0x80, s3, s23, $0xb8;
	[tilespmem:$0x19180] =	vst v63  }
0x2b: {  	_ =	swait.ge [sflag:s30], $0x2800  }
0x2c: {  	[sflag:s30] =	ssyncset.done $0x0  }
0x2d: {  	s12 =	sadd.s32 $0xA, s12;
	[sflag:s30] =	ssyncadd.s32 $0xFFFFD800  }
0x2e: {  	[tilespmem:s29], [sflag:$0x3] =	stream.linear.gather [hbm4b:s12+s3], $0x50, $0x38;
	[tilespmem:$0x19180] =	vst v63  }
0x2f: {  	_ =	swait.ge [sflag:s22], $0x50  }
0x30: {  	[sflag:s22] =	ssyncset.done $0x0  }
0x31: {  	[sflag:s22] =	ssyncadd.s32 $0xFFFFFFB0  }
0x32: {  	[spmem:s1] =	stream.indirect.scatter.add.f32 [tilespmem:s26], [sflag:$0x3], $0x80, s29, s23, $0xb8;
	[tilespmem:$0x19180] =	vst v63  }
0x33: {  	_ =	swait.ge [sflag:s22], $0x2800  }
0x34: {  	[sflag:s22] =	ssyncset.done $0x0  }
0x35: {  	[sflag:s22] =	ssyncadd.s32 $0xFFFFD800  }
0x36: {  	_ =	swait.ge [sflag:s28], $0x2800  }
0x37: {  	[sflag:s28] =	ssyncset.done $0x0  }
0x38: {  	[sflag:s28] =	ssyncadd.s32 $0xFFFFD800  }
0x39: {  	[tilespmem:s29], [sflag:$0x3] =	stream.linear.gather [hbm4b:s11+s3], $0x50, $0x38;
	[tilespmem:$0x19180] =	vst v63  }
0x3a: {  	_ =	swait.ge [sflag:s22], $0x50  }
0x3b: {  	[sflag:s22] =	ssyncset.done $0x0  }
0x3c: {  	[sflag:s22] =	ssyncadd.s32 $0xFFFFFFB0  }
0x3d: {  	[spmem:s1] =	stream.indirect.scatter.add.f32 [tilespmem:s24], [sflag:$0x3], $0x80, s29, s23, $0xb8;
	[tilespmem:$0x19180] =	vst v63  }
0x3e: {  	_ =	swait.ge [sflag:s22], $0x2800  }
0x3f: {  	[sflag:s22] =	ssyncset.done $0x0  }
0x40: {  	[sflag:s22] =	ssyncadd.s32 $0xFFFFD800  }
0x41: {  	[bflag:$0x0] =	sbarrier.arrive $0xFFFF  }
0x42: {  	s17 =	rddreg [dreg:$0x9]  }
0x43: {  	[hbm:s17], [sflag:s9] =	dma.local [spmem:s0], $0x2800  }
0x44: {  	_ =	swait.ge [sflag:s22], $0x2800  }
0x45: {  	[sflag:s22] =	ssyncset.done $0x0  }
0x46: {  	[sflag:s22] =	ssyncadd.s32 $0xFFFFD800  }
.LBB2_12:
0x47: {  	s31 =	sadd.s32 $0x1, s31  }
0x48: {  	p1 =	sne.s32 s31, s19  }
.Ltmp1:
0x49: {  	_ = 	snop;
	(pc) =	sbr.rel @!p1 .LBB2_13-.Ltmp1, $2  }
0x4a: {  	_ =	sdelay $0x1  }
0x4b: {  	[bflag:$0x0] =	sbarrier.arrive $0xFFFF;
	_ =	sdelay $0x1  }
.LBB2_1:
.Ltmp2:
0x4c: {  	(pc) =	sbr.rel @p0 .LBB2_7-.Ltmp2, $3  }
0x4d: {  	_ =	sdelay $0x1  }
0x4e: {  	s9 =	sshll.u32 s2, $0x6  }
0x4f: {  	s0 =	sshrl.u32 s8, $0x3;
	s9 =	sor.u32 $0x1C03, s9  }
0x50: {  	s12 =	rddreg [dreg:$0x5]  }
0x51: {  	[spmem:s0], [sflag:s9] =	dma.local [hbm:s12], $0x2800  }
0x52: {  	_ =	swait.ge [sflag:s22], $0x2800  }
0x53: {  	[sflag:s22] =	ssyncset.done $0x0  }
0x54: {  	[sflag:s22] =	ssyncadd.s32 $0xFFFFD800  }
0x55: {  	s14 =	simm.s32 $0x0;
	[bflag:$0x0] =	sbarrier.arrive $0xFFFF  }
0x56: {  	[tilespmem:s14], [sflag:$0x3] =	stream.linear.gather [hbm4b:s10+s14], $0x50, $0x38;
	[tilespmem:$0x19180] =	vst v63  }
0x57: {  	_ =	swait.ge [sflag:s22], $0x50  }
0x58: {  	[sflag:s22] =	ssyncset.done $0x0  }
0x59: {  	s15 =	sadd.s32 $0x0, s20;
	[sflag:s22] =	ssyncadd.s32 $0xFFFFFFB0  }
0x5a: {  	[tilespmem:s24], [sflag:$0x1] =	stream.indirect.gather [hbm4b:s4+s23], $0x80, s14, s23, $0xb8;
	[tilespmem:$0x19180] =	vst v63  }
0x5b: {  	s13 =	sadd.s32 $0xA, s15  }
0x5c: {  	[tilespmem:s25], [sflag:$0x3] =	stream.linear.gather [hbm4b:s13+s3], $0x50, $0x38;
	[tilespmem:$0x19180] =	vst v63  }
0x5d: {  	_ =	swait.ge [sflag:s22], $0x50  }
0x5e: {  	[sflag:s22] =	ssyncset.done $0x0  }
0x5f: {  	[sflag:s22] =	ssyncadd.s32 $0xFFFFFFB0  }
0x60: {  	[tilespmem:s26], [sflag:$0x2] =	stream.indirect.gather [hbm4b:s4+s23], $0x80, s25, s23, $0xb8;
	[tilespmem:$0x19180] =	vst v63  }
0x61: {  	_ =	swait.ge [sflag:s28], $0x2800  }
0x62: {  	[sflag:s28] =	ssyncset.done $0x0  }
0x63: {  	s16 =	sadd.s32 $0x0, s21;
	[sflag:s28] =	ssyncadd.s32 $0xFFFFD800  }
0x64: {  	[tilespmem:s29], [sflag:$0x3] =	stream.linear.gather [hbm4b:s16+s3], $0x50, $0x38;
	[tilespmem:$0x19180] =	vst v63  }
0x65: {  	_ =	swait.ge [sflag:s22], $0x50  }
0x66: {  	[sflag:s22] =	ssyncset.done $0x0  }
0x67: {  	[sflag:s22] =	ssyncadd.s32 $0xFFFFFFB0  }
0x68: {  	[spmem:s1] =	stream.indirect.scatter.add.f32 [tilespmem:s24], [sflag:$0x3], $0x80, s29, s23, $0xb8;
	[tilespmem:$0x19180] =	vst v63  }
0x69: {  	_ =	swait.ge [sflag:s22], $0x2800  }
0x6a: {  	[sflag:s22] =	ssyncset.done $0x0  }
0x6b: {  	s12 =	sadd.s32 $0x14, s15;
	[sflag:s22] =	ssyncadd.s32 $0xFFFFD800  }
0x6c: {  	[tilespmem:s3], [sflag:$0x3] =	stream.linear.gather [hbm4b:s12+s3], $0x50, $0x38;
	[tilespmem:$0x19180] =	vst v63  }
0x6d: {  	_ =	swait.ge [sflag:s22], $0x50  }
0x6e: {  	[sflag:s22] =	ssyncset.done $0x0  }
0x6f: {  	[sflag:s22] =	ssyncadd.s32 $0xFFFFFFB0  }
0x70: {  	[tilespmem:s24], [sflag:$0x1] =	stream.indirect.gather [hbm4b:s4+s23], $0x80, s3, s23, $0xb8;
	[tilespmem:$0x19180] =	vst v63  }
0x71: {  	_ =	swait.ge [sflag:s30], $0x2800  }
0x72: {  	[sflag:s30] =	ssyncset.done $0x0  }
0x73: {  	s17 =	sadd.s32 $0xA, s16;
	[sflag:s30] =	ssyncadd.s32 $0xFFFFD800  }
0x74: {  	[tilespmem:s29], [sflag:$0x3] =	stream.linear.gather [hbm4b:s17+s3], $0x50, $0x38;
	[tilespmem:$0x19180] =	vst v63  }
0x75: {  	_ =	swait.ge [sflag:s22], $0x50  }
0x76: {  	[sflag:s22] =	ssyncset.done $0x0  }
0x77: {  	[sflag:s22] =	ssyncadd.s32 $0xFFFFFFB0  }
0x78: {  	[spmem:s1] =	stream.indirect.scatter.add.f32 [tilespmem:s26], [sflag:$0x3], $0x80, s29, s23, $0xb8;
	[tilespmem:$0x19180] =	vst v63  }
0x79: {  	s14 =	sadd.s32 $0x14, s20;
	_ =	swait.ge [sflag:s22], $0x2800  }
0x7a: {  	s13 =	simm.s32 $0x28;
	s12 =	simm.s32 $0x14;
	[sflag:s22] =	ssyncset.done $0x0  }
.LBB2_3:
0x7b: {  	s16 =	sadd.s32 $0xA, s14  }
0x7c: {  	[sflag:s22] =	ssyncadd.s32 $0xFFFFD800;
	s17 =	smov.u32 s13;
	s15 =	sadd.s32 $0x14, s13  }
0x7d: {  	[tilespmem:s25], [sflag:$0x3] =	stream.linear.gather [hbm4b:s16+s3], $0x50, $0x38;
	[tilespmem:$0x19180] =	vst v63  }
0x7e: {  	p1 =	seq.s32 s13, $0x4C4;
	_ =	swait.ge [sflag:s22], $0x50  }
0x7f: {  	[sflag:s22] =	ssyncset.done $0x0  }
0x80: {  	[sflag:s22] =	ssyncadd.s32 $0xFFFFFFB0  }
0x81: {  	[tilespmem:s26], [sflag:$0x2] =	stream.indirect.gather [hbm4b:s4+s23], $0x80, s25, s23, $0xb8;
	[tilespmem:$0x19180] =	vst v63  }
0x82: {  	_ =	swait.ge [sflag:s28], $0x2800  }
0x83: {  	[sflag:s28] =	ssyncset.done $0x0  }
0x84: {  	s13 =	sadd.s32 s12, s21;
	s12 =	smov.u32 s17;
	[sflag:s28] =	ssyncadd.s32 $0xFFFFD800  }
0x85: {  	[tilespmem:s29], [sflag:$0x3] =	stream.linear.gather [hbm4b:s13+s3], $0x50, $0x38;
	[tilespmem:$0x19180] =	vst v63  }
0x86: {  	_ =	swait.ge [sflag:s22], $0x50  }
0x87: {  	[sflag:s22] =	ssyncset.done $0x0  }
0x88: {  	[sflag:s22] =	ssyncadd.s32 $0xFFFFFFB0  }
0x89: {  	[spmem:s1] =	stream.indirect.scatter.add.f32 [tilespmem:s24], [sflag:$0x3], $0x80, s29, s23, $0xb8;
	[tilespmem:$0x19180] =	vst v63  }
0x8a: {  	_ =	swait.ge [sflag:s22], $0x2800  }
0x8b: {  	[sflag:s22] =	ssyncset.done $0x0  }
0x8c: {  	s14 =	sadd.s32 $0x14, s14;
	[sflag:s22] =	ssyncadd.s32 $0xFFFFD800  }
0x8d: {  	[tilespmem:s3], [sflag:$0x3] =	stream.linear.gather [hbm4b:s14+s3], $0x50, $0x38;
	[tilespmem:$0x19180] =	vst v63  }
0x8e: {  	_ =	swait.ge [sflag:s22], $0x50  }
0x8f: {  	[sflag:s22] =	ssyncset.done $0x0  }
0x90: {  	[sflag:s22] =	ssyncadd.s32 $0xFFFFFFB0  }
0x91: {  	[tilespmem:s24], [sflag:$0x1] =	stream.indirect.gather [hbm4b:s4+s23], $0x80, s3, s23, $0xb8;
	[tilespmem:$0x19180] =	vst v63  }
0x92: {  	_ =	swait.ge [sflag:s30], $0x2800  }
0x93: {  	[sflag:s30] =	ssyncset.done $0x0  }
0x94: {  	s13 =	sadd.s32 $0xA, s13;
	[sflag:s30] =	ssyncadd.s32 $0xFFFFD800  }
0x95: {  	[tilespmem:s29], [sflag:$0x3] =	stream.linear.gather [hbm4b:s13+s3], $0x50, $0x38;
	[tilespmem:$0x19180] =	vst v63  }
0x96: {  	_ =	swait.ge [sflag:s22], $0x50  }
.Ltmp3:
0x97: {  	[sflag:s22] =	ssyncset.done $0x0;
	(pc) =	sbr.rel @!p1 .LBB2_3-.Ltmp3, $4  }
0x98: {  	[sflag:s22] =	ssyncadd.s32 $0xFFFFFFB0  }
0x99: {  	[spmem:s1] =	stream.indirect.scatter.add.f32 [tilespmem:s26], [sflag:$0x3], $0x80, s29, s23, $0xb8;
	[tilespmem:$0x19180] =	vst v63  }
0x9a: {  	_ =	swait.ge [sflag:s22], $0x2800  }
0x9b: {  	s14 =	sadd.s32 s12, s20;
	s13 =	smov.u32 s15;
	[sflag:s22] =	ssyncset.done $0x0  }
0x9c: {  	s13 =	sadd.s32 $0xA, s14;
	[sflag:s22] =	ssyncadd.s32 $0xFFFFD800  }
0x9d: {  	[tilespmem:s25], [sflag:$0x3] =	stream.linear.gather [hbm4b:s13+s3], $0x50, $0x38;
	[tilespmem:$0x19180] =	vst v63  }
0x9e: {  	_ =	swait.ge [sflag:s22], $0x50  }
0x9f: {  	[sflag:s22] =	ssyncset.done $0x0  }
0xa0: {  	[sflag:s22] =	ssyncadd.s32 $0xFFFFFFB0  }
0xa1: {  	[tilespmem:s26], [sflag:$0x2] =	stream.indirect.gather [hbm4b:s4+s23], $0x80, s25, s23, $0xb8;
	[tilespmem:$0x19180] =	vst v63  }
0xa2: {  	_ =	swait.ge [sflag:s28], $0x2800  }
0xa3: {  	[sflag:s28] =	ssyncset.done $0x0  }
0xa4: {  	s12 =	sadd.s32 s12, s21;
	[sflag:s28] =	ssyncadd.s32 $0xFFFFD800  }
0xa5: {  	[tilespmem:s29], [sflag:$0x3] =	stream.linear.gather [hbm4b:s12+s3], $0x50, $0x38;
	[tilespmem:$0x19180] =	vst v63  }
0xa6: {  	_ =	swait.ge [sflag:s22], $0x50  }
0xa7: {  	[sflag:s22] =	ssyncset.done $0x0  }
0xa8: {  	[sflag:s22] =	ssyncadd.s32 $0xFFFFFFB0  }
0xa9: {  	[spmem:s1] =	stream.indirect.scatter.add.f32 [tilespmem:s24], [sflag:$0x3], $0x80, s29, s23, $0xb8;
	[tilespmem:$0x19180] =	vst v63  }
0xaa: {  	_ =	swait.ge [sflag:s22], $0x2800  }
0xab: {  	[sflag:s22] =	ssyncset.done $0x0  }
0xac: {  	s14 =	sadd.s32 $0x14, s14;
	[sflag:s22] =	ssyncadd.s32 $0xFFFFD800  }
0xad: {  	[tilespmem:s3], [sflag:$0x3] =	stream.linear.gather [hbm4b:s14+s3], $0x50, $0x38;
	[tilespmem:$0x19180] =	vst v63  }
0xae: {  	_ =	swait.ge [sflag:s22], $0x50  }
0xaf: {  	[sflag:s22] =	ssyncset.done $0x0  }
0xb0: {  	[sflag:s22] =	ssyncadd.s32 $0xFFFFFFB0  }
0xb1: {  	[tilespmem:s24], [sflag:$0x1] =	stream.indirect.gather [hbm4b:s4+s23], $0x80, s3, s23, $0xb8;
	[tilespmem:$0x19180] =	vst v63  }
0xb2: {  	_ =	swait.ge [sflag:s30], $0x2800  }
0xb3: {  	[sflag:s30] =	ssyncset.done $0x0  }
0xb4: {  	s12 =	sadd.s32 $0xA, s12;
	[sflag:s30] =	ssyncadd.s32 $0xFFFFD800  }
0xb5: {  	[tilespmem:s29], [sflag:$0x3] =	stream.linear.gather [hbm4b:s12+s3], $0x50, $0x38;
	[tilespmem:$0x19180] =	vst v63  }
0xb6: {  	_ =	swait.ge [sflag:s22], $0x50  }
0xb7: {  	[sflag:s22] =	ssyncset.done $0x0  }
0xb8: {  	[sflag:s22] =	ssyncadd.s32 $0xFFFFFFB0  }
0xb9: {  	[spmem:s1] =	stream.indirect.scatter.add.f32 [tilespmem:s26], [sflag:$0x3], $0x80, s29, s23, $0xb8;
	[tilespmem:$0x19180] =	vst v63  }
0xba: {  	_ =	swait.ge [sflag:s22], $0x2800  }
0xbb: {  	[sflag:s22] =	ssyncset.done $0x0  }
0xbc: {  	[sflag:s22] =	ssyncadd.s32 $0xFFFFD800  }
0xbd: {  	_ =	swait.ge [sflag:s28], $0x2800  }
0xbe: {  	[sflag:s28] =	ssyncset.done $0x0  }
0xbf: {  	s15 =	simm.s32 $0x0;
	[sflag:s28] =	ssyncadd.s32 $0xFFFFD800  }
0xc0: {  	[tilespmem:s29], [sflag:$0x3] =	stream.linear.gather [hbm4b:s11+s15], $0x50, $0x38;
	[tilespmem:$0x19180] =	vst v63  }
0xc1: {  	_ =	swait.ge [sflag:s22], $0x50  }
0xc2: {  	[sflag:s22] =	ssyncset.done $0x0  }
0xc3: {  	[sflag:s22] =	ssyncadd.s32 $0xFFFFFFB0  }
0xc4: {  	[spmem:s1] =	stream.indirect.scatter.add.f32 [tilespmem:s24], [sflag:$0x3], $0x80, s29, s23, $0xb8;
	[tilespmem:$0x19180] =	vst v63  }
0xc5: {  	_ =	swait.ge [sflag:s22], $0x2800  }
0xc6: {  	[sflag:s22] =	ssyncset.done $0x0  }
0xc7: {  	[sflag:s22] =	ssyncadd.s32 $0xFFFFD800  }
0xc8: {  	[bflag:$0x0] =	sbarrier.arrive $0xFFFF  }
0xc9: {  	s16 =	rddreg [dreg:$0x6]  }
0xca: {  	[hbm:s16], [sflag:s9] =	dma.local [spmem:s0], $0x2800  }
0xcb: {  	_ =	swait.ge [sflag:s22], $0x2800  }
0xcc: {  	[sflag:s22] =	ssyncset.done $0x0  }
0xcd: {  	[sflag:s22] =	ssyncadd.s32 $0xFFFFD800  }
0xce: {  	[bflag:$0x0] =	sbarrier.arrive $0xFFFF  }
0xcf: {  	[bflag:$0x0] =	sbarrier.arrive $0xFFFF  }
0xd0: {  	[bflag:$0x0] =	sbarrier.arrive $0xFFFF  }
0xd1: {  	[bflag:$0x0] =	sbarrier.arrive $0xFFFF  }
0xd2: {  	s17 =	rddreg [dreg:$0x7]  }
0xd3: {  	[spmem:s0], [sflag:s9] =	dma.local [hbm:s17], $0x2800  }
0xd4: {  	_ =	swait.ge [sflag:s22], $0x2800  }
0xd5: {  	[sflag:s22] =	ssyncset.done $0x0  }
0xd6: {  	[sflag:s22] =	ssyncadd.s32 $0xFFFFD800  }
0xd7: {  	[bflag:$0x0] =	sbarrier.arrive $0xFFFF  }
0xd8: {  	[tilespmem:s15], [sflag:$0x3] =	stream.linear.gather [hbm4b:s10+s15], $0x50, $0x38;
	[tilespmem:$0x19180] =	vst v63  }
0xd9: {  	_ =	swait.ge [sflag:s22], $0x50  }
0xda: {  	[sflag:s22] =	ssyncset.done $0x0  }
0xdb: {  	s14 =	sadd.s32 $0x0, s20;
	[sflag:s22] =	ssyncadd.s32 $0xFFFFFFB0  }
0xdc: {  	[tilespmem:s24], [sflag:$0x1] =	stream.indirect.gather [hbm4b:s6+s23], $0x80, s15, s23, $0xb8;
	[tilespmem:$0x19180] =	vst v63  }
0xdd: {  	s15 =	sadd.s32 $0xA, s14  }
0xde: {  	[tilespmem:s25], [sflag:$0x3] =	stream.linear.gather [hbm4b:s15+s3], $0x50, $0x38;
	[tilespmem:$0x19180] =	vst v63  }
0xdf: {  	_ =	swait.ge [sflag:s22], $0x50  }
0xe0: {  	[sflag:s22] =	ssyncset.done $0x0  }
0xe1: {  	[sflag:s22] =	ssyncadd.s32 $0xFFFFFFB0  }
0xe2: {  	[tilespmem:s26], [sflag:$0x2] =	stream.indirect.gather [hbm4b:s6+s23], $0x80, s25, s23, $0xb8;
	[tilespmem:$0x19180] =	vst v63  }
0xe3: {  	_ =	swait.ge [sflag:s28], $0x2800  }
0xe4: {  	[sflag:s28] =	ssyncset.done $0x0  }
0xe5: {  	s16 =	sadd.s32 $0x0, s21;
	[sflag:s28] =	ssyncadd.s32 $0xFFFFD800  }
0xe6: {  	[tilespmem:s29], [sflag:$0x3] =	stream.linear.gather [hbm4b:s16+s3], $0x50, $0x38;
	[tilespmem:$0x19180] =	vst v63  }
0xe7: {  	_ =	swait.ge [sflag:s22], $0x50  }
0xe8: {  	[sflag:s22] =	ssyncset.done $0x0  }
0xe9: {  	[sflag:s22] =	ssyncadd.s32 $0xFFFFFFB0  }
0xea: {  	[spmem:s1] =	stream.indirect.scatter.add.f32 [tilespmem:s24], [sflag:$0x3], $0x80, s29, s23, $0xb8;
	[tilespmem:$0x19180] =	vst v63  }
0xeb: {  	_ =	swait.ge [sflag:s22], $0x2800  }
0xec: {  	[sflag:s22] =	ssyncset.done $0x0  }
0xed: {  	s12 =	sadd.s32 $0x14, s14;
	[sflag:s22] =	ssyncadd.s32 $0xFFFFD800  }
0xee: {  	[tilespmem:s3], [sflag:$0x3] =	stream.linear.gather [hbm4b:s12+s3], $0x50, $0x38;
	[tilespmem:$0x19180] =	vst v63  }
0xef: {  	_ =	swait.ge [sflag:s22], $0x50  }
0xf0: {  	[sflag:s22] =	ssyncset.done $0x0  }
0xf1: {  	[sflag:s22] =	ssyncadd.s32 $0xFFFFFFB0  }
0xf2: {  	[tilespmem:s24], [sflag:$0x1] =	stream.indirect.gather [hbm4b:s6+s23], $0x80, s3, s23, $0xb8;
	[tilespmem:$0x19180] =	vst v63  }
0xf3: {  	_ =	swait.ge [sflag:s30], $0x2800  }
0xf4: {  	[sflag:s30] =	ssyncset.done $0x0  }
0xf5: {  	s17 =	sadd.s32 $0xA, s16;
	[sflag:s30] =	ssyncadd.s32 $0xFFFFD800  }
0xf6: {  	[tilespmem:s29], [sflag:$0x3] =	stream.linear.gather [hbm4b:s17+s3], $0x50, $0x38;
	[tilespmem:$0x19180] =	vst v63  }
0xf7: {  	_ =	swait.ge [sflag:s22], $0x50  }
0xf8: {  	[sflag:s22] =	ssyncset.done $0x0  }
0xf9: {  	[sflag:s22] =	ssyncadd.s32 $0xFFFFFFB0  }
0xfa: {  	[spmem:s1] =	stream.indirect.scatter.add.f32 [tilespmem:s26], [sflag:$0x3], $0x80, s29, s23, $0xb8;
	[tilespmem:$0x19180] =	vst v63  }
0xfb: {  	s14 =	sadd.s32 $0x14, s20;
	_ =	swait.ge [sflag:s22], $0x2800  }
0xfc: {  	s15 =	simm.s32 $0x28;
	s12 =	simm.s32 $0x14;
	[sflag:s22] =	ssyncset.done $0x0  }
.LBB2_5:
0xfd: {  	s16 =	sadd.s32 $0xA, s14  }
0xfe: {  	[sflag:s22] =	ssyncadd.s32 $0xFFFFD800;
	s17 =	smov.u32 s15;
	s13 =	sadd.s32 $0x14, s15  }
0xff: {  	[tilespmem:s25], [sflag:$0x3] =	stream.linear.gather [hbm4b:s16+s3], $0x50, $0x38;
	[tilespmem:$0x19180] =	vst v63  }
0x100: {  	p1 =	seq.s32 s15, $0x4C4;
	_ =	swait.ge [sflag:s22], $0x50  }
0x101: {  	[sflag:s22] =	ssyncset.done $0x0  }
0x102: {  	[sflag:s22] =	ssyncadd.s32 $0xFFFFFFB0  }
0x103: {  	[tilespmem:s26], [sflag:$0x2] =	stream.indirect.gather [hbm4b:s6+s23], $0x80, s25, s23, $0xb8;
	[tilespmem:$0x19180] =	vst v63  }
0x104: {  	_ =	swait.ge [sflag:s28], $0x2800  }
0x105: {  	[sflag:s28] =	ssyncset.done $0x0  }
0x106: {  	s15 =	sadd.s32 s12, s21;
	s12 =	smov.u32 s17;
	[sflag:s28] =	ssyncadd.s32 $0xFFFFD800  }
0x107: {  	[tilespmem:s29], [sflag:$0x3] =	stream.linear.gather [hbm4b:s15+s3], $0x50, $0x38;
	[tilespmem:$0x19180] =	vst v63  }
0x108: {  	_ =	swait.ge [sflag:s22], $0x50  }
0x109: {  	[sflag:s22] =	ssyncset.done $0x0  }
0x10a: {  	[sflag:s22] =	ssyncadd.s32 $0xFFFFFFB0  }
0x10b: {  	[spmem:s1] =	stream.indirect.scatter.add.f32 [tilespmem:s24], [sflag:$0x3], $0x80, s29, s23, $0xb8;
	[tilespmem:$0x19180] =	vst v63  }
0x10c: {  	_ =	swait.ge [sflag:s22], $0x2800  }
0x10d: {  	[sflag:s22] =	ssyncset.done $0x0  }
0x10e: {  	s14 =	sadd.s32 $0x14, s14;
	[sflag:s22] =	ssyncadd.s32 $0xFFFFD800  }
0x10f: {  	[tilespmem:s3], [sflag:$0x3] =	stream.linear.gather [hbm4b:s14+s3], $0x50, $0x38;
	[tilespmem:$0x19180] =	vst v63  }
0x110: {  	_ =	swait.ge [sflag:s22], $0x50  }
0x111: {  	[sflag:s22] =	ssyncset.done $0x0  }
0x112: {  	[sflag:s22] =	ssyncadd.s32 $0xFFFFFFB0  }
0x113: {  	[tilespmem:s24], [sflag:$0x1] =	stream.indirect.gather [hbm4b:s6+s23], $0x80, s3, s23, $0xb8;
	[tilespmem:$0x19180] =	vst v63  }
0x114: {  	_ =	swait.ge [sflag:s30], $0x2800  }
0x115: {  	[sflag:s30] =	ssyncset.done $0x0  }
0x116: {  	s14 =	sadd.s32 $0xA, s15;
	[sflag:s30] =	ssyncadd.s32 $0xFFFFD800  }
0x117: {  	[tilespmem:s29], [sflag:$0x3] =	stream.linear.gather [hbm4b:s14+s3], $0x50, $0x38;
	[tilespmem:$0x19180] =	vst v63  }
0x118: {  	_ =	swait.ge [sflag:s22], $0x50  }
.Ltmp4:
0x119: {  	[sflag:s22] =	ssyncset.done $0x0;
	(pc) =	sbr.rel @!p1 .LBB2_5-.Ltmp4, $4  }
0x11a: {  	[sflag:s22] =	ssyncadd.s32 $0xFFFFFFB0  }
0x11b: {  	[spmem:s1] =	stream.indirect.scatter.add.f32 [tilespmem:s26], [sflag:$0x3], $0x80, s29, s23, $0xb8;
	[tilespmem:$0x19180] =	vst v63  }
0x11c: {  	_ =	swait.ge [sflag:s22], $0x2800  }
0x11d: {  	s15 =	smov.u32 s13;
	s14 =	sadd.s32 s12, s20;
	[sflag:s22] =	ssyncset.done $0x0  }
0x11e: {  	s13 =	sadd.s32 $0xA, s14;
	[sflag:s22] =	ssyncadd.s32 $0xFFFFD800  }
0x11f: {  	[tilespmem:s25], [sflag:$0x3] =	stream.linear.gather [hbm4b:s13+s3], $0x50, $0x38;
	[tilespmem:$0x19180] =	vst v63  }
0x120: {  	_ =	swait.ge [sflag:s22], $0x50  }
0x121: {  	[sflag:s22] =	ssyncset.done $0x0  }
0x122: {  	[sflag:s22] =	ssyncadd.s32 $0xFFFFFFB0  }
0x123: {  	[tilespmem:s26], [sflag:$0x2] =	stream.indirect.gather [hbm4b:s6+s23], $0x80, s25, s23, $0xb8;
	[tilespmem:$0x19180] =	vst v63  }
0x124: {  	_ =	swait.ge [sflag:s28], $0x2800  }
0x125: {  	[sflag:s28] =	ssyncset.done $0x0  }
0x126: {  	s12 =	sadd.s32 s12, s21;
	[sflag:s28] =	ssyncadd.s32 $0xFFFFD800  }
0x127: {  	[tilespmem:s29], [sflag:$0x3] =	stream.linear.gather [hbm4b:s12+s3], $0x50, $0x38;
	[tilespmem:$0x19180] =	vst v63  }
0x128: {  	_ =	swait.ge [sflag:s22], $0x50  }
0x129: {  	[sflag:s22] =	ssyncset.done $0x0  }
0x12a: {  	[sflag:s22] =	ssyncadd.s32 $0xFFFFFFB0  }
0x12b: {  	[spmem:s1] =	stream.indirect.scatter.add.f32 [tilespmem:s24], [sflag:$0x3], $0x80, s29, s23, $0xb8;
	[tilespmem:$0x19180] =	vst v63  }
0x12c: {  	_ =	swait.ge [sflag:s22], $0x2800  }
0x12d: {  	[sflag:s22] =	ssyncset.done $0x0  }
0x12e: {  	s17 =	sadd.s32 $0x14, s14;
	[sflag:s22] =	ssyncadd.s32 $0xFFFFD800  }
0x12f: {  	[tilespmem:s3], [sflag:$0x3] =	stream.linear.gather [hbm4b:s17+s3], $0x50, $0x38;
	[tilespmem:$0x19180] =	vst v63  }
0x130: {  	_ =	swait.ge [sflag:s22], $0x50  }
0x131: {  	[sflag:s22] =	ssyncset.done $0x0  }
0x132: {  	[sflag:s22] =	ssyncadd.s32 $0xFFFFFFB0  }
0x133: {  	[tilespmem:s24], [sflag:$0x1] =	stream.indirect.gather [hbm4b:s6+s23], $0x80, s3, s23, $0xb8;
	[tilespmem:$0x19180] =	vst v63  }
0x134: {  	_ =	swait.ge [sflag:s30], $0x2800  }
0x135: {  	[sflag:s30] =	ssyncset.done $0x0  }
0x136: {  	s12 =	sadd.s32 $0xA, s12;
	[sflag:s30] =	ssyncadd.s32 $0xFFFFD800  }
0x137: {  	[tilespmem:s29], [sflag:$0x3] =	stream.linear.gather [hbm4b:s12+s3], $0x50, $0x38;
	[tilespmem:$0x19180] =	vst v63  }
0x138: {  	_ =	swait.ge [sflag:s22], $0x50  }
0x139: {  	[sflag:s22] =	ssyncset.done $0x0  }
0x13a: {  	[sflag:s22] =	ssyncadd.s32 $0xFFFFFFB0  }
0x13b: {  	[spmem:s1] =	stream.indirect.scatter.add.f32 [tilespmem:s26], [sflag:$0x3], $0x80, s29, s23, $0xb8;
	[tilespmem:$0x19180] =	vst v63  }
0x13c: {  	_ =	swait.ge [sflag:s22], $0x2800  }
0x13d: {  	[sflag:s22] =	ssyncset.done $0x0  }
0x13e: {  	[sflag:s22] =	ssyncadd.s32 $0xFFFFD800  }
0x13f: {  	_ =	swait.ge [sflag:s28], $0x2800  }
0x140: {  	[sflag:s28] =	ssyncset.done $0x0  }
0x141: {  	[sflag:s28] =	ssyncadd.s32 $0xFFFFD800  }
0x142: {  	[tilespmem:s29], [sflag:$0x3] =	stream.linear.gather [hbm4b:s11+s3], $0x50, $0x38;
	[tilespmem:$0x19180] =	vst v63  }
0x143: {  	_ =	swait.ge [sflag:s22], $0x50  }
0x144: {  	[sflag:s22] =	ssyncset.done $0x0  }
0x145: {  	[sflag:s22] =	ssyncadd.s32 $0xFFFFFFB0  }
0x146: {  	[spmem:s1] =	stream.indirect.scatter.add.f32 [tilespmem:s24], [sflag:$0x3], $0x80, s29, s23, $0xb8;
	[tilespmem:$0x19180] =	vst v63  }
0x147: {  	_ =	swait.ge [sflag:s22], $0x2800  }
0x148: {  	[sflag:s22] =	ssyncset.done $0x0  }
0x149: {  	[sflag:s22] =	ssyncadd.s32 $0xFFFFD800  }
0x14a: {  	[bflag:$0x0] =	sbarrier.arrive $0xFFFF  }
0x14b: {  	[hbm:s18], [sflag:s9] =	dma.local [spmem:s0], $0x2800  }
0x14c: {  	_ =	swait.ge [sflag:s22], $0x2800  }
0x14d: {  	[sflag:s22] =	ssyncset.done $0x0  }
.Ltmp5:
0x14e: {  	[sflag:s22] =	ssyncadd.s32 $0xFFFFD800;
	(pc) =	sbr.rel .LBB2_12-.Ltmp5, $3  }
0x14f: {  	[bflag:$0x0] =	sbarrier.arrive $0xFFFF  }
0x150: {  	[bflag:$0x0] =	sbarrier.arrive $0xFFFF  }
0x151: {  	[bflag:$0x0] =	sbarrier.arrive $0xFFFF;
	_ =	sdelay $0x1  }
.LBB2_7:
0x152: {  	[bflag:$0x0] =	sbarrier.arrive $0xFFFF  }
0x153: {  	[bflag:$0x0] =	sbarrier.arrive $0xFFFF  }
0x154: {  	[bflag:$0x0] =	sbarrier.arrive $0xFFFF  }
0x155: {  	s12 =	rddreg [dreg:$0x3]  }
0x156: {  	[spmem:s0], [sflag:s9] =	dma.local [hbm:s12], $0x2800  }
0x157: {  	_ =	swait.ge [sflag:s22], $0x2800  }
0x158: {  	[sflag:s22] =	ssyncset.done $0x0  }
0x159: {  	[sflag:s22] =	ssyncadd.s32 $0xFFFFD800  }
0x15a: {  	s14 =	simm.s32 $0x0;
	[bflag:$0x0] =	sbarrier.arrive $0xFFFF  }
0x15b: {  	[tilespmem:s14], [sflag:$0x3] =	stream.linear.gather [hbm4b:s10+s14], $0x50, $0x38;
	[tilespmem:$0x19180] =	vst v63  }
0x15c: {  	_ =	swait.ge [sflag:s22], $0x50  }
0x15d: {  	[sflag:s22] =	ssyncset.done $0x0  }
0x15e: {  	s15 =	sadd.s32 $0x0, s20;
	[sflag:s22] =	ssyncadd.s32 $0xFFFFFFB0  }
0x15f: {  	[tilespmem:s24], [sflag:$0x1] =	stream.indirect.gather [hbm4b:s5+s23], $0x80, s14, s23, $0xb8;
	[tilespmem:$0x19180] =	vst v63  }
0x160: {  	s13 =	sadd.s32 $0xA, s15  }
0x161: {  	[tilespmem:s25], [sflag:$0x3] =	stream.linear.gather [hbm4b:s13+s3], $0x50, $0x38;
	[tilespmem:$0x19180] =	vst v63  }
0x162: {  	_ =	swait.ge [sflag:s22], $0x50  }
0x163: {  	[sflag:s22] =	ssyncset.done $0x0  }
0x164: {  	[sflag:s22] =	ssyncadd.s32 $0xFFFFFFB0  }
0x165: {  	[tilespmem:s26], [sflag:$0x2] =	stream.indirect.gather [hbm4b:s5+s23], $0x80, s25, s23, $0xb8;
	[tilespmem:$0x19180] =	vst v63  }
0x166: {  	_ =	swait.ge [sflag:s28], $0x2800  }
0x167: {  	[sflag:s28] =	ssyncset.done $0x0  }
0x168: {  	s16 =	sadd.s32 $0x0, s21;
	[sflag:s28] =	ssyncadd.s32 $0xFFFFD800  }
0x169: {  	[tilespmem:s29], [sflag:$0x3] =	stream.linear.gather [hbm4b:s16+s3], $0x50, $0x38;
	[tilespmem:$0x19180] =	vst v63  }
0x16a: {  	_ =	swait.ge [sflag:s22], $0x50  }
0x16b: {  	[sflag:s22] =	ssyncset.done $0x0  }
0x16c: {  	[sflag:s22] =	ssyncadd.s32 $0xFFFFFFB0  }
0x16d: {  	[spmem:s1] =	stream.indirect.scatter.add.f32 [tilespmem:s24], [sflag:$0x3], $0x80, s29, s23, $0xb8;
	[tilespmem:$0x19180] =	vst v63  }
0x16e: {  	_ =	swait.ge [sflag:s22], $0x2800  }
0x16f: {  	[sflag:s22] =	ssyncset.done $0x0  }
0x170: {  	s12 =	sadd.s32 $0x14, s15;
	[sflag:s22] =	ssyncadd.s32 $0xFFFFD800  }
0x171: {  	[tilespmem:s3], [sflag:$0x3] =	stream.linear.gather [hbm4b:s12+s3], $0x50, $0x38;
	[tilespmem:$0x19180] =	vst v63  }
0x172: {  	_ =	swait.ge [sflag:s22], $0x50  }
0x173: {  	[sflag:s22] =	ssyncset.done $0x0  }
0x174: {  	[sflag:s22] =	ssyncadd.s32 $0xFFFFFFB0  }
0x175: {  	[tilespmem:s24], [sflag:$0x1] =	stream.indirect.gather [hbm4b:s5+s23], $0x80, s3, s23, $0xb8;
	[tilespmem:$0x19180] =	vst v63  }
0x176: {  	_ =	swait.ge [sflag:s30], $0x2800  }
0x177: {  	[sflag:s30] =	ssyncset.done $0x0  }
0x178: {  	s17 =	sadd.s32 $0xA, s16;
	[sflag:s30] =	ssyncadd.s32 $0xFFFFD800  }
0x179: {  	[tilespmem:s29], [sflag:$0x3] =	stream.linear.gather [hbm4b:s17+s3], $0x50, $0x38;
	[tilespmem:$0x19180] =	vst v63  }
0x17a: {  	_ =	swait.ge [sflag:s22], $0x50  }
0x17b: {  	[sflag:s22] =	ssyncset.done $0x0  }
0x17c: {  	[sflag:s22] =	ssyncadd.s32 $0xFFFFFFB0  }
0x17d: {  	[spmem:s1] =	stream.indirect.scatter.add.f32 [tilespmem:s26], [sflag:$0x3], $0x80, s29, s23, $0xb8;
	[tilespmem:$0x19180] =	vst v63  }
0x17e: {  	s15 =	simm.s32 $0x28;
	_ =	swait.ge [sflag:s22], $0x2800  }
0x17f: {  	s14 =	sadd.s32 $0x14, s20;
	s12 =	simm.s32 $0x14;
	[sflag:s22] =	ssyncset.done $0x0  }
.LBB2_8:
0x180: {  	s16 =	sadd.s32 $0xA, s14  }
0x181: {  	[sflag:s22] =	ssyncadd.s32 $0xFFFFD800;
	s17 =	smov.u32 s15;
	s13 =	sadd.s32 $0x14, s15  }
0x182: {  	[tilespmem:s25], [sflag:$0x3] =	stream.linear.gather [hbm4b:s16+s3], $0x50, $0x38;
	[tilespmem:$0x19180] =	vst v63  }
0x183: {  	p1 =	seq.s32 s15, $0x4C4;
	_ =	swait.ge [sflag:s22], $0x50  }
0x184: {  	[sflag:s22] =	ssyncset.done $0x0  }
0x185: {  	[sflag:s22] =	ssyncadd.s32 $0xFFFFFFB0  }
0x186: {  	[tilespmem:s26], [sflag:$0x2] =	stream.indirect.gather [hbm4b:s5+s23], $0x80, s25, s23, $0xb8;
	[tilespmem:$0x19180] =	vst v63  }
0x187: {  	_ =	swait.ge [sflag:s28], $0x2800  }
0x188: {  	[sflag:s28] =	ssyncset.done $0x0  }
0x189: {  	s15 =	sadd.s32 s12, s21;
	s12 =	smov.u32 s17;
	[sflag:s28] =	ssyncadd.s32 $0xFFFFD800  }
0x18a: {  	[tilespmem:s29], [sflag:$0x3] =	stream.linear.gather [hbm4b:s15+s3], $0x50, $0x38;
	[tilespmem:$0x19180] =	vst v63  }
0x18b: {  	_ =	swait.ge [sflag:s22], $0x50  }
0x18c: {  	[sflag:s22] =	ssyncset.done $0x0  }
0x18d: {  	[sflag:s22] =	ssyncadd.s32 $0xFFFFFFB0  }
0x18e: {  	[spmem:s1] =	stream.indirect.scatter.add.f32 [tilespmem:s24], [sflag:$0x3], $0x80, s29, s23, $0xb8;
	[tilespmem:$0x19180] =	vst v63  }
0x18f: {  	_ =	swait.ge [sflag:s22], $0x2800  }
0x190: {  	[sflag:s22] =	ssyncset.done $0x0  }
0x191: {  	s14 =	sadd.s32 $0x14, s14;
	[sflag:s22] =	ssyncadd.s32 $0xFFFFD800  }
0x192: {  	[tilespmem:s3], [sflag:$0x3] =	stream.linear.gather [hbm4b:s14+s3], $0x50, $0x38;
	[tilespmem:$0x19180] =	vst v63  }
0x193: {  	_ =	swait.ge [sflag:s22], $0x50  }
0x194: {  	[sflag:s22] =	ssyncset.done $0x0  }
0x195: {  	[sflag:s22] =	ssyncadd.s32 $0xFFFFFFB0  }
0x196: {  	[tilespmem:s24], [sflag:$0x1] =	stream.indirect.gather [hbm4b:s5+s23], $0x80, s3, s23, $0xb8;
	[tilespmem:$0x19180] =	vst v63  }
0x197: {  	_ =	swait.ge [sflag:s30], $0x2800  }
0x198: {  	[sflag:s30] =	ssyncset.done $0x0  }
0x199: {  	s14 =	sadd.s32 $0xA, s15;
	[sflag:s30] =	ssyncadd.s32 $0xFFFFD800  }
0x19a: {  	[tilespmem:s29], [sflag:$0x3] =	stream.linear.gather [hbm4b:s14+s3], $0x50, $0x38;
	[tilespmem:$0x19180] =	vst v63  }
0x19b: {  	_ =	swait.ge [sflag:s22], $0x50  }
.Ltmp6:
0x19c: {  	[sflag:s22] =	ssyncset.done $0x0;
	(pc) =	sbr.rel @!p1 .LBB2_8-.Ltmp6, $4  }
0x19d: {  	[sflag:s22] =	ssyncadd.s32 $0xFFFFFFB0  }
0x19e: {  	[spmem:s1] =	stream.indirect.scatter.add.f32 [tilespmem:s26], [sflag:$0x3], $0x80, s29, s23, $0xb8;
	[tilespmem:$0x19180] =	vst v63  }
0x19f: {  	_ =	swait.ge [sflag:s22], $0x2800  }
0x1a0: {  	s15 =	smov.u32 s13;
	s14 =	sadd.s32 s12, s20;
	[sflag:s22] =	ssyncset.done $0x0  }
0x1a1: {  	s13 =	sadd.s32 $0xA, s14;
	[sflag:s22] =	ssyncadd.s32 $0xFFFFD800  }
0x1a2: {  	[tilespmem:s25], [sflag:$0x3] =	stream.linear.gather [hbm4b:s13+s3], $0x50, $0x38;
	[tilespmem:$0x19180] =	vst v63  }
0x1a3: {  	_ =	swait.ge [sflag:s22], $0x50  }
0x1a4: {  	[sflag:s22] =	ssyncset.done $0x0  }
0x1a5: {  	[sflag:s22] =	ssyncadd.s32 $0xFFFFFFB0  }
0x1a6: {  	[tilespmem:s26], [sflag:$0x2] =	stream.indirect.gather [hbm4b:s5+s23], $0x80, s25, s23, $0xb8;
	[tilespmem:$0x19180] =	vst v63  }
0x1a7: {  	_ =	swait.ge [sflag:s28], $0x2800  }
0x1a8: {  	[sflag:s28] =	ssyncset.done $0x0  }
0x1a9: {  	s12 =	sadd.s32 s12, s21;
	[sflag:s28] =	ssyncadd.s32 $0xFFFFD800  }
0x1aa: {  	[tilespmem:s29], [sflag:$0x3] =	stream.linear.gather [hbm4b:s12+s3], $0x50, $0x38;
	[tilespmem:$0x19180] =	vst v63  }
0x1ab: {  	_ =	swait.ge [sflag:s22], $0x50  }
0x1ac: {  	[sflag:s22] =	ssyncset.done $0x0  }
0x1ad: {  	[sflag:s22] =	ssyncadd.s32 $0xFFFFFFB0  }
0x1ae: {  	[spmem:s1] =	stream.indirect.scatter.add.f32 [tilespmem:s24], [sflag:$0x3], $0x80, s29, s23, $0xb8;
	[tilespmem:$0x19180] =	vst v63  }
0x1af: {  	_ =	swait.ge [sflag:s22], $0x2800  }
0x1b0: {  	[sflag:s22] =	ssyncset.done $0x0  }
0x1b1: {  	s14 =	sadd.s32 $0x14, s14;
	[sflag:s22] =	ssyncadd.s32 $0xFFFFD800  }
0x1b2: {  	[tilespmem:s3], [sflag:$0x3] =	stream.linear.gather [hbm4b:s14+s3], $0x50, $0x38;
	[tilespmem:$0x19180] =	vst v63  }
0x1b3: {  	_ =	swait.ge [sflag:s22], $0x50  }
0x1b4: {  	[sflag:s22] =	ssyncset.done $0x0  }
0x1b5: {  	[sflag:s22] =	ssyncadd.s32 $0xFFFFFFB0  }
0x1b6: {  	[tilespmem:s24], [sflag:$0x1] =	stream.indirect.gather [hbm4b:s5+s23], $0x80, s3, s23, $0xb8;
	[tilespmem:$0x19180] =	vst v63  }
0x1b7: {  	_ =	swait.ge [sflag:s30], $0x2800  }
0x1b8: {  	[sflag:s30] =	ssyncset.done $0x0  }
0x1b9: {  	s12 =	sadd.s32 $0xA, s12;
	[sflag:s30] =	ssyncadd.s32 $0xFFFFD800  }
0x1ba: {  	[tilespmem:s29], [sflag:$0x3] =	stream.linear.gather [hbm4b:s12+s3], $0x50, $0x38;
	[tilespmem:$0x19180] =	vst v63  }
0x1bb: {  	_ =	swait.ge [sflag:s22], $0x50  }
0x1bc: {  	[sflag:s22] =	ssyncset.done $0x0  }
0x1bd: {  	[sflag:s22] =	ssyncadd.s32 $0xFFFFFFB0  }
0x1be: {  	[spmem:s1] =	stream.indirect.scatter.add.f32 [tilespmem:s26], [sflag:$0x3], $0x80, s29, s23, $0xb8;
	[tilespmem:$0x19180] =	vst v63  }
0x1bf: {  	_ =	swait.ge [sflag:s22], $0x2800  }
0x1c0: {  	[sflag:s22] =	ssyncset.done $0x0  }
0x1c1: {  	[sflag:s22] =	ssyncadd.s32 $0xFFFFD800  }
0x1c2: {  	_ =	swait.ge [sflag:s28], $0x2800  }
0x1c3: {  	[sflag:s28] =	ssyncset.done $0x0  }
0x1c4: {  	s15 =	simm.s32 $0x0;
	[sflag:s28] =	ssyncadd.s32 $0xFFFFD800  }
0x1c5: {  	[tilespmem:s29], [sflag:$0x3] =	stream.linear.gather [hbm4b:s11+s15], $0x50, $0x38;
	[tilespmem:$0x19180] =	vst v63  }
0x1c6: {  	_ =	swait.ge [sflag:s22], $0x50  }
0x1c7: {  	[sflag:s22] =	ssyncset.done $0x0  }
0x1c8: {  	[sflag:s22] =	ssyncadd.s32 $0xFFFFFFB0  }
0x1c9: {  	[spmem:s1] =	stream.indirect.scatter.add.f32 [tilespmem:s24], [sflag:$0x3], $0x80, s29, s23, $0xb8;
	[tilespmem:$0x19180] =	vst v63  }
0x1ca: {  	_ =	swait.ge [sflag:s22], $0x2800  }
0x1cb: {  	[sflag:s22] =	ssyncset.done $0x0  }
0x1cc: {  	[sflag:s22] =	ssyncadd.s32 $0xFFFFD800  }
0x1cd: {  	[bflag:$0x0] =	sbarrier.arrive $0xFFFF  }
0x1ce: {  	s16 =	rddreg [dreg:$0x4]  }
0x1cf: {  	[hbm:s16], [sflag:s9] =	dma.local [spmem:s0], $0x2800  }
0x1d0: {  	_ =	swait.ge [sflag:s22], $0x2800  }
0x1d1: {  	[sflag:s22] =	ssyncset.done $0x0  }
0x1d2: {  	[sflag:s22] =	ssyncadd.s32 $0xFFFFD800  }
0x1d3: {  	[bflag:$0x0] =	sbarrier.arrive $0xFFFF  }
0x1d4: {  	[bflag:$0x0] =	sbarrier.arrive $0xFFFF  }
0x1d5: {  	[bflag:$0x0] =	sbarrier.arrive $0xFFFF  }
0x1d6: {  	[bflag:$0x0] =	sbarrier.arrive $0xFFFF  }
0x1d7: {  	s17 =	rddreg [dreg:$0x8]  }
0x1d8: {  	[spmem:s0], [sflag:s9] =	dma.local [hbm:s17], $0x2800  }
0x1d9: {  	_ =	swait.ge [sflag:s22], $0x2800  }
0x1da: {  	[sflag:s22] =	ssyncset.done $0x0  }
0x1db: {  	[sflag:s22] =	ssyncadd.s32 $0xFFFFD800  }
0x1dc: {  	[bflag:$0x0] =	sbarrier.arrive $0xFFFF  }
0x1dd: {  	[tilespmem:s15], [sflag:$0x3] =	stream.linear.gather [hbm4b:s10+s15], $0x50, $0x38;
	[tilespmem:$0x19180] =	vst v63  }
0x1de: {  	_ =	swait.ge [sflag:s22], $0x50  }
0x1df: {  	[sflag:s22] =	ssyncset.done $0x0  }
0x1e0: {  	s14 =	sadd.s32 $0x0, s20;
	[sflag:s22] =	ssyncadd.s32 $0xFFFFFFB0  }
0x1e1: {  	[tilespmem:s24], [sflag:$0x1] =	stream.indirect.gather [hbm4b:s7+s23], $0x80, s15, s23, $0xb8;
	[tilespmem:$0x19180] =	vst v63  }
0x1e2: {  	s15 =	sadd.s32 $0xA, s14  }
0x1e3: {  	[tilespmem:s25], [sflag:$0x3] =	stream.linear.gather [hbm4b:s15+s3], $0x50, $0x38;
	[tilespmem:$0x19180] =	vst v63  }
0x1e4: {  	_ =	swait.ge [sflag:s22], $0x50  }
0x1e5: {  	[sflag:s22] =	ssyncset.done $0x0  }
0x1e6: {  	[sflag:s22] =	ssyncadd.s32 $0xFFFFFFB0  }
0x1e7: {  	[tilespmem:s26], [sflag:$0x2] =	stream.indirect.gather [hbm4b:s7+s23], $0x80, s25, s23, $0xb8;
	[tilespmem:$0x19180] =	vst v63  }
0x1e8: {  	_ =	swait.ge [sflag:s28], $0x2800  }
0x1e9: {  	[sflag:s28] =	ssyncset.done $0x0  }
0x1ea: {  	s16 =	sadd.s32 $0x0, s21;
	[sflag:s28] =	ssyncadd.s32 $0xFFFFD800  }
0x1eb: {  	[tilespmem:s29], [sflag:$0x3] =	stream.linear.gather [hbm4b:s16+s3], $0x50, $0x38;
	[tilespmem:$0x19180] =	vst v63  }
0x1ec: {  	_ =	swait.ge [sflag:s22], $0x50  }
0x1ed: {  	[sflag:s22] =	ssyncset.done $0x0  }
0x1ee: {  	[sflag:s22] =	ssyncadd.s32 $0xFFFFFFB0  }
0x1ef: {  	[spmem:s1] =	stream.indirect.scatter.add.f32 [tilespmem:s24], [sflag:$0x3], $0x80, s29, s23, $0xb8;
	[tilespmem:$0x19180] =	vst v63  }
0x1f0: {  	_ =	swait.ge [sflag:s22], $0x2800  }
0x1f1: {  	[sflag:s22] =	ssyncset.done $0x0  }
0x1f2: {  	s12 =	sadd.s32 $0x14, s14;
	[sflag:s22] =	ssyncadd.s32 $0xFFFFD800  }
0x1f3: {  	[tilespmem:s3], [sflag:$0x3] =	stream.linear.gather [hbm4b:s12+s3], $0x50, $0x38;
	[tilespmem:$0x19180] =	vst v63  }
0x1f4: {  	_ =	swait.ge [sflag:s22], $0x50  }
0x1f5: {  	[sflag:s22] =	ssyncset.done $0x0  }
0x1f6: {  	[sflag:s22] =	ssyncadd.s32 $0xFFFFFFB0  }
0x1f7: {  	[tilespmem:s24], [sflag:$0x1] =	stream.indirect.gather [hbm4b:s7+s23], $0x80, s3, s23, $0xb8;
	[tilespmem:$0x19180] =	vst v63  }
0x1f8: {  	_ =	swait.ge [sflag:s30], $0x2800  }
0x1f9: {  	[sflag:s30] =	ssyncset.done $0x0  }
0x1fa: {  	s17 =	sadd.s32 $0xA, s16;
	[sflag:s30] =	ssyncadd.s32 $0xFFFFD800  }
0x1fb: {  	[tilespmem:s29], [sflag:$0x3] =	stream.linear.gather [hbm4b:s17+s3], $0x50, $0x38;
	[tilespmem:$0x19180] =	vst v63  }
0x1fc: {  	_ =	swait.ge [sflag:s22], $0x50  }
0x1fd: {  	[sflag:s22] =	ssyncset.done $0x0  }
0x1fe: {  	[sflag:s22] =	ssyncadd.s32 $0xFFFFFFB0  }
0x1ff: {  	[spmem:s1] =	stream.indirect.scatter.add.f32 [tilespmem:s26], [sflag:$0x3], $0x80, s29, s23, $0xb8;
	[tilespmem:$0x19180] =	vst v63  }
0x200: {  	s14 =	sadd.s32 $0x14, s20;
	_ =	swait.ge [sflag:s22], $0x2800  }
0x201: {  	s15 =	simm.s32 $0x28;
	s12 =	simm.s32 $0x14;
	[sflag:s22] =	ssyncset.done $0x0  }
.LBB2_10:
0x202: {  	s16 =	sadd.s32 $0xA, s14  }
0x203: {  	[sflag:s22] =	ssyncadd.s32 $0xFFFFD800;
	s17 =	smov.u32 s15;
	s13 =	sadd.s32 $0x14, s15  }
0x204: {  	[tilespmem:s25], [sflag:$0x3] =	stream.linear.gather [hbm4b:s16+s3], $0x50, $0x38;
	[tilespmem:$0x19180] =	vst v63  }
0x205: {  	p1 =	seq.s32 s15, $0x4C4;
	_ =	swait.ge [sflag:s22], $0x50  }
0x206: {  	[sflag:s22] =	ssyncset.done $0x0  }
0x207: {  	[sflag:s22] =	ssyncadd.s32 $0xFFFFFFB0  }
0x208: {  	[tilespmem:s26], [sflag:$0x2] =	stream.indirect.gather [hbm4b:s7+s23], $0x80, s25, s23, $0xb8;
	[tilespmem:$0x19180] =	vst v63  }
0x209: {  	_ =	swait.ge [sflag:s28], $0x2800  }
0x20a: {  	[sflag:s28] =	ssyncset.done $0x0  }
0x20b: {  	s15 =	sadd.s32 s12, s21;
	s12 =	smov.u32 s17;
	[sflag:s28] =	ssyncadd.s32 $0xFFFFD800  }
0x20c: {  	[tilespmem:s29], [sflag:$0x3] =	stream.linear.gather [hbm4b:s15+s3], $0x50, $0x38;
	[tilespmem:$0x19180] =	vst v63  }
0x20d: {  	_ =	swait.ge [sflag:s22], $0x50  }
0x20e: {  	[sflag:s22] =	ssyncset.done $0x0  }
0x20f: {  	[sflag:s22] =	ssyncadd.s32 $0xFFFFFFB0  }
0x210: {  	[spmem:s1] =	stream.indirect.scatter.add.f32 [tilespmem:s24], [sflag:$0x3], $0x80, s29, s23, $0xb8;
	[tilespmem:$0x19180] =	vst v63  }
0x211: {  	_ =	swait.ge [sflag:s22], $0x2800  }
0x212: {  	[sflag:s22] =	ssyncset.done $0x0  }
0x213: {  	s14 =	sadd.s32 $0x14, s14;
	[sflag:s22] =	ssyncadd.s32 $0xFFFFD800  }
0x214: {  	[tilespmem:s3], [sflag:$0x3] =	stream.linear.gather [hbm4b:s14+s3], $0x50, $0x38;
	[tilespmem:$0x19180] =	vst v63  }
0x215: {  	_ =	swait.ge [sflag:s22], $0x50  }
0x216: {  	[sflag:s22] =	ssyncset.done $0x0  }
0x217: {  	[sflag:s22] =	ssyncadd.s32 $0xFFFFFFB0  }
0x218: {  	[tilespmem:s24], [sflag:$0x1] =	stream.indirect.gather [hbm4b:s7+s23], $0x80, s3, s23, $0xb8;
	[tilespmem:$0x19180] =	vst v63  }
0x219: {  	_ =	swait.ge [sflag:s30], $0x2800  }
0x21a: {  	[sflag:s30] =	ssyncset.done $0x0  }
0x21b: {  	s14 =	sadd.s32 $0xA, s15;
	[sflag:s30] =	ssyncadd.s32 $0xFFFFD800  }
0x21c: {  	[tilespmem:s29], [sflag:$0x3] =	stream.linear.gather [hbm4b:s14+s3], $0x50, $0x38;
	[tilespmem:$0x19180] =	vst v63  }
0x21d: {  	_ =	swait.ge [sflag:s22], $0x50  }
.Ltmp7:
0x21e: {  	[sflag:s22] =	ssyncset.done $0x0;
	(pc) =	sbr.rel @!p1 .LBB2_10-.Ltmp7, $4  }
0x21f: {  	[sflag:s22] =	ssyncadd.s32 $0xFFFFFFB0  }
0x220: {  	[spmem:s1] =	stream.indirect.scatter.add.f32 [tilespmem:s26], [sflag:$0x3], $0x80, s29, s23, $0xb8;
	[tilespmem:$0x19180] =	vst v63  }
0x221: {  	_ =	swait.ge [sflag:s22], $0x2800  }
0x222: {  	s15 =	smov.u32 s13;
	s14 =	sadd.s32 s12, s20;
	[sflag:s22] =	ssyncset.done $0x0  }
.Ltmp8:
0x223: {  	_ = 	snop;
	(pc) =	sbr.rel .LBB2_11-.Ltmp8, $1  }
0x224: {  	_ =	sdelay $0x3  }
.LBB2_13:
0x225: {  	_ =	sfence.sel $0x180000  }
0x226: {  	[bflag:$0x0] =	sbarrier.arrive $0xFFFF  }
0x227: {  	_ =	strace $0x90000050  }
0x228: {  	[bflag:$0x2] =	sbarrier.arrive $0xFFFF  }
0x229: {  	p0 =	sne.s32 s2, $0x0;
	s0 =	rddreg [dreg:$0x2]  }
0x22a: {  	s0 =	sadd.s32 @!p0 $0x100000, s0  }
0x22b: {  	[sflag:s0] =	ssyncadd.tile.s32 @!p0 $0x1;
	_ =	shalt  }
.Lfunc_end2:
_tile_overlayer_lowered:
.L_overlay_start_2:
0x22c: {  	(tag) =	ssettag $0x2  }
0x22d: {  	s0 =	rddreg [dreg:$0x0];
	s2 =	stileid.u32  }
0x22e: {  	s1 =	rddreg [dreg:$0x1];
	p0 =	sne.s32 s2, $0x0  }
0x22f: {  	s3 =	rddreg [dreg:$0x2];
	[bflag:$0x3] =	sbarrier.arrive $0xFFFF;
	s2 =	simm.s32 @!p0 $0x1C03  }
0x230: {  	[timem:s3], [sflag:s2] =	dma.local @!p0 [hbm:s0], s1  }
0x231: {  	s0 =	simm.s32 @!p0 $0x3  }
0x232: {  	_ =	swait.ge @!p0 [sflag:s0], s1  }
0x233: {  	s1 =	ssub.s32 @!p0 $0x0, s1;
	[sflag:s0] =	ssyncset.done @!p0 $0x0  }
0x234: {  	[sflag:s0] =	ssyncadd.s32 @!p0 s1  }
0x235: {  	[bflag:$0x3] =	sbarrier.arrive $0xFFFF  }
0x236: {  	_ =	shalt  }

</sc_bundles>
